<compile_context>
chip_gen: v7x
topology: tpu7x:2x2x1
jax: 0.10.2.dev20260603
libtpu: 0.0.44.dev20260713+nightly
codegen_flags: <defaults>
</compile_context>

<pallas_src>
import functools
import jax
import jax.numpy as jnp
from jax import lax
from jax.experimental import pallas as pl
from jax.experimental.pallas import tpu as pltpu
from jax.experimental.pallas import tpu_sc as plsc

N = 10000
E = 320000
DIN = 128
H = 4
C = 64
DH = H * C
DOUT = 128
BN_EPS = 1e-5

R = 400
NBLK = N // R

NSC = 2
NTILE = 16
K = 40
EPT = E // NTILE
CHUNKS = EPT // K
DW = 16



def _tc_a_body(x_ref, w0t_ref, b0_ref, g1t_ref, ab_ref, p_ref,
               h0_ref, hs_ref, atabs_ref, atabd_ref, initf_ref, initd_ref):
    xb = x_ref[...]
    h0 = jnp.dot(xb, w0t_ref[...], preferred_element_type=jnp.float32) + b0_ref[...]
    h1 = jnp.dot(h0, g1t_ref[...], preferred_element_type=jnp.float32)
    ab = jnp.dot(h1, ab_ref[...], preferred_element_type=jnp.float32)
    t = ab[:, 0:4] + ab[:, 4:8]
    wself = jnp.exp(jnp.maximum(t, 0.2 * t))
    initf = h1 * jnp.dot(wself, p_ref[...], preferred_element_type=jnp.float32)
    z = jnp.zeros((R, DW - 2), jnp.float32)
    h0_ref[...] = h0
    hs_ref[0] = h1[:, 0:128]
    hs_ref[1] = h1[:, 128:256]
    z12 = jnp.zeros((R, 12), jnp.float32)
    atabs_ref[...] = jnp.concatenate([ab[:, 0:4], z12], axis=1)
    atabd_ref[...] = jnp.concatenate([ab[:, 4:8], z12], axis=1)
    initf_ref[0] = initf[:, 0:128]
    initf_ref[1] = initf[:, 128:256]
    initd_ref[0] = jnp.concatenate([wself[:, 0:2], z], axis=1)
    initd_ref[1] = jnp.concatenate([wself[:, 2:4], z], axis=1)


def _tc_b_body(accf_ref, accd_ref, g1b_ref, s1_ref, sh1_ref, g2t_ref,
               ab2_ref, p_ref,
               out1_ref, hs_ref, atabs_ref, atabd_ref, initf_ref, initd_ref):
    agg = jnp.concatenate([accf_ref[0], accf_ref[1]], axis=1)
    den = jnp.concatenate([accd_ref[0][:, 0:2], accd_ref[1][:, 0:2]], axis=1)
    denr = jnp.dot(den, p_ref[...], preferred_element_type=jnp.float32) + 1e-16
    o = agg / denr + g1b_ref[...]
    o = o * s1_ref[...] + sh1_ref[...]
    out1 = jnp.maximum(o, 0.0)
    h2 = jnp.dot(out1, g2t_ref[...], preferred_element_type=jnp.float32)
    ab = jnp.dot(h2, ab2_ref[...], preferred_element_type=jnp.float32)
    t = ab[:, 0:4] + ab[:, 4:8]
    wself = jnp.exp(jnp.maximum(t, 0.2 * t))
    initf = h2 * jnp.dot(wself, p_ref[...], preferred_element_type=jnp.float32)
    z = jnp.zeros((R, DW - 2), jnp.float32)
    out1_ref[...] = out1
    hs_ref[0] = h2[:, 0:128]
    hs_ref[1] = h2[:, 128:256]
    z12 = jnp.zeros((R, 12), jnp.float32)
    atabs_ref[...] = jnp.concatenate([ab[:, 0:4], z12], axis=1)
    atabd_ref[...] = jnp.concatenate([ab[:, 4:8], z12], axis=1)
    initf_ref[0] = initf[:, 0:128]
    initf_ref[1] = initf[:, 128:256]
    initd_ref[0] = jnp.concatenate([wself[:, 0:2], z], axis=1)
    initd_ref[1] = jnp.concatenate([wself[:, 2:4], z], axis=1)


def _tc_c_body(accf_ref, accd_ref, out1_ref_in, h0_ref_in, g2b_ref,
               s2_ref, sh2_ref, woutt_ref, bout_ref, p_ref, final_ref):
    agg = jnp.concatenate([accf_ref[0], accf_ref[1]], axis=1)
    den = jnp.concatenate([accd_ref[0][:, 0:2], accd_ref[1][:, 0:2]], axis=1)
    denr = jnp.dot(den, p_ref[...], preferred_element_type=jnp.float32) + 1e-16
    o = agg / denr + g2b_ref[...]
    o = o * s2_ref[...] + sh2_ref[...]
    o = o + 0.5 * h0_ref_in[...]
    out2 = jnp.maximum(o, 0.0)
    s = out1_ref_in[...] + out2
    final_ref[...] = jnp.dot(s, woutt_ref[...], preferred_element_type=jnp.float32) + bout_ref[...]


def _full(shape):
    return pl.BlockSpec(shape, lambda i: tuple(0 for _ in shape))


_tc_a = pl.pallas_call(
    _tc_a_body,
    grid=(NBLK,),
    in_specs=[
        pl.BlockSpec((R, DIN), lambda i: (i, 0)),
        _full((DIN, DH)),
        _full((1, DH)),
        _full((DH, DH)),
        _full((DH, 8)),
        _full((H, DH)),
    ],
    out_specs=[
        pl.BlockSpec((R, DH), lambda i: (i, 0)),
        pl.BlockSpec((2, R, 128), lambda i: (0, i, 0)),
        pl.BlockSpec((R, 16), lambda i: (i, 0)),
        pl.BlockSpec((R, 16), lambda i: (i, 0)),
        pl.BlockSpec((2, R, 128), lambda i: (0, i, 0)),
        pl.BlockSpec((2, R, DW), lambda i: (0, i, 0)),
    ],
    out_shape=[
        jax.ShapeDtypeStruct((N, DH), jnp.float32),
        jax.ShapeDtypeStruct((2, N, 128), jnp.float32),
        jax.ShapeDtypeStruct((N, 16), jnp.float32),
        jax.ShapeDtypeStruct((N, 16), jnp.float32),
        jax.ShapeDtypeStruct((2, N, 128), jnp.float32),
        jax.ShapeDtypeStruct((2, N, DW), jnp.float32),
    ],
)

_tc_b = pl.pallas_call(
    _tc_b_body,
    grid=(NBLK,),
    in_specs=[
        pl.BlockSpec((2, R, 128), lambda i: (0, i, 0)),
        pl.BlockSpec((2, R, DW), lambda i: (0, i, 0)),
        _full((1, DH)),
        _full((1, DH)),
        _full((1, DH)),
        _full((DH, DH)),
        _full((DH, 8)),
        _full((H, DH)),
    ],
    out_specs=[
        pl.BlockSpec((R, DH), lambda i: (i, 0)),
        pl.BlockSpec((2, R, 128), lambda i: (0, i, 0)),
        pl.BlockSpec((R, 16), lambda i: (i, 0)),
        pl.BlockSpec((R, 16), lambda i: (i, 0)),
        pl.BlockSpec((2, R, 128), lambda i: (0, i, 0)),
        pl.BlockSpec((2, R, DW), lambda i: (0, i, 0)),
    ],
    out_shape=[
        jax.ShapeDtypeStruct((N, DH), jnp.float32),
        jax.ShapeDtypeStruct((2, N, 128), jnp.float32),
        jax.ShapeDtypeStruct((N, 16), jnp.float32),
        jax.ShapeDtypeStruct((N, 16), jnp.float32),
        jax.ShapeDtypeStruct((2, N, 128), jnp.float32),
        jax.ShapeDtypeStruct((2, N, DW), jnp.float32),
    ],
)

_tc_c = pl.pallas_call(
    _tc_c_body,
    grid=(NBLK,),
    in_specs=[
        pl.BlockSpec((2, R, 128), lambda i: (0, i, 0)),
        pl.BlockSpec((2, R, DW), lambda i: (0, i, 0)),
        pl.BlockSpec((R, DH), lambda i: (i, 0)),
        pl.BlockSpec((R, DH), lambda i: (i, 0)),
        _full((1, DH)),
        _full((1, DH)),
        _full((1, DH)),
        _full((DH, DOUT)),
        _full((1, DOUT)),
        _full((H, DH)),
    ],
    out_specs=[pl.BlockSpec((R, DOUT), lambda i: (i, 0))],
    out_shape=[jax.ShapeDtypeStruct((N, DOUT), jnp.float32)],
)



def _sc_body(eidx_hbm, atabs_hbm, atabd_hbm, hsplit_hbm, initf_hbm, initd_hbm,
             outf_hbm, outd_hbm,
             idx0, idx1, ars0, ars1, ard0, ard1, gath0, gath1,
             sbuf0, dbuf0, stage, dstage,
             accf_sh, accd_sh, gsem0, gsem1):
    idx = (idx0, idx1)
    ars = (ars0, ars1)
    ard = (ard0, ard1)
    gath = (gath0, gath1)
    gsem = (gsem0, gsem1)
    c = lax.axis_index("c")
    s = lax.axis_index("s")
    rows_per_tile = 624
    r0 = s * rows_per_tile

    for q in range(8):
        qr = r0 + q * 78
        pltpu.sync_copy(initf_hbm.at[c, pl.ds(qr, 78)], stage)
        pltpu.sync_copy(stage, accf_sh.at[pl.ds(qr, 78)])
    pltpu.sync_copy(initd_hbm.at[c, pl.ds(r0, rows_per_tile)], dstage)
    pltpu.sync_copy(dstage, accd_sh.at[pl.ds(r0, rows_per_tile)])

    @pl.when(s == 0)
    def _():
        tail = NTILE * rows_per_tile
        pltpu.sync_copy(initf_hbm.at[c, pl.ds(tail, 16)],
                        stage.at[pl.ds(0, 16)])
        pltpu.sync_copy(stage.at[pl.ds(0, 16)], accf_sh.at[pl.ds(tail, 16)])
        pltpu.sync_copy(initd_hbm.at[c, pl.ds(tail, 16)],
                        dstage.at[pl.ds(0, 16)])
        pltpu.sync_copy(dstage.at[pl.ds(0, 16)], accd_sh.at[pl.ds(tail, 16)])

    iota = lax.iota(jnp.int32, 16)
    zvec = jnp.zeros((16,), jnp.float32)
    is_core0 = c == 0

    plsc.subcore_barrier()

    def compute(b):
        def ebody(e, _):
            t = ars[b][e, :] + ard[b][e, :]
            w = jnp.exp(jnp.maximum(t, 0.2 * t))
            w0e = jnp.where(is_core0, w[0], w[2])
            w1e = jnp.where(is_core0, w[1], w[3])
            w0s = jax.lax.broadcast(w0e, (16,))
            w1s = jax.lax.broadcast(w1e, (16,))
            dbuf0[e, :] = jnp.where(iota == 0, w0s,
                                    jnp.where(iota == 1, w1s, zvec))
            for v in range(8):
                wspl = w0s if v < 4 else w1s
                sbuf0[e, pl.ds(v * 16, 16)] = (
                    gath[b][e, pl.ds(v * 16, 16)] * wspl)
            return 0
        lax.fori_loop(0, K, ebody, 0)

    def fetch(i, b):
        pltpu.sync_copy(eidx_hbm.at[s].at[i], idx[b])
        srcr = idx[b].at[0]
        dstr = idx[b].at[1]
        pltpu.async_copy(atabs_hbm.at[srcr], ars[b], gsem[b])
        pltpu.async_copy(atabd_hbm.at[dstr], ard[b], gsem[b])
        pltpu.async_copy(hsplit_hbm.at[c].at[srcr], gath[b], gsem[b])

    def finish(b):
        srcr = idx[b].at[0]
        dstr = idx[b].at[1]
        pltpu.make_async_copy(atabs_hbm.at[srcr], ars[b], gsem[b]).wait()
        pltpu.make_async_copy(atabd_hbm.at[dstr], ard[b], gsem[b]).wait()
        pltpu.make_async_copy(hsplit_hbm.at[c].at[srcr], gath[b], gsem[b]).wait()
        compute(b)
        pltpu.sync_copy(sbuf0, accf_sh.at[dstr], add=True)
        pltpu.sync_copy(dbuf0, accd_sh.at[dstr], add=True)

    fetch(0, 0)

    def pair_body(p, _):
        i0 = 2 * p
        fetch(i0 + 1, 1)
        finish(0)

        @pl.when(p < CHUNKS // 2 - 1)
        def _():
            fetch(i0 + 2, 0)
        finish(1)
        return 0

    lax.fori_loop(0, CHUNKS // 2, pair_body, 0)

    plsc.subcore_barrier()

    for q in range(8):
        qr = r0 + q * 78
        pltpu.sync_copy(accf_sh.at[pl.ds(qr, 78)], stage)
        pltpu.sync_copy(stage, outf_hbm.at[c, pl.ds(qr, 78)])
    pltpu.sync_copy(accd_sh.at[pl.ds(r0, rows_per_tile)], dstage)
    pltpu.sync_copy(dstage, outd_hbm.at[c, pl.ds(r0, rows_per_tile)])

    @pl.when(s == 0)
    def _():
        tail = NTILE * rows_per_tile
        pltpu.sync_copy(accf_sh.at[pl.ds(tail, 16)], stage.at[pl.ds(0, 16)])
        pltpu.sync_copy(stage.at[pl.ds(0, 16)], outf_hbm.at[c, pl.ds(tail, 16)])
        pltpu.sync_copy(accd_sh.at[pl.ds(tail, 16)], dstage.at[pl.ds(0, 16)])
        pltpu.sync_copy(dstage.at[pl.ds(0, 16)], outd_hbm.at[c, pl.ds(tail, 16)])


@functools.lru_cache(maxsize=1)
def _get_sc_agg():
  return pl.kernel(
    _sc_body,
    out_type=(jax.ShapeDtypeStruct((2, N, 128), jnp.float32),
              jax.ShapeDtypeStruct((2, N, DW), jnp.float32)),
    mesh=plsc.VectorSubcoreMesh(core_axis_name="c", subcore_axis_name="s"),
    compiler_params=pltpu.CompilerParams(
        needs_layout_passes=False, use_tc_tiling_on_sc=False),
    scratch_types=[
        pltpu.VMEM((2, K), jnp.int32),
        pltpu.VMEM((2, K), jnp.int32),
        pltpu.VMEM((K, 16), jnp.float32),
        pltpu.VMEM((K, 16), jnp.float32),
        pltpu.VMEM((K, 16), jnp.float32),
        pltpu.VMEM((K, 16), jnp.float32),
        pltpu.VMEM((K, 128), jnp.float32),
        pltpu.VMEM((K, 128), jnp.float32),
        pltpu.VMEM((K, 128), jnp.float32),
        pltpu.VMEM((K, DW), jnp.float32),
        pltpu.VMEM((78, 128), jnp.float32),
        pltpu.VMEM((624, DW), jnp.float32),
        pltpu.VMEM_SHARED((N, 128), jnp.float32),
        pltpu.VMEM_SHARED((N, DW), jnp.float32),
        pltpu.SemaphoreType.DMA,
        pltpu.SemaphoreType.DMA,
    ],
  )



def _att_mat(att_s, att_d):
    rows = jnp.arange(DH) // C
    onehot = (rows[:, None] == jnp.arange(H)[None, :]).astype(jnp.float32)
    As = onehot * jnp.reshape(att_s, (DH,))[:, None]
    Ad = onehot * jnp.reshape(att_d, (DH,))[:, None]
    return jnp.concatenate([As, Ad], axis=1)


@jax.jit
def kernel(x, edge_index, W0_w, W0_b, g1_lin, g1_att_src, g1_att_dst, g1_b,
           g2_lin, g2_att_src, g2_att_dst, g2_b, bn1_g, bn1_b, bn2_g, bn2_b,
           Wout_w, Wout_b, bn1_rm, bn1_rv, bn2_rm, bn2_rv):
    eidx = jnp.stack([edge_index[0].astype(jnp.int32).reshape(NTILE, CHUNKS, K),
                      edge_index[1].astype(jnp.int32).reshape(NTILE, CHUNKS, K)],
                     axis=2)

    P = jnp.kron(jnp.eye(H, dtype=jnp.float32), jnp.ones((1, C), jnp.float32))
    AB1 = _att_mat(g1_att_src, g1_att_dst)
    AB2 = _att_mat(g2_att_src, g2_att_dst)
    s1 = bn1_g / jnp.sqrt(bn1_rv + BN_EPS)
    sh1 = bn1_b - bn1_rm * s1
    s2 = bn2_g / jnp.sqrt(bn2_rv + BN_EPS)
    sh2 = bn2_b - bn2_rm * s2

    r2 = lambda v: v.reshape(1, -1)

    sc_agg = _get_sc_agg()
    h0, hs1, atabs1, atabd1, initf1, initd1 = _tc_a(
        x, W0_w.T, r2(W0_b), g1_lin.T, AB1, P)
    accf1, accd1 = sc_agg(eidx, atabs1, atabd1, hs1, initf1, initd1)
    out1, hs2, atabs2, atabd2, initf2, initd2 = _tc_b(
        accf1, accd1, r2(g1_b), r2(s1), r2(sh1), g2_lin.T, AB2, P)
    accf2, accd2 = sc_agg(eidx, atabs2, atabd2, hs2, initf2, initd2)
    (final,) = _tc_c(
        accf2, accd2, out1, h0, r2(g2_b), r2(s2), r2(sh2), Wout_w.T,
        r2(Wout_b), P)
    return final

# --- scband reference (transcript-rebuilt; emitter-appended) ---
"""Pipeline reference for scband-gat-skip-2-layer-linear-in-out-7567732376261 (READ-ONLY COPY).

The authoritative reference and input builder live on the scoring server;
editing this copy changes nothing except your own understanding.
"""

import jax, jax.numpy as jnp
import numpy as np

N = 10000
E = 320000
DIN = 128
H = 4
C = 64
DH = H * C  # 256
DOUT = 128
BN_EPS = 1e-5


def setup_inputs(seed: int = 0) -> dict:
    key = jax.random.key(seed)
    ks = jax.random.split(key, 20)
    x = jax.random.normal(ks[0], (N, DIN), dtype=jnp.float32)
    edge_index = jax.random.randint(ks[1], (2, E), 0, N)

    def lin_init(k, out_f, in_f):
        s = 1.0 / np.sqrt(in_f)
        return jax.random.uniform(k, (out_f, in_f), jnp.float32, -s, s)

    def vec_init(k, n, fan_in):
        s = 1.0 / np.sqrt(fan_in)
        return jax.random.uniform(k, (n,), jnp.float32, -s, s)

    inp = {
        "x": x,
        "edge_index": edge_index,
        "W0_w": lin_init(ks[2], DH, DIN),
        "W0_b": vec_init(ks[3], DH, DIN),
        "g1_lin": lin_init(ks[4], DH, DH),
        "g1_att_src": jax.random.normal(ks[5], (H, C), jnp.float32) * 0.1,
        "g1_att_dst": jax.random.normal(ks[6], (H, C), jnp.float32) * 0.1,
        "g1_b": jnp.zeros((DH,), jnp.float32),
        "g2_lin": lin_init(ks[7], DH, DH),
        "g2_att_src": jax.random.normal(ks[8], (H, C), jnp.float32) * 0.1,
        "g2_att_dst": jax.random.normal(ks[9], (H, C), jnp.float32) * 0.1,
        "g2_b": jnp.zeros((DH,), jnp.float32),
        "bn1_g": jnp.ones((DH,), jnp.float32),
        "bn1_b": jnp.zeros((DH,), jnp.float32),
        "bn2_g": jnp.ones((DH,), jnp.float32),
        "bn2_b": jnp.zeros((DH,), jnp.float32),
        "Wout_w": lin_init(ks[10], DOUT, DH),
        "Wout_b": vec_init(ks[11], DOUT, DH),
        "bn1_rm": jnp.zeros((DH,), jnp.float32),
        "bn1_rv": jnp.ones((DH,), jnp.float32),
        "bn2_rm": jnp.zeros((DH,), jnp.float32),
        "bn2_rv": jnp.ones((DH,), jnp.float32),
    }
    return inp


def _gat_conv(x, src, dst, lin_w, att_src, att_dst, bias):
    h = (x @ lin_w.T).reshape(N, H, C)
    a_src = (h * att_src[None]).sum(-1)  # [N, H]
    a_dst = (h * att_dst[None]).sum(-1)  # [N, H]
    alpha = a_src[src] + a_dst[dst]      # [Etot, H]
    alpha = jax.nn.leaky_relu(alpha, 0.2)
    amax = jax.ops.segment_max(alpha, dst, num_segments=N)
    alpha = jnp.exp(alpha - amax[dst])
    denom = jax.ops.segment_sum(alpha, dst, num_segments=N)
    alpha = alpha / (denom[dst] + 1e-16)
    msg = h[src] * alpha[..., None]      # [Etot, H, C]
    out = jax.ops.segment_sum(msg, dst, num_segments=N)
    return out.reshape(N, H * C) + bias


def _bn_eval(x, g, b, rm, rv):
    return (x - rm) / jnp.sqrt(rv + BN_EPS) * g + b


def reference(x, edge_index, W0_w, W0_b, g1_lin, g1_att_src, g1_att_dst, g1_b,
              g2_lin, g2_att_src, g2_att_dst, g2_b, bn1_g, bn1_b, bn2_g, bn2_b,
              Wout_w, Wout_b, bn1_rm, bn1_rv, bn2_rm, bn2_rv):
    # add self loops (PyG GATConv default)
    loop = jnp.arange(N, dtype=edge_index.dtype)
    src = jnp.concatenate([edge_index[0], loop])
    dst = jnp.concatenate([edge_index[1], loop])

    h = x @ W0_w.T + W0_b          # Linear in
    x_skip = h
    outs = []
    # layer 1 (i=1): no skip
    h = _gat_conv(h, src, dst, g1_lin, g1_att_src, g1_att_dst, g1_b)
    h = _bn_eval(h, bn1_g, bn1_b, bn1_rm, bn1_rv)
    h = jax.nn.relu(h)
    outs.append(h)
    # layer 2 (i=2): skip added
    h = _gat_conv(h, src, dst, g2_lin, g2_att_src, g2_att_dst, g2_b)
    h = _bn_eval(h, bn2_g, bn2_b, bn2_rm, bn2_rv)
    h = h + 0.5 * x_skip
    h = jax.nn.relu(h)
    outs.append(h)

    h = outs[0] + outs[1]
    out = h @ Wout_w.T + Wout_b
    return out

if __name__ == "__main__":
    import jax
    _d = setup_inputs()
    print(jax.jit(kernel)(*tuple(_d.values())))

</pallas_src>

<mosaic_0001>
#map = affine_map<(d0, d1) -> (0, 0, 0, 0)>
#map1 = affine_map<(d0, d1) -> (0, 0)>
#map2 = affine_map<(d0, d1) -> (0, 0, 0)>
module attributes {stable_mosaic.version = 14 : i64} {
  func.func @_sc_body(%arg0: i32, %arg1: i32, %arg2: memref<16x500x2x40xi32, #tpu.memory_space<hbm>>, %arg3: memref<10000x16xf32, #tpu.memory_space<hbm>>, %arg4: memref<10000x16xf32, #tpu.memory_space<hbm>>, %arg5: memref<2x10000x128xf32, #tpu.memory_space<hbm>>, %arg6: memref<2x10000x128xf32, #tpu.memory_space<hbm>>, %arg7: memref<2x10000x16xf32, #tpu.memory_space<hbm>>, %arg8: memref<2x10000x128xf32, #tpu.memory_space<hbm>>, %arg9: memref<2x10000x16xf32, #tpu.memory_space<hbm>>, %arg10: memref<2x40xi32, #tpu.memory_space<vmem>>, %arg11: memref<2x40xi32, #tpu.memory_space<vmem>>, %arg12: memref<40x16xf32, #tpu.memory_space<vmem>>, %arg13: memref<40x16xf32, #tpu.memory_space<vmem>>, %arg14: memref<40x16xf32, #tpu.memory_space<vmem>>, %arg15: memref<40x16xf32, #tpu.memory_space<vmem>>, %arg16: memref<40x128xf32, #tpu.memory_space<vmem>>, %arg17: memref<40x128xf32, #tpu.memory_space<vmem>>, %arg18: memref<40x128xf32, #tpu.memory_space<vmem>>, %arg19: memref<40x16xf32, #tpu.memory_space<vmem>>, %arg20: memref<78x128xf32, #tpu.memory_space<vmem>>, %arg21: memref<624x16xf32, #tpu.memory_space<vmem>>, %arg22: memref<10000x128xf32, #tpu.memory_space<vmem_shared>>, %arg23: memref<10000x16xf32, #tpu.memory_space<vmem_shared>>, %arg24: memref<!tpu.dma_semaphore, #tpu.memory_space<semaphore_mem>>, %arg25: memref<!tpu.dma_semaphore, #tpu.memory_space<semaphore_mem>>) attributes {dimension_semantics = [#tpu.dimension_semantics<core_parallel>, #tpu.dimension_semantics<subcore_parallel>], iteration_bounds = array<i64: 2, 16>, scalar_prefetch = 0 : i64, scratch_operands = 16 : i64, tpu.core_type = #tpu.core_type<sc_vector_subcore>, window_params = [{transform_indices = #map}, {transform_indices = #map1}, {transform_indices = #map1}, {transform_indices = #map2}, {transform_indices = #map2}, {transform_indices = #map2}, {transform_indices = #map2}, {transform_indices = #map2}]} {
    %mul3A = arith.constant 624 : i32
    %mul3A_0 = arith.muli %arg1, %mul3A : i32
    %add3A = arith.constant 0 : i32
    %add3A_1 = arith.addi %mul3A_0, %add3A : i32
    "tpu.region"() ({
      %run_scoped3A_73 = tpu.sem_alloc : memref<!tpu.dma_semaphore, #tpu.memory_space<semaphore_mem>>
      %dma_start3A_74 = arith.constant 0 : i32
      %dma_start3A_75 = tpu.memref_slice %arg6[%arg0, %add3A_1, %dma_start3A_74] : memref<2x10000x128xf32, #tpu.memory_space<hbm>> -> memref<1x78x128xf32, #tpu.memory_space<hbm>>
      %dma_start3A_76 = tpu.memref_squeeze %dma_start3A_75 : memref<1x78x128xf32, #tpu.memory_space<hbm>> -> memref<78x128xf32, #tpu.memory_space<hbm>>
      %dma_start3A_77 = arith.constant 0 : i32
      %dma_start3A_78 = tpu.memref_slice %arg6[%arg0, %add3A_1, %dma_start3A_77] : memref<2x10000x128xf32, #tpu.memory_space<hbm>> -> memref<1x78x128xf32, #tpu.memory_space<hbm>>
      %dma_start3A_79 = tpu.memref_squeeze %dma_start3A_78 : memref<1x78x128xf32, #tpu.memory_space<hbm>> -> memref<78x128xf32, #tpu.memory_space<hbm>>
      tpu.enqueue_dma source(%dma_start3A_79 : memref<78x128xf32, #tpu.memory_space<hbm>>) target(%arg20 : memref<78x128xf32, #tpu.memory_space<vmem>>) target_semaphore(%run_scoped3A_73 : memref<!tpu.dma_semaphore, #tpu.memory_space<semaphore_mem>>)
      %dma_wait3A = arith.constant 0 : i32
      %dma_wait3A_80 = tpu.memref_slice %arg6[%arg0, %add3A_1, %dma_wait3A] : memref<2x10000x128xf32, #tpu.memory_space<hbm>> -> memref<1x78x128xf32, #tpu.memory_space<hbm>>
      %dma_wait3A_81 = tpu.memref_squeeze %dma_wait3A_80 : memref<1x78x128xf32, #tpu.memory_space<hbm>> -> memref<78x128xf32, #tpu.memory_space<hbm>>
      %dma_wait3A_82 = arith.constant 0 : i32
      %dma_wait3A_83 = tpu.memref_slice %arg6[%arg0, %add3A_1, %dma_wait3A_82] : memref<2x10000x128xf32, #tpu.memory_space<hbm>> -> memref<1x78x128xf32, #tpu.memory_space<hbm>>
      %dma_wait3A_84 = tpu.memref_squeeze %dma_wait3A_83 : memref<1x78x128xf32, #tpu.memory_space<hbm>> -> memref<78x128xf32, #tpu.memory_space<hbm>>
      tpu.wait_dma2 semaphore(%run_scoped3A_73 : memref<!tpu.dma_semaphore, #tpu.memory_space<semaphore_mem>>) src(%dma_wait3A_84 : memref<78x128xf32, #tpu.memory_space<hbm>>) dst(%arg20 : memref<78x128xf32, #tpu.memory_space<vmem>>)
      tpu.yield
    }) : () -> ()
    "tpu.region"() ({
      %run_scoped3A_73 = tpu.sem_alloc : memref<!tpu.dma_semaphore, #tpu.memory_space<semaphore_mem>>
      %dma_start3A_74 = arith.constant 0 : i32
      %dma_start3A_75 = tpu.memref_slice %arg22[%add3A_1, %dma_start3A_74] : memref<10000x128xf32, #tpu.memory_space<vmem_shared>> -> memref<78x128xf32, #tpu.memory_space<vmem_shared>>
      %dma_start3A_76 = arith.constant 0 : i32
      %dma_start3A_77 = tpu.memref_slice %arg22[%add3A_1, %dma_start3A_76] : memref<10000x128xf32, #tpu.memory_space<vmem_shared>> -> memref<78x128xf32, #tpu.memory_space<vmem_shared>>
      tpu.enqueue_dma source(%arg20 : memref<78x128xf32, #tpu.memory_space<vmem>>) target(%dma_start3A_77 : memref<78x128xf32, #tpu.memory_space<vmem_shared>>) target_semaphore(%run_scoped3A_73 : memref<!tpu.dma_semaphore, #tpu.memory_space<semaphore_mem>>)
      %dma_wait3A = arith.constant 0 : i32
      %dma_wait3A_78 = tpu.memref_slice %arg22[%add3A_1, %dma_wait3A] : memref<10000x128xf32, #tpu.memory_space<vmem_shared>> -> memref<78x128xf32, #tpu.memory_space<vmem_shared>>
      %dma_wait3A_79 = arith.constant 0 : i32
      %dma_wait3A_80 = tpu.memref_slice %arg22[%add3A_1, %dma_wait3A_79] : memref<10000x128xf32, #tpu.memory_space<vmem_shared>> -> memref<78x128xf32, #tpu.memory_space<vmem_shared>>
      tpu.wait_dma2 semaphore(%run_scoped3A_73 : memref<!tpu.dma_semaphore, #tpu.memory_space<semaphore_mem>>) src(%arg20 : memref<78x128xf32, #tpu.memory_space<vmem>>) dst(%dma_wait3A_80 : memref<78x128xf32, #tpu.memory_space<vmem_shared>>)
      tpu.yield
    }) : () -> ()
    %add3A_2 = arith.constant 78 : i32
    %add3A_3 = arith.addi %mul3A_0, %add3A_2 : i32
    "tpu.region"() ({
      %run_scoped3A_73 = tpu.sem_alloc : memref<!tpu.dma_semaphore, #tpu.memory_space<semaphore_mem>>
      %dma_start3A_74 = arith.constant 0 : i32
      %dma_start3A_75 = tpu.memref_slice %arg6[%arg0, %add3A_3, %dma_start3A_74] : memref<2x10000x128xf32, #tpu.memory_space<hbm>> -> memref<1x78x128xf32, #tpu.memory_space<hbm>>
      %dma_start3A_76 = tpu.memref_squeeze %dma_start3A_75 : memref<1x78x128xf32, #tpu.memory_space<hbm>> -> memref<78x128xf32, #tpu.memory_space<hbm>>
      %dma_start3A_77 = arith.constant 0 : i32
      %dma_start3A_78 = tpu.memref_slice %arg6[%arg0, %add3A_3, %dma_start3A_77] : memref<2x10000x128xf32, #tpu.memory_space<hbm>> -> memref<1x78x128xf32, #tpu.memory_space<hbm>>
      %dma_start3A_79 = tpu.memref_squeeze %dma_start3A_78 : memref<1x78x128xf32, #tpu.memory_space<hbm>> -> memref<78x128xf32, #tpu.memory_space<hbm>>
      tpu.enqueue_dma source(%dma_start3A_79 : memref<78x128xf32, #tpu.memory_space<hbm>>) target(%arg20 : memref<78x128xf32, #tpu.memory_space<vmem>>) target_semaphore(%run_scoped3A_73 : memref<!tpu.dma_semaphore, #tpu.memory_space<semaphore_mem>>)
      %dma_wait3A = arith.constant 0 : i32
      %dma_wait3A_80 = tpu.memref_slice %arg6[%arg0, %add3A_3, %dma_wait3A] : memref<2x10000x128xf32, #tpu.memory_space<hbm>> -> memref<1x78x128xf32, #tpu.memory_space<hbm>>
      %dma_wait3A_81 = tpu.memref_squeeze %dma_wait3A_80 : memref<1x78x128xf32, #tpu.memory_space<hbm>> -> memref<78x128xf32, #tpu.memory_space<hbm>>
      %dma_wait3A_82 = arith.constant 0 : i32
      %dma_wait3A_83 = tpu.memref_slice %arg6[%arg0, %add3A_3, %dma_wait3A_82] : memref<2x10000x128xf32, #tpu.memory_space<hbm>> -> memref<1x78x128xf32, #tpu.memory_space<hbm>>
      %dma_wait3A_84 = tpu.memref_squeeze %dma_wait3A_83 : memref<1x78x128xf32, #tpu.memory_space<hbm>> -> memref<78x128xf32, #tpu.memory_space<hbm>>
      tpu.wait_dma2 semaphore(%run_scoped3A_73 : memref<!tpu.dma_semaphore, #tpu.memory_space<semaphore_mem>>) src(%dma_wait3A_84 : memref<78x128xf32, #tpu.memory_space<hbm>>) dst(%arg20 : memref<78x128xf32, #tpu.memory_space<vmem>>)
      tpu.yield
    }) : () -> ()
    "tpu.region"() ({
      %run_scoped3A_73 = tpu.sem_alloc : memref<!tpu.dma_semaphore, #tpu.memory_space<semaphore_mem>>
      %dma_start3A_74 = arith.constant 0 : i32
      %dma_start3A_75 = tpu.memref_slice %arg22[%add3A_3, %dma_start3A_74] : memref<10000x128xf32, #tpu.memory_space<vmem_shared>> -> memref<78x128xf32, #tpu.memory_space<vmem_shared>>
      %dma_start3A_76 = arith.constant 0 : i32
      %dma_start3A_77 = tpu.memref_slice %arg22[%add3A_3, %dma_start3A_76] : memref<10000x128xf32, #tpu.memory_space<vmem_shared>> -> memref<78x128xf32, #tpu.memory_space<vmem_shared>>
      tpu.enqueue_dma source(%arg20 : memref<78x128xf32, #tpu.memory_space<vmem>>) target(%dma_start3A_77 : memref<78x128xf32, #tpu.memory_space<vmem_shared>>) target_semaphore(%run_scoped3A_73 : memref<!tpu.dma_semaphore, #tpu.memory_space<semaphore_mem>>)
      %dma_wait3A = arith.constant 0 : i32
      %dma_wait3A_78 = tpu.memref_slice %arg22[%add3A_3, %dma_wait3A] : memref<10000x128xf32, #tpu.memory_space<vmem_shared>> -> memref<78x128xf32, #tpu.memory_space<vmem_shared>>
      %dma_wait3A_79 = arith.constant 0 : i32
      %dma_wait3A_80 = tpu.memref_slice %arg22[%add3A_3, %dma_wait3A_79] : memref<10000x128xf32, #tpu.memory_space<vmem_shared>> -> memref<78x128xf32, #tpu.memory_space<vmem_shared>>
      tpu.wait_dma2 semaphore(%run_scoped3A_73 : memref<!tpu.dma_semaphore, #tpu.memory_space<semaphore_mem>>) src(%arg20 : memref<78x128xf32, #tpu.memory_space<vmem>>) dst(%dma_wait3A_80 : memref<78x128xf32, #tpu.memory_space<vmem_shared>>)
      tpu.yield
    }) : () -> ()
    %add3A_4 = arith.constant 156 : i32
    %add3A_5 = arith.addi %mul3A_0, %add3A_4 : i32
    "tpu.region"() ({
      %run_scoped3A_73 = tpu.sem_alloc : memref<!tpu.dma_semaphore, #tpu.memory_space<semaphore_mem>>
      %dma_start3A_74 = arith.constant 0 : i32
      %dma_start3A_75 = tpu.memref_slice %arg6[%arg0, %add3A_5, %dma_start3A_74] : memref<2x10000x128xf32, #tpu.memory_space<hbm>> -> memref<1x78x128xf32, #tpu.memory_space<hbm>>
      %dma_start3A_76 = tpu.memref_squeeze %dma_start3A_75 : memref<1x78x128xf32, #tpu.memory_space<hbm>> -> memref<78x128xf32, #tpu.memory_space<hbm>>
      %dma_start3A_77 = arith.constant 0 : i32
      %dma_start3A_78 = tpu.memref_slice %arg6[%arg0, %add3A_5, %dma_start3A_77] : memref<2x10000x128xf32, #tpu.memory_space<hbm>> -> memref<1x78x128xf32, #tpu.memory_space<hbm>>
      %dma_start3A_79 = tpu.memref_squeeze %dma_start3A_78 : memref<1x78x128xf32, #tpu.memory_space<hbm>> -> memref<78x128xf32, #tpu.memory_space<hbm>>
      tpu.enqueue_dma source(%dma_start3A_79 : memref<78x128xf32, #tpu.memory_space<hbm>>) target(%arg20 : memref<78x128xf32, #tpu.memory_space<vmem>>) target_semaphore(%run_scoped3A_73 : memref<!tpu.dma_semaphore, #tpu.memory_space<semaphore_mem>>)
      %dma_wait3A = arith.constant 0 : i32
      %dma_wait3A_80 = tpu.memref_slice %arg6[%arg0, %add3A_5, %dma_wait3A] : memref<2x10000x128xf32, #tpu.memory_space<hbm>> -> memref<1x78x128xf32, #tpu.memory_space<hbm>>
      %dma_wait3A_81 = tpu.memref_squeeze %dma_wait3A_80 : memref<1x78x128xf32, #tpu.memory_space<hbm>> -> memref<78x128xf32, #tpu.memory_space<hbm>>
      %dma_wait3A_82 = arith.constant 0 : i32
      %dma_wait3A_83 = tpu.memref_slice %arg6[%arg0, %add3A_5, %dma_wait3A_82] : memref<2x10000x128xf32, #tpu.memory_space<hbm>> -> memref<1x78x128xf32, #tpu.memory_space<hbm>>
      %dma_wait3A_84 = tpu.memref_squeeze %dma_wait3A_83 : memref<1x78x128xf32, #tpu.memory_space<hbm>> -> memref<78x128xf32, #tpu.memory_space<hbm>>
      tpu.wait_dma2 semaphore(%run_scoped3A_73 : memref<!tpu.dma_semaphore, #tpu.memory_space<semaphore_mem>>) src(%dma_wait3A_84 : memref<78x128xf32, #tpu.memory_space<hbm>>) dst(%arg20 : memref<78x128xf32, #tpu.memory_space<vmem>>)
      tpu.yield
    }) : () -> ()
    "tpu.region"() ({
      %run_scoped3A_73 = tpu.sem_alloc : memref<!tpu.dma_semaphore, #tpu.memory_space<semaphore_mem>>
      %dma_start3A_74 = arith.constant 0 : i32
      %dma_start3A_75 = tpu.memref_slice %arg22[%add3A_5, %dma_start3A_74] : memref<10000x128xf32, #tpu.memory_space<vmem_shared>> -> memref<78x128xf32, #tpu.memory_space<vmem_shared>>
      %dma_start3A_76 = arith.constant 0 : i32
      %dma_start3A_77 = tpu.memref_slice %arg22[%add3A_5, %dma_start3A_76] : memref<10000x128xf32, #tpu.memory_space<vmem_shared>> -> memref<78x128xf32, #tpu.memory_space<vmem_shared>>
      tpu.enqueue_dma source(%arg20 : memref<78x128xf32, #tpu.memory_space<vmem>>) target(%dma_start3A_77 : memref<78x128xf32, #tpu.memory_space<vmem_shared>>) target_semaphore(%run_scoped3A_73 : memref<!tpu.dma_semaphore, #tpu.memory_space<semaphore_mem>>)
      %dma_wait3A = arith.constant 0 : i32
      %dma_wait3A_78 = tpu.memref_slice %arg22[%add3A_5, %dma_wait3A] : memref<10000x128xf32, #tpu.memory_space<vmem_shared>> -> memref<78x128xf32, #tpu.memory_space<vmem_shared>>
      %dma_wait3A_79 = arith.constant 0 : i32
      %dma_wait3A_80 = tpu.memref_slice %arg22[%add3A_5, %dma_wait3A_79] : memref<10000x128xf32, #tpu.memory_space<vmem_shared>> -> memref<78x128xf32, #tpu.memory_space<vmem_shared>>
      tpu.wait_dma2 semaphore(%run_scoped3A_73 : memref<!tpu.dma_semaphore, #tpu.memory_space<semaphore_mem>>) src(%arg20 : memref<78x128xf32, #tpu.memory_space<vmem>>) dst(%dma_wait3A_80 : memref<78x128xf32, #tpu.memory_space<vmem_shared>>)
      tpu.yield
    }) : () -> ()
    %add3A_6 = arith.constant 234 : i32
    %add3A_7 = arith.addi %mul3A_0, %add3A_6 : i32
    "tpu.region"() ({
      %run_scoped3A_73 = tpu.sem_alloc : memref<!tpu.dma_semaphore, #tpu.memory_space<semaphore_mem>>
      %dma_start3A_74 = arith.constant 0 : i32
      %dma_start3A_75 = tpu.memref_slice %arg6[%arg0, %add3A_7, %dma_start3A_74] : memref<2x10000x128xf32, #tpu.memory_space<hbm>> -> memref<1x78x128xf32, #tpu.memory_space<hbm>>
      %dma_start3A_76 = tpu.memref_squeeze %dma_start3A_75 : memref<1x78x128xf32, #tpu.memory_space<hbm>> -> memref<78x128xf32, #tpu.memory_space<hbm>>
      %dma_start3A_77 = arith.constant 0 : i32
      %dma_start3A_78 = tpu.memref_slice %arg6[%arg0, %add3A_7, %dma_start3A_77] : memref<2x10000x128xf32, #tpu.memory_space<hbm>> -> memref<1x78x128xf32, #tpu.memory_space<hbm>>
      %dma_start3A_79 = tpu.memref_squeeze %dma_start3A_78 : memref<1x78x128xf32, #tpu.memory_space<hbm>> -> memref<78x128xf32, #tpu.memory_space<hbm>>
      tpu.enqueue_dma source(%dma_start3A_79 : memref<78x128xf32, #tpu.memory_space<hbm>>) target(%arg20 : memref<78x128xf32, #tpu.memory_space<vmem>>) target_semaphore(%run_scoped3A_73 : memref<!tpu.dma_semaphore, #tpu.memory_space<semaphore_mem>>)
      %dma_wait3A = arith.constant 0 : i32
      %dma_wait3A_80 = tpu.memref_slice %arg6[%arg0, %add3A_7, %dma_wait3A] : memref<2x10000x128xf32, #tpu.memory_space<hbm>> -> memref<1x78x128xf32, #tpu.memory_space<hbm>>
      %dma_wait3A_81 = tpu.memref_squeeze %dma_wait3A_80 : memref<1x78x128xf32, #tpu.memory_space<hbm>> -> memref<78x128xf32, #tpu.memory_space<hbm>>
      %dma_wait3A_82 = arith.constant 0 : i32
      %dma_wait3A_83 = tpu.memref_slice %arg6[%arg0, %add3A_7, %dma_wait3A_82] : memref<2x10000x128xf32, #tpu.memory_space<hbm>> -> memref<1x78x128xf32, #tpu.memory_space<hbm>>
      %dma_wait3A_84 = tpu.memref_squeeze %dma_wait3A_83 : memref<1x78x128xf32, #tpu.memory_space<hbm>> -> memref<78x128xf32, #tpu.memory_space<hbm>>
      tpu.wait_dma2 semaphore(%run_scoped3A_73 : memref<!tpu.dma_semaphore, #tpu.memory_space<semaphore_mem>>) src(%dma_wait3A_84 : memref<78x128xf32, #tpu.memory_space<hbm>>) dst(%arg20 : memref<78x128xf32, #tpu.memory_space<vmem>>)
      tpu.yield
    }) : () -> ()
    "tpu.region"() ({
      %run_scoped3A_73 = tpu.sem_alloc : memref<!tpu.dma_semaphore, #tpu.memory_space<semaphore_mem>>
      %dma_start3A_74 = arith.constant 0 : i32
      %dma_start3A_75 = tpu.memref_slice %arg22[%add3A_7, %dma_start3A_74] : memref<10000x128xf32, #tpu.memory_space<vmem_shared>> -> memref<78x128xf32, #tpu.memory_space<vmem_shared>>
      %dma_start3A_76 = arith.constant 0 : i32
      %dma_start3A_77 = tpu.memref_slice %arg22[%add3A_7, %dma_start3A_76] : memref<10000x128xf32, #tpu.memory_space<vmem_shared>> -> memref<78x128xf32, #tpu.memory_space<vmem_shared>>
      tpu.enqueue_dma source(%arg20 : memref<78x128xf32, #tpu.memory_space<vmem>>) target(%dma_start3A_77 : memref<78x128xf32, #tpu.memory_space<vmem_shared>>) target_semaphore(%run_scoped3A_73 : memref<!tpu.dma_semaphore, #tpu.memory_space<semaphore_mem>>)
      %dma_wait3A = arith.constant 0 : i32
      %dma_wait3A_78 = tpu.memref_slice %arg22[%add3A_7, %dma_wait3A] : memref<10000x128xf32, #tpu.memory_space<vmem_shared>> -> memref<78x128xf32, #tpu.memory_space<vmem_shared>>
      %dma_wait3A_79 = arith.constant 0 : i32
      %dma_wait3A_80 = tpu.memref_slice %arg22[%add3A_7, %dma_wait3A_79] : memref<10000x128xf32, #tpu.memory_space<vmem_shared>> -> memref<78x128xf32, #tpu.memory_space<vmem_shared>>
      tpu.wait_dma2 semaphore(%run_scoped3A_73 : memref<!tpu.dma_semaphore, #tpu.memory_space<semaphore_mem>>) src(%arg20 : memref<78x128xf32, #tpu.memory_space<vmem>>) dst(%dma_wait3A_80 : memref<78x128xf32, #tpu.memory_space<vmem_shared>>)
      tpu.yield
    }) : () -> ()
    %add3A_8 = arith.constant 312 : i32
    %add3A_9 = arith.addi %mul3A_0, %add3A_8 : i32
    "tpu.region"() ({
      %run_scoped3A_73 = tpu.sem_alloc : memref<!tpu.dma_semaphore, #tpu.memory_space<semaphore_mem>>
      %dma_start3A_74 = arith.constant 0 : i32
      %dma_start3A_75 = tpu.memref_slice %arg6[%arg0, %add3A_9, %dma_start3A_74] : memref<2x10000x128xf32, #tpu.memory_space<hbm>> -> memref<1x78x128xf32, #tpu.memory_space<hbm>>
      %dma_start3A_76 = tpu.memref_squeeze %dma_start3A_75 : memref<1x78x128xf32, #tpu.memory_space<hbm>> -> memref<78x128xf32, #tpu.memory_space<hbm>>
      %dma_start3A_77 = arith.constant 0 : i32
      %dma_start3A_78 = tpu.memref_slice %arg6[%arg0, %add3A_9, %dma_start3A_77] : memref<2x10000x128xf32, #tpu.memory_space<hbm>> -> memref<1x78x128xf32, #tpu.memory_space<hbm>>
      %dma_start3A_79 = tpu.memref_squeeze %dma_start3A_78 : memref<1x78x128xf32, #tpu.memory_space<hbm>> -> memref<78x128xf32, #tpu.memory_space<hbm>>
      tpu.enqueue_dma source(%dma_start3A_79 : memref<78x128xf32, #tpu.memory_space<hbm>>) target(%arg20 : memref<78x128xf32, #tpu.memory_space<vmem>>) target_semaphore(%run_scoped3A_73 : memref<!tpu.dma_semaphore, #tpu.memory_space<semaphore_mem>>)
      %dma_wait3A = arith.constant 0 : i32
      %dma_wait3A_80 = tpu.memref_slice %arg6[%arg0, %add3A_9, %dma_wait3A] : memref<2x10000x128xf32, #tpu.memory_space<hbm>> -> memref<1x78x128xf32, #tpu.memory_space<hbm>>
      %dma_wait3A_81 = tpu.memref_squeeze %dma_wait3A_80 : memref<1x78x128xf32, #tpu.memory_space<hbm>> -> memref<78x128xf32, #tpu.memory_space<hbm>>
      %dma_wait3A_82 = arith.constant 0 : i32
      %dma_wait3A_83 = tpu.memref_slice %arg6[%arg0, %add3A_9, %dma_wait3A_82] : memref<2x10000x128xf32, #tpu.memory_space<hbm>> -> memref<1x78x128xf32, #tpu.memory_space<hbm>>
      %dma_wait3A_84 = tpu.memref_squeeze %dma_wait3A_83 : memref<1x78x128xf32, #tpu.memory_space<hbm>> -> memref<78x128xf32, #tpu.memory_space<hbm>>
      tpu.wait_dma2 semaphore(%run_scoped3A_73 : memref<!tpu.dma_semaphore, #tpu.memory_space<semaphore_mem>>) src(%dma_wait3A_84 : memref<78x128xf32, #tpu.memory_space<hbm>>) dst(%arg20 : memref<78x128xf32, #tpu.memory_space<vmem>>)
      tpu.yield
    }) : () -> ()
    "tpu.region"() ({
      %run_scoped3A_73 = tpu.sem_alloc : memref<!tpu.dma_semaphore, #tpu.memory_space<semaphore_mem>>
      %dma_start3A_74 = arith.constant 0 : i32
      %dma_start3A_75 = tpu.memref_slice %arg22[%add3A_9, %dma_start3A_74] : memref<10000x128xf32, #tpu.memory_space<vmem_shared>> -> memref<78x128xf32, #tpu.memory_space<vmem_shared>>
      %dma_start3A_76 = arith.constant 0 : i32
      %dma_start3A_77 = tpu.memref_slice %arg22[%add3A_9, %dma_start3A_76] : memref<10000x128xf32, #tpu.memory_space<vmem_shared>> -> memref<78x128xf32, #tpu.memory_space<vmem_shared>>
      tpu.enqueue_dma source(%arg20 : memref<78x128xf32, #tpu.memory_space<vmem>>) target(%dma_start3A_77 : memref<78x128xf32, #tpu.memory_space<vmem_shared>>) target_semaphore(%run_scoped3A_73 : memref<!tpu.dma_semaphore, #tpu.memory_space<semaphore_mem>>)
      %dma_wait3A = arith.constant 0 : i32
      %dma_wait3A_78 = tpu.memref_slice %arg22[%add3A_9, %dma_wait3A] : memref<10000x128xf32, #tpu.memory_space<vmem_shared>> -> memref<78x128xf32, #tpu.memory_space<vmem_shared>>
      %dma_wait3A_79 = arith.constant 0 : i32
      %dma_wait3A_80 = tpu.memref_slice %arg22[%add3A_9, %dma_wait3A_79] : memref<10000x128xf32, #tpu.memory_space<vmem_shared>> -> memref<78x128xf32, #tpu.memory_space<vmem_shared>>
      tpu.wait_dma2 semaphore(%run_scoped3A_73 : memref<!tpu.dma_semaphore, #tpu.memory_space<semaphore_mem>>) src(%arg20 : memref<78x128xf32, #tpu.memory_space<vmem>>) dst(%dma_wait3A_80 : memref<78x128xf32, #tpu.memory_space<vmem_shared>>)
      tpu.yield
    }) : () -> ()
    %add3A_10 = arith.constant 390 : i32
    %add3A_11 = arith.addi %mul3A_0, %add3A_10 : i32
    "tpu.region"() ({
      %run_scoped3A_73 = tpu.sem_alloc : memref<!tpu.dma_semaphore, #tpu.memory_space<semaphore_mem>>
      %dma_start3A_74 = arith.constant 0 : i32
      %dma_start3A_75 = tpu.memref_slice %arg6[%arg0, %add3A_11, %dma_start3A_74] : memref<2x10000x128xf32, #tpu.memory_space<hbm>> -> memref<1x78x128xf32, #tpu.memory_space<hbm>>
      %dma_start3A_76 = tpu.memref_squeeze %dma_start3A_75 : memref<1x78x128xf32, #tpu.memory_space<hbm>> -> memref<78x128xf32, #tpu.memory_space<hbm>>
      %dma_start3A_77 = arith.constant 0 : i32
      %dma_start3A_78 = tpu.memref_slice %arg6[%arg0, %add3A_11, %dma_start3A_77] : memref<2x10000x128xf32, #tpu.memory_space<hbm>> -> memref<1x78x128xf32, #tpu.memory_space<hbm>>
      %dma_start3A_79 = tpu.memref_squeeze %dma_start3A_78 : memref<1x78x128xf32, #tpu.memory_space<hbm>> -> memref<78x128xf32, #tpu.memory_space<hbm>>
      tpu.enqueue_dma source(%dma_start3A_79 : memref<78x128xf32, #tpu.memory_space<hbm>>) target(%arg20 : memref<78x128xf32, #tpu.memory_space<vmem>>) target_semaphore(%run_scoped3A_73 : memref<!tpu.dma_semaphore, #tpu.memory_space<semaphore_mem>>)
      %dma_wait3A = arith.constant 0 : i32
      %dma_wait3A_80 = tpu.memref_slice %arg6[%arg0, %add3A_11, %dma_wait3A] : memref<2x10000x128xf32, #tpu.memory_space<hbm>> -> memref<1x78x128xf32, #tpu.memory_space<hbm>>
      %dma_wait3A_81 = tpu.memref_squeeze %dma_wait3A_80 : memref<1x78x128xf32, #tpu.memory_space<hbm>> -> memref<78x128xf32, #tpu.memory_space<hbm>>
      %dma_wait3A_82 = arith.constant 0 : i32
      %dma_wait3A_83 = tpu.memref_slice %arg6[%arg0, %add3A_11, %dma_wait3A_82] : memref<2x10000x128xf32, #tpu.memory_space<hbm>> -> memref<1x78x128xf32, #tpu.memory_space<hbm>>
      %dma_wait3A_84 = tpu.memref_squeeze %dma_wait3A_83 : memref<1x78x128xf32, #tpu.memory_space<hbm>> -> memref<78x128xf32, #tpu.memory_space<hbm>>
      tpu.wait_dma2 semaphore(%run_scoped3A_73 : memref<!tpu.dma_semaphore, #tpu.memory_space<semaphore_mem>>) src(%dma_wait3A_84 : memref<78x128xf32, #tpu.memory_space<hbm>>) dst(%arg20 : memref<78x128xf32, #tpu.memory_space<vmem>>)
      tpu.yield
    }) : () -> ()
    "tpu.region"() ({
      %run_scoped3A_73 = tpu.sem_alloc : memref<!tpu.dma_semaphore, #tpu.memory_space<semaphore_mem>>
      %dma_start3A_74 = arith.constant 0 : i32
      %dma_start3A_75 = tpu.memref_slice %arg22[%add3A_11, %dma_start3A_74] : memref<10000x128xf32, #tpu.memory_space<vmem_shared>> -> memref<78x128xf32, #tpu.memory_space<vmem_shared>>
      %dma_start3A_76 = arith.constant 0 : i32
      %dma_start3A_77 = tpu.memref_slice %arg22[%add3A_11, %dma_start3A_76] : memref<10000x128xf32, #tpu.memory_space<vmem_shared>> -> memref<78x128xf32, #tpu.memory_space<vmem_shared>>
      tpu.enqueue_dma source(%arg20 : memref<78x128xf32, #tpu.memory_space<vmem>>) target(%dma_start3A_77 : memref<78x128xf32, #tpu.memory_space<vmem_shared>>) target_semaphore(%run_scoped3A_73 : memref<!tpu.dma_semaphore, #tpu.memory_space<semaphore_mem>>)
      %dma_wait3A = arith.constant 0 : i32
      %dma_wait3A_78 = tpu.memref_slice %arg22[%add3A_11, %dma_wait3A] : memref<10000x128xf32, #tpu.memory_space<vmem_shared>> -> memref<78x128xf32, #tpu.memory_space<vmem_shared>>
      %dma_wait3A_79 = arith.constant 0 : i32
      %dma_wait3A_80 = tpu.memref_slice %arg22[%add3A_11, %dma_wait3A_79] : memref<10000x128xf32, #tpu.memory_space<vmem_shared>> -> memref<78x128xf32, #tpu.memory_space<vmem_shared>>
      tpu.wait_dma2 semaphore(%run_scoped3A_73 : memref<!tpu.dma_semaphore, #tpu.memory_space<semaphore_mem>>) src(%arg20 : memref<78x128xf32, #tpu.memory_space<vmem>>) dst(%dma_wait3A_80 : memref<78x128xf32, #tpu.memory_space<vmem_shared>>)
      tpu.yield
    }) : () -> ()
    %add3A_12 = arith.constant 468 : i32
    %add3A_13 = arith.addi %mul3A_0, %add3A_12 : i32
    "tpu.region"() ({
      %run_scoped3A_73 = tpu.sem_alloc : memref<!tpu.dma_semaphore, #tpu.memory_space<semaphore_mem>>
      %dma_start3A_74 = arith.constant 0 : i32
      %dma_start3A_75 = tpu.memref_slice %arg6[%arg0, %add3A_13, %dma_start3A_74] : memref<2x10000x128xf32, #tpu.memory_space<hbm>> -> memref<1x78x128xf32, #tpu.memory_space<hbm>>
      %dma_start3A_76 = tpu.memref_squeeze %dma_start3A_75 : memref<1x78x128xf32, #tpu.memory_space<hbm>> -> memref<78x128xf32, #tpu.memory_space<hbm>>
      %dma_start3A_77 = arith.constant 0 : i32
      %dma_start3A_78 = tpu.memref_slice %arg6[%arg0, %add3A_13, %dma_start3A_77] : memref<2x10000x128xf32, #tpu.memory_space<hbm>> -> memref<1x78x128xf32, #tpu.memory_space<hbm>>
      %dma_start3A_79 = tpu.memref_squeeze %dma_start3A_78 : memref<1x78x128xf32, #tpu.memory_space<hbm>> -> memref<78x128xf32, #tpu.memory_space<hbm>>
      tpu.enqueue_dma source(%dma_start3A_79 : memref<78x128xf32, #tpu.memory_space<hbm>>) target(%arg20 : memref<78x128xf32, #tpu.memory_space<vmem>>) target_semaphore(%run_scoped3A_73 : memref<!tpu.dma_semaphore, #tpu.memory_space<semaphore_mem>>)
      %dma_wait3A = arith.constant 0 : i32
      %dma_wait3A_80 = tpu.memref_slice %arg6[%arg0, %add3A_13, %dma_wait3A] : memref<2x10000x128xf32, #tpu.memory_space<hbm>> -> memref<1x78x128xf32, #tpu.memory_space<hbm>>
      %dma_wait3A_81 = tpu.memref_squeeze %dma_wait3A_80 : memref<1x78x128xf32, #tpu.memory_space<hbm>> -> memref<78x128xf32, #tpu.memory_space<hbm>>
      %dma_wait3A_82 = arith.constant 0 : i32
      %dma_wait3A_83 = tpu.memref_slice %arg6[%arg0, %add3A_13, %dma_wait3A_82] : memref<2x10000x128xf32, #tpu.memory_space<hbm>> -> memref<1x78x128xf32, #tpu.memory_space<hbm>>
      %dma_wait3A_84 = tpu.memref_squeeze %dma_wait3A_83 : memref<1x78x128xf32, #tpu.memory_space<hbm>> -> memref<78x128xf32, #tpu.memory_space<hbm>>
      tpu.wait_dma2 semaphore(%run_scoped3A_73 : memref<!tpu.dma_semaphore, #tpu.memory_space<semaphore_mem>>) src(%dma_wait3A_84 : memref<78x128xf32, #tpu.memory_space<hbm>>) dst(%arg20 : memref<78x128xf32, #tpu.memory_space<vmem>>)
      tpu.yield
    }) : () -> ()
    "tpu.region"() ({
      %run_scoped3A_73 = tpu.sem_alloc : memref<!tpu.dma_semaphore, #tpu.memory_space<semaphore_mem>>
      %dma_start3A_74 = arith.constant 0 : i32
      %dma_start3A_75 = tpu.memref_slice %arg22[%add3A_13, %dma_start3A_74] : memref<10000x128xf32, #tpu.memory_space<vmem_shared>> -> memref<78x128xf32, #tpu.memory_space<vmem_shared>>
      %dma_start3A_76 = arith.constant 0 : i32
      %dma_start3A_77 = tpu.memref_slice %arg22[%add3A_13, %dma_start3A_76] : memref<10000x128xf32, #tpu.memory_space<vmem_shared>> -> memref<78x128xf32, #tpu.memory_space<vmem_shared>>
      tpu.enqueue_dma source(%arg20 : memref<78x128xf32, #tpu.memory_space<vmem>>) target(%dma_start3A_77 : memref<78x128xf32, #tpu.memory_space<vmem_shared>>) target_semaphore(%run_scoped3A_73 : memref<!tpu.dma_semaphore, #tpu.memory_space<semaphore_mem>>)
      %dma_wait3A = arith.constant 0 : i32
      %dma_wait3A_78 = tpu.memref_slice %arg22[%add3A_13, %dma_wait3A] : memref<10000x128xf32, #tpu.memory_space<vmem_shared>> -> memref<78x128xf32, #tpu.memory_space<vmem_shared>>
      %dma_wait3A_79 = arith.constant 0 : i32
      %dma_wait3A_80 = tpu.memref_slice %arg22[%add3A_13, %dma_wait3A_79] : memref<10000x128xf32, #tpu.memory_space<vmem_shared>> -> memref<78x128xf32, #tpu.memory_space<vmem_shared>>
      tpu.wait_dma2 semaphore(%run_scoped3A_73 : memref<!tpu.dma_semaphore, #tpu.memory_space<semaphore_mem>>) src(%arg20 : memref<78x128xf32, #tpu.memory_space<vmem>>) dst(%dma_wait3A_80 : memref<78x128xf32, #tpu.memory_space<vmem_shared>>)
      tpu.yield
    }) : () -> ()
    %add3A_14 = arith.constant 546 : i32
    %add3A_15 = arith.addi %mul3A_0, %add3A_14 : i32
    "tpu.region"() ({
      %run_scoped3A_73 = tpu.sem_alloc : memref<!tpu.dma_semaphore, #tpu.memory_space<semaphore_mem>>
      %dma_start3A_74 = arith.constant 0 : i32
      %dma_start3A_75 = tpu.memref_slice %arg6[%arg0, %add3A_15, %dma_start3A_74] : memref<2x10000x128xf32, #tpu.memory_space<hbm>> -> memref<1x78x128xf32, #tpu.memory_space<hbm>>
      %dma_start3A_76 = tpu.memref_squeeze %dma_start3A_75 : memref<1x78x128xf32, #tpu.memory_space<hbm>> -> memref<78x128xf32, #tpu.memory_space<hbm>>
      %dma_start3A_77 = arith.constant 0 : i32
      %dma_start3A_78 = tpu.memref_slice %arg6[%arg0, %add3A_15, %dma_start3A_77] : memref<2x10000x128xf32, #tpu.memory_space<hbm>> -> memref<1x78x128xf32, #tpu.memory_space<hbm>>
      %dma_start3A_79 = tpu.memref_squeeze %dma_start3A_78 : memref<1x78x128xf32, #tpu.memory_space<hbm>> -> memref<78x128xf32, #tpu.memory_space<hbm>>
      tpu.enqueue_dma source(%dma_start3A_79 : memref<78x128xf32, #tpu.memory_space<hbm>>) target(%arg20 : memref<78x128xf32, #tpu.memory_space<vmem>>) target_semaphore(%run_scoped3A_73 : memref<!tpu.dma_semaphore, #tpu.memory_space<semaphore_mem>>)
      %dma_wait3A = arith.constant 0 : i32
      %dma_wait3A_80 = tpu.memref_slice %arg6[%arg0, %add3A_15, %dma_wait3A] : memref<2x10000x128xf32, #tpu.memory_space<hbm>> -> memref<1x78x128xf32, #tpu.memory_space<hbm>>
      %dma_wait3A_81 = tpu.memref_squeeze %dma_wait3A_80 : memref<1x78x128xf32, #tpu.memory_space<hbm>> -> memref<78x128xf32, #tpu.memory_space<hbm>>
      %dma_wait3A_82 = arith.constant 0 : i32
      %dma_wait3A_83 = tpu.memref_slice %arg6[%arg0, %add3A_15, %dma_wait3A_82] : memref<2x10000x128xf32, #tpu.memory_space<hbm>> -> memref<1x78x128xf32, #tpu.memory_space<hbm>>
      %dma_wait3A_84 = tpu.memref_squeeze %dma_wait3A_83 : memref<1x78x128xf32, #tpu.memory_space<hbm>> -> memref<78x128xf32, #tpu.memory_space<hbm>>
      tpu.wait_dma2 semaphore(%run_scoped3A_73 : memref<!tpu.dma_semaphore, #tpu.memory_space<semaphore_mem>>) src(%dma_wait3A_84 : memref<78x128xf32, #tpu.memory_space<hbm>>) dst(%arg20 : memref<78x128xf32, #tpu.memory_space<vmem>>)
      tpu.yield
    }) : () -> ()
    "tpu.region"() ({
      %run_scoped3A_73 = tpu.sem_alloc : memref<!tpu.dma_semaphore, #tpu.memory_space<semaphore_mem>>
      %dma_start3A_74 = arith.constant 0 : i32
      %dma_start3A_75 = tpu.memref_slice %arg22[%add3A_15, %dma_start3A_74] : memref<10000x128xf32, #tpu.memory_space<vmem_shared>> -> memref<78x128xf32, #tpu.memory_space<vmem_shared>>
      %dma_start3A_76 = arith.constant 0 : i32
      %dma_start3A_77 = tpu.memref_slice %arg22[%add3A_15, %dma_start3A_76] : memref<10000x128xf32, #tpu.memory_space<vmem_shared>> -> memref<78x128xf32, #tpu.memory_space<vmem_shared>>
      tpu.enqueue_dma source(%arg20 : memref<78x128xf32, #tpu.memory_space<vmem>>) target(%dma_start3A_77 : memref<78x128xf32, #tpu.memory_space<vmem_shared>>) target_semaphore(%run_scoped3A_73 : memref<!tpu.dma_semaphore, #tpu.memory_space<semaphore_mem>>)
      %dma_wait3A = arith.constant 0 : i32
      %dma_wait3A_78 = tpu.memref_slice %arg22[%add3A_15, %dma_wait3A] : memref<10000x128xf32, #tpu.memory_space<vmem_shared>> -> memref<78x128xf32, #tpu.memory_space<vmem_shared>>
      %dma_wait3A_79 = arith.constant 0 : i32
      %dma_wait3A_80 = tpu.memref_slice %arg22[%add3A_15, %dma_wait3A_79] : memref<10000x128xf32, #tpu.memory_space<vmem_shared>> -> memref<78x128xf32, #tpu.memory_space<vmem_shared>>
      tpu.wait_dma2 semaphore(%run_scoped3A_73 : memref<!tpu.dma_semaphore, #tpu.memory_space<semaphore_mem>>) src(%arg20 : memref<78x128xf32, #tpu.memory_space<vmem>>) dst(%dma_wait3A_80 : memref<78x128xf32, #tpu.memory_space<vmem_shared>>)
      tpu.yield
    }) : () -> ()
    "tpu.region"() ({
      %run_scoped3A_73 = tpu.sem_alloc : memref<!tpu.dma_semaphore, #tpu.memory_space<semaphore_mem>>
      %dma_start3A_74 = arith.constant 0 : i32
      %dma_start3A_75 = tpu.memref_slice %arg7[%arg0, %mul3A_0, %dma_start3A_74] : memref<2x10000x16xf32, #tpu.memory_space<hbm>> -> memref<1x624x16xf32, #tpu.memory_space<hbm>>
      %dma_start3A_76 = tpu.memref_squeeze %dma_start3A_75 : memref<1x624x16xf32, #tpu.memory_space<hbm>> -> memref<624x16xf32, #tpu.memory_space<hbm>>
      %dma_start3A_77 = arith.constant 0 : i32
      %dma_start3A_78 = tpu.memref_slice %arg7[%arg0, %mul3A_0, %dma_start3A_77] : memref<2x10000x16xf32, #tpu.memory_space<hbm>> -> memref<1x624x16xf32, #tpu.memory_space<hbm>>
      %dma_start3A_79 = tpu.memref_squeeze %dma_start3A_78 : memref<1x624x16xf32, #tpu.memory_space<hbm>> -> memref<624x16xf32, #tpu.memory_space<hbm>>
      tpu.enqueue_dma source(%dma_start3A_79 : memref<624x16xf32, #tpu.memory_space<hbm>>) target(%arg21 : memref<624x16xf32, #tpu.memory_space<vmem>>) target_semaphore(%run_scoped3A_73 : memref<!tpu.dma_semaphore, #tpu.memory_space<semaphore_mem>>)
      %dma_wait3A = arith.constant 0 : i32
      %dma_wait3A_80 = tpu.memref_slice %arg7[%arg0, %mul3A_0, %dma_wait3A] : memref<2x10000x16xf32, #tpu.memory_space<hbm>> -> memref<1x624x16xf32, #tpu.memory_space<hbm>>
      %dma_wait3A_81 = tpu.memref_squeeze %dma_wait3A_80 : memref<1x624x16xf32, #tpu.memory_space<hbm>> -> memref<624x16xf32, #tpu.memory_space<hbm>>
      %dma_wait3A_82 = arith.constant 0 : i32
      %dma_wait3A_83 = tpu.memref_slice %arg7[%arg0, %mul3A_0, %dma_wait3A_82] : memref<2x10000x16xf32, #tpu.memory_space<hbm>> -> memref<1x624x16xf32, #tpu.memory_space<hbm>>
      %dma_wait3A_84 = tpu.memref_squeeze %dma_wait3A_83 : memref<1x624x16xf32, #tpu.memory_space<hbm>> -> memref<624x16xf32, #tpu.memory_space<hbm>>
      tpu.wait_dma2 semaphore(%run_scoped3A_73 : memref<!tpu.dma_semaphore, #tpu.memory_space<semaphore_mem>>) src(%dma_wait3A_84 : memref<624x16xf32, #tpu.memory_space<hbm>>) dst(%arg21 : memref<624x16xf32, #tpu.memory_space<vmem>>)
      tpu.yield
    }) : () -> ()
    "tpu.region"() ({
      %run_scoped3A_73 = tpu.sem_alloc : memref<!tpu.dma_semaphore, #tpu.memory_space<semaphore_mem>>
      %dma_start3A_74 = arith.constant 0 : i32
      %dma_start3A_75 = tpu.memref_slice %arg23[%mul3A_0, %dma_start3A_74] : memref<10000x16xf32, #tpu.memory_space<vmem_shared>> -> memref<624x16xf32, #tpu.memory_space<vmem_shared>>
      %dma_start3A_76 = arith.constant 0 : i32
      %dma_start3A_77 = tpu.memref_slice %arg23[%mul3A_0, %dma_start3A_76] : memref<10000x16xf32, #tpu.memory_space<vmem_shared>> -> memref<624x16xf32, #tpu.memory_space<vmem_shared>>
      tpu.enqueue_dma source(%arg21 : memref<624x16xf32, #tpu.memory_space<vmem>>) target(%dma_start3A_77 : memref<624x16xf32, #tpu.memory_space<vmem_shared>>) target_semaphore(%run_scoped3A_73 : memref<!tpu.dma_semaphore, #tpu.memory_space<semaphore_mem>>)
      %dma_wait3A = arith.constant 0 : i32
      %dma_wait3A_78 = tpu.memref_slice %arg23[%mul3A_0, %dma_wait3A] : memref<10000x16xf32, #tpu.memory_space<vmem_shared>> -> memref<624x16xf32, #tpu.memory_space<vmem_shared>>
      %dma_wait3A_79 = arith.constant 0 : i32
      %dma_wait3A_80 = tpu.memref_slice %arg23[%mul3A_0, %dma_wait3A_79] : memref<10000x16xf32, #tpu.memory_space<vmem_shared>> -> memref<624x16xf32, #tpu.memory_space<vmem_shared>>
      tpu.wait_dma2 semaphore(%run_scoped3A_73 : memref<!tpu.dma_semaphore, #tpu.memory_space<semaphore_mem>>) src(%arg21 : memref<624x16xf32, #tpu.memory_space<vmem>>) dst(%dma_wait3A_80 : memref<624x16xf32, #tpu.memory_space<vmem_shared>>)
      tpu.yield
    }) : () -> ()
    %eq3A = arith.constant 0 : i32
    %eq3A_16 = arith.cmpi eq, %arg1, %eq3A : i32
    %convert_element_type3A = arith.extui %eq3A_16 : i1 to i32
    %cond3A = arith.constant 0 : i32
    %cond3A_17 = arith.cmpi ne, %convert_element_type3A, %cond3A : i32
    scf.if %cond3A_17 {
      "tpu.region"() ({
        %run_scoped3A_73 = tpu.sem_alloc : memref<!tpu.dma_semaphore, #tpu.memory_space<semaphore_mem>>
        %dma_start3A_74 = arith.constant 0 : i32
        %dma_start3A_75 = arith.constant 0 : i32
        %dma_start3A_76 = tpu.memref_slice %arg20[%dma_start3A_74, %dma_start3A_75] : memref<78x128xf32, #tpu.memory_space<vmem>> -> memref<16x128xf32, #tpu.memory_space<vmem>>
        %dma_start3A_77 = arith.constant 9984 : i32
        %dma_start3A_78 = arith.constant 0 : i32
        %dma_start3A_79 = tpu.memref_slice %arg6[%arg0, %dma_start3A_77, %dma_start3A_78] : memref<2x10000x128xf32, #tpu.memory_space<hbm>> -> memref<1x16x128xf32, #tpu.memory_space<hbm>>
        %dma_start3A_80 = tpu.memref_squeeze %dma_start3A_79 : memref<1x16x128xf32, #tpu.memory_space<hbm>> -> memref<16x128xf32, #tpu.memory_space<hbm>>
        %dma_start3A_81 = arith.constant 0 : i32
        %dma_start3A_82 = arith.constant 0 : i32
        %dma_start3A_83 = tpu.memref_slice %arg20[%dma_start3A_81, %dma_start3A_82] : memref<78x128xf32, #tpu.memory_space<vmem>> -> memref<16x128xf32, #tpu.memory_space<vmem>>
        %dma_start3A_84 = arith.constant 9984 : i32
        %dma_start3A_85 = arith.constant 0 : i32
        %dma_start3A_86 = tpu.memref_slice %arg6[%arg0, %dma_start3A_84, %dma_start3A_85] : memref<2x10000x128xf32, #tpu.memory_space<hbm>> -> memref<1x16x128xf32, #tpu.memory_space<hbm>>
        %dma_start3A_87 = tpu.memref_squeeze %dma_start3A_86 : memref<1x16x128xf32, #tpu.memory_space<hbm>> -> memref<16x128xf32, #tpu.memory_space<hbm>>
        tpu.enqueue_dma source(%dma_start3A_87 : memref<16x128xf32, #tpu.memory_space<hbm>>) target(%dma_start3A_83 : memref<16x128xf32, #tpu.memory_space<vmem>>) target_semaphore(%run_scoped3A_73 : memref<!tpu.dma_semaphore, #tpu.memory_space<semaphore_mem>>)
        %dma_wait3A = arith.constant 0 : i32
        %dma_wait3A_88 = arith.constant 0 : i32
        %dma_wait3A_89 = tpu.memref_slice %arg20[%dma_wait3A, %dma_wait3A_88] : memref<78x128xf32, #tpu.memory_space<vmem>> -> memref<16x128xf32, #tpu.memory_space<vmem>>
        %dma_wait3A_90 = arith.constant 9984 : i32
        %dma_wait3A_91 = arith.constant 0 : i32
        %dma_wait3A_92 = tpu.memref_slice %arg6[%arg0, %dma_wait3A_90, %dma_wait3A_91] : memref<2x10000x128xf32, #tpu.memory_space<hbm>> -> memref<1x16x128xf32, #tpu.memory_space<hbm>>
        %dma_wait3A_93 = tpu.memref_squeeze %dma_wait3A_92 : memref<1x16x128xf32, #tpu.memory_space<hbm>> -> memref<16x128xf32, #tpu.memory_space<hbm>>
        %dma_wait3A_94 = arith.constant 0 : i32
        %dma_wait3A_95 = arith.constant 0 : i32
        %dma_wait3A_96 = tpu.memref_slice %arg20[%dma_wait3A_94, %dma_wait3A_95] : memref<78x128xf32, #tpu.memory_space<vmem>> -> memref<16x128xf32, #tpu.memory_space<vmem>>
        %dma_wait3A_97 = arith.constant 9984 : i32
        %dma_wait3A_98 = arith.constant 0 : i32
        %dma_wait3A_99 = tpu.memref_slice %arg6[%arg0, %dma_wait3A_97, %dma_wait3A_98] : memref<2x10000x128xf32, #tpu.memory_space<hbm>> -> memref<1x16x128xf32, #tpu.memory_space<hbm>>
        %dma_wait3A_100 = tpu.memref_squeeze %dma_wait3A_99 : memref<1x16x128xf32, #tpu.memory_space<hbm>> -> memref<16x128xf32, #tpu.memory_space<hbm>>
        tpu.wait_dma2 semaphore(%run_scoped3A_73 : memref<!tpu.dma_semaphore, #tpu.memory_space<semaphore_mem>>) src(%dma_wait3A_100 : memref<16x128xf32, #tpu.memory_space<hbm>>) dst(%dma_wait3A_96 : memref<16x128xf32, #tpu.memory_space<vmem>>)
        tpu.yield
      }) : () -> ()
      "tpu.region"() ({
        %run_scoped3A_73 = tpu.sem_alloc : memref<!tpu.dma_semaphore, #tpu.memory_space<semaphore_mem>>
        %dma_start3A_74 = arith.constant 0 : i32
        %dma_start3A_75 = arith.constant 0 : i32
        %dma_start3A_76 = tpu.memref_slice %arg20[%dma_start3A_74, %dma_start3A_75] : memref<78x128xf32, #tpu.memory_space<vmem>> -> memref<16x128xf32, #tpu.memory_space<vmem>>
        %dma_start3A_77 = arith.constant 9984 : i32
        %dma_start3A_78 = arith.constant 0 : i32
        %dma_start3A_79 = tpu.memref_slice %arg22[%dma_start3A_77, %dma_start3A_78] : memref<10000x128xf32, #tpu.memory_space<vmem_shared>> -> memref<16x128xf32, #tpu.memory_space<vmem_shared>>
        %dma_start3A_80 = arith.constant 9984 : i32
        %dma_start3A_81 = arith.constant 0 : i32
        %dma_start3A_82 = tpu.memref_slice %arg22[%dma_start3A_80, %dma_start3A_81] : memref<10000x128xf32, #tpu.memory_space<vmem_shared>> -> memref<16x128xf32, #tpu.memory_space<vmem_shared>>
        %dma_start3A_83 = arith.constant 0 : i32
        %dma_start3A_84 = arith.constant 0 : i32
        %dma_start3A_85 = tpu.memref_slice %arg20[%dma_start3A_83, %dma_start3A_84] : memref<78x128xf32, #tpu.memory_space<vmem>> -> memref<16x128xf32, #tpu.memory_space<vmem>>
        tpu.enqueue_dma source(%dma_start3A_85 : memref<16x128xf32, #tpu.memory_space<vmem>>) target(%dma_start3A_82 : memref<16x128xf32, #tpu.memory_space<vmem_shared>>) target_semaphore(%run_scoped3A_73 : memref<!tpu.dma_semaphore, #tpu.memory_space<semaphore_mem>>)
        %dma_wait3A = arith.constant 0 : i32
        %dma_wait3A_86 = arith.constant 0 : i32
        %dma_wait3A_87 = tpu.memref_slice %arg20[%dma_wait3A, %dma_wait3A_86] : memref<78x128xf32, #tpu.memory_space<vmem>> -> memref<16x128xf32, #tpu.memory_space<vmem>>
        %dma_wait3A_88 = arith.constant 9984 : i32
        %dma_wait3A_89 = arith.constant 0 : i32
        %dma_wait3A_90 = tpu.memref_slice %arg22[%dma_wait3A_88, %dma_wait3A_89] : memref<10000x128xf32, #tpu.memory_space<vmem_shared>> -> memref<16x128xf32, #tpu.memory_space<vmem_shared>>
        %dma_wait3A_91 = arith.constant 9984 : i32
        %dma_wait3A_92 = arith.constant 0 : i32
        %dma_wait3A_93 = tpu.memref_slice %arg22[%dma_wait3A_91, %dma_wait3A_92] : memref<10000x128xf32, #tpu.memory_space<vmem_shared>> -> memref<16x128xf32, #tpu.memory_space<vmem_shared>>
        %dma_wait3A_94 = arith.constant 0 : i32
        %dma_wait3A_95 = arith.constant 0 : i32
        %dma_wait3A_96 = tpu.memref_slice %arg20[%dma_wait3A_94, %dma_wait3A_95] : memref<78x128xf32, #tpu.memory_space<vmem>> -> memref<16x128xf32, #tpu.memory_space<vmem>>
        tpu.wait_dma2 semaphore(%run_scoped3A_73 : memref<!tpu.dma_semaphore, #tpu.memory_space<semaphore_mem>>) src(%dma_wait3A_96 : memref<16x128xf32, #tpu.memory_space<vmem>>) dst(%dma_wait3A_93 : memref<16x128xf32, #tpu.memory_space<vmem_shared>>)
        tpu.yield
      }) : () -> ()
      "tpu.region"() ({
        %run_scoped3A_73 = tpu.sem_alloc : memref<!tpu.dma_semaphore, #tpu.memory_space<semaphore_mem>>
        %dma_start3A_74 = arith.constant 0 : i32
        %dma_start3A_75 = arith.constant 0 : i32
        %dma_start3A_76 = tpu.memref_slice %arg21[%dma_start3A_74, %dma_start3A_75] : memref<624x16xf32, #tpu.memory_space<vmem>> -> memref<16x16xf32, #tpu.memory_space<vmem>>
        %dma_start3A_77 = arith.constant 9984 : i32
        %dma_start3A_78 = arith.constant 0 : i32
        %dma_start3A_79 = tpu.memref_slice %arg7[%arg0, %dma_start3A_77, %dma_start3A_78] : memref<2x10000x16xf32, #tpu.memory_space<hbm>> -> memref<1x16x16xf32, #tpu.memory_space<hbm>>
        %dma_start3A_80 = tpu.memref_squeeze %dma_start3A_79 : memref<1x16x16xf32, #tpu.memory_space<hbm>> -> memref<16x16xf32, #tpu.memory_space<hbm>>
        %dma_start3A_81 = arith.constant 0 : i32
        %dma_start3A_82 = arith.constant 0 : i32
        %dma_start3A_83 = tpu.memref_slice %arg21[%dma_start3A_81, %dma_start3A_82] : memref<624x16xf32, #tpu.memory_space<vmem>> -> memref<16x16xf32, #tpu.memory_space<vmem>>
        %dma_start3A_84 = arith.constant 9984 : i32
        %dma_start3A_85 = arith.constant 0 : i32
        %dma_start3A_86 = tpu.memref_slice %arg7[%arg0, %dma_start3A_84, %dma_start3A_85] : memref<2x10000x16xf32, #tpu.memory_space<hbm>> -> memref<1x16x16xf32, #tpu.memory_space<hbm>>
        %dma_start3A_87 = tpu.memref_squeeze %dma_start3A_86 : memref<1x16x16xf32, #tpu.memory_space<hbm>> -> memref<16x16xf32, #tpu.memory_space<hbm>>
        tpu.enqueue_dma source(%dma_start3A_87 : memref<16x16xf32, #tpu.memory_space<hbm>>) target(%dma_start3A_83 : memref<16x16xf32, #tpu.memory_space<vmem>>) target_semaphore(%run_scoped3A_73 : memref<!tpu.dma_semaphore, #tpu.memory_space<semaphore_mem>>)
        %dma_wait3A = arith.constant 0 : i32
        %dma_wait3A_88 = arith.constant 0 : i32
        %dma_wait3A_89 = tpu.memref_slice %arg21[%dma_wait3A, %dma_wait3A_88] : memref<624x16xf32, #tpu.memory_space<vmem>> -> memref<16x16xf32, #tpu.memory_space<vmem>>
        %dma_wait3A_90 = arith.constant 9984 : i32
        %dma_wait3A_91 = arith.constant 0 : i32
        %dma_wait3A_92 = tpu.memref_slice %arg7[%arg0, %dma_wait3A_90, %dma_wait3A_91] : memref<2x10000x16xf32, #tpu.memory_space<hbm>> -> memref<1x16x16xf32, #tpu.memory_space<hbm>>
        %dma_wait3A_93 = tpu.memref_squeeze %dma_wait3A_92 : memref<1x16x16xf32, #tpu.memory_space<hbm>> -> memref<16x16xf32, #tpu.memory_space<hbm>>
        %dma_wait3A_94 = arith.constant 0 : i32
        %dma_wait3A_95 = arith.constant 0 : i32
        %dma_wait3A_96 = tpu.memref_slice %arg21[%dma_wait3A_94, %dma_wait3A_95] : memref<624x16xf32, #tpu.memory_space<vmem>> -> memref<16x16xf32, #tpu.memory_space<vmem>>
        %dma_wait3A_97 = arith.constant 9984 : i32
        %dma_wait3A_98 = arith.constant 0 : i32
        %dma_wait3A_99 = tpu.memref_slice %arg7[%arg0, %dma_wait3A_97, %dma_wait3A_98] : memref<2x10000x16xf32, #tpu.memory_space<hbm>> -> memref<1x16x16xf32, #tpu.memory_space<hbm>>
        %dma_wait3A_100 = tpu.memref_squeeze %dma_wait3A_99 : memref<1x16x16xf32, #tpu.memory_space<hbm>> -> memref<16x16xf32, #tpu.memory_space<hbm>>
        tpu.wait_dma2 semaphore(%run_scoped3A_73 : memref<!tpu.dma_semaphore, #tpu.memory_space<semaphore_mem>>) src(%dma_wait3A_100 : memref<16x16xf32, #tpu.memory_space<hbm>>) dst(%dma_wait3A_96 : memref<16x16xf32, #tpu.memory_space<vmem>>)
        tpu.yield
      }) : () -> ()
      "tpu.region"() ({
        %run_scoped3A_73 = tpu.sem_alloc : memref<!tpu.dma_semaphore, #tpu.memory_space<semaphore_mem>>
        %dma_start3A_74 = arith.constant 0 : i32
        %dma_start3A_75 = arith.constant 0 : i32
        %dma_start3A_76 = tpu.memref_slice %arg21[%dma_start3A_74, %dma_start3A_75] : memref<624x16xf32, #tpu.memory_space<vmem>> -> memref<16x16xf32, #tpu.memory_space<vmem>>
        %dma_start3A_77 = arith.constant 9984 : i32
        %dma_start3A_78 = arith.constant 0 : i32
        %dma_start3A_79 = tpu.memref_slice %arg23[%dma_start3A_77, %dma_start3A_78] : memref<10000x16xf32, #tpu.memory_space<vmem_shared>> -> memref<16x16xf32, #tpu.memory_space<vmem_shared>>
        %dma_start3A_80 = arith.constant 9984 : i32
        %dma_start3A_81 = arith.constant 0 : i32
        %dma_start3A_82 = tpu.memref_slice %arg23[%dma_start3A_80, %dma_start3A_81] : memref<10000x16xf32, #tpu.memory_space<vmem_shared>> -> memref<16x16xf32, #tpu.memory_space<vmem_shared>>
        %dma_start3A_83 = arith.constant 0 : i32
        %dma_start3A_84 = arith.constant 0 : i32
        %dma_start3A_85 = tpu.memref_slice %arg21[%dma_start3A_83, %dma_start3A_84] : memref<624x16xf32, #tpu.memory_space<vmem>> -> memref<16x16xf32, #tpu.memory_space<vmem>>
        tpu.enqueue_dma source(%dma_start3A_85 : memref<16x16xf32, #tpu.memory_space<vmem>>) target(%dma_start3A_82 : memref<16x16xf32, #tpu.memory_space<vmem_shared>>) target_semaphore(%run_scoped3A_73 : memref<!tpu.dma_semaphore, #tpu.memory_space<semaphore_mem>>)
        %dma_wait3A = arith.constant 0 : i32
        %dma_wait3A_86 = arith.constant 0 : i32
        %dma_wait3A_87 = tpu.memref_slice %arg21[%dma_wait3A, %dma_wait3A_86] : memref<624x16xf32, #tpu.memory_space<vmem>> -> memref<16x16xf32, #tpu.memory_space<vmem>>
        %dma_wait3A_88 = arith.constant 9984 : i32
        %dma_wait3A_89 = arith.constant 0 : i32
        %dma_wait3A_90 = tpu.memref_slice %arg23[%dma_wait3A_88, %dma_wait3A_89] : memref<10000x16xf32, #tpu.memory_space<vmem_shared>> -> memref<16x16xf32, #tpu.memory_space<vmem_shared>>
        %dma_wait3A_91 = arith.constant 9984 : i32
        %dma_wait3A_92 = arith.constant 0 : i32
        %dma_wait3A_93 = tpu.memref_slice %arg23[%dma_wait3A_91, %dma_wait3A_92] : memref<10000x16xf32, #tpu.memory_space<vmem_shared>> -> memref<16x16xf32, #tpu.memory_space<vmem_shared>>
        %dma_wait3A_94 = arith.constant 0 : i32
        %dma_wait3A_95 = arith.constant 0 : i32
        %dma_wait3A_96 = tpu.memref_slice %arg21[%dma_wait3A_94, %dma_wait3A_95] : memref<624x16xf32, #tpu.memory_space<vmem>> -> memref<16x16xf32, #tpu.memory_space<vmem>>
        tpu.wait_dma2 semaphore(%run_scoped3A_73 : memref<!tpu.dma_semaphore, #tpu.memory_space<semaphore_mem>>) src(%dma_wait3A_96 : memref<16x16xf32, #tpu.memory_space<vmem>>) dst(%dma_wait3A_93 : memref<16x16xf32, #tpu.memory_space<vmem_shared>>)
        tpu.yield
      }) : () -> ()
    } else {
    }
    %iota3A = tpu.iota {dimensions = array<i32: 0>} : vector<16xi32>
    %broadcast_in_dim3A = arith.constant 0.000000e+00 : f32
    %broadcast_in_dim3A_18 = vector.broadcast %broadcast_in_dim3A : f32 to vector<16xf32>
    %eq3A_19 = arith.constant 0 : i32
    %eq3A_20 = arith.cmpi eq, %arg0, %eq3A_19 : i32
    %barrier3A = arith.constant 0 : index
    tpu.barrier barrier_id(%barrier3A)
    %run_scoped3A = arith.constant 0 : i32
    "tpu.region"() ({
      %run_scoped3A_73 = tpu.sem_alloc : memref<!tpu.dma_semaphore, #tpu.memory_space<semaphore_mem>>
      %dma_start3A_74 = arith.constant 0 : i32
      %dma_start3A_75 = arith.constant 0 : i32
      %dma_start3A_76 = arith.constant 0 : i32
      %dma_start3A_77 = tpu.memref_slice %arg2[%arg1, %dma_start3A_74, %dma_start3A_75, %dma_start3A_76] : memref<16x500x2x40xi32, #tpu.memory_space<hbm>> -> memref<1x500x2x40xi32, #tpu.memory_space<hbm>>
      %dma_start3A_78 = tpu.memref_squeeze %dma_start3A_77 : memref<1x500x2x40xi32, #tpu.memory_space<hbm>> -> memref<500x2x40xi32, #tpu.memory_space<hbm>>
      %dma_start3A_79 = arith.constant 0 : i32
      %dma_start3A_80 = arith.constant 0 : i32
      %dma_start3A_81 = tpu.memref_slice %dma_start3A_78[%run_scoped3A, %dma_start3A_79, %dma_start3A_80] : memref<500x2x40xi32, #tpu.memory_space<hbm>> -> memref<1x2x40xi32, #tpu.memory_space<hbm>>
      %dma_start3A_82 = tpu.memref_squeeze %dma_start3A_81 : memref<1x2x40xi32, #tpu.memory_space<hbm>> -> memref<2x40xi32, #tpu.memory_space<hbm>>
      %dma_start3A_83 = arith.constant 0 : i32
      %dma_start3A_84 = arith.constant 0 : i32
      %dma_start3A_85 = arith.constant 0 : i32
      %dma_start3A_86 = tpu.memref_slice %arg2[%arg1, %dma_start3A_83, %dma_start3A_84, %dma_start3A_85] : memref<16x500x2x40xi32, #tpu.memory_space<hbm>> -> memref<1x500x2x40xi32, #tpu.memory_space<hbm>>
      %dma_start3A_87 = tpu.memref_squeeze %dma_start3A_86 : memref<1x500x2x40xi32, #tpu.memory_space<hbm>> -> memref<500x2x40xi32, #tpu.memory_space<hbm>>
      %dma_start3A_88 = arith.constant 0 : i32
      %dma_start3A_89 = arith.constant 0 : i32
      %dma_start3A_90 = tpu.memref_slice %dma_start3A_87[%run_scoped3A, %dma_start3A_88, %dma_start3A_89] : memref<500x2x40xi32, #tpu.memory_space<hbm>> -> memref<1x2x40xi32, #tpu.memory_space<hbm>>
      %dma_start3A_91 = tpu.memref_squeeze %dma_start3A_90 : memref<1x2x40xi32, #tpu.memory_space<hbm>> -> memref<2x40xi32, #tpu.memory_space<hbm>>
      tpu.enqueue_dma source(%dma_start3A_91 : memref<2x40xi32, #tpu.memory_space<hbm>>) target(%arg10 : memref<2x40xi32, #tpu.memory_space<vmem>>) target_semaphore(%run_scoped3A_73 : memref<!tpu.dma_semaphore, #tpu.memory_space<semaphore_mem>>)
      %dma_wait3A = arith.constant 0 : i32
      %dma_wait3A_92 = arith.constant 0 : i32
      %dma_wait3A_93 = arith.constant 0 : i32
      %dma_wait3A_94 = tpu.memref_slice %arg2[%arg1, %dma_wait3A, %dma_wait3A_92, %dma_wait3A_93] : memref<16x500x2x40xi32, #tpu.memory_space<hbm>> -> memref<1x500x2x40xi32, #tpu.memory_space<hbm>>
      %dma_wait3A_95 = tpu.memref_squeeze %dma_wait3A_94 : memref<1x500x2x40xi32, #tpu.memory_space<hbm>> -> memref<500x2x40xi32, #tpu.memory_space<hbm>>
      %dma_wait3A_96 = arith.constant 0 : i32
      %dma_wait3A_97 = arith.constant 0 : i32
      %dma_wait3A_98 = tpu.memref_slice %dma_wait3A_95[%run_scoped3A, %dma_wait3A_96, %dma_wait3A_97] : memref<500x2x40xi32, #tpu.memory_space<hbm>> -> memref<1x2x40xi32, #tpu.memory_space<hbm>>
      %dma_wait3A_99 = tpu.memref_squeeze %dma_wait3A_98 : memref<1x2x40xi32, #tpu.memory_space<hbm>> -> memref<2x40xi32, #tpu.memory_space<hbm>>
      %dma_wait3A_100 = arith.constant 0 : i32
      %dma_wait3A_101 = arith.constant 0 : i32
      %dma_wait3A_102 = arith.constant 0 : i32
      %dma_wait3A_103 = tpu.memref_slice %arg2[%arg1, %dma_wait3A_100, %dma_wait3A_101, %dma_wait3A_102] : memref<16x500x2x40xi32, #tpu.memory_space<hbm>> -> memref<1x500x2x40xi32, #tpu.memory_space<hbm>>
      %dma_wait3A_104 = tpu.memref_squeeze %dma_wait3A_103 : memref<1x500x2x40xi32, #tpu.memory_space<hbm>> -> memref<500x2x40xi32, #tpu.memory_space<hbm>>
      %dma_wait3A_105 = arith.constant 0 : i32
      %dma_wait3A_106 = arith.constant 0 : i32
      %dma_wait3A_107 = tpu.memref_slice %dma_wait3A_104[%run_scoped3A, %dma_wait3A_105, %dma_wait3A_106] : memref<500x2x40xi32, #tpu.memory_space<hbm>> -> memref<1x2x40xi32, #tpu.memory_space<hbm>>
      %dma_wait3A_108 = tpu.memref_squeeze %dma_wait3A_107 : memref<1x2x40xi32, #tpu.memory_space<hbm>> -> memref<2x40xi32, #tpu.memory_space<hbm>>
      tpu.wait_dma2 semaphore(%run_scoped3A_73 : memref<!tpu.dma_semaphore, #tpu.memory_space<semaphore_mem>>) src(%dma_wait3A_108 : memref<2x40xi32, #tpu.memory_space<hbm>>) dst(%arg10 : memref<2x40xi32, #tpu.memory_space<vmem>>)
      tpu.yield
    }) : () -> ()
    %dma_start3A = arith.constant 0 : i32
    %dma_start3A_21 = arith.constant 0 : i32
    %dma_start3A_22 = tpu.memref_slice %arg10[%dma_start3A, %dma_start3A_21] : memref<2x40xi32, #tpu.memory_space<vmem>> -> memref<1x40xi32, #tpu.memory_space<vmem>>
    %dma_start3A_23 = tpu.memref_squeeze %dma_start3A_22 : memref<1x40xi32, #tpu.memory_space<vmem>> -> memref<40xi32, #tpu.memory_space<vmem>>
    %dma_start3A_24 = arith.constant 0 : i32
    %dma_start3A_25 = arith.constant 0 : i32
    %dma_start3A_26 = tpu.memref_slice %arg3[%dma_start3A_24, %dma_start3A_25] : memref<10000x16xf32, #tpu.memory_space<hbm>> -> memref<10000x16xf32, #tpu.memory_space<hbm>>
    tpu.enqueue_indirect_dma source(%dma_start3A_26 : memref<10000x16xf32, #tpu.memory_space<hbm>>) target(%arg12 : memref<40x16xf32, #tpu.memory_space<vmem>>) offsets(%dma_start3A_23 : memref<40xi32, #tpu.memory_space<vmem>>) semaphore(%arg24 : memref<!tpu.dma_semaphore, #tpu.memory_space<semaphore_mem>>)
    %dma_start3A_27 = arith.constant 1 : i32
    %dma_start3A_28 = arith.constant 0 : i32
    %dma_start3A_29 = tpu.memref_slice %arg10[%dma_start3A_27, %dma_start3A_28] : memref<2x40xi32, #tpu.memory_space<vmem>> -> memref<1x40xi32, #tpu.memory_space<vmem>>
    %dma_start3A_30 = tpu.memref_squeeze %dma_start3A_29 : memref<1x40xi32, #tpu.memory_space<vmem>> -> memref<40xi32, #tpu.memory_space<vmem>>
    %dma_start3A_31 = arith.constant 0 : i32
    %dma_start3A_32 = arith.constant 0 : i32
    %dma_start3A_33 = tpu.memref_slice %arg4[%dma_start3A_31, %dma_start3A_32] : memref<10000x16xf32, #tpu.memory_space<hbm>> -> memref<10000x16xf32, #tpu.memory_space<hbm>>
    tpu.enqueue_indirect_dma source(%dma_start3A_33 : memref<10000x16xf32, #tpu.memory_space<hbm>>) target(%arg14 : memref<40x16xf32, #tpu.memory_space<vmem>>) offsets(%dma_start3A_30 : memref<40xi32, #tpu.memory_space<vmem>>) semaphore(%arg24 : memref<!tpu.dma_semaphore, #tpu.memory_space<semaphore_mem>>)
    %dma_start3A_34 = arith.constant 0 : i32
    %dma_start3A_35 = arith.constant 0 : i32
    %dma_start3A_36 = tpu.memref_slice %arg10[%dma_start3A_34, %dma_start3A_35] : memref<2x40xi32, #tpu.memory_space<vmem>> -> memref<1x40xi32, #tpu.memory_space<vmem>>
    %dma_start3A_37 = tpu.memref_squeeze %dma_start3A_36 : memref<1x40xi32, #tpu.memory_space<vmem>> -> memref<40xi32, #tpu.memory_space<vmem>>
    %dma_start3A_38 = arith.constant 0 : i32
    %dma_start3A_39 = arith.constant 0 : i32
    %dma_start3A_40 = tpu.memref_slice %arg5[%arg0, %dma_start3A_38, %dma_start3A_39] : memref<2x10000x128xf32, #tpu.memory_space<hbm>> -> memref<1x10000x128xf32, #tpu.memory_space<hbm>>
    %dma_start3A_41 = tpu.memref_squeeze %dma_start3A_40 : memref<1x10000x128xf32, #tpu.memory_space<hbm>> -> memref<10000x128xf32, #tpu.memory_space<hbm>>
    %dma_start3A_42 = arith.constant 0 : i32
    %dma_start3A_43 = arith.constant 0 : i32
    %dma_start3A_44 = tpu.memref_slice %dma_start3A_41[%dma_start3A_42, %dma_start3A_43] : memref<10000x128xf32, #tpu.memory_space<hbm>> -> memref<10000x128xf32, #tpu.memory_space<hbm>>
    tpu.enqueue_indirect_dma source(%dma_start3A_44 : memref<10000x128xf32, #tpu.memory_space<hbm>>) target(%arg16 : memref<40x128xf32, #tpu.memory_space<vmem>>) offsets(%dma_start3A_37 : memref<40xi32, #tpu.memory_space<vmem>>) semaphore(%arg24 : memref<!tpu.dma_semaphore, #tpu.memory_space<semaphore_mem>>)
    %scan3A = arith.constant 0 : i32
    %scan3A_45 = arith.constant 0 : i32
    %scan3A_46 = arith.constant 250 : i32
    %scan3A_47 = arith.addi %scan3A_45, %scan3A_46 : i32
    %scan3A_48 = arith.constant 1 : i32
    %scan3A_49 = scf.for %scan3A_73 = %scan3A_45 to %scan3A_47 step %scan3A_48 iter_args(%scan3A_74 = %scan3A) -> (i32)  : i32 {
      %mul3A_75 = arith.constant 2 : i32
      %mul3A_76 = arith.muli %mul3A_75, %scan3A_73 : i32
      %add3A_77 = arith.constant 1 : i32
      %add3A_78 = arith.addi %mul3A_76, %add3A_77 : i32
      "tpu.region"() ({
        %run_scoped3A_176 = tpu.sem_alloc : memref<!tpu.dma_semaphore, #tpu.memory_space<semaphore_mem>>
        %dma_start3A_177 = arith.constant 0 : i32
        %dma_start3A_178 = arith.constant 0 : i32
        %dma_start3A_179 = arith.constant 0 : i32
        %dma_start3A_180 = tpu.memref_slice %arg2[%arg1, %dma_start3A_177, %dma_start3A_178, %dma_start3A_179] : memref<16x500x2x40xi32, #tpu.memory_space<hbm>> -> memref<1x500x2x40xi32, #tpu.memory_space<hbm>>
        %dma_start3A_181 = tpu.memref_squeeze %dma_start3A_180 : memref<1x500x2x40xi32, #tpu.memory_space<hbm>> -> memref<500x2x40xi32, #tpu.memory_space<hbm>>
        %dma_start3A_182 = arith.constant 0 : i32
        %dma_start3A_183 = arith.constant 0 : i32
        %dma_start3A_184 = tpu.memref_slice %dma_start3A_181[%add3A_78, %dma_start3A_182, %dma_start3A_183] : memref<500x2x40xi32, #tpu.memory_space<hbm>> -> memref<1x2x40xi32, #tpu.memory_space<hbm>>
        %dma_start3A_185 = tpu.memref_squeeze %dma_start3A_184 : memref<1x2x40xi32, #tpu.memory_space<hbm>> -> memref<2x40xi32, #tpu.memory_space<hbm>>
        %dma_start3A_186 = arith.constant 0 : i32
        %dma_start3A_187 = arith.constant 0 : i32
        %dma_start3A_188 = arith.constant 0 : i32
        %dma_start3A_189 = tpu.memref_slice %arg2[%arg1, %dma_start3A_186, %dma_start3A_187, %dma_start3A_188] : memref<16x500x2x40xi32, #tpu.memory_space<hbm>> -> memref<1x500x2x40xi32, #tpu.memory_space<hbm>>
        %dma_start3A_190 = tpu.memref_squeeze %dma_start3A_189 : memref<1x500x2x40xi32, #tpu.memory_space<hbm>> -> memref<500x2x40xi32, #tpu.memory_space<hbm>>
        %dma_start3A_191 = arith.constant 0 : i32
        %dma_start3A_192 = arith.constant 0 : i32
        %dma_start3A_193 = tpu.memref_slice %dma_start3A_190[%add3A_78, %dma_start3A_191, %dma_start3A_192] : memref<500x2x40xi32, #tpu.memory_space<hbm>> -> memref<1x2x40xi32, #tpu.memory_space<hbm>>
        %dma_start3A_194 = tpu.memref_squeeze %dma_start3A_193 : memref<1x2x40xi32, #tpu.memory_space<hbm>> -> memref<2x40xi32, #tpu.memory_space<hbm>>
        tpu.enqueue_dma source(%dma_start3A_194 : memref<2x40xi32, #tpu.memory_space<hbm>>) target(%arg11 : memref<2x40xi32, #tpu.memory_space<vmem>>) target_semaphore(%run_scoped3A_176 : memref<!tpu.dma_semaphore, #tpu.memory_space<semaphore_mem>>)
        %dma_wait3A_195 = arith.constant 0 : i32
        %dma_wait3A_196 = arith.constant 0 : i32
        %dma_wait3A_197 = arith.constant 0 : i32
        %dma_wait3A_198 = tpu.memref_slice %arg2[%arg1, %dma_wait3A_195, %dma_wait3A_196, %dma_wait3A_197] : memref<16x500x2x40xi32, #tpu.memory_space<hbm>> -> memref<1x500x2x40xi32, #tpu.memory_space<hbm>>
        %dma_wait3A_199 = tpu.memref_squeeze %dma_wait3A_198 : memref<1x500x2x40xi32, #tpu.memory_space<hbm>> -> memref<500x2x40xi32, #tpu.memory_space<hbm>>
        %dma_wait3A_200 = arith.constant 0 : i32
        %dma_wait3A_201 = arith.constant 0 : i32
        %dma_wait3A_202 = tpu.memref_slice %dma_wait3A_199[%add3A_78, %dma_wait3A_200, %dma_wait3A_201] : memref<500x2x40xi32, #tpu.memory_space<hbm>> -> memref<1x2x40xi32, #tpu.memory_space<hbm>>
        %dma_wait3A_203 = tpu.memref_squeeze %dma_wait3A_202 : memref<1x2x40xi32, #tpu.memory_space<hbm>> -> memref<2x40xi32, #tpu.memory_space<hbm>>
        %dma_wait3A_204 = arith.constant 0 : i32
        %dma_wait3A_205 = arith.constant 0 : i32
        %dma_wait3A_206 = arith.constant 0 : i32
        %dma_wait3A_207 = tpu.memref_slice %arg2[%arg1, %dma_wait3A_204, %dma_wait3A_205, %dma_wait3A_206] : memref<16x500x2x40xi32, #tpu.memory_space<hbm>> -> memref<1x500x2x40xi32, #tpu.memory_space<hbm>>
        %dma_wait3A_208 = tpu.memref_squeeze %dma_wait3A_207 : memref<1x500x2x40xi32, #tpu.memory_space<hbm>> -> memref<500x2x40xi32, #tpu.memory_space<hbm>>
        %dma_wait3A_209 = arith.constant 0 : i32
        %dma_wait3A_210 = arith.constant 0 : i32
        %dma_wait3A_211 = tpu.memref_slice %dma_wait3A_208[%add3A_78, %dma_wait3A_209, %dma_wait3A_210] : memref<500x2x40xi32, #tpu.memory_space<hbm>> -> memref<1x2x40xi32, #tpu.memory_space<hbm>>
        %dma_wait3A_212 = tpu.memref_squeeze %dma_wait3A_211 : memref<1x2x40xi32, #tpu.memory_space<hbm>> -> memref<2x40xi32, #tpu.memory_space<hbm>>
        tpu.wait_dma2 semaphore(%run_scoped3A_176 : memref<!tpu.dma_semaphore, #tpu.memory_space<semaphore_mem>>) src(%dma_wait3A_212 : memref<2x40xi32, #tpu.memory_space<hbm>>) dst(%arg11 : memref<2x40xi32, #tpu.memory_space<vmem>>)
        tpu.yield
      }) : () -> ()
      %dma_start3A_79 = arith.constant 0 : i32
      %dma_start3A_80 = arith.constant 0 : i32
      %dma_start3A_81 = tpu.memref_slice %arg11[%dma_start3A_79, %dma_start3A_80] : memref<2x40xi32, #tpu.memory_space<vmem>> -> memref<1x40xi32, #tpu.memory_space<vmem>>
      %dma_start3A_82 = tpu.memref_squeeze %dma_start3A_81 : memref<1x40xi32, #tpu.memory_space<vmem>> -> memref<40xi32, #tpu.memory_space<vmem>>
      %dma_start3A_83 = arith.constant 0 : i32
      %dma_start3A_84 = arith.constant 0 : i32
      %dma_start3A_85 = tpu.memref_slice %arg3[%dma_start3A_83, %dma_start3A_84] : memref<10000x16xf32, #tpu.memory_space<hbm>> -> memref<10000x16xf32, #tpu.memory_space<hbm>>
      tpu.enqueue_indirect_dma source(%dma_start3A_85 : memref<10000x16xf32, #tpu.memory_space<hbm>>) target(%arg13 : memref<40x16xf32, #tpu.memory_space<vmem>>) offsets(%dma_start3A_82 : memref<40xi32, #tpu.memory_space<vmem>>) semaphore(%arg25 : memref<!tpu.dma_semaphore, #tpu.memory_space<semaphore_mem>>)
      %dma_start3A_86 = arith.constant 1 : i32
      %dma_start3A_87 = arith.constant 0 : i32
      %dma_start3A_88 = tpu.memref_slice %arg11[%dma_start3A_86, %dma_start3A_87] : memref<2x40xi32, #tpu.memory_space<vmem>> -> memref<1x40xi32, #tpu.memory_space<vmem>>
      %dma_start3A_89 = tpu.memref_squeeze %dma_start3A_88 : memref<1x40xi32, #tpu.memory_space<vmem>> -> memref<40xi32, #tpu.memory_space<vmem>>
      %dma_start3A_90 = arith.constant 0 : i32
      %dma_start3A_91 = arith.constant 0 : i32
      %dma_start3A_92 = tpu.memref_slice %arg4[%dma_start3A_90, %dma_start3A_91] : memref<10000x16xf32, #tpu.memory_space<hbm>> -> memref<10000x16xf32, #tpu.memory_space<hbm>>
      tpu.enqueue_indirect_dma source(%dma_start3A_92 : memref<10000x16xf32, #tpu.memory_space<hbm>>) target(%arg15 : memref<40x16xf32, #tpu.memory_space<vmem>>) offsets(%dma_start3A_89 : memref<40xi32, #tpu.memory_space<vmem>>) semaphore(%arg25 : memref<!tpu.dma_semaphore, #tpu.memory_space<semaphore_mem>>)
      %dma_start3A_93 = arith.constant 0 : i32
      %dma_start3A_94 = arith.constant 0 : i32
      %dma_start3A_95 = tpu.memref_slice %arg11[%dma_start3A_93, %dma_start3A_94] : memref<2x40xi32, #tpu.memory_space<vmem>> -> memref<1x40xi32, #tpu.memory_space<vmem>>
      %dma_start3A_96 = tpu.memref_squeeze %dma_start3A_95 : memref<1x40xi32, #tpu.memory_space<vmem>> -> memref<40xi32, #tpu.memory_space<vmem>>
      %dma_start3A_97 = arith.constant 0 : i32
      %dma_start3A_98 = arith.constant 0 : i32
      %dma_start3A_99 = tpu.memref_slice %arg5[%arg0, %dma_start3A_97, %dma_start3A_98] : memref<2x10000x128xf32, #tpu.memory_space<hbm>> -> memref<1x10000x128xf32, #tpu.memory_space<hbm>>
      %dma_start3A_100 = tpu.memref_squeeze %dma_start3A_99 : memref<1x10000x128xf32, #tpu.memory_space<hbm>> -> memref<10000x128xf32, #tpu.memory_space<hbm>>
      %dma_start3A_101 = arith.constant 0 : i32
      %dma_start3A_102 = arith.constant 0 : i32
      %dma_start3A_103 = tpu.memref_slice %dma_start3A_100[%dma_start3A_101, %dma_start3A_102] : memref<10000x128xf32, #tpu.memory_space<hbm>> -> memref<10000x128xf32, #tpu.memory_space<hbm>>
      tpu.enqueue_indirect_dma source(%dma_start3A_103 : memref<10000x128xf32, #tpu.memory_space<hbm>>) target(%arg17 : memref<40x128xf32, #tpu.memory_space<vmem>>) offsets(%dma_start3A_96 : memref<40xi32, #tpu.memory_space<vmem>>) semaphore(%arg25 : memref<!tpu.dma_semaphore, #tpu.memory_space<semaphore_mem>>)
      %dma_wait3A = arith.constant 0 : i32
      %dma_wait3A_104 = arith.constant 0 : i32
      %dma_wait3A_105 = tpu.memref_slice %arg10[%dma_wait3A, %dma_wait3A_104] : memref<2x40xi32, #tpu.memory_space<vmem>> -> memref<1x40xi32, #tpu.memory_space<vmem>>
      %dma_wait3A_106 = tpu.memref_squeeze %dma_wait3A_105 : memref<1x40xi32, #tpu.memory_space<vmem>> -> memref<40xi32, #tpu.memory_space<vmem>>
      %dma_wait3A_107 = arith.constant 0 : i32
      %dma_wait3A_108 = arith.constant 0 : i32
      %dma_wait3A_109 = tpu.memref_slice %arg3[%dma_wait3A_107, %dma_wait3A_108] : memref<10000x16xf32, #tpu.memory_space<hbm>> -> memref<10000x16xf32, #tpu.memory_space<hbm>>
      tpu.wait_indirect_dma semaphore(%arg24 : memref<!tpu.dma_semaphore, #tpu.memory_space<semaphore_mem>>) src(%dma_wait3A_109 : memref<10000x16xf32, #tpu.memory_space<hbm>>) dst(%arg12 : memref<40x16xf32, #tpu.memory_space<vmem>>)
      %dma_wait3A_110 = arith.constant 1 : i32
      %dma_wait3A_111 = arith.constant 0 : i32
      %dma_wait3A_112 = tpu.memref_slice %arg10[%dma_wait3A_110, %dma_wait3A_111] : memref<2x40xi32, #tpu.memory_space<vmem>> -> memref<1x40xi32, #tpu.memory_space<vmem>>
      %dma_wait3A_113 = tpu.memref_squeeze %dma_wait3A_112 : memref<1x40xi32, #tpu.memory_space<vmem>> -> memref<40xi32, #tpu.memory_space<vmem>>
      %dma_wait3A_114 = arith.constant 0 : i32
      %dma_wait3A_115 = arith.constant 0 : i32
      %dma_wait3A_116 = tpu.memref_slice %arg4[%dma_wait3A_114, %dma_wait3A_115] : memref<10000x16xf32, #tpu.memory_space<hbm>> -> memref<10000x16xf32, #tpu.memory_space<hbm>>
      tpu.wait_indirect_dma semaphore(%arg24 : memref<!tpu.dma_semaphore, #tpu.memory_space<semaphore_mem>>) src(%dma_wait3A_116 : memref<10000x16xf32, #tpu.memory_space<hbm>>) dst(%arg14 : memref<40x16xf32, #tpu.memory_space<vmem>>)
      %dma_wait3A_117 = arith.constant 0 : i32
      %dma_wait3A_118 = arith.constant 0 : i32
      %dma_wait3A_119 = tpu.memref_slice %arg10[%dma_wait3A_117, %dma_wait3A_118] : memref<2x40xi32, #tpu.memory_space<vmem>> -> memref<1x40xi32, #tpu.memory_space<vmem>>
      %dma_wait3A_120 = tpu.memref_squeeze %dma_wait3A_119 : memref<1x40xi32, #tpu.memory_space<vmem>> -> memref<40xi32, #tpu.memory_space<vmem>>
      %dma_wait3A_121 = arith.constant 0 : i32
      %dma_wait3A_122 = arith.constant 0 : i32
      %dma_wait3A_123 = tpu.memref_slice %arg5[%arg0, %dma_wait3A_121, %dma_wait3A_122] : memref<2x10000x128xf32, #tpu.memory_space<hbm>> -> memref<1x10000x128xf32, #tpu.memory_space<hbm>>
      %dma_wait3A_124 = tpu.memref_squeeze %dma_wait3A_123 : memref<1x10000x128xf32, #tpu.memory_space<hbm>> -> memref<10000x128xf32, #tpu.memory_space<hbm>>
      %dma_wait3A_125 = arith.constant 0 : i32
      %dma_wait3A_126 = arith.constant 0 : i32
      %dma_wait3A_127 = tpu.memref_slice %dma_wait3A_124[%dma_wait3A_125, %dma_wait3A_126] : memref<10000x128xf32, #tpu.memory_space<hbm>> -> memref<10000x128xf32, #tpu.memory_space<hbm>>
      tpu.wait_indirect_dma semaphore(%arg24 : memref<!tpu.dma_semaphore, #tpu.memory_space<semaphore_mem>>) src(%dma_wait3A_127 : memref<10000x128xf32, #tpu.memory_space<hbm>>) dst(%arg16 : memref<40x128xf32, #tpu.memory_space<vmem>>)
      %scan3A_128 = arith.constant 0 : i32
      %scan3A_129 = arith.constant 0 : i32
      %scan3A_130 = arith.constant 40 : i32
      %scan3A_131 = arith.addi %scan3A_129, %scan3A_130 : i32
      %scan3A_132 = arith.constant 1 : i32
      %scan3A_133 = scf.for %scan3A_176 = %scan3A_129 to %scan3A_131 step %scan3A_132 iter_args(%scan3A_177 = %scan3A_128) -> (i32)  : i32 {
        %get3A = arith.index_cast %scan3A_176 : i32 to index
        %get3A_178 = arith.constant 0 : index
        %get3A_179 = tpu.vector_load %arg12[%get3A, %get3A_178] {strides = array<i32>} : memref<40x16xf32, #tpu.memory_space<vmem>>, vector<16xf32>,
        %get3A_180 = arith.index_cast %scan3A_176 : i32 to index
        %get3A_181 = arith.constant 0 : index
        %get3A_182 = tpu.vector_load %arg14[%get3A_180, %get3A_181] {strides = array<i32>} : memref<40x16xf32, #tpu.memory_space<vmem>>, vector<16xf32>,
        %add3A_183 = arith.addf %get3A_179, %get3A_182 : vector<16xf32>
        %mul3A_184 = arith.constant 2.000000e-01 : f32
        %mul3A_185 = vector.broadcast %mul3A_184 : f32 to vector<16xf32>
        %mul3A_186 = arith.mulf %mul3A_185, %add3A_183 : vector<16xf32>
        %max3A = arith.maximumf %add3A_183, %mul3A_186 : vector<16xf32>
        %exp3A = math.exp %max3A : vector<16xf32>
        %slice3A = vector.extract_strided_slice %exp3A {offsets = [0], sizes = [1], strides = [1]} : vector<16xf32> to vector<1xf32>
        %squeeze3A = vector.extract %slice3A[0] : f32 from vector<1xf32>
        %slice3A_187 = vector.extract_strided_slice %exp3A {offsets = [2], sizes = [1], strides = [1]} : vector<16xf32> to vector<1xf32>
        %squeeze3A_188 = vector.extract %slice3A_187[0] : f32 from vector<1xf32>
        %select_n3A = arith.select %eq3A_20, %squeeze3A, %squeeze3A_188 : f32
        %slice3A_189 = vector.extract_strided_slice %exp3A {offsets = [1], sizes = [1], strides = [1]} : vector<16xf32> to vector<1xf32>
        %squeeze3A_190 = vector.extract %slice3A_189[0] : f32 from vector<1xf32>
        %slice3A_191 = vector.extract_strided_slice %exp3A {offsets = [3], sizes = [1], strides = [1]} : vector<16xf32> to vector<1xf32>
        %squeeze3A_192 = vector.extract %slice3A_191[0] : f32 from vector<1xf32>
        %select_n3A_193 = arith.select %eq3A_20, %squeeze3A_190, %squeeze3A_192 : f32
        %broadcast_in_dim3A_194 = vector.broadcast %select_n3A : f32 to vector<16xf32>
        %broadcast_in_dim3A_195 = vector.broadcast %select_n3A_193 : f32 to vector<16xf32>
        %eq3A_196 = arith.constant 0 : i32
        %eq3A_197 = vector.broadcast %eq3A_196 : i32 to vector<16xi32>
        %eq3A_198 = arith.cmpi eq, %iota3A, %eq3A_197 : vector<16xi32>
        %eq3A_199 = arith.constant 1 : i32
        %eq3A_200 = vector.broadcast %eq3A_199 : i32 to vector<16xi32>
        %eq3A_201 = arith.cmpi eq, %iota3A, %eq3A_200 : vector<16xi32>
        %select_n3A_202 = arith.select %eq3A_201, %broadcast_in_dim3A_195, %broadcast_in_dim3A_18 : vector<16xi1>, vector<16xf32>
        %select_n3A_203 = arith.select %eq3A_198, %broadcast_in_dim3A_194, %select_n3A_202 : vector<16xi1>, vector<16xf32>
        %swap3A = arith.index_cast %scan3A_176 : i32 to index
        %swap3A_204 = arith.constant 0 : index
        %swap3A_205 = tpu.vector_load %arg19[%swap3A, %swap3A_204] {strides = array<i32>} : memref<40x16xf32, #tpu.memory_space<vmem>>, vector<16xf32>,
        tpu.vector_store %arg19[%swap3A, %swap3A_204], %select_n3A_203 {strides = array<i32>} : memref<40x16xf32, #tpu.memory_space<vmem>>, vector<16xf32>,
        %get3A_206 = arith.index_cast %scan3A_176 : i32 to index
        %get3A_207 = arith.constant 0 : index
        %get3A_208 = tpu.vector_load %arg16[%get3A_206, %get3A_207] {strides = array<i32>} : memref<40x128xf32, #tpu.memory_space<vmem>>, vector<16xf32>,
        %mul3A_209 = arith.mulf %get3A_208, %broadcast_in_dim3A_194 : vector<16xf32>
        %swap3A_210 = arith.index_cast %scan3A_176 : i32 to index
        %swap3A_211 = arith.constant 0 : index
        %swap3A_212 = tpu.vector_load %arg18[%swap3A_210, %swap3A_211] {strides = array<i32>} : memref<40x128xf32, #tpu.memory_space<vmem>>, vector<16xf32>,
        tpu.vector_store %arg18[%swap3A_210, %swap3A_211], %mul3A_209 {strides = array<i32>} : memref<40x128xf32, #tpu.memory_space<vmem>>, vector<16xf32>,
        %get3A_213 = arith.index_cast %scan3A_176 : i32 to index
        %get3A_214 = arith.constant 16 : index
        %get3A_215 = tpu.vector_load %arg16[%get3A_213, %get3A_214] {strides = array<i32>} : memref<40x128xf32, #tpu.memory_space<vmem>>, vector<16xf32>,
        %mul3A_216 = arith.mulf %get3A_215, %broadcast_in_dim3A_194 : vector<16xf32>
        %swap3A_217 = arith.index_cast %scan3A_176 : i32 to index
        %swap3A_218 = arith.constant 16 : index
        %swap3A_219 = tpu.vector_load %arg18[%swap3A_217, %swap3A_218] {strides = array<i32>} : memref<40x128xf32, #tpu.memory_space<vmem>>, vector<16xf32>,
        tpu.vector_store %arg18[%swap3A_217, %swap3A_218], %mul3A_216 {strides = array<i32>} : memref<40x128xf32, #tpu.memory_space<vmem>>, vector<16xf32>,
        %get3A_220 = arith.index_cast %scan3A_176 : i32 to index
        %get3A_221 = arith.constant 32 : index
        %get3A_222 = tpu.vector_load %arg16[%get3A_220, %get3A_221] {strides = array<i32>} : memref<40x128xf32, #tpu.memory_space<vmem>>, vector<16xf32>,
        %mul3A_223 = arith.mulf %get3A_222, %broadcast_in_dim3A_194 : vector<16xf32>
        %swap3A_224 = arith.index_cast %scan3A_176 : i32 to index
        %swap3A_225 = arith.constant 32 : index
        %swap3A_226 = tpu.vector_load %arg18[%swap3A_224, %swap3A_225] {strides = array<i32>} : memref<40x128xf32, #tpu.memory_space<vmem>>, vector<16xf32>,
        tpu.vector_store %arg18[%swap3A_224, %swap3A_225], %mul3A_223 {strides = array<i32>} : memref<40x128xf32, #tpu.memory_space<vmem>>, vector<16xf32>,
        %get3A_227 = arith.index_cast %scan3A_176 : i32 to index
        %get3A_228 = arith.constant 48 : index
        %get3A_229 = tpu.vector_load %arg16[%get3A_227, %get3A_228] {strides = array<i32>} : memref<40x128xf32, #tpu.memory_space<vmem>>, vector<16xf32>,
        %mul3A_230 = arith.mulf %get3A_229, %broadcast_in_dim3A_194 : vector<16xf32>
        %swap3A_231 = arith.index_cast %scan3A_176 : i32 to index
        %swap3A_232 = arith.constant 48 : index
        %swap3A_233 = tpu.vector_load %arg18[%swap3A_231, %swap3A_232] {strides = array<i32>} : memref<40x128xf32, #tpu.memory_space<vmem>>, vector<16xf32>,
        tpu.vector_store %arg18[%swap3A_231, %swap3A_232], %mul3A_230 {strides = array<i32>} : memref<40x128xf32, #tpu.memory_space<vmem>>, vector<16xf32>,
        %get3A_234 = arith.index_cast %scan3A_176 : i32 to index
        %get3A_235 = arith.constant 64 : index
        %get3A_236 = tpu.vector_load %arg16[%get3A_234, %get3A_235] {strides = array<i32>} : memref<40x128xf32, #tpu.memory_space<vmem>>, vector<16xf32>,
        %mul3A_237 = arith.mulf %get3A_236, %broadcast_in_dim3A_195 : vector<16xf32>
        %swap3A_238 = arith.index_cast %scan3A_176 : i32 to index
        %swap3A_239 = arith.constant 64 : index
        %swap3A_240 = tpu.vector_load %arg18[%swap3A_238, %swap3A_239] {strides = array<i32>} : memref<40x128xf32, #tpu.memory_space<vmem>>, vector<16xf32>,
        tpu.vector_store %arg18[%swap3A_238, %swap3A_239], %mul3A_237 {strides = array<i32>} : memref<40x128xf32, #tpu.memory_space<vmem>>, vector<16xf32>,
        %get3A_241 = arith.index_cast %scan3A_176 : i32 to index
        %get3A_242 = arith.constant 80 : index
        %get3A_243 = tpu.vector_load %arg16[%get3A_241, %get3A_242] {strides = array<i32>} : memref<40x128xf32, #tpu.memory_space<vmem>>, vector<16xf32>,
        %mul3A_244 = arith.mulf %get3A_243, %broadcast_in_dim3A_195 : vector<16xf32>
        %swap3A_245 = arith.index_cast %scan3A_176 : i32 to index
        %swap3A_246 = arith.constant 80 : index
        %swap3A_247 = tpu.vector_load %arg18[%swap3A_245, %swap3A_246] {strides = array<i32>} : memref<40x128xf32, #tpu.memory_space<vmem>>, vector<16xf32>,
        tpu.vector_store %arg18[%swap3A_245, %swap3A_246], %mul3A_244 {strides = array<i32>} : memref<40x128xf32, #tpu.memory_space<vmem>>, vector<16xf32>,
        %get3A_248 = arith.index_cast %scan3A_176 : i32 to index
        %get3A_249 = arith.constant 96 : index
        %get3A_250 = tpu.vector_load %arg16[%get3A_248, %get3A_249] {strides = array<i32>} : memref<40x128xf32, #tpu.memory_space<vmem>>, vector<16xf32>,
        %mul3A_251 = arith.mulf %get3A_250, %broadcast_in_dim3A_195 : vector<16xf32>
        %swap3A_252 = arith.index_cast %scan3A_176 : i32 to index
        %swap3A_253 = arith.constant 96 : index
        %swap3A_254 = tpu.vector_load %arg18[%swap3A_252, %swap3A_253] {strides = array<i32>} : memref<40x128xf32, #tpu.memory_space<vmem>>, vector<16xf32>,
        tpu.vector_store %arg18[%swap3A_252, %swap3A_253], %mul3A_251 {strides = array<i32>} : memref<40x128xf32, #tpu.memory_space<vmem>>, vector<16xf32>,
        %get3A_255 = arith.index_cast %scan3A_176 : i32 to index
        %get3A_256 = arith.constant 112 : index
        %get3A_257 = tpu.vector_load %arg16[%get3A_255, %get3A_256] {strides = array<i32>} : memref<40x128xf32, #tpu.memory_space<vmem>>, vector<16xf32>,
        %mul3A_258 = arith.mulf %get3A_257, %broadcast_in_dim3A_195 : vector<16xf32>
        %swap3A_259 = arith.index_cast %scan3A_176 : i32 to index
        %swap3A_260 = arith.constant 112 : index
        %swap3A_261 = tpu.vector_load %arg18[%swap3A_259, %swap3A_260] {strides = array<i32>} : memref<40x128xf32, #tpu.memory_space<vmem>>, vector<16xf32>,
        tpu.vector_store %arg18[%swap3A_259, %swap3A_260], %mul3A_258 {strides = array<i32>} : memref<40x128xf32, #tpu.memory_space<vmem>>, vector<16xf32>,
        %scan3A_262 = arith.constant 0 : i32
        scf.yield %scan3A_262 : i32
      }
      %scan3A_134 = arith.constant 40 : i32
      %run_scoped3A_135 = arith.constant 1 : i32
      "tpu.region"() ({
        %run_scoped3A_176 = tpu.sem_alloc : memref<!tpu.dma_semaphore, #tpu.memory_space<semaphore_mem>>
        %dma_start3A_177 = arith.constant 0 : i32
        %dma_start3A_178 = tpu.memref_slice %arg10[%run_scoped3A_135, %dma_start3A_177] : memref<2x40xi32, #tpu.memory_space<vmem>> -> memref<1x40xi32, #tpu.memory_space<vmem>>
        %dma_start3A_179 = tpu.memref_squeeze %dma_start3A_178 : memref<1x40xi32, #tpu.memory_space<vmem>> -> memref<40xi32, #tpu.memory_space<vmem>>
        %dma_start3A_180 = arith.constant 0 : i32
        %dma_start3A_181 = arith.constant 0 : i32
        %dma_start3A_182 = tpu.memref_slice %arg22[%dma_start3A_180, %dma_start3A_181] : memref<10000x128xf32, #tpu.memory_space<vmem_shared>> -> memref<10000x128xf32, #tpu.memory_space<vmem_shared>>
        tpu.enqueue_indirect_dma source(%arg18 : memref<40x128xf32, #tpu.memory_space<vmem>>) target(%dma_start3A_182 : memref<10000x128xf32, #tpu.memory_space<vmem_shared>>) offsets(%dma_start3A_179 : memref<40xi32, #tpu.memory_space<vmem>>) semaphore(%run_scoped3A_176 : memref<!tpu.dma_semaphore, #tpu.memory_space<semaphore_mem>>) {add = true}
        %dma_wait3A_183 = arith.constant 0 : i32
        %dma_wait3A_184 = tpu.memref_slice %arg10[%run_scoped3A_135, %dma_wait3A_183] : memref<2x40xi32, #tpu.memory_space<vmem>> -> memref<1x40xi32, #tpu.memory_space<vmem>>
        %dma_wait3A_185 = tpu.memref_squeeze %dma_wait3A_184 : memref<1x40xi32, #tpu.memory_space<vmem>> -> memref<40xi32, #tpu.memory_space<vmem>>
        %dma_wait3A_186 = arith.constant 0 : i32
        %dma_wait3A_187 = arith.constant 0 : i32
        %dma_wait3A_188 = tpu.memref_slice %arg22[%dma_wait3A_186, %dma_wait3A_187] : memref<10000x128xf32, #tpu.memory_space<vmem_shared>> -> memref<10000x128xf32, #tpu.memory_space<vmem_shared>>
        tpu.wait_indirect_dma semaphore(%run_scoped3A_176 : memref<!tpu.dma_semaphore, #tpu.memory_space<semaphore_mem>>) src(%arg18 : memref<40x128xf32, #tpu.memory_space<vmem>>) dst(%dma_wait3A_188 : memref<10000x128xf32, #tpu.memory_space<vmem_shared>>)
        tpu.yield
      }) : () -> ()
      %run_scoped3A_136 = arith.constant 1 : i32
      "tpu.region"() ({
        %run_scoped3A_176 = tpu.sem_alloc : memref<!tpu.dma_semaphore, #tpu.memory_space<semaphore_mem>>
        %dma_start3A_177 = arith.constant 0 : i32
        %dma_start3A_178 = tpu.memref_slice %arg10[%run_scoped3A_136, %dma_start3A_177] : memref<2x40xi32, #tpu.memory_space<vmem>> -> memref<1x40xi32, #tpu.memory_space<vmem>>
        %dma_start3A_179 = tpu.memref_squeeze %dma_start3A_178 : memref<1x40xi32, #tpu.memory_space<vmem>> -> memref<40xi32, #tpu.memory_space<vmem>>
        %dma_start3A_180 = arith.constant 0 : i32
        %dma_start3A_181 = arith.constant 0 : i32
        %dma_start3A_182 = tpu.memref_slice %arg23[%dma_start3A_180, %dma_start3A_181] : memref<10000x16xf32, #tpu.memory_space<vmem_shared>> -> memref<10000x16xf32, #tpu.memory_space<vmem_shared>>
        tpu.enqueue_indirect_dma source(%arg19 : memref<40x16xf32, #tpu.memory_space<vmem>>) target(%dma_start3A_182 : memref<10000x16xf32, #tpu.memory_space<vmem_shared>>) offsets(%dma_start3A_179 : memref<40xi32, #tpu.memory_space<vmem>>) semaphore(%run_scoped3A_176 : memref<!tpu.dma_semaphore, #tpu.memory_space<semaphore_mem>>) {add = true}
        %dma_wait3A_183 = arith.constant 0 : i32
        %dma_wait3A_184 = tpu.memref_slice %arg10[%run_scoped3A_136, %dma_wait3A_183] : memref<2x40xi32, #tpu.memory_space<vmem>> -> memref<1x40xi32, #tpu.memory_space<vmem>>
        %dma_wait3A_185 = tpu.memref_squeeze %dma_wait3A_184 : memref<1x40xi32, #tpu.memory_space<vmem>> -> memref<40xi32, #tpu.memory_space<vmem>>
        %dma_wait3A_186 = arith.constant 0 : i32
        %dma_wait3A_187 = arith.constant 0 : i32
        %dma_wait3A_188 = tpu.memref_slice %arg23[%dma_wait3A_186, %dma_wait3A_187] : memref<10000x16xf32, #tpu.memory_space<vmem_shared>> -> memref<10000x16xf32, #tpu.memory_space<vmem_shared>>
        tpu.wait_indirect_dma semaphore(%run_scoped3A_176 : memref<!tpu.dma_semaphore, #tpu.memory_space<semaphore_mem>>) src(%arg19 : memref<40x16xf32, #tpu.memory_space<vmem>>) dst(%dma_wait3A_188 : memref<10000x16xf32, #tpu.memory_space<vmem_shared>>)
        tpu.yield
      }) : () -> ()
      %lt3A = arith.constant 249 : i32
      %lt3A_137 = arith.cmpi slt, %scan3A_73, %lt3A : i32
      %convert_element_type3A_138 = arith.extui %lt3A_137 : i1 to i32
      %cond3A_139 = arith.constant 0 : i32
      %cond3A_140 = arith.cmpi ne, %convert_element_type3A_138, %cond3A_139 : i32
      scf.if %cond3A_140 {
        %add3A_176 = arith.constant 2 : i32
        %add3A_177 = arith.addi %mul3A_76, %add3A_176 : i32
        "tpu.region"() ({
          %run_scoped3A_203 = tpu.sem_alloc : memref<!tpu.dma_semaphore, #tpu.memory_space<semaphore_mem>>
          %dma_start3A_204 = arith.constant 0 : i32
          %dma_start3A_205 = arith.constant 0 : i32
          %dma_start3A_206 = arith.constant 0 : i32
          %dma_start3A_207 = tpu.memref_slice %arg2[%arg1, %dma_start3A_204, %dma_start3A_205, %dma_start3A_206] : memref<16x500x2x40xi32, #tpu.memory_space<hbm>> -> memref<1x500x2x40xi32, #tpu.memory_space<hbm>>
          %dma_start3A_208 = tpu.memref_squeeze %dma_start3A_207 : memref<1x500x2x40xi32, #tpu.memory_space<hbm>> -> memref<500x2x40xi32, #tpu.memory_space<hbm>>
          %dma_start3A_209 = arith.constant 0 : i32
          %dma_start3A_210 = arith.constant 0 : i32
          %dma_start3A_211 = tpu.memref_slice %dma_start3A_208[%add3A_177, %dma_start3A_209, %dma_start3A_210] : memref<500x2x40xi32, #tpu.memory_space<hbm>> -> memref<1x2x40xi32, #tpu.memory_space<hbm>>
          %dma_start3A_212 = tpu.memref_squeeze %dma_start3A_211 : memref<1x2x40xi32, #tpu.memory_space<hbm>> -> memref<2x40xi32, #tpu.memory_space<hbm>>
          %dma_start3A_213 = arith.constant 0 : i32
          %dma_start3A_214 = arith.constant 0 : i32
          %dma_start3A_215 = arith.constant 0 : i32
          %dma_start3A_216 = tpu.memref_slice %arg2[%arg1, %dma_start3A_213, %dma_start3A_214, %dma_start3A_215] : memref<16x500x2x40xi32, #tpu.memory_space<hbm>> -> memref<1x500x2x40xi32, #tpu.memory_space<hbm>>
          %dma_start3A_217 = tpu.memref_squeeze %dma_start3A_216 : memref<1x500x2x40xi32, #tpu.memory_space<hbm>> -> memref<500x2x40xi32, #tpu.memory_space<hbm>>
          %dma_start3A_218 = arith.constant 0 : i32
          %dma_start3A_219 = arith.constant 0 : i32
          %dma_start3A_220 = tpu.memref_slice %dma_start3A_217[%add3A_177, %dma_start3A_218, %dma_start3A_219] : memref<500x2x40xi32, #tpu.memory_space<hbm>> -> memref<1x2x40xi32, #tpu.memory_space<hbm>>
          %dma_start3A_221 = tpu.memref_squeeze %dma_start3A_220 : memref<1x2x40xi32, #tpu.memory_space<hbm>> -> memref<2x40xi32, #tpu.memory_space<hbm>>
          tpu.enqueue_dma source(%dma_start3A_221 : memref<2x40xi32, #tpu.memory_space<hbm>>) target(%arg10 : memref<2x40xi32, #tpu.memory_space<vmem>>) target_semaphore(%run_scoped3A_203 : memref<!tpu.dma_semaphore, #tpu.memory_space<semaphore_mem>>)
          %dma_wait3A_222 = arith.constant 0 : i32
          %dma_wait3A_223 = arith.constant 0 : i32
          %dma_wait3A_224 = arith.constant 0 : i32
          %dma_wait3A_225 = tpu.memref_slice %arg2[%arg1, %dma_wait3A_222, %dma_wait3A_223, %dma_wait3A_224] : memref<16x500x2x40xi32, #tpu.memory_space<hbm>> -> memref<1x500x2x40xi32, #tpu.memory_space<hbm>>
          %dma_wait3A_226 = tpu.memref_squeeze %dma_wait3A_225 : memref<1x500x2x40xi32, #tpu.memory_space<hbm>> -> memref<500x2x40xi32, #tpu.memory_space<hbm>>
          %dma_wait3A_227 = arith.constant 0 : i32
          %dma_wait3A_228 = arith.constant 0 : i32
          %dma_wait3A_229 = tpu.memref_slice %dma_wait3A_226[%add3A_177, %dma_wait3A_227, %dma_wait3A_228] : memref<500x2x40xi32, #tpu.memory_space<hbm>> -> memref<1x2x40xi32, #tpu.memory_space<hbm>>
          %dma_wait3A_230 = tpu.memref_squeeze %dma_wait3A_229 : memref<1x2x40xi32, #tpu.memory_space<hbm>> -> memref<2x40xi32, #tpu.memory_space<hbm>>
          %dma_wait3A_231 = arith.constant 0 : i32
          %dma_wait3A_232 = arith.constant 0 : i32
          %dma_wait3A_233 = arith.constant 0 : i32
          %dma_wait3A_234 = tpu.memref_slice %arg2[%arg1, %dma_wait3A_231, %dma_wait3A_232, %dma_wait3A_233] : memref<16x500x2x40xi32, #tpu.memory_space<hbm>> -> memref<1x500x2x40xi32, #tpu.memory_space<hbm>>
          %dma_wait3A_235 = tpu.memref_squeeze %dma_wait3A_234 : memref<1x500x2x40xi32, #tpu.memory_space<hbm>> -> memref<500x2x40xi32, #tpu.memory_space<hbm>>
          %dma_wait3A_236 = arith.constant 0 : i32
          %dma_wait3A_237 = arith.constant 0 : i32
          %dma_wait3A_238 = tpu.memref_slice %dma_wait3A_235[%add3A_177, %dma_wait3A_236, %dma_wait3A_237] : memref<500x2x40xi32, #tpu.memory_space<hbm>> -> memref<1x2x40xi32, #tpu.memory_space<hbm>>
          %dma_wait3A_239 = tpu.memref_squeeze %dma_wait3A_238 : memref<1x2x40xi32, #tpu.memory_space<hbm>> -> memref<2x40xi32, #tpu.memory_space<hbm>>
          tpu.wait_dma2 semaphore(%run_scoped3A_203 : memref<!tpu.dma_semaphore, #tpu.memory_space<semaphore_mem>>) src(%dma_wait3A_239 : memref<2x40xi32, #tpu.memory_space<hbm>>) dst(%arg10 : memref<2x40xi32, #tpu.memory_space<vmem>>)
          tpu.yield
        }) : () -> ()
        %dma_start3A_178 = arith.constant 0 : i32
        %dma_start3A_179 = arith.constant 0 : i32
        %dma_start3A_180 = tpu.memref_slice %arg10[%dma_start3A_178, %dma_start3A_179] : memref<2x40xi32, #tpu.memory_space<vmem>> -> memref<1x40xi32, #tpu.memory_space<vmem>>
        %dma_start3A_181 = tpu.memref_squeeze %dma_start3A_180 : memref<1x40xi32, #tpu.memory_space<vmem>> -> memref<40xi32, #tpu.memory_space<vmem>>
        %dma_start3A_182 = arith.constant 0 : i32
        %dma_start3A_183 = arith.constant 0 : i32
        %dma_start3A_184 = tpu.memref_slice %arg3[%dma_start3A_182, %dma_start3A_183] : memref<10000x16xf32, #tpu.memory_space<hbm>> -> memref<10000x16xf32, #tpu.memory_space<hbm>>
        tpu.enqueue_indirect_dma source(%dma_start3A_184 : memref<10000x16xf32, #tpu.memory_space<hbm>>) target(%arg12 : memref<40x16xf32, #tpu.memory_space<vmem>>) offsets(%dma_start3A_181 : memref<40xi32, #tpu.memory_space<vmem>>) semaphore(%arg24 : memref<!tpu.dma_semaphore, #tpu.memory_space<semaphore_mem>>)
        %dma_start3A_185 = arith.constant 1 : i32
        %dma_start3A_186 = arith.constant 0 : i32
        %dma_start3A_187 = tpu.memref_slice %arg10[%dma_start3A_185, %dma_start3A_186] : memref<2x40xi32, #tpu.memory_space<vmem>> -> memref<1x40xi32, #tpu.memory_space<vmem>>
        %dma_start3A_188 = tpu.memref_squeeze %dma_start3A_187 : memref<1x40xi32, #tpu.memory_space<vmem>> -> memref<40xi32, #tpu.memory_space<vmem>>
        %dma_start3A_189 = arith.constant 0 : i32
        %dma_start3A_190 = arith.constant 0 : i32
        %dma_start3A_191 = tpu.memref_slice %arg4[%dma_start3A_189, %dma_start3A_190] : memref<10000x16xf32, #tpu.memory_space<hbm>> -> memref<10000x16xf32, #tpu.memory_space<hbm>>
        tpu.enqueue_indirect_dma source(%dma_start3A_191 : memref<10000x16xf32, #tpu.memory_space<hbm>>) target(%arg14 : memref<40x16xf32, #tpu.memory_space<vmem>>) offsets(%dma_start3A_188 : memref<40xi32, #tpu.memory_space<vmem>>) semaphore(%arg24 : memref<!tpu.dma_semaphore, #tpu.memory_space<semaphore_mem>>)
        %dma_start3A_192 = arith.constant 0 : i32
        %dma_start3A_193 = arith.constant 0 : i32
        %dma_start3A_194 = tpu.memref_slice %arg10[%dma_start3A_192, %dma_start3A_193] : memref<2x40xi32, #tpu.memory_space<vmem>> -> memref<1x40xi32, #tpu.memory_space<vmem>>
        %dma_start3A_195 = tpu.memref_squeeze %dma_start3A_194 : memref<1x40xi32, #tpu.memory_space<vmem>> -> memref<40xi32, #tpu.memory_space<vmem>>
        %dma_start3A_196 = arith.constant 0 : i32
        %dma_start3A_197 = arith.constant 0 : i32
        %dma_start3A_198 = tpu.memref_slice %arg5[%arg0, %dma_start3A_196, %dma_start3A_197] : memref<2x10000x128xf32, #tpu.memory_space<hbm>> -> memref<1x10000x128xf32, #tpu.memory_space<hbm>>
        %dma_start3A_199 = tpu.memref_squeeze %dma_start3A_198 : memref<1x10000x128xf32, #tpu.memory_space<hbm>> -> memref<10000x128xf32, #tpu.memory_space<hbm>>
        %dma_start3A_200 = arith.constant 0 : i32
        %dma_start3A_201 = arith.constant 0 : i32
        %dma_start3A_202 = tpu.memref_slice %dma_start3A_199[%dma_start3A_200, %dma_start3A_201] : memref<10000x128xf32, #tpu.memory_space<hbm>> -> memref<10000x128xf32, #tpu.memory_space<hbm>>
        tpu.enqueue_indirect_dma source(%dma_start3A_202 : memref<10000x128xf32, #tpu.memory_space<hbm>>) target(%arg16 : memref<40x128xf32, #tpu.memory_space<vmem>>) offsets(%dma_start3A_195 : memref<40xi32, #tpu.memory_space<vmem>>) semaphore(%arg24 : memref<!tpu.dma_semaphore, #tpu.memory_space<semaphore_mem>>)
      } else {
      }
      %dma_wait3A_141 = arith.constant 0 : i32
      %dma_wait3A_142 = arith.constant 0 : i32
      %dma_wait3A_143 = tpu.memref_slice %arg11[%dma_wait3A_141, %dma_wait3A_142] : memref<2x40xi32, #tpu.memory_space<vmem>> -> memref<1x40xi32, #tpu.memory_space<vmem>>
      %dma_wait3A_144 = tpu.memref_squeeze %dma_wait3A_143 : memref<1x40xi32, #tpu.memory_space<vmem>> -> memref<40xi32, #tpu.memory_space<vmem>>
      %dma_wait3A_145 = arith.constant 0 : i32
      %dma_wait3A_146 = arith.constant 0 : i32
      %dma_wait3A_147 = tpu.memref_slice %arg3[%dma_wait3A_145, %dma_wait3A_146] : memref<10000x16xf32, #tpu.memory_space<hbm>> -> memref<10000x16xf32, #tpu.memory_space<hbm>>
      tpu.wait_indirect_dma semaphore(%arg25 : memref<!tpu.dma_semaphore, #tpu.memory_space<semaphore_mem>>) src(%dma_wait3A_147 : memref<10000x16xf32, #tpu.memory_space<hbm>>) dst(%arg13 : memref<40x16xf32, #tpu.memory_space<vmem>>)
      %dma_wait3A_148 = arith.constant 1 : i32
      %dma_wait3A_149 = arith.constant 0 : i32
      %dma_wait3A_150 = tpu.memref_slice %arg11[%dma_wait3A_148, %dma_wait3A_149] : memref<2x40xi32, #tpu.memory_space<vmem>> -> memref<1x40xi32, #tpu.memory_space<vmem>>
      %dma_wait3A_151 = tpu.memref_squeeze %dma_wait3A_150 : memref<1x40xi32, #tpu.memory_space<vmem>> -> memref<40xi32, #tpu.memory_space<vmem>>
      %dma_wait3A_152 = arith.constant 0 : i32
      %dma_wait3A_153 = arith.constant 0 : i32
      %dma_wait3A_154 = tpu.memref_slice %arg4[%dma_wait3A_152, %dma_wait3A_153] : memref<10000x16xf32, #tpu.memory_space<hbm>> -> memref<10000x16xf32, #tpu.memory_space<hbm>>
      tpu.wait_indirect_dma semaphore(%arg25 : memref<!tpu.dma_semaphore, #tpu.memory_space<semaphore_mem>>) src(%dma_wait3A_154 : memref<10000x16xf32, #tpu.memory_space<hbm>>) dst(%arg15 : memref<40x16xf32, #tpu.memory_space<vmem>>)
      %dma_wait3A_155 = arith.constant 0 : i32
      %dma_wait3A_156 = arith.constant 0 : i32
      %dma_wait3A_157 = tpu.memref_slice %arg11[%dma_wait3A_155, %dma_wait3A_156] : memref<2x40xi32, #tpu.memory_space<vmem>> -> memref<1x40xi32, #tpu.memory_space<vmem>>
      %dma_wait3A_158 = tpu.memref_squeeze %dma_wait3A_157 : memref<1x40xi32, #tpu.memory_space<vmem>> -> memref<40xi32, #tpu.memory_space<vmem>>
      %dma_wait3A_159 = arith.constant 0 : i32
      %dma_wait3A_160 = arith.constant 0 : i32
      %dma_wait3A_161 = tpu.memref_slice %arg5[%arg0, %dma_wait3A_159, %dma_wait3A_160] : memref<2x10000x128xf32, #tpu.memory_space<hbm>> -> memref<1x10000x128xf32, #tpu.memory_space<hbm>>
      %dma_wait3A_162 = tpu.memref_squeeze %dma_wait3A_161 : memref<1x10000x128xf32, #tpu.memory_space<hbm>> -> memref<10000x128xf32, #tpu.memory_space<hbm>>
      %dma_wait3A_163 = arith.constant 0 : i32
      %dma_wait3A_164 = arith.constant 0 : i32
      %dma_wait3A_165 = tpu.memref_slice %dma_wait3A_162[%dma_wait3A_163, %dma_wait3A_164] : memref<10000x128xf32, #tpu.memory_space<hbm>> -> memref<10000x128xf32, #tpu.memory_space<hbm>>
      tpu.wait_indirect_dma semaphore(%arg25 : memref<!tpu.dma_semaphore, #tpu.memory_space<semaphore_mem>>) src(%dma_wait3A_165 : memref<10000x128xf32, #tpu.memory_space<hbm>>) dst(%arg17 : memref<40x128xf32, #tpu.memory_space<vmem>>)
      %scan3A_166 = arith.constant 0 : i32
      %scan3A_167 = arith.constant 0 : i32
      %scan3A_168 = arith.constant 40 : i32
      %scan3A_169 = arith.addi %scan3A_167, %scan3A_168 : i32
      %scan3A_170 = arith.constant 1 : i32
      %scan3A_171 = scf.for %scan3A_176 = %scan3A_167 to %scan3A_169 step %scan3A_170 iter_args(%scan3A_177 = %scan3A_166) -> (i32)  : i32 {
        %get3A = arith.index_cast %scan3A_176 : i32 to index
        %get3A_178 = arith.constant 0 : index
        %get3A_179 = tpu.vector_load %arg13[%get3A, %get3A_178] {strides = array<i32>} : memref<40x16xf32, #tpu.memory_space<vmem>>, vector<16xf32>,
        %get3A_180 = arith.index_cast %scan3A_176 : i32 to index
        %get3A_181 = arith.constant 0 : index
        %get3A_182 = tpu.vector_load %arg15[%get3A_180, %get3A_181] {strides = array<i32>} : memref<40x16xf32, #tpu.memory_space<vmem>>, vector<16xf32>,
        %add3A_183 = arith.addf %get3A_179, %get3A_182 : vector<16xf32>
        %mul3A_184 = arith.constant 2.000000e-01 : f32
        %mul3A_185 = vector.broadcast %mul3A_184 : f32 to vector<16xf32>
        %mul3A_186 = arith.mulf %mul3A_185, %add3A_183 : vector<16xf32>
        %max3A = arith.maximumf %add3A_183, %mul3A_186 : vector<16xf32>
        %exp3A = math.exp %max3A : vector<16xf32>
        %slice3A = vector.extract_strided_slice %exp3A {offsets = [0], sizes = [1], strides = [1]} : vector<16xf32> to vector<1xf32>
        %squeeze3A = vector.extract %slice3A[0] : f32 from vector<1xf32>
        %slice3A_187 = vector.extract_strided_slice %exp3A {offsets = [2], sizes = [1], strides = [1]} : vector<16xf32> to vector<1xf32>
        %squeeze3A_188 = vector.extract %slice3A_187[0] : f32 from vector<1xf32>
        %select_n3A = arith.select %eq3A_20, %squeeze3A, %squeeze3A_188 : f32
        %slice3A_189 = vector.extract_strided_slice %exp3A {offsets = [1], sizes = [1], strides = [1]} : vector<16xf32> to vector<1xf32>
        %squeeze3A_190 = vector.extract %slice3A_189[0] : f32 from vector<1xf32>
        %slice3A_191 = vector.extract_strided_slice %exp3A {offsets = [3], sizes = [1], strides = [1]} : vector<16xf32> to vector<1xf32>
        %squeeze3A_192 = vector.extract %slice3A_191[0] : f32 from vector<1xf32>
        %select_n3A_193 = arith.select %eq3A_20, %squeeze3A_190, %squeeze3A_192 : f32
        %broadcast_in_dim3A_194 = vector.broadcast %select_n3A : f32 to vector<16xf32>
        %broadcast_in_dim3A_195 = vector.broadcast %select_n3A_193 : f32 to vector<16xf32>
        %eq3A_196 = arith.constant 0 : i32
        %eq3A_197 = vector.broadcast %eq3A_196 : i32 to vector<16xi32>
        %eq3A_198 = arith.cmpi eq, %iota3A, %eq3A_197 : vector<16xi32>
        %eq3A_199 = arith.constant 1 : i32
        %eq3A_200 = vector.broadcast %eq3A_199 : i32 to vector<16xi32>
        %eq3A_201 = arith.cmpi eq, %iota3A, %eq3A_200 : vector<16xi32>
        %select_n3A_202 = arith.select %eq3A_201, %broadcast_in_dim3A_195, %broadcast_in_dim3A_18 : vector<16xi1>, vector<16xf32>
        %select_n3A_203 = arith.select %eq3A_198, %broadcast_in_dim3A_194, %select_n3A_202 : vector<16xi1>, vector<16xf32>
        %swap3A = arith.index_cast %scan3A_176 : i32 to index
        %swap3A_204 = arith.constant 0 : index
        %swap3A_205 = tpu.vector_load %arg19[%swap3A, %swap3A_204] {strides = array<i32>} : memref<40x16xf32, #tpu.memory_space<vmem>>, vector<16xf32>,
        tpu.vector_store %arg19[%swap3A, %swap3A_204], %select_n3A_203 {strides = array<i32>} : memref<40x16xf32, #tpu.memory_space<vmem>>, vector<16xf32>,
        %get3A_206 = arith.index_cast %scan3A_176 : i32 to index
        %get3A_207 = arith.constant 0 : index
        %get3A_208 = tpu.vector_load %arg17[%get3A_206, %get3A_207] {strides = array<i32>} : memref<40x128xf32, #tpu.memory_space<vmem>>, vector<16xf32>,
        %mul3A_209 = arith.mulf %get3A_208, %broadcast_in_dim3A_194 : vector<16xf32>
        %swap3A_210 = arith.index_cast %scan3A_176 : i32 to index
        %swap3A_211 = arith.constant 0 : index
        %swap3A_212 = tpu.vector_load %arg18[%swap3A_210, %swap3A_211] {strides = array<i32>} : memref<40x128xf32, #tpu.memory_space<vmem>>, vector<16xf32>,
        tpu.vector_store %arg18[%swap3A_210, %swap3A_211], %mul3A_209 {strides = array<i32>} : memref<40x128xf32, #tpu.memory_space<vmem>>, vector<16xf32>,
        %get3A_213 = arith.index_cast %scan3A_176 : i32 to index
        %get3A_214 = arith.constant 16 : index
        %get3A_215 = tpu.vector_load %arg17[%get3A_213, %get3A_214] {strides = array<i32>} : memref<40x128xf32, #tpu.memory_space<vmem>>, vector<16xf32>,
        %mul3A_216 = arith.mulf %get3A_215, %broadcast_in_dim3A_194 : vector<16xf32>
        %swap3A_217 = arith.index_cast %scan3A_176 : i32 to index
        %swap3A_218 = arith.constant 16 : index
        %swap3A_219 = tpu.vector_load %arg18[%swap3A_217, %swap3A_218] {strides = array<i32>} : memref<40x128xf32, #tpu.memory_space<vmem>>, vector<16xf32>,
        tpu.vector_store %arg18[%swap3A_217, %swap3A_218], %mul3A_216 {strides = array<i32>} : memref<40x128xf32, #tpu.memory_space<vmem>>, vector<16xf32>,
        %get3A_220 = arith.index_cast %scan3A_176 : i32 to index
        %get3A_221 = arith.constant 32 : index
        %get3A_222 = tpu.vector_load %arg17[%get3A_220, %get3A_221] {strides = array<i32>} : memref<40x128xf32, #tpu.memory_space<vmem>>, vector<16xf32>,
        %mul3A_223 = arith.mulf %get3A_222, %broadcast_in_dim3A_194 : vector<16xf32>
        %swap3A_224 = arith.index_cast %scan3A_176 : i32 to index
        %swap3A_225 = arith.constant 32 : index
        %swap3A_226 = tpu.vector_load %arg18[%swap3A_224, %swap3A_225] {strides = array<i32>} : memref<40x128xf32, #tpu.memory_space<vmem>>, vector<16xf32>,
        tpu.vector_store %arg18[%swap3A_224, %swap3A_225], %mul3A_223 {strides = array<i32>} : memref<40x128xf32, #tpu.memory_space<vmem>>, vector<16xf32>,
        %get3A_227 = arith.index_cast %scan3A_176 : i32 to index
        %get3A_228 = arith.constant 48 : index
        %get3A_229 = tpu.vector_load %arg17[%get3A_227, %get3A_228] {strides = array<i32>} : memref<40x128xf32, #tpu.memory_space<vmem>>, vector<16xf32>,
        %mul3A_230 = arith.mulf %get3A_229, %broadcast_in_dim3A_194 : vector<16xf32>
        %swap3A_231 = arith.index_cast %scan3A_176 : i32 to index
        %swap3A_232 = arith.constant 48 : index
        %swap3A_233 = tpu.vector_load %arg18[%swap3A_231, %swap3A_232] {strides = array<i32>} : memref<40x128xf32, #tpu.memory_space<vmem>>, vector<16xf32>,
        tpu.vector_store %arg18[%swap3A_231, %swap3A_232], %mul3A_230 {strides = array<i32>} : memref<40x128xf32, #tpu.memory_space<vmem>>, vector<16xf32>,
        %get3A_234 = arith.index_cast %scan3A_176 : i32 to index
        %get3A_235 = arith.constant 64 : index
        %get3A_236 = tpu.vector_load %arg17[%get3A_234, %get3A_235] {strides = array<i32>} : memref<40x128xf32, #tpu.memory_space<vmem>>, vector<16xf32>,
        %mul3A_237 = arith.mulf %get3A_236, %broadcast_in_dim3A_195 : vector<16xf32>
        %swap3A_238 = arith.index_cast %scan3A_176 : i32 to index
        %swap3A_239 = arith.constant 64 : index
        %swap3A_240 = tpu.vector_load %arg18[%swap3A_238, %swap3A_239] {strides = array<i32>} : memref<40x128xf32, #tpu.memory_space<vmem>>, vector<16xf32>,
        tpu.vector_store %arg18[%swap3A_238, %swap3A_239], %mul3A_237 {strides = array<i32>} : memref<40x128xf32, #tpu.memory_space<vmem>>, vector<16xf32>,
        %get3A_241 = arith.index_cast %scan3A_176 : i32 to index
        %get3A_242 = arith.constant 80 : index
        %get3A_243 = tpu.vector_load %arg17[%get3A_241, %get3A_242] {strides = array<i32>} : memref<40x128xf32, #tpu.memory_space<vmem>>, vector<16xf32>,
        %mul3A_244 = arith.mulf %get3A_243, %broadcast_in_dim3A_195 : vector<16xf32>
        %swap3A_245 = arith.index_cast %scan3A_176 : i32 to index
        %swap3A_246 = arith.constant 80 : index
        %swap3A_247 = tpu.vector_load %arg18[%swap3A_245, %swap3A_246] {strides = array<i32>} : memref<40x128xf32, #tpu.memory_space<vmem>>, vector<16xf32>,
        tpu.vector_store %arg18[%swap3A_245, %swap3A_246], %mul3A_244 {strides = array<i32>} : memref<40x128xf32, #tpu.memory_space<vmem>>, vector<16xf32>,
        %get3A_248 = arith.index_cast %scan3A_176 : i32 to index
        %get3A_249 = arith.constant 96 : index
        %get3A_250 = tpu.vector_load %arg17[%get3A_248, %get3A_249] {strides = array<i32>} : memref<40x128xf32, #tpu.memory_space<vmem>>, vector<16xf32>,
        %mul3A_251 = arith.mulf %get3A_250, %broadcast_in_dim3A_195 : vector<16xf32>
        %swap3A_252 = arith.index_cast %scan3A_176 : i32 to index
        %swap3A_253 = arith.constant 96 : index
        %swap3A_254 = tpu.vector_load %arg18[%swap3A_252, %swap3A_253] {strides = array<i32>} : memref<40x128xf32, #tpu.memory_space<vmem>>, vector<16xf32>,
        tpu.vector_store %arg18[%swap3A_252, %swap3A_253], %mul3A_251 {strides = array<i32>} : memref<40x128xf32, #tpu.memory_space<vmem>>, vector<16xf32>,
        %get3A_255 = arith.index_cast %scan3A_176 : i32 to index
        %get3A_256 = arith.constant 112 : index
        %get3A_257 = tpu.vector_load %arg17[%get3A_255, %get3A_256] {strides = array<i32>} : memref<40x128xf32, #tpu.memory_space<vmem>>, vector<16xf32>,
        %mul3A_258 = arith.mulf %get3A_257, %broadcast_in_dim3A_195 : vector<16xf32>
        %swap3A_259 = arith.index_cast %scan3A_176 : i32 to index
        %swap3A_260 = arith.constant 112 : index
        %swap3A_261 = tpu.vector_load %arg18[%swap3A_259, %swap3A_260] {strides = array<i32>} : memref<40x128xf32, #tpu.memory_space<vmem>>, vector<16xf32>,
        tpu.vector_store %arg18[%swap3A_259, %swap3A_260], %mul3A_258 {strides = array<i32>} : memref<40x128xf32, #tpu.memory_space<vmem>>, vector<16xf32>,
        %scan3A_262 = arith.constant 0 : i32
        scf.yield %scan3A_262 : i32
      }
      %scan3A_172 = arith.constant 40 : i32
      %run_scoped3A_173 = arith.constant 1 : i32
      "tpu.region"() ({
        %run_scoped3A_176 = tpu.sem_alloc : memref<!tpu.dma_semaphore, #tpu.memory_space<semaphore_mem>>
        %dma_start3A_177 = arith.constant 0 : i32
        %dma_start3A_178 = tpu.memref_slice %arg11[%run_scoped3A_173, %dma_start3A_177] : memref<2x40xi32, #tpu.memory_space<vmem>> -> memref<1x40xi32, #tpu.memory_space<vmem>>
        %dma_start3A_179 = tpu.memref_squeeze %dma_start3A_178 : memref<1x40xi32, #tpu.memory_space<vmem>> -> memref<40xi32, #tpu.memory_space<vmem>>
        %dma_start3A_180 = arith.constant 0 : i32
        %dma_start3A_181 = arith.constant 0 : i32
        %dma_start3A_182 = tpu.memref_slice %arg22[%dma_start3A_180, %dma_start3A_181] : memref<10000x128xf32, #tpu.memory_space<vmem_shared>> -> memref<10000x128xf32, #tpu.memory_space<vmem_shared>>
        tpu.enqueue_indirect_dma source(%arg18 : memref<40x128xf32, #tpu.memory_space<vmem>>) target(%dma_start3A_182 : memref<10000x128xf32, #tpu.memory_space<vmem_shared>>) offsets(%dma_start3A_179 : memref<40xi32, #tpu.memory_space<vmem>>) semaphore(%run_scoped3A_176 : memref<!tpu.dma_semaphore, #tpu.memory_space<semaphore_mem>>) {add = true}
        %dma_wait3A_183 = arith.constant 0 : i32
        %dma_wait3A_184 = tpu.memref_slice %arg11[%run_scoped3A_173, %dma_wait3A_183] : memref<2x40xi32, #tpu.memory_space<vmem>> -> memref<1x40xi32, #tpu.memory_space<vmem>>
        %dma_wait3A_185 = tpu.memref_squeeze %dma_wait3A_184 : memref<1x40xi32, #tpu.memory_space<vmem>> -> memref<40xi32, #tpu.memory_space<vmem>>
        %dma_wait3A_186 = arith.constant 0 : i32
        %dma_wait3A_187 = arith.constant 0 : i32
        %dma_wait3A_188 = tpu.memref_slice %arg22[%dma_wait3A_186, %dma_wait3A_187] : memref<10000x128xf32, #tpu.memory_space<vmem_shared>> -> memref<10000x128xf32, #tpu.memory_space<vmem_shared>>
        tpu.wait_indirect_dma semaphore(%run_scoped3A_176 : memref<!tpu.dma_semaphore, #tpu.memory_space<semaphore_mem>>) src(%arg18 : memref<40x128xf32, #tpu.memory_space<vmem>>) dst(%dma_wait3A_188 : memref<10000x128xf32, #tpu.memory_space<vmem_shared>>)
        tpu.yield
      }) : () -> ()
      %run_scoped3A_174 = arith.constant 1 : i32
      "tpu.region"() ({
        %run_scoped3A_176 = tpu.sem_alloc : memref<!tpu.dma_semaphore, #tpu.memory_space<semaphore_mem>>
        %dma_start3A_177 = arith.constant 0 : i32
        %dma_start3A_178 = tpu.memref_slice %arg11[%run_scoped3A_174, %dma_start3A_177] : memref<2x40xi32, #tpu.memory_space<vmem>> -> memref<1x40xi32, #tpu.memory_space<vmem>>
        %dma_start3A_179 = tpu.memref_squeeze %dma_start3A_178 : memref<1x40xi32, #tpu.memory_space<vmem>> -> memref<40xi32, #tpu.memory_space<vmem>>
        %dma_start3A_180 = arith.constant 0 : i32
        %dma_start3A_181 = arith.constant 0 : i32
        %dma_start3A_182 = tpu.memref_slice %arg23[%dma_start3A_180, %dma_start3A_181] : memref<10000x16xf32, #tpu.memory_space<vmem_shared>> -> memref<10000x16xf32, #tpu.memory_space<vmem_shared>>
        tpu.enqueue_indirect_dma source(%arg19 : memref<40x16xf32, #tpu.memory_space<vmem>>) target(%dma_start3A_182 : memref<10000x16xf32, #tpu.memory_space<vmem_shared>>) offsets(%dma_start3A_179 : memref<40xi32, #tpu.memory_space<vmem>>) semaphore(%run_scoped3A_176 : memref<!tpu.dma_semaphore, #tpu.memory_space<semaphore_mem>>) {add = true}
        %dma_wait3A_183 = arith.constant 0 : i32
        %dma_wait3A_184 = tpu.memref_slice %arg11[%run_scoped3A_174, %dma_wait3A_183] : memref<2x40xi32, #tpu.memory_space<vmem>> -> memref<1x40xi32, #tpu.memory_space<vmem>>
        %dma_wait3A_185 = tpu.memref_squeeze %dma_wait3A_184 : memref<1x40xi32, #tpu.memory_space<vmem>> -> memref<40xi32, #tpu.memory_space<vmem>>
        %dma_wait3A_186 = arith.constant 0 : i32
        %dma_wait3A_187 = arith.constant 0 : i32
        %dma_wait3A_188 = tpu.memref_slice %arg23[%dma_wait3A_186, %dma_wait3A_187] : memref<10000x16xf32, #tpu.memory_space<vmem_shared>> -> memref<10000x16xf32, #tpu.memory_space<vmem_shared>>
        tpu.wait_indirect_dma semaphore(%run_scoped3A_176 : memref<!tpu.dma_semaphore, #tpu.memory_space<semaphore_mem>>) src(%arg19 : memref<40x16xf32, #tpu.memory_space<vmem>>) dst(%dma_wait3A_188 : memref<10000x16xf32, #tpu.memory_space<vmem_shared>>)
        tpu.yield
      }) : () -> ()
      %scan3A_175 = arith.constant 0 : i32
      scf.yield %scan3A_175 : i32
    }
    %scan3A_50 = arith.constant 250 : i32
    %barrier3A_51 = arith.constant 0 : index
    tpu.barrier barrier_id(%barrier3A_51)
    %add3A_52 = arith.constant 0 : i32
    %add3A_53 = arith.addi %mul3A_0, %add3A_52 : i32
    "tpu.region"() ({
      %run_scoped3A_73 = tpu.sem_alloc : memref<!tpu.dma_semaphore, #tpu.memory_space<semaphore_mem>>
      %dma_start3A_74 = arith.constant 0 : i32
      %dma_start3A_75 = tpu.memref_slice %arg22[%add3A_53, %dma_start3A_74] : memref<10000x128xf32, #tpu.memory_space<vmem_shared>> -> memref<78x128xf32, #tpu.memory_space<vmem_shared>>
      %dma_start3A_76 = arith.constant 0 : i32
      %dma_start3A_77 = tpu.memref_slice %arg22[%add3A_53, %dma_start3A_76] : memref<10000x128xf32, #tpu.memory_space<vmem_shared>> -> memref<78x128xf32, #tpu.memory_space<vmem_shared>>
      tpu.enqueue_dma source(%dma_start3A_77 : memref<78x128xf32, #tpu.memory_space<vmem_shared>>) target(%arg20 : memref<78x128xf32, #tpu.memory_space<vmem>>) target_semaphore(%run_scoped3A_73 : memref<!tpu.dma_semaphore, #tpu.memory_space<semaphore_mem>>)
      %dma_wait3A = arith.constant 0 : i32
      %dma_wait3A_78 = tpu.memref_slice %arg22[%add3A_53, %dma_wait3A] : memref<10000x128xf32, #tpu.memory_space<vmem_shared>> -> memref<78x128xf32, #tpu.memory_space<vmem_shared>>
      %dma_wait3A_79 = arith.constant 0 : i32
      %dma_wait3A_80 = tpu.memref_slice %arg22[%add3A_53, %dma_wait3A_79] : memref<10000x128xf32, #tpu.memory_space<vmem_shared>> -> memref<78x128xf32, #tpu.memory_space<vmem_shared>>
      tpu.wait_dma2 semaphore(%run_scoped3A_73 : memref<!tpu.dma_semaphore, #tpu.memory_space<semaphore_mem>>) src(%dma_wait3A_80 : memref<78x128xf32, #tpu.memory_space<vmem_shared>>) dst(%arg20 : memref<78x128xf32, #tpu.memory_space<vmem>>)
      tpu.yield
    }) : () -> ()
    "tpu.region"() ({
      %run_scoped3A_73 = tpu.sem_alloc : memref<!tpu.dma_semaphore, #tpu.memory_space<semaphore_mem>>
      %dma_start3A_74 = arith.constant 0 : i32
      %dma_start3A_75 = tpu.memref_slice %arg8[%arg0, %add3A_53, %dma_start3A_74] : memref<2x10000x128xf32, #tpu.memory_space<hbm>> -> memref<1x78x128xf32, #tpu.memory_space<hbm>>
      %dma_start3A_76 = tpu.memref_squeeze %dma_start3A_75 : memref<1x78x128xf32, #tpu.memory_space<hbm>> -> memref<78x128xf32, #tpu.memory_space<hbm>>
      %dma_start3A_77 = arith.constant 0 : i32
      %dma_start3A_78 = tpu.memref_slice %arg8[%arg0, %add3A_53, %dma_start3A_77] : memref<2x10000x128xf32, #tpu.memory_space<hbm>> -> memref<1x78x128xf32, #tpu.memory_space<hbm>>
      %dma_start3A_79 = tpu.memref_squeeze %dma_start3A_78 : memref<1x78x128xf32, #tpu.memory_space<hbm>> -> memref<78x128xf32, #tpu.memory_space<hbm>>
      tpu.enqueue_dma source(%arg20 : memref<78x128xf32, #tpu.memory_space<vmem>>) target(%dma_start3A_79 : memref<78x128xf32, #tpu.memory_space<hbm>>) target_semaphore(%run_scoped3A_73 : memref<!tpu.dma_semaphore, #tpu.memory_space<semaphore_mem>>)
      %dma_wait3A = arith.constant 0 : i32
      %dma_wait3A_80 = tpu.memref_slice %arg8[%arg0, %add3A_53, %dma_wait3A] : memref<2x10000x128xf32, #tpu.memory_space<hbm>> -> memref<1x78x128xf32, #tpu.memory_space<hbm>>
      %dma_wait3A_81 = tpu.memref_squeeze %dma_wait3A_80 : memref<1x78x128xf32, #tpu.memory_space<hbm>> -> memref<78x128xf32, #tpu.memory_space<hbm>>
      %dma_wait3A_82 = arith.constant 0 : i32
      %dma_wait3A_83 = tpu.memref_slice %arg8[%arg0, %add3A_53, %dma_wait3A_82] : memref<2x10000x128xf32, #tpu.memory_space<hbm>> -> memref<1x78x128xf32, #tpu.memory_space<hbm>>
      %dma_wait3A_84 = tpu.memref_squeeze %dma_wait3A_83 : memref<1x78x128xf32, #tpu.memory_space<hbm>> -> memref<78x128xf32, #tpu.memory_space<hbm>>
      tpu.wait_dma2 semaphore(%run_scoped3A_73 : memref<!tpu.dma_semaphore, #tpu.memory_space<semaphore_mem>>) src(%arg20 : memref<78x128xf32, #tpu.memory_space<vmem>>) dst(%dma_wait3A_84 : memref<78x128xf32, #tpu.memory_space<hbm>>)
      tpu.yield
    }) : () -> ()
    %add3A_54 = arith.constant 78 : i32
    %add3A_55 = arith.addi %mul3A_0, %add3A_54 : i32
    "tpu.region"() ({
      %run_scoped3A_73 = tpu.sem_alloc : memref<!tpu.dma_semaphore, #tpu.memory_space<semaphore_mem>>
      %dma_start3A_74 = arith.constant 0 : i32
      %dma_start3A_75 = tpu.memref_slice %arg22[%add3A_55, %dma_start3A_74] : memref<10000x128xf32, #tpu.memory_space<vmem_shared>> -> memref<78x128xf32, #tpu.memory_space<vmem_shared>>
      %dma_start3A_76 = arith.constant 0 : i32
      %dma_start3A_77 = tpu.memref_slice %arg22[%add3A_55, %dma_start3A_76] : memref<10000x128xf32, #tpu.memory_space<vmem_shared>> -> memref<78x128xf32, #tpu.memory_space<vmem_shared>>
      tpu.enqueue_dma source(%dma_start3A_77 : memref<78x128xf32, #tpu.memory_space<vmem_shared>>) target(%arg20 : memref<78x128xf32, #tpu.memory_space<vmem>>) target_semaphore(%run_scoped3A_73 : memref<!tpu.dma_semaphore, #tpu.memory_space<semaphore_mem>>)
      %dma_wait3A = arith.constant 0 : i32
      %dma_wait3A_78 = tpu.memref_slice %arg22[%add3A_55, %dma_wait3A] : memref<10000x128xf32, #tpu.memory_space<vmem_shared>> -> memref<78x128xf32, #tpu.memory_space<vmem_shared>>
      %dma_wait3A_79 = arith.constant 0 : i32
      %dma_wait3A_80 = tpu.memref_slice %arg22[%add3A_55, %dma_wait3A_79] : memref<10000x128xf32, #tpu.memory_space<vmem_shared>> -> memref<78x128xf32, #tpu.memory_space<vmem_shared>>
      tpu.wait_dma2 semaphore(%run_scoped3A_73 : memref<!tpu.dma_semaphore, #tpu.memory_space<semaphore_mem>>) src(%dma_wait3A_80 : memref<78x128xf32, #tpu.memory_space<vmem_shared>>) dst(%arg20 : memref<78x128xf32, #tpu.memory_space<vmem>>)
      tpu.yield
    }) : () -> ()
    "tpu.region"() ({
      %run_scoped3A_73 = tpu.sem_alloc : memref<!tpu.dma_semaphore, #tpu.memory_space<semaphore_mem>>
      %dma_start3A_74 = arith.constant 0 : i32
      %dma_start3A_75 = tpu.memref_slice %arg8[%arg0, %add3A_55, %dma_start3A_74] : memref<2x10000x128xf32, #tpu.memory_space<hbm>> -> memref<1x78x128xf32, #tpu.memory_space<hbm>>
      %dma_start3A_76 = tpu.memref_squeeze %dma_start3A_75 : memref<1x78x128xf32, #tpu.memory_space<hbm>> -> memref<78x128xf32, #tpu.memory_space<hbm>>
      %dma_start3A_77 = arith.constant 0 : i32
      %dma_start3A_78 = tpu.memref_slice %arg8[%arg0, %add3A_55, %dma_start3A_77] : memref<2x10000x128xf32, #tpu.memory_space<hbm>> -> memref<1x78x128xf32, #tpu.memory_space<hbm>>
      %dma_start3A_79 = tpu.memref_squeeze %dma_start3A_78 : memref<1x78x128xf32, #tpu.memory_space<hbm>> -> memref<78x128xf32, #tpu.memory_space<hbm>>
      tpu.enqueue_dma source(%arg20 : memref<78x128xf32, #tpu.memory_space<vmem>>) target(%dma_start3A_79 : memref<78x128xf32, #tpu.memory_space<hbm>>) target_semaphore(%run_scoped3A_73 : memref<!tpu.dma_semaphore, #tpu.memory_space<semaphore_mem>>)
      %dma_wait3A = arith.constant 0 : i32
      %dma_wait3A_80 = tpu.memref_slice %arg8[%arg0, %add3A_55, %dma_wait3A] : memref<2x10000x128xf32, #tpu.memory_space<hbm>> -> memref<1x78x128xf32, #tpu.memory_space<hbm>>
      %dma_wait3A_81 = tpu.memref_squeeze %dma_wait3A_80 : memref<1x78x128xf32, #tpu.memory_space<hbm>> -> memref<78x128xf32, #tpu.memory_space<hbm>>
      %dma_wait3A_82 = arith.constant 0 : i32
      %dma_wait3A_83 = tpu.memref_slice %arg8[%arg0, %add3A_55, %dma_wait3A_82] : memref<2x10000x128xf32, #tpu.memory_space<hbm>> -> memref<1x78x128xf32, #tpu.memory_space<hbm>>
      %dma_wait3A_84 = tpu.memref_squeeze %dma_wait3A_83 : memref<1x78x128xf32, #tpu.memory_space<hbm>> -> memref<78x128xf32, #tpu.memory_space<hbm>>
      tpu.wait_dma2 semaphore(%run_scoped3A_73 : memref<!tpu.dma_semaphore, #tpu.memory_space<semaphore_mem>>) src(%arg20 : memref<78x128xf32, #tpu.memory_space<vmem>>) dst(%dma_wait3A_84 : memref<78x128xf32, #tpu.memory_space<hbm>>)
      tpu.yield
    }) : () -> ()
    %add3A_56 = arith.constant 156 : i32
    %add3A_57 = arith.addi %mul3A_0, %add3A_56 : i32
    "tpu.region"() ({
      %run_scoped3A_73 = tpu.sem_alloc : memref<!tpu.dma_semaphore, #tpu.memory_space<semaphore_mem>>
      %dma_start3A_74 = arith.constant 0 : i32
      %dma_start3A_75 = tpu.memref_slice %arg22[%add3A_57, %dma_start3A_74] : memref<10000x128xf32, #tpu.memory_space<vmem_shared>> -> memref<78x128xf32, #tpu.memory_space<vmem_shared>>
      %dma_start3A_76 = arith.constant 0 : i32
      %dma_start3A_77 = tpu.memref_slice %arg22[%add3A_57, %dma_start3A_76] : memref<10000x128xf32, #tpu.memory_space<vmem_shared>> -> memref<78x128xf32, #tpu.memory_space<vmem_shared>>
      tpu.enqueue_dma source(%dma_start3A_77 : memref<78x128xf32, #tpu.memory_space<vmem_shared>>) target(%arg20 : memref<78x128xf32, #tpu.memory_space<vmem>>) target_semaphore(%run_scoped3A_73 : memref<!tpu.dma_semaphore, #tpu.memory_space<semaphore_mem>>)
      %dma_wait3A = arith.constant 0 : i32
      %dma_wait3A_78 = tpu.memref_slice %arg22[%add3A_57, %dma_wait3A] : memref<10000x128xf32, #tpu.memory_space<vmem_shared>> -> memref<78x128xf32, #tpu.memory_space<vmem_shared>>
      %dma_wait3A_79 = arith.constant 0 : i32
      %dma_wait3A_80 = tpu.memref_slice %arg22[%add3A_57, %dma_wait3A_79] : memref<10000x128xf32, #tpu.memory_space<vmem_shared>> -> memref<78x128xf32, #tpu.memory_space<vmem_shared>>
      tpu.wait_dma2 semaphore(%run_scoped3A_73 : memref<!tpu.dma_semaphore, #tpu.memory_space<semaphore_mem>>) src(%dma_wait3A_80 : memref<78x128xf32, #tpu.memory_space<vmem_shared>>) dst(%arg20 : memref<78x128xf32, #tpu.memory_space<vmem>>)
      tpu.yield
    }) : () -> ()
    "tpu.region"() ({
      %run_scoped3A_73 = tpu.sem_alloc : memref<!tpu.dma_semaphore, #tpu.memory_space<semaphore_mem>>
      %dma_start3A_74 = arith.constant 0 : i32
      %dma_start3A_75 = tpu.memref_slice %arg8[%arg0, %add3A_57, %dma_start3A_74] : memref<2x10000x128xf32, #tpu.memory_space<hbm>> -> memref<1x78x128xf32, #tpu.memory_space<hbm>>
      %dma_start3A_76 = tpu.memref_squeeze %dma_start3A_75 : memref<1x78x128xf32, #tpu.memory_space<hbm>> -> memref<78x128xf32, #tpu.memory_space<hbm>>
      %dma_start3A_77 = arith.constant 0 : i32
      %dma_start3A_78 = tpu.memref_slice %arg8[%arg0, %add3A_57, %dma_start3A_77] : memref<2x10000x128xf32, #tpu.memory_space<hbm>> -> memref<1x78x128xf32, #tpu.memory_space<hbm>>
      %dma_start3A_79 = tpu.memref_squeeze %dma_start3A_78 : memref<1x78x128xf32, #tpu.memory_space<hbm>> -> memref<78x128xf32, #tpu.memory_space<hbm>>
      tpu.enqueue_dma source(%arg20 : memref<78x128xf32, #tpu.memory_space<vmem>>) target(%dma_start3A_79 : memref<78x128xf32, #tpu.memory_space<hbm>>) target_semaphore(%run_scoped3A_73 : memref<!tpu.dma_semaphore, #tpu.memory_space<semaphore_mem>>)
      %dma_wait3A = arith.constant 0 : i32
      %dma_wait3A_80 = tpu.memref_slice %arg8[%arg0, %add3A_57, %dma_wait3A] : memref<2x10000x128xf32, #tpu.memory_space<hbm>> -> memref<1x78x128xf32, #tpu.memory_space<hbm>>
      %dma_wait3A_81 = tpu.memref_squeeze %dma_wait3A_80 : memref<1x78x128xf32, #tpu.memory_space<hbm>> -> memref<78x128xf32, #tpu.memory_space<hbm>>
      %dma_wait3A_82 = arith.constant 0 : i32
      %dma_wait3A_83 = tpu.memref_slice %arg8[%arg0, %add3A_57, %dma_wait3A_82] : memref<2x10000x128xf32, #tpu.memory_space<hbm>> -> memref<1x78x128xf32, #tpu.memory_space<hbm>>
      %dma_wait3A_84 = tpu.memref_squeeze %dma_wait3A_83 : memref<1x78x128xf32, #tpu.memory_space<hbm>> -> memref<78x128xf32, #tpu.memory_space<hbm>>
      tpu.wait_dma2 semaphore(%run_scoped3A_73 : memref<!tpu.dma_semaphore, #tpu.memory_space<semaphore_mem>>) src(%arg20 : memref<78x128xf32, #tpu.memory_space<vmem>>) dst(%dma_wait3A_84 : memref<78x128xf32, #tpu.memory_space<hbm>>)
      tpu.yield
    }) : () -> ()
    %add3A_58 = arith.constant 234 : i32
    %add3A_59 = arith.addi %mul3A_0, %add3A_58 : i32
    "tpu.region"() ({
      %run_scoped3A_73 = tpu.sem_alloc : memref<!tpu.dma_semaphore, #tpu.memory_space<semaphore_mem>>
      %dma_start3A_74 = arith.constant 0 : i32
      %dma_start3A_75 = tpu.memref_slice %arg22[%add3A_59, %dma_start3A_74] : memref<10000x128xf32, #tpu.memory_space<vmem_shared>> -> memref<78x128xf32, #tpu.memory_space<vmem_shared>>
      %dma_start3A_76 = arith.constant 0 : i32
      %dma_start3A_77 = tpu.memref_slice %arg22[%add3A_59, %dma_start3A_76] : memref<10000x128xf32, #tpu.memory_space<vmem_shared>> -> memref<78x128xf32, #tpu.memory_space<vmem_shared>>
      tpu.enqueue_dma source(%dma_start3A_77 : memref<78x128xf32, #tpu.memory_space<vmem_shared>>) target(%arg20 : memref<78x128xf32, #tpu.memory_space<vmem>>) target_semaphore(%run_scoped3A_73 : memref<!tpu.dma_semaphore, #tpu.memory_space<semaphore_mem>>)
      %dma_wait3A = arith.constant 0 : i32
      %dma_wait3A_78 = tpu.memref_slice %arg22[%add3A_59, %dma_wait3A] : memref<10000x128xf32, #tpu.memory_space<vmem_shared>> -> memref<78x128xf32, #tpu.memory_space<vmem_shared>>
      %dma_wait3A_79 = arith.constant 0 : i32
      %dma_wait3A_80 = tpu.memref_slice %arg22[%add3A_59, %dma_wait3A_79] : memref<10000x128xf32, #tpu.memory_space<vmem_shared>> -> memref<78x128xf32, #tpu.memory_space<vmem_shared>>
      tpu.wait_dma2 semaphore(%run_scoped3A_73 : memref<!tpu.dma_semaphore, #tpu.memory_space<semaphore_mem>>) src(%dma_wait3A_80 : memref<78x128xf32, #tpu.memory_space<vmem_shared>>) dst(%arg20 : memref<78x128xf32, #tpu.memory_space<vmem>>)
      tpu.yield
    }) : () -> ()
    "tpu.region"() ({
      %run_scoped3A_73 = tpu.sem_alloc : memref<!tpu.dma_semaphore, #tpu.memory_space<semaphore_mem>>
      %dma_start3A_74 = arith.constant 0 : i32
      %dma_start3A_75 = tpu.memref_slice %arg8[%arg0, %add3A_59, %dma_start3A_74] : memref<2x10000x128xf32, #tpu.memory_space<hbm>> -> memref<1x78x128xf32, #tpu.memory_space<hbm>>
      %dma_start3A_76 = tpu.memref_squeeze %dma_start3A_75 : memref<1x78x128xf32, #tpu.memory_space<hbm>> -> memref<78x128xf32, #tpu.memory_space<hbm>>
      %dma_start3A_77 = arith.constant 0 : i32
      %dma_start3A_78 = tpu.memref_slice %arg8[%arg0, %add3A_59, %dma_start3A_77] : memref<2x10000x128xf32, #tpu.memory_space<hbm>> -> memref<1x78x128xf32, #tpu.memory_space<hbm>>
      %dma_start3A_79 = tpu.memref_squeeze %dma_start3A_78 : memref<1x78x128xf32, #tpu.memory_space<hbm>> -> memref<78x128xf32, #tpu.memory_space<hbm>>
      tpu.enqueue_dma source(%arg20 : memref<78x128xf32, #tpu.memory_space<vmem>>) target(%dma_start3A_79 : memref<78x128xf32, #tpu.memory_space<hbm>>) target_semaphore(%run_scoped3A_73 : memref<!tpu.dma_semaphore, #tpu.memory_space<semaphore_mem>>)
      %dma_wait3A = arith.constant 0 : i32
      %dma_wait3A_80 = tpu.memref_slice %arg8[%arg0, %add3A_59, %dma_wait3A] : memref<2x10000x128xf32, #tpu.memory_space<hbm>> -> memref<1x78x128xf32, #tpu.memory_space<hbm>>
      %dma_wait3A_81 = tpu.memref_squeeze %dma_wait3A_80 : memref<1x78x128xf32, #tpu.memory_space<hbm>> -> memref<78x128xf32, #tpu.memory_space<hbm>>
      %dma_wait3A_82 = arith.constant 0 : i32
      %dma_wait3A_83 = tpu.memref_slice %arg8[%arg0, %add3A_59, %dma_wait3A_82] : memref<2x10000x128xf32, #tpu.memory_space<hbm>> -> memref<1x78x128xf32, #tpu.memory_space<hbm>>
      %dma_wait3A_84 = tpu.memref_squeeze %dma_wait3A_83 : memref<1x78x128xf32, #tpu.memory_space<hbm>> -> memref<78x128xf32, #tpu.memory_space<hbm>>
      tpu.wait_dma2 semaphore(%run_scoped3A_73 : memref<!tpu.dma_semaphore, #tpu.memory_space<semaphore_mem>>) src(%arg20 : memref<78x128xf32, #tpu.memory_space<vmem>>) dst(%dma_wait3A_84 : memref<78x128xf32, #tpu.memory_space<hbm>>)
      tpu.yield
    }) : () -> ()
    %add3A_60 = arith.constant 312 : i32
    %add3A_61 = arith.addi %mul3A_0, %add3A_60 : i32
    "tpu.region"() ({
      %run_scoped3A_73 = tpu.sem_alloc : memref<!tpu.dma_semaphore, #tpu.memory_space<semaphore_mem>>
      %dma_start3A_74 = arith.constant 0 : i32
      %dma_start3A_75 = tpu.memref_slice %arg22[%add3A_61, %dma_start3A_74] : memref<10000x128xf32, #tpu.memory_space<vmem_shared>> -> memref<78x128xf32, #tpu.memory_space<vmem_shared>>
      %dma_start3A_76 = arith.constant 0 : i32
      %dma_start3A_77 = tpu.memref_slice %arg22[%add3A_61, %dma_start3A_76] : memref<10000x128xf32, #tpu.memory_space<vmem_shared>> -> memref<78x128xf32, #tpu.memory_space<vmem_shared>>
      tpu.enqueue_dma source(%dma_start3A_77 : memref<78x128xf32, #tpu.memory_space<vmem_shared>>) target(%arg20 : memref<78x128xf32, #tpu.memory_space<vmem>>) target_semaphore(%run_scoped3A_73 : memref<!tpu.dma_semaphore, #tpu.memory_space<semaphore_mem>>)
      %dma_wait3A = arith.constant 0 : i32
      %dma_wait3A_78 = tpu.memref_slice %arg22[%add3A_61, %dma_wait3A] : memref<10000x128xf32, #tpu.memory_space<vmem_shared>> -> memref<78x128xf32, #tpu.memory_space<vmem_shared>>
      %dma_wait3A_79 = arith.constant 0 : i32
      %dma_wait3A_80 = tpu.memref_slice %arg22[%add3A_61, %dma_wait3A_79] : memref<10000x128xf32, #tpu.memory_space<vmem_shared>> -> memref<78x128xf32, #tpu.memory_space<vmem_shared>>
      tpu.wait_dma2 semaphore(%run_scoped3A_73 : memref<!tpu.dma_semaphore, #tpu.memory_space<semaphore_mem>>) src(%dma_wait3A_80 : memref<78x128xf32, #tpu.memory_space<vmem_shared>>) dst(%arg20 : memref<78x128xf32, #tpu.memory_space<vmem>>)
      tpu.yield
    }) : () -> ()
    "tpu.region"() ({
      %run_scoped3A_73 = tpu.sem_alloc : memref<!tpu.dma_semaphore, #tpu.memory_space<semaphore_mem>>
      %dma_start3A_74 = arith.constant 0 : i32
      %dma_start3A_75 = tpu.memref_slice %arg8[%arg0, %add3A_61, %dma_start3A_74] : memref<2x10000x128xf32, #tpu.memory_space<hbm>> -> memref<1x78x128xf32, #tpu.memory_space<hbm>>
      %dma_start3A_76 = tpu.memref_squeeze %dma_start3A_75 : memref<1x78x128xf32, #tpu.memory_space<hbm>> -> memref<78x128xf32, #tpu.memory_space<hbm>>
      %dma_start3A_77 = arith.constant 0 : i32
      %dma_start3A_78 = tpu.memref_slice %arg8[%arg0, %add3A_61, %dma_start3A_77] : memref<2x10000x128xf32, #tpu.memory_space<hbm>> -> memref<1x78x128xf32, #tpu.memory_space<hbm>>
      %dma_start3A_79 = tpu.memref_squeeze %dma_start3A_78 : memref<1x78x128xf32, #tpu.memory_space<hbm>> -> memref<78x128xf32, #tpu.memory_space<hbm>>
      tpu.enqueue_dma source(%arg20 : memref<78x128xf32, #tpu.memory_space<vmem>>) target(%dma_start3A_79 : memref<78x128xf32, #tpu.memory_space<hbm>>) target_semaphore(%run_scoped3A_73 : memref<!tpu.dma_semaphore, #tpu.memory_space<semaphore_mem>>)
      %dma_wait3A = arith.constant 0 : i32
      %dma_wait3A_80 = tpu.memref_slice %arg8[%arg0, %add3A_61, %dma_wait3A] : memref<2x10000x128xf32, #tpu.memory_space<hbm>> -> memref<1x78x128xf32, #tpu.memory_space<hbm>>
      %dma_wait3A_81 = tpu.memref_squeeze %dma_wait3A_80 : memref<1x78x128xf32, #tpu.memory_space<hbm>> -> memref<78x128xf32, #tpu.memory_space<hbm>>
      %dma_wait3A_82 = arith.constant 0 : i32
      %dma_wait3A_83 = tpu.memref_slice %arg8[%arg0, %add3A_61, %dma_wait3A_82] : memref<2x10000x128xf32, #tpu.memory_space<hbm>> -> memref<1x78x128xf32, #tpu.memory_space<hbm>>
      %dma_wait3A_84 = tpu.memref_squeeze %dma_wait3A_83 : memref<1x78x128xf32, #tpu.memory_space<hbm>> -> memref<78x128xf32, #tpu.memory_space<hbm>>
      tpu.wait_dma2 semaphore(%run_scoped3A_73 : memref<!tpu.dma_semaphore, #tpu.memory_space<semaphore_mem>>) src(%arg20 : memref<78x128xf32, #tpu.memory_space<vmem>>) dst(%dma_wait3A_84 : memref<78x128xf32, #tpu.memory_space<hbm>>)
      tpu.yield
    }) : () -> ()
    %add3A_62 = arith.constant 390 : i32
    %add3A_63 = arith.addi %mul3A_0, %add3A_62 : i32
    "tpu.region"() ({
      %run_scoped3A_73 = tpu.sem_alloc : memref<!tpu.dma_semaphore, #tpu.memory_space<semaphore_mem>>
      %dma_start3A_74 = arith.constant 0 : i32
      %dma_start3A_75 = tpu.memref_slice %arg22[%add3A_63, %dma_start3A_74] : memref<10000x128xf32, #tpu.memory_space<vmem_shared>> -> memref<78x128xf32, #tpu.memory_space<vmem_shared>>
      %dma_start3A_76 = arith.constant 0 : i32
      %dma_start3A_77 = tpu.memref_slice %arg22[%add3A_63, %dma_start3A_76] : memref<10000x128xf32, #tpu.memory_space<vmem_shared>> -> memref<78x128xf32, #tpu.memory_space<vmem_shared>>
      tpu.enqueue_dma source(%dma_start3A_77 : memref<78x128xf32, #tpu.memory_space<vmem_shared>>) target(%arg20 : memref<78x128xf32, #tpu.memory_space<vmem>>) target_semaphore(%run_scoped3A_73 : memref<!tpu.dma_semaphore, #tpu.memory_space<semaphore_mem>>)
      %dma_wait3A = arith.constant 0 : i32
      %dma_wait3A_78 = tpu.memref_slice %arg22[%add3A_63, %dma_wait3A] : memref<10000x128xf32, #tpu.memory_space<vmem_shared>> -> memref<78x128xf32, #tpu.memory_space<vmem_shared>>
      %dma_wait3A_79 = arith.constant 0 : i32
      %dma_wait3A_80 = tpu.memref_slice %arg22[%add3A_63, %dma_wait3A_79] : memref<10000x128xf32, #tpu.memory_space<vmem_shared>> -> memref<78x128xf32, #tpu.memory_space<vmem_shared>>
      tpu.wait_dma2 semaphore(%run_scoped3A_73 : memref<!tpu.dma_semaphore, #tpu.memory_space<semaphore_mem>>) src(%dma_wait3A_80 : memref<78x128xf32, #tpu.memory_space<vmem_shared>>) dst(%arg20 : memref<78x128xf32, #tpu.memory_space<vmem>>)
      tpu.yield
    }) : () -> ()
    "tpu.region"() ({
      %run_scoped3A_73 = tpu.sem_alloc : memref<!tpu.dma_semaphore, #tpu.memory_space<semaphore_mem>>
      %dma_start3A_74 = arith.constant 0 : i32
      %dma_start3A_75 = tpu.memref_slice %arg8[%arg0, %add3A_63, %dma_start3A_74] : memref<2x10000x128xf32, #tpu.memory_space<hbm>> -> memref<1x78x128xf32, #tpu.memory_space<hbm>>
      %dma_start3A_76 = tpu.memref_squeeze %dma_start3A_75 : memref<1x78x128xf32, #tpu.memory_space<hbm>> -> memref<78x128xf32, #tpu.memory_space<hbm>>
      %dma_start3A_77 = arith.constant 0 : i32
      %dma_start3A_78 = tpu.memref_slice %arg8[%arg0, %add3A_63, %dma_start3A_77] : memref<2x10000x128xf32, #tpu.memory_space<hbm>> -> memref<1x78x128xf32, #tpu.memory_space<hbm>>
      %dma_start3A_79 = tpu.memref_squeeze %dma_start3A_78 : memref<1x78x128xf32, #tpu.memory_space<hbm>> -> memref<78x128xf32, #tpu.memory_space<hbm>>
      tpu.enqueue_dma source(%arg20 : memref<78x128xf32, #tpu.memory_space<vmem>>) target(%dma_start3A_79 : memref<78x128xf32, #tpu.memory_space<hbm>>) target_semaphore(%run_scoped3A_73 : memref<!tpu.dma_semaphore, #tpu.memory_space<semaphore_mem>>)
      %dma_wait3A = arith.constant 0 : i32
      %dma_wait3A_80 = tpu.memref_slice %arg8[%arg0, %add3A_63, %dma_wait3A] : memref<2x10000x128xf32, #tpu.memory_space<hbm>> -> memref<1x78x128xf32, #tpu.memory_space<hbm>>
      %dma_wait3A_81 = tpu.memref_squeeze %dma_wait3A_80 : memref<1x78x128xf32, #tpu.memory_space<hbm>> -> memref<78x128xf32, #tpu.memory_space<hbm>>
      %dma_wait3A_82 = arith.constant 0 : i32
      %dma_wait3A_83 = tpu.memref_slice %arg8[%arg0, %add3A_63, %dma_wait3A_82] : memref<2x10000x128xf32, #tpu.memory_space<hbm>> -> memref<1x78x128xf32, #tpu.memory_space<hbm>>
      %dma_wait3A_84 = tpu.memref_squeeze %dma_wait3A_83 : memref<1x78x128xf32, #tpu.memory_space<hbm>> -> memref<78x128xf32, #tpu.memory_space<hbm>>
      tpu.wait_dma2 semaphore(%run_scoped3A_73 : memref<!tpu.dma_semaphore, #tpu.memory_space<semaphore_mem>>) src(%arg20 : memref<78x128xf32, #tpu.memory_space<vmem>>) dst(%dma_wait3A_84 : memref<78x128xf32, #tpu.memory_space<hbm>>)
      tpu.yield
    }) : () -> ()
    %add3A_64 = arith.constant 468 : i32
    %add3A_65 = arith.addi %mul3A_0, %add3A_64 : i32
    "tpu.region"() ({
      %run_scoped3A_73 = tpu.sem_alloc : memref<!tpu.dma_semaphore, #tpu.memory_space<semaphore_mem>>
      %dma_start3A_74 = arith.constant 0 : i32
      %dma_start3A_75 = tpu.memref_slice %arg22[%add3A_65, %dma_start3A_74] : memref<10000x128xf32, #tpu.memory_space<vmem_shared>> -> memref<78x128xf32, #tpu.memory_space<vmem_shared>>
      %dma_start3A_76 = arith.constant 0 : i32
      %dma_start3A_77 = tpu.memref_slice %arg22[%add3A_65, %dma_start3A_76] : memref<10000x128xf32, #tpu.memory_space<vmem_shared>> -> memref<78x128xf32, #tpu.memory_space<vmem_shared>>
      tpu.enqueue_dma source(%dma_start3A_77 : memref<78x128xf32, #tpu.memory_space<vmem_shared>>) target(%arg20 : memref<78x128xf32, #tpu.memory_space<vmem>>) target_semaphore(%run_scoped3A_73 : memref<!tpu.dma_semaphore, #tpu.memory_space<semaphore_mem>>)
      %dma_wait3A = arith.constant 0 : i32
      %dma_wait3A_78 = tpu.memref_slice %arg22[%add3A_65, %dma_wait3A] : memref<10000x128xf32, #tpu.memory_space<vmem_shared>> -> memref<78x128xf32, #tpu.memory_space<vmem_shared>>
      %dma_wait3A_79 = arith.constant 0 : i32
      %dma_wait3A_80 = tpu.memref_slice %arg22[%add3A_65, %dma_wait3A_79] : memref<10000x128xf32, #tpu.memory_space<vmem_shared>> -> memref<78x128xf32, #tpu.memory_space<vmem_shared>>
      tpu.wait_dma2 semaphore(%run_scoped3A_73 : memref<!tpu.dma_semaphore, #tpu.memory_space<semaphore_mem>>) src(%dma_wait3A_80 : memref<78x128xf32, #tpu.memory_space<vmem_shared>>) dst(%arg20 : memref<78x128xf32, #tpu.memory_space<vmem>>)
      tpu.yield
    }) : () -> ()
    "tpu.region"() ({
      %run_scoped3A_73 = tpu.sem_alloc : memref<!tpu.dma_semaphore, #tpu.memory_space<semaphore_mem>>
      %dma_start3A_74 = arith.constant 0 : i32
      %dma_start3A_75 = tpu.memref_slice %arg8[%arg0, %add3A_65, %dma_start3A_74] : memref<2x10000x128xf32, #tpu.memory_space<hbm>> -> memref<1x78x128xf32, #tpu.memory_space<hbm>>
      %dma_start3A_76 = tpu.memref_squeeze %dma_start3A_75 : memref<1x78x128xf32, #tpu.memory_space<hbm>> -> memref<78x128xf32, #tpu.memory_space<hbm>>
      %dma_start3A_77 = arith.constant 0 : i32
      %dma_start3A_78 = tpu.memref_slice %arg8[%arg0, %add3A_65, %dma_start3A_77] : memref<2x10000x128xf32, #tpu.memory_space<hbm>> -> memref<1x78x128xf32, #tpu.memory_space<hbm>>
      %dma_start3A_79 = tpu.memref_squeeze %dma_start3A_78 : memref<1x78x128xf32, #tpu.memory_space<hbm>> -> memref<78x128xf32, #tpu.memory_space<hbm>>
      tpu.enqueue_dma source(%arg20 : memref<78x128xf32, #tpu.memory_space<vmem>>) target(%dma_start3A_79 : memref<78x128xf32, #tpu.memory_space<hbm>>) target_semaphore(%run_scoped3A_73 : memref<!tpu.dma_semaphore, #tpu.memory_space<semaphore_mem>>)
      %dma_wait3A = arith.constant 0 : i32
      %dma_wait3A_80 = tpu.memref_slice %arg8[%arg0, %add3A_65, %dma_wait3A] : memref<2x10000x128xf32, #tpu.memory_space<hbm>> -> memref<1x78x128xf32, #tpu.memory_space<hbm>>
      %dma_wait3A_81 = tpu.memref_squeeze %dma_wait3A_80 : memref<1x78x128xf32, #tpu.memory_space<hbm>> -> memref<78x128xf32, #tpu.memory_space<hbm>>
      %dma_wait3A_82 = arith.constant 0 : i32
      %dma_wait3A_83 = tpu.memref_slice %arg8[%arg0, %add3A_65, %dma_wait3A_82] : memref<2x10000x128xf32, #tpu.memory_space<hbm>> -> memref<1x78x128xf32, #tpu.memory_space<hbm>>
      %dma_wait3A_84 = tpu.memref_squeeze %dma_wait3A_83 : memref<1x78x128xf32, #tpu.memory_space<hbm>> -> memref<78x128xf32, #tpu.memory_space<hbm>>
      tpu.wait_dma2 semaphore(%run_scoped3A_73 : memref<!tpu.dma_semaphore, #tpu.memory_space<semaphore_mem>>) src(%arg20 : memref<78x128xf32, #tpu.memory_space<vmem>>) dst(%dma_wait3A_84 : memref<78x128xf32, #tpu.memory_space<hbm>>)
      tpu.yield
    }) : () -> ()
    %add3A_66 = arith.constant 546 : i32
    %add3A_67 = arith.addi %mul3A_0, %add3A_66 : i32
    "tpu.region"() ({
      %run_scoped3A_73 = tpu.sem_alloc : memref<!tpu.dma_semaphore, #tpu.memory_space<semaphore_mem>>
      %dma_start3A_74 = arith.constant 0 : i32
      %dma_start3A_75 = tpu.memref_slice %arg22[%add3A_67, %dma_start3A_74] : memref<10000x128xf32, #tpu.memory_space<vmem_shared>> -> memref<78x128xf32, #tpu.memory_space<vmem_shared>>
      %dma_start3A_76 = arith.constant 0 : i32
      %dma_start3A_77 = tpu.memref_slice %arg22[%add3A_67, %dma_start3A_76] : memref<10000x128xf32, #tpu.memory_space<vmem_shared>> -> memref<78x128xf32, #tpu.memory_space<vmem_shared>>
      tpu.enqueue_dma source(%dma_start3A_77 : memref<78x128xf32, #tpu.memory_space<vmem_shared>>) target(%arg20 : memref<78x128xf32, #tpu.memory_space<vmem>>) target_semaphore(%run_scoped3A_73 : memref<!tpu.dma_semaphore, #tpu.memory_space<semaphore_mem>>)
      %dma_wait3A = arith.constant 0 : i32
      %dma_wait3A_78 = tpu.memref_slice %arg22[%add3A_67, %dma_wait3A] : memref<10000x128xf32, #tpu.memory_space<vmem_shared>> -> memref<78x128xf32, #tpu.memory_space<vmem_shared>>
      %dma_wait3A_79 = arith.constant 0 : i32
      %dma_wait3A_80 = tpu.memref_slice %arg22[%add3A_67, %dma_wait3A_79] : memref<10000x128xf32, #tpu.memory_space<vmem_shared>> -> memref<78x128xf32, #tpu.memory_space<vmem_shared>>
      tpu.wait_dma2 semaphore(%run_scoped3A_73 : memref<!tpu.dma_semaphore, #tpu.memory_space<semaphore_mem>>) src(%dma_wait3A_80 : memref<78x128xf32, #tpu.memory_space<vmem_shared>>) dst(%arg20 : memref<78x128xf32, #tpu.memory_space<vmem>>)
      tpu.yield
    }) : () -> ()
    "tpu.region"() ({
      %run_scoped3A_73 = tpu.sem_alloc : memref<!tpu.dma_semaphore, #tpu.memory_space<semaphore_mem>>
      %dma_start3A_74 = arith.constant 0 : i32
      %dma_start3A_75 = tpu.memref_slice %arg8[%arg0, %add3A_67, %dma_start3A_74] : memref<2x10000x128xf32, #tpu.memory_space<hbm>> -> memref<1x78x128xf32, #tpu.memory_space<hbm>>
      %dma_start3A_76 = tpu.memref_squeeze %dma_start3A_75 : memref<1x78x128xf32, #tpu.memory_space<hbm>> -> memref<78x128xf32, #tpu.memory_space<hbm>>
      %dma_start3A_77 = arith.constant 0 : i32
      %dma_start3A_78 = tpu.memref_slice %arg8[%arg0, %add3A_67, %dma_start3A_77] : memref<2x10000x128xf32, #tpu.memory_space<hbm>> -> memref<1x78x128xf32, #tpu.memory_space<hbm>>
      %dma_start3A_79 = tpu.memref_squeeze %dma_start3A_78 : memref<1x78x128xf32, #tpu.memory_space<hbm>> -> memref<78x128xf32, #tpu.memory_space<hbm>>
      tpu.enqueue_dma source(%arg20 : memref<78x128xf32, #tpu.memory_space<vmem>>) target(%dma_start3A_79 : memref<78x128xf32, #tpu.memory_space<hbm>>) target_semaphore(%run_scoped3A_73 : memref<!tpu.dma_semaphore, #tpu.memory_space<semaphore_mem>>)
      %dma_wait3A = arith.constant 0 : i32
      %dma_wait3A_80 = tpu.memref_slice %arg8[%arg0, %add3A_67, %dma_wait3A] : memref<2x10000x128xf32, #tpu.memory_space<hbm>> -> memref<1x78x128xf32, #tpu.memory_space<hbm>>
      %dma_wait3A_81 = tpu.memref_squeeze %dma_wait3A_80 : memref<1x78x128xf32, #tpu.memory_space<hbm>> -> memref<78x128xf32, #tpu.memory_space<hbm>>
      %dma_wait3A_82 = arith.constant 0 : i32
      %dma_wait3A_83 = tpu.memref_slice %arg8[%arg0, %add3A_67, %dma_wait3A_82] : memref<2x10000x128xf32, #tpu.memory_space<hbm>> -> memref<1x78x128xf32, #tpu.memory_space<hbm>>
      %dma_wait3A_84 = tpu.memref_squeeze %dma_wait3A_83 : memref<1x78x128xf32, #tpu.memory_space<hbm>> -> memref<78x128xf32, #tpu.memory_space<hbm>>
      tpu.wait_dma2 semaphore(%run_scoped3A_73 : memref<!tpu.dma_semaphore, #tpu.memory_space<semaphore_mem>>) src(%arg20 : memref<78x128xf32, #tpu.memory_space<vmem>>) dst(%dma_wait3A_84 : memref<78x128xf32, #tpu.memory_space<hbm>>)
      tpu.yield
    }) : () -> ()
    "tpu.region"() ({
      %run_scoped3A_73 = tpu.sem_alloc : memref<!tpu.dma_semaphore, #tpu.memory_space<semaphore_mem>>
      %dma_start3A_74 = arith.constant 0 : i32
      %dma_start3A_75 = tpu.memref_slice %arg23[%mul3A_0, %dma_start3A_74] : memref<10000x16xf32, #tpu.memory_space<vmem_shared>> -> memref<624x16xf32, #tpu.memory_space<vmem_shared>>
      %dma_start3A_76 = arith.constant 0 : i32
      %dma_start3A_77 = tpu.memref_slice %arg23[%mul3A_0, %dma_start3A_76] : memref<10000x16xf32, #tpu.memory_space<vmem_shared>> -> memref<624x16xf32, #tpu.memory_space<vmem_shared>>
      tpu.enqueue_dma source(%dma_start3A_77 : memref<624x16xf32, #tpu.memory_space<vmem_shared>>) target(%arg21 : memref<624x16xf32, #tpu.memory_space<vmem>>) target_semaphore(%run_scoped3A_73 : memref<!tpu.dma_semaphore, #tpu.memory_space<semaphore_mem>>)
      %dma_wait3A = arith.constant 0 : i32
      %dma_wait3A_78 = tpu.memref_slice %arg23[%mul3A_0, %dma_wait3A] : memref<10000x16xf32, #tpu.memory_space<vmem_shared>> -> memref<624x16xf32, #tpu.memory_space<vmem_shared>>
      %dma_wait3A_79 = arith.constant 0 : i32
      %dma_wait3A_80 = tpu.memref_slice %arg23[%mul3A_0, %dma_wait3A_79] : memref<10000x16xf32, #tpu.memory_space<vmem_shared>> -> memref<624x16xf32, #tpu.memory_space<vmem_shared>>
      tpu.wait_dma2 semaphore(%run_scoped3A_73 : memref<!tpu.dma_semaphore, #tpu.memory_space<semaphore_mem>>) src(%dma_wait3A_80 : memref<624x16xf32, #tpu.memory_space<vmem_shared>>) dst(%arg21 : memref<624x16xf32, #tpu.memory_space<vmem>>)
      tpu.yield
    }) : () -> ()
    "tpu.region"() ({
      %run_scoped3A_73 = tpu.sem_alloc : memref<!tpu.dma_semaphore, #tpu.memory_space<semaphore_mem>>
      %dma_start3A_74 = arith.constant 0 : i32
      %dma_start3A_75 = tpu.memref_slice %arg9[%arg0, %mul3A_0, %dma_start3A_74] : memref<2x10000x16xf32, #tpu.memory_space<hbm>> -> memref<1x624x16xf32, #tpu.memory_space<hbm>>
      %dma_start3A_76 = tpu.memref_squeeze %dma_start3A_75 : memref<1x624x16xf32, #tpu.memory_space<hbm>> -> memref<624x16xf32, #tpu.memory_space<hbm>>
      %dma_start3A_77 = arith.constant 0 : i32
      %dma_start3A_78 = tpu.memref_slice %arg9[%arg0, %mul3A_0, %dma_start3A_77] : memref<2x10000x16xf32, #tpu.memory_space<hbm>> -> memref<1x624x16xf32, #tpu.memory_space<hbm>>
      %dma_start3A_79 = tpu.memref_squeeze %dma_start3A_78 : memref<1x624x16xf32, #tpu.memory_space<hbm>> -> memref<624x16xf32, #tpu.memory_space<hbm>>
      tpu.enqueue_dma source(%arg21 : memref<624x16xf32, #tpu.memory_space<vmem>>) target(%dma_start3A_79 : memref<624x16xf32, #tpu.memory_space<hbm>>) target_semaphore(%run_scoped3A_73 : memref<!tpu.dma_semaphore, #tpu.memory_space<semaphore_mem>>)
      %dma_wait3A = arith.constant 0 : i32
      %dma_wait3A_80 = tpu.memref_slice %arg9[%arg0, %mul3A_0, %dma_wait3A] : memref<2x10000x16xf32, #tpu.memory_space<hbm>> -> memref<1x624x16xf32, #tpu.memory_space<hbm>>
      %dma_wait3A_81 = tpu.memref_squeeze %dma_wait3A_80 : memref<1x624x16xf32, #tpu.memory_space<hbm>> -> memref<624x16xf32, #tpu.memory_space<hbm>>
      %dma_wait3A_82 = arith.constant 0 : i32
      %dma_wait3A_83 = tpu.memref_slice %arg9[%arg0, %mul3A_0, %dma_wait3A_82] : memref<2x10000x16xf32, #tpu.memory_space<hbm>> -> memref<1x624x16xf32, #tpu.memory_space<hbm>>
      %dma_wait3A_84 = tpu.memref_squeeze %dma_wait3A_83 : memref<1x624x16xf32, #tpu.memory_space<hbm>> -> memref<624x16xf32, #tpu.memory_space<hbm>>
      tpu.wait_dma2 semaphore(%run_scoped3A_73 : memref<!tpu.dma_semaphore, #tpu.memory_space<semaphore_mem>>) src(%arg21 : memref<624x16xf32, #tpu.memory_space<vmem>>) dst(%dma_wait3A_84 : memref<624x16xf32, #tpu.memory_space<hbm>>)
      tpu.yield
    }) : () -> ()
    %eq3A_68 = arith.constant 0 : i32
    %eq3A_69 = arith.cmpi eq, %arg1, %eq3A_68 : i32
    %convert_element_type3A_70 = arith.extui %eq3A_69 : i1 to i32
    %cond3A_71 = arith.constant 0 : i32
    %cond3A_72 = arith.cmpi ne, %convert_element_type3A_70, %cond3A_71 : i32
    scf.if %cond3A_72 {
      "tpu.region"() ({
        %run_scoped3A_73 = tpu.sem_alloc : memref<!tpu.dma_semaphore, #tpu.memory_space<semaphore_mem>>
        %dma_start3A_74 = arith.constant 0 : i32
        %dma_start3A_75 = arith.constant 0 : i32
        %dma_start3A_76 = tpu.memref_slice %arg20[%dma_start3A_74, %dma_start3A_75] : memref<78x128xf32, #tpu.memory_space<vmem>> -> memref<16x128xf32, #tpu.memory_space<vmem>>
        %dma_start3A_77 = arith.constant 9984 : i32
        %dma_start3A_78 = arith.constant 0 : i32
        %dma_start3A_79 = tpu.memref_slice %arg22[%dma_start3A_77, %dma_start3A_78] : memref<10000x128xf32, #tpu.memory_space<vmem_shared>> -> memref<16x128xf32, #tpu.memory_space<vmem_shared>>
        %dma_start3A_80 = arith.constant 0 : i32
        %dma_start3A_81 = arith.constant 0 : i32
        %dma_start3A_82 = tpu.memref_slice %arg20[%dma_start3A_80, %dma_start3A_81] : memref<78x128xf32, #tpu.memory_space<vmem>> -> memref<16x128xf32, #tpu.memory_space<vmem>>
        %dma_start3A_83 = arith.constant 9984 : i32
        %dma_start3A_84 = arith.constant 0 : i32
        %dma_start3A_85 = tpu.memref_slice %arg22[%dma_start3A_83, %dma_start3A_84] : memref<10000x128xf32, #tpu.memory_space<vmem_shared>> -> memref<16x128xf32, #tpu.memory_space<vmem_shared>>
        tpu.enqueue_dma source(%dma_start3A_85 : memref<16x128xf32, #tpu.memory_space<vmem_shared>>) target(%dma_start3A_82 : memref<16x128xf32, #tpu.memory_space<vmem>>) target_semaphore(%run_scoped3A_73 : memref<!tpu.dma_semaphore, #tpu.memory_space<semaphore_mem>>)
        %dma_wait3A = arith.constant 0 : i32
        %dma_wait3A_86 = arith.constant 0 : i32
        %dma_wait3A_87 = tpu.memref_slice %arg20[%dma_wait3A, %dma_wait3A_86] : memref<78x128xf32, #tpu.memory_space<vmem>> -> memref<16x128xf32, #tpu.memory_space<vmem>>
        %dma_wait3A_88 = arith.constant 9984 : i32
        %dma_wait3A_89 = arith.constant 0 : i32
        %dma_wait3A_90 = tpu.memref_slice %arg22[%dma_wait3A_88, %dma_wait3A_89] : memref<10000x128xf32, #tpu.memory_space<vmem_shared>> -> memref<16x128xf32, #tpu.memory_space<vmem_shared>>
        %dma_wait3A_91 = arith.constant 0 : i32
        %dma_wait3A_92 = arith.constant 0 : i32
        %dma_wait3A_93 = tpu.memref_slice %arg20[%dma_wait3A_91, %dma_wait3A_92] : memref<78x128xf32, #tpu.memory_space<vmem>> -> memref<16x128xf32, #tpu.memory_space<vmem>>
        %dma_wait3A_94 = arith.constant 9984 : i32
        %dma_wait3A_95 = arith.constant 0 : i32
        %dma_wait3A_96 = tpu.memref_slice %arg22[%dma_wait3A_94, %dma_wait3A_95] : memref<10000x128xf32, #tpu.memory_space<vmem_shared>> -> memref<16x128xf32, #tpu.memory_space<vmem_shared>>
        tpu.wait_dma2 semaphore(%run_scoped3A_73 : memref<!tpu.dma_semaphore, #tpu.memory_space<semaphore_mem>>) src(%dma_wait3A_96 : memref<16x128xf32, #tpu.memory_space<vmem_shared>>) dst(%dma_wait3A_93 : memref<16x128xf32, #tpu.memory_space<vmem>>)
        tpu.yield
      }) : () -> ()
      "tpu.region"() ({
        %run_scoped3A_73 = tpu.sem_alloc : memref<!tpu.dma_semaphore, #tpu.memory_space<semaphore_mem>>
        %dma_start3A_74 = arith.constant 0 : i32
        %dma_start3A_75 = arith.constant 0 : i32
        %dma_start3A_76 = tpu.memref_slice %arg20[%dma_start3A_74, %dma_start3A_75] : memref<78x128xf32, #tpu.memory_space<vmem>> -> memref<16x128xf32, #tpu.memory_space<vmem>>
        %dma_start3A_77 = arith.constant 9984 : i32
        %dma_start3A_78 = arith.constant 0 : i32
        %dma_start3A_79 = tpu.memref_slice %arg8[%arg0, %dma_start3A_77, %dma_start3A_78] : memref<2x10000x128xf32, #tpu.memory_space<hbm>> -> memref<1x16x128xf32, #tpu.memory_space<hbm>>
        %dma_start3A_80 = tpu.memref_squeeze %dma_start3A_79 : memref<1x16x128xf32, #tpu.memory_space<hbm>> -> memref<16x128xf32, #tpu.memory_space<hbm>>
        %dma_start3A_81 = arith.constant 9984 : i32
        %dma_start3A_82 = arith.constant 0 : i32
        %dma_start3A_83 = tpu.memref_slice %arg8[%arg0, %dma_start3A_81, %dma_start3A_82] : memref<2x10000x128xf32, #tpu.memory_space<hbm>> -> memref<1x16x128xf32, #tpu.memory_space<hbm>>
        %dma_start3A_84 = tpu.memref_squeeze %dma_start3A_83 : memref<1x16x128xf32, #tpu.memory_space<hbm>> -> memref<16x128xf32, #tpu.memory_space<hbm>>
        %dma_start3A_85 = arith.constant 0 : i32
        %dma_start3A_86 = arith.constant 0 : i32
        %dma_start3A_87 = tpu.memref_slice %arg20[%dma_start3A_85, %dma_start3A_86] : memref<78x128xf32, #tpu.memory_space<vmem>> -> memref<16x128xf32, #tpu.memory_space<vmem>>
        tpu.enqueue_dma source(%dma_start3A_87 : memref<16x128xf32, #tpu.memory_space<vmem>>) target(%dma_start3A_84 : memref<16x128xf32, #tpu.memory_space<hbm>>) target_semaphore(%run_scoped3A_73 : memref<!tpu.dma_semaphore, #tpu.memory_space<semaphore_mem>>)
        %dma_wait3A = arith.constant 0 : i32
        %dma_wait3A_88 = arith.constant 0 : i32
        %dma_wait3A_89 = tpu.memref_slice %arg20[%dma_wait3A, %dma_wait3A_88] : memref<78x128xf32, #tpu.memory_space<vmem>> -> memref<16x128xf32, #tpu.memory_space<vmem>>
        %dma_wait3A_90 = arith.constant 9984 : i32
        %dma_wait3A_91 = arith.constant 0 : i32
        %dma_wait3A_92 = tpu.memref_slice %arg8[%arg0, %dma_wait3A_90, %dma_wait3A_91] : memref<2x10000x128xf32, #tpu.memory_space<hbm>> -> memref<1x16x128xf32, #tpu.memory_space<hbm>>
        %dma_wait3A_93 = tpu.memref_squeeze %dma_wait3A_92 : memref<1x16x128xf32, #tpu.memory_space<hbm>> -> memref<16x128xf32, #tpu.memory_space<hbm>>
        %dma_wait3A_94 = arith.constant 9984 : i32
        %dma_wait3A_95 = arith.constant 0 : i32
        %dma_wait3A_96 = tpu.memref_slice %arg8[%arg0, %dma_wait3A_94, %dma_wait3A_95] : memref<2x10000x128xf32, #tpu.memory_space<hbm>> -> memref<1x16x128xf32, #tpu.memory_space<hbm>>
        %dma_wait3A_97 = tpu.memref_squeeze %dma_wait3A_96 : memref<1x16x128xf32, #tpu.memory_space<hbm>> -> memref<16x128xf32, #tpu.memory_space<hbm>>
        %dma_wait3A_98 = arith.constant 0 : i32
        %dma_wait3A_99 = arith.constant 0 : i32
        %dma_wait3A_100 = tpu.memref_slice %arg20[%dma_wait3A_98, %dma_wait3A_99] : memref<78x128xf32, #tpu.memory_space<vmem>> -> memref<16x128xf32, #tpu.memory_space<vmem>>
        tpu.wait_dma2 semaphore(%run_scoped3A_73 : memref<!tpu.dma_semaphore, #tpu.memory_space<semaphore_mem>>) src(%dma_wait3A_100 : memref<16x128xf32, #tpu.memory_space<vmem>>) dst(%dma_wait3A_97 : memref<16x128xf32, #tpu.memory_space<hbm>>)
        tpu.yield
      }) : () -> ()
      "tpu.region"() ({
        %run_scoped3A_73 = tpu.sem_alloc : memref<!tpu.dma_semaphore, #tpu.memory_space<semaphore_mem>>
        %dma_start3A_74 = arith.constant 0 : i32
        %dma_start3A_75 = arith.constant 0 : i32
        %dma_start3A_76 = tpu.memref_slice %arg21[%dma_start3A_74, %dma_start3A_75] : memref<624x16xf32, #tpu.memory_space<vmem>> -> memref<16x16xf32, #tpu.memory_space<vmem>>
        %dma_start3A_77 = arith.constant 9984 : i32
        %dma_start3A_78 = arith.constant 0 : i32
        %dma_start3A_79 = tpu.memref_slice %arg23[%dma_start3A_77, %dma_start3A_78] : memref<10000x16xf32, #tpu.memory_space<vmem_shared>> -> memref<16x16xf32, #tpu.memory_space<vmem_shared>>
        %dma_start3A_80 = arith.constant 0 : i32
        %dma_start3A_81 = arith.constant 0 : i32
        %dma_start3A_82 = tpu.memref_slice %arg21[%dma_start3A_80, %dma_start3A_81] : memref<624x16xf32, #tpu.memory_space<vmem>> -> memref<16x16xf32, #tpu.memory_space<vmem>>
        %dma_start3A_83 = arith.constant 9984 : i32
        %dma_start3A_84 = arith.constant 0 : i32
        %dma_start3A_85 = tpu.memref_slice %arg23[%dma_start3A_83, %dma_start3A_84] : memref<10000x16xf32, #tpu.memory_space<vmem_shared>> -> memref<16x16xf32, #tpu.memory_space<vmem_shared>>
        tpu.enqueue_dma source(%dma_start3A_85 : memref<16x16xf32, #tpu.memory_space<vmem_shared>>) target(%dma_start3A_82 : memref<16x16xf32, #tpu.memory_space<vmem>>) target_semaphore(%run_scoped3A_73 : memref<!tpu.dma_semaphore, #tpu.memory_space<semaphore_mem>>)
        %dma_wait3A = arith.constant 0 : i32
        %dma_wait3A_86 = arith.constant 0 : i32
        %dma_wait3A_87 = tpu.memref_slice %arg21[%dma_wait3A, %dma_wait3A_86] : memref<624x16xf32, #tpu.memory_space<vmem>> -> memref<16x16xf32, #tpu.memory_space<vmem>>
        %dma_wait3A_88 = arith.constant 9984 : i32
        %dma_wait3A_89 = arith.constant 0 : i32
        %dma_wait3A_90 = tpu.memref_slice %arg23[%dma_wait3A_88, %dma_wait3A_89] : memref<10000x16xf32, #tpu.memory_space<vmem_shared>> -> memref<16x16xf32, #tpu.memory_space<vmem_shared>>
        %dma_wait3A_91 = arith.constant 0 : i32
        %dma_wait3A_92 = arith.constant 0 : i32
        %dma_wait3A_93 = tpu.memref_slice %arg21[%dma_wait3A_91, %dma_wait3A_92] : memref<624x16xf32, #tpu.memory_space<vmem>> -> memref<16x16xf32, #tpu.memory_space<vmem>>
        %dma_wait3A_94 = arith.constant 9984 : i32
        %dma_wait3A_95 = arith.constant 0 : i32
        %dma_wait3A_96 = tpu.memref_slice %arg23[%dma_wait3A_94, %dma_wait3A_95] : memref<10000x16xf32, #tpu.memory_space<vmem_shared>> -> memref<16x16xf32, #tpu.memory_space<vmem_shared>>
        tpu.wait_dma2 semaphore(%run_scoped3A_73 : memref<!tpu.dma_semaphore, #tpu.memory_space<semaphore_mem>>) src(%dma_wait3A_96 : memref<16x16xf32, #tpu.memory_space<vmem_shared>>) dst(%dma_wait3A_93 : memref<16x16xf32, #tpu.memory_space<vmem>>)
        tpu.yield
      }) : () -> ()
      "tpu.region"() ({
        %run_scoped3A_73 = tpu.sem_alloc : memref<!tpu.dma_semaphore, #tpu.memory_space<semaphore_mem>>
        %dma_start3A_74 = arith.constant 0 : i32
        %dma_start3A_75 = arith.constant 0 : i32
        %dma_start3A_76 = tpu.memref_slice %arg21[%dma_start3A_74, %dma_start3A_75] : memref<624x16xf32, #tpu.memory_space<vmem>> -> memref<16x16xf32, #tpu.memory_space<vmem>>
        %dma_start3A_77 = arith.constant 9984 : i32
        %dma_start3A_78 = arith.constant 0 : i32
        %dma_start3A_79 = tpu.memref_slice %arg9[%arg0, %dma_start3A_77, %dma_start3A_78] : memref<2x10000x16xf32, #tpu.memory_space<hbm>> -> memref<1x16x16xf32, #tpu.memory_space<hbm>>
        %dma_start3A_80 = tpu.memref_squeeze %dma_start3A_79 : memref<1x16x16xf32, #tpu.memory_space<hbm>> -> memref<16x16xf32, #tpu.memory_space<hbm>>
        %dma_start3A_81 = arith.constant 9984 : i32
        %dma_start3A_82 = arith.constant 0 : i32
        %dma_start3A_83 = tpu.memref_slice %arg9[%arg0, %dma_start3A_81, %dma_start3A_82] : memref<2x10000x16xf32, #tpu.memory_space<hbm>> -> memref<1x16x16xf32, #tpu.memory_space<hbm>>
        %dma_start3A_84 = tpu.memref_squeeze %dma_start3A_83 : memref<1x16x16xf32, #tpu.memory_space<hbm>> -> memref<16x16xf32, #tpu.memory_space<hbm>>
        %dma_start3A_85 = arith.constant 0 : i32
        %dma_start3A_86 = arith.constant 0 : i32
        %dma_start3A_87 = tpu.memref_slice %arg21[%dma_start3A_85, %dma_start3A_86] : memref<624x16xf32, #tpu.memory_space<vmem>> -> memref<16x16xf32, #tpu.memory_space<vmem>>
        tpu.enqueue_dma source(%dma_start3A_87 : memref<16x16xf32, #tpu.memory_space<vmem>>) target(%dma_start3A_84 : memref<16x16xf32, #tpu.memory_space<hbm>>) target_semaphore(%run_scoped3A_73 : memref<!tpu.dma_semaphore, #tpu.memory_space<semaphore_mem>>)
        %dma_wait3A = arith.constant 0 : i32
        %dma_wait3A_88 = arith.constant 0 : i32
        %dma_wait3A_89 = tpu.memref_slice %arg21[%dma_wait3A, %dma_wait3A_88] : memref<624x16xf32, #tpu.memory_space<vmem>> -> memref<16x16xf32, #tpu.memory_space<vmem>>
        %dma_wait3A_90 = arith.constant 9984 : i32
        %dma_wait3A_91 = arith.constant 0 : i32
        %dma_wait3A_92 = tpu.memref_slice %arg9[%arg0, %dma_wait3A_90, %dma_wait3A_91] : memref<2x10000x16xf32, #tpu.memory_space<hbm>> -> memref<1x16x16xf32, #tpu.memory_space<hbm>>
        %dma_wait3A_93 = tpu.memref_squeeze %dma_wait3A_92 : memref<1x16x16xf32, #tpu.memory_space<hbm>> -> memref<16x16xf32, #tpu.memory_space<hbm>>
        %dma_wait3A_94 = arith.constant 9984 : i32
        %dma_wait3A_95 = arith.constant 0 : i32
        %dma_wait3A_96 = tpu.memref_slice %arg9[%arg0, %dma_wait3A_94, %dma_wait3A_95] : memref<2x10000x16xf32, #tpu.memory_space<hbm>> -> memref<1x16x16xf32, #tpu.memory_space<hbm>>
        %dma_wait3A_97 = tpu.memref_squeeze %dma_wait3A_96 : memref<1x16x16xf32, #tpu.memory_space<hbm>> -> memref<16x16xf32, #tpu.memory_space<hbm>>
        %dma_wait3A_98 = arith.constant 0 : i32
        %dma_wait3A_99 = arith.constant 0 : i32
        %dma_wait3A_100 = tpu.memref_slice %arg21[%dma_wait3A_98, %dma_wait3A_99] : memref<624x16xf32, #tpu.memory_space<vmem>> -> memref<16x16xf32, #tpu.memory_space<vmem>>
        tpu.wait_dma2 semaphore(%run_scoped3A_73 : memref<!tpu.dma_semaphore, #tpu.memory_space<semaphore_mem>>) src(%dma_wait3A_100 : memref<16x16xf32, #tpu.memory_space<vmem>>) dst(%dma_wait3A_97 : memref<16x16xf32, #tpu.memory_space<hbm>>)
        tpu.yield
      }) : () -> ()
    } else {
    }
    return
  }
}

#map = affine_map<(d0, d1) -> (0, 0, 0, 0)>
#map1 = affine_map<(d0, d1) -> (0, 0)>
#map2 = affine_map<(d0, d1) -> (0, 0, 0)>
module attributes {stable_mosaic.version = 14 : i64} {
  func.func @_sc_body(%arg0: i32, %arg1: i32, %arg2: memref<16x500x2x40xi32, #tpu.memory_space<hbm>>, %arg3: memref<10000x16xf32, #tpu.memory_space<hbm>>, %arg4: memref<10000x16xf32, #tpu.memory_space<hbm>>, %arg5: memref<2x10000x128xf32, #tpu.memory_space<hbm>>, %arg6: memref<2x10000x128xf32, #tpu.memory_space<hbm>>, %arg7: memref<2x10000x16xf32, #tpu.memory_space<hbm>>, %arg8: memref<2x10000x128xf32, #tpu.memory_space<hbm>>, %arg9: memref<2x10000x16xf32, #tpu.memory_space<hbm>>, %arg10: memref<2x40xi32, #tpu.memory_space<vmem>>, %arg11: memref<2x40xi32, #tpu.memory_space<vmem>>, %arg12: memref<40x16xf32, #tpu.memory_space<vmem>>, %arg13: memref<40x16xf32, #tpu.memory_space<vmem>>, %arg14: memref<40x16xf32, #tpu.memory_space<vmem>>, %arg15: memref<40x16xf32, #tpu.memory_space<vmem>>, %arg16: memref<40x128xf32, #tpu.memory_space<vmem>>, %arg17: memref<40x128xf32, #tpu.memory_space<vmem>>, %arg18: memref<40x128xf32, #tpu.memory_space<vmem>>, %arg19: memref<40x16xf32, #tpu.memory_space<vmem>>, %arg20: memref<78x128xf32, #tpu.memory_space<vmem>>, %arg21: memref<624x16xf32, #tpu.memory_space<vmem>>, %arg22: memref<10000x128xf32, #tpu.memory_space<vmem_shared>>, %arg23: memref<10000x16xf32, #tpu.memory_space<vmem_shared>>, %arg24: memref<!tpu.dma_semaphore, #tpu.memory_space<semaphore_mem>>, %arg25: memref<!tpu.dma_semaphore, #tpu.memory_space<semaphore_mem>>) attributes {dimension_semantics = [#tpu.dimension_semantics<core_parallel>, #tpu.dimension_semantics<subcore_parallel>], iteration_bounds = array<i64: 2, 16>, scalar_prefetch = 0 : i64, scratch_operands = 16 : i64, tpu.core_type = #tpu.core_type<sc_vector_subcore>, window_params = [{transform_indices = #map}, {transform_indices = #map1}, {transform_indices = #map1}, {transform_indices = #map2}, {transform_indices = #map2}, {transform_indices = #map2}, {transform_indices = #map2}, {transform_indices = #map2}]} {
    %mul3A = arith.constant 624 : i32
    %mul3A_0 = arith.muli %arg1, %mul3A : i32
    %add3A = arith.constant 0 : i32
    %add3A_1 = arith.addi %mul3A_0, %add3A : i32
    "tpu.region"() ({
      %run_scoped3A_73 = tpu.sem_alloc : memref<!tpu.dma_semaphore, #tpu.memory_space<semaphore_mem>>
      %dma_start3A_74 = arith.constant 0 : i32
      %dma_start3A_75 = tpu.memref_slice %arg6[%arg0, %add3A_1, %dma_start3A_74] : memref<2x10000x128xf32, #tpu.memory_space<hbm>> -> memref<1x78x128xf32, #tpu.memory_space<hbm>>
      %dma_start3A_76 = tpu.memref_squeeze %dma_start3A_75 : memref<1x78x128xf32, #tpu.memory_space<hbm>> -> memref<78x128xf32, #tpu.memory_space<hbm>>
      %dma_start3A_77 = arith.constant 0 : i32
      %dma_start3A_78 = tpu.memref_slice %arg6[%arg0, %add3A_1, %dma_start3A_77] : memref<2x10000x128xf32, #tpu.memory_space<hbm>> -> memref<1x78x128xf32, #tpu.memory_space<hbm>>
      %dma_start3A_79 = tpu.memref_squeeze %dma_start3A_78 : memref<1x78x128xf32, #tpu.memory_space<hbm>> -> memref<78x128xf32, #tpu.memory_space<hbm>>
      tpu.enqueue_dma source(%dma_start3A_79 : memref<78x128xf32, #tpu.memory_space<hbm>>) target(%arg20 : memref<78x128xf32, #tpu.memory_space<vmem>>) target_semaphore(%run_scoped3A_73 : memref<!tpu.dma_semaphore, #tpu.memory_space<semaphore_mem>>)
      %dma_wait3A = arith.constant 0 : i32
      %dma_wait3A_80 = tpu.memref_slice %arg6[%arg0, %add3A_1, %dma_wait3A] : memref<2x10000x128xf32, #tpu.memory_space<hbm>> -> memref<1x78x128xf32, #tpu.memory_space<hbm>>
      %dma_wait3A_81 = tpu.memref_squeeze %dma_wait3A_80 : memref<1x78x128xf32, #tpu.memory_space<hbm>> -> memref<78x128xf32, #tpu.memory_space<hbm>>
      %dma_wait3A_82 = arith.constant 0 : i32
      %dma_wait3A_83 = tpu.memref_slice %arg6[%arg0, %add3A_1, %dma_wait3A_82] : memref<2x10000x128xf32, #tpu.memory_space<hbm>> -> memref<1x78x128xf32, #tpu.memory_space<hbm>>
      %dma_wait3A_84 = tpu.memref_squeeze %dma_wait3A_83 : memref<1x78x128xf32, #tpu.memory_space<hbm>> -> memref<78x128xf32, #tpu.memory_space<hbm>>
      tpu.wait_dma2 semaphore(%run_scoped3A_73 : memref<!tpu.dma_semaphore, #tpu.memory_space<semaphore_mem>>) src(%dma_wait3A_84 : memref<78x128xf32, #tpu.memory_space<hbm>>) dst(%arg20 : memref<78x128xf32, #tpu.memory_space<vmem>>)
      tpu.yield
    }) : () -> ()
    "tpu.region"() ({
      %run_scoped3A_73 = tpu.sem_alloc : memref<!tpu.dma_semaphore, #tpu.memory_space<semaphore_mem>>
      %dma_start3A_74 = arith.constant 0 : i32
      %dma_start3A_75 = tpu.memref_slice %arg22[%add3A_1, %dma_start3A_74] : memref<10000x128xf32, #tpu.memory_space<vmem_shared>> -> memref<78x128xf32, #tpu.memory_space<vmem_shared>>
      %dma_start3A_76 = arith.constant 0 : i32
      %dma_start3A_77 = tpu.memref_slice %arg22[%add3A_1, %dma_start3A_76] : memref<10000x128xf32, #tpu.memory_space<vmem_shared>> -> memref<78x128xf32, #tpu.memory_space<vmem_shared>>
      tpu.enqueue_dma source(%arg20 : memref<78x128xf32, #tpu.memory_space<vmem>>) target(%dma_start3A_77 : memref<78x128xf32, #tpu.memory_space<vmem_shared>>) target_semaphore(%run_scoped3A_73 : memref<!tpu.dma_semaphore, #tpu.memory_space<semaphore_mem>>)
      %dma_wait3A = arith.constant 0 : i32
      %dma_wait3A_78 = tpu.memref_slice %arg22[%add3A_1, %dma_wait3A] : memref<10000x128xf32, #tpu.memory_space<vmem_shared>> -> memref<78x128xf32, #tpu.memory_space<vmem_shared>>
      %dma_wait3A_79 = arith.constant 0 : i32
      %dma_wait3A_80 = tpu.memref_slice %arg22[%add3A_1, %dma_wait3A_79] : memref<10000x128xf32, #tpu.memory_space<vmem_shared>> -> memref<78x128xf32, #tpu.memory_space<vmem_shared>>
      tpu.wait_dma2 semaphore(%run_scoped3A_73 : memref<!tpu.dma_semaphore, #tpu.memory_space<semaphore_mem>>) src(%arg20 : memref<78x128xf32, #tpu.memory_space<vmem>>) dst(%dma_wait3A_80 : memref<78x128xf32, #tpu.memory_space<vmem_shared>>)
      tpu.yield
    }) : () -> ()
    %add3A_2 = arith.constant 78 : i32
    %add3A_3 = arith.addi %mul3A_0, %add3A_2 : i32
    "tpu.region"() ({
      %run_scoped3A_73 = tpu.sem_alloc : memref<!tpu.dma_semaphore, #tpu.memory_space<semaphore_mem>>
      %dma_start3A_74 = arith.constant 0 : i32
      %dma_start3A_75 = tpu.memref_slice %arg6[%arg0, %add3A_3, %dma_start3A_74] : memref<2x10000x128xf32, #tpu.memory_space<hbm>> -> memref<1x78x128xf32, #tpu.memory_space<hbm>>
      %dma_start3A_76 = tpu.memref_squeeze %dma_start3A_75 : memref<1x78x128xf32, #tpu.memory_space<hbm>> -> memref<78x128xf32, #tpu.memory_space<hbm>>
      %dma_start3A_77 = arith.constant 0 : i32
      %dma_start3A_78 = tpu.memref_slice %arg6[%arg0, %add3A_3, %dma_start3A_77] : memref<2x10000x128xf32, #tpu.memory_space<hbm>> -> memref<1x78x128xf32, #tpu.memory_space<hbm>>
      %dma_start3A_79 = tpu.memref_squeeze %dma_start3A_78 : memref<1x78x128xf32, #tpu.memory_space<hbm>> -> memref<78x128xf32, #tpu.memory_space<hbm>>
      tpu.enqueue_dma source(%dma_start3A_79 : memref<78x128xf32, #tpu.memory_space<hbm>>) target(%arg20 : memref<78x128xf32, #tpu.memory_space<vmem>>) target_semaphore(%run_scoped3A_73 : memref<!tpu.dma_semaphore, #tpu.memory_space<semaphore_mem>>)
      %dma_wait3A = arith.constant 0 : i32
      %dma_wait3A_80 = tpu.memref_slice %arg6[%arg0, %add3A_3, %dma_wait3A] : memref<2x10000x128xf32, #tpu.memory_space<hbm>> -> memref<1x78x128xf32, #tpu.memory_space<hbm>>
      %dma_wait3A_81 = tpu.memref_squeeze %dma_wait3A_80 : memref<1x78x128xf32, #tpu.memory_space<hbm>> -> memref<78x128xf32, #tpu.memory_space<hbm>>
      %dma_wait3A_82 = arith.constant 0 : i32
      %dma_wait3A_83 = tpu.memref_slice %arg6[%arg0, %add3A_3, %dma_wait3A_82] : memref<2x10000x128xf32, #tpu.memory_space<hbm>> -> memref<1x78x128xf32, #tpu.memory_space<hbm>>
      %dma_wait3A_84 = tpu.memref_squeeze %dma_wait3A_83 : memref<1x78x128xf32, #tpu.memory_space<hbm>> -> memref<78x128xf32, #tpu.memory_space<hbm>>
      tpu.wait_dma2 semaphore(%run_scoped3A_73 : memref<!tpu.dma_semaphore, #tpu.memory_space<semaphore_mem>>) src(%dma_wait3A_84 : memref<78x128xf32, #tpu.memory_space<hbm>>) dst(%arg20 : memref<78x128xf32, #tpu.memory_space<vmem>>)
      tpu.yield
    }) : () -> ()
    "tpu.region"() ({
      %run_scoped3A_73 = tpu.sem_alloc : memref<!tpu.dma_semaphore, #tpu.memory_space<semaphore_mem>>
      %dma_start3A_74 = arith.constant 0 : i32
      %dma_start3A_75 = tpu.memref_slice %arg22[%add3A_3, %dma_start3A_74] : memref<10000x128xf32, #tpu.memory_space<vmem_shared>> -> memref<78x128xf32, #tpu.memory_space<vmem_shared>>
      %dma_start3A_76 = arith.constant 0 : i32
      %dma_start3A_77 = tpu.memref_slice %arg22[%add3A_3, %dma_start3A_76] : memref<10000x128xf32, #tpu.memory_space<vmem_shared>> -> memref<78x128xf32, #tpu.memory_space<vmem_shared>>
      tpu.enqueue_dma source(%arg20 : memref<78x128xf32, #tpu.memory_space<vmem>>) target(%dma_start3A_77 : memref<78x128xf32, #tpu.memory_space<vmem_shared>>) target_semaphore(%run_scoped3A_73 : memref<!tpu.dma_semaphore, #tpu.memory_space<semaphore_mem>>)
      %dma_wait3A = arith.constant 0 : i32
      %dma_wait3A_78 = tpu.memref_slice %arg22[%add3A_3, %dma_wait3A] : memref<10000x128xf32, #tpu.memory_space<vmem_shared>> -> memref<78x128xf32, #tpu.memory_space<vmem_shared>>
      %dma_wait3A_79 = arith.constant 0 : i32
      %dma_wait3A_80 = tpu.memref_slice %arg22[%add3A_3, %dma_wait3A_79] : memref<10000x128xf32, #tpu.memory_space<vmem_shared>> -> memref<78x128xf32, #tpu.memory_space<vmem_shared>>
      tpu.wait_dma2 semaphore(%run_scoped3A_73 : memref<!tpu.dma_semaphore, #tpu.memory_space<semaphore_mem>>) src(%arg20 : memref<78x128xf32, #tpu.memory_space<vmem>>) dst(%dma_wait3A_80 : memref<78x128xf32, #tpu.memory_space<vmem_shared>>)
      tpu.yield
    }) : () -> ()
    %add3A_4 = arith.constant 156 : i32
    %add3A_5 = arith.addi %mul3A_0, %add3A_4 : i32
    "tpu.region"() ({
      %run_scoped3A_73 = tpu.sem_alloc : memref<!tpu.dma_semaphore, #tpu.memory_space<semaphore_mem>>
      %dma_start3A_74 = arith.constant 0 : i32
      %dma_start3A_75 = tpu.memref_slice %arg6[%arg0, %add3A_5, %dma_start3A_74] : memref<2x10000x128xf32, #tpu.memory_space<hbm>> -> memref<1x78x128xf32, #tpu.memory_space<hbm>>
      %dma_start3A_76 = tpu.memref_squeeze %dma_start3A_75 : memref<1x78x128xf32, #tpu.memory_space<hbm>> -> memref<78x128xf32, #tpu.memory_space<hbm>>
      %dma_start3A_77 = arith.constant 0 : i32
      %dma_start3A_78 = tpu.memref_slice %arg6[%arg0, %add3A_5, %dma_start3A_77] : memref<2x10000x128xf32, #tpu.memory_space<hbm>> -> memref<1x78x128xf32, #tpu.memory_space<hbm>>
      %dma_start3A_79 = tpu.memref_squeeze %dma_start3A_78 : memref<1x78x128xf32, #tpu.memory_space<hbm>> -> memref<78x128xf32, #tpu.memory_space<hbm>>
      tpu.enqueue_dma source(%dma_start3A_79 : memref<78x128xf32, #tpu.memory_space<hbm>>) target(%arg20 : memref<78x128xf32, #tpu.memory_space<vmem>>) target_semaphore(%run_scoped3A_73 : memref<!tpu.dma_semaphore, #tpu.memory_space<semaphore_mem>>)
      %dma_wait3A = arith.constant 0 : i32
      %dma_wait3A_80 = tpu.memref_slice %arg6[%arg0, %add3A_5, %dma_wait3A] : memref<2x10000x128xf32, #tpu.memory_space<hbm>> -> memref<1x78x128xf32, #tpu.memory_space<hbm>>
      %dma_wait3A_81 = tpu.memref_squeeze %dma_wait3A_80 : memref<1x78x128xf32, #tpu.memory_space<hbm>> -> memref<78x128xf32, #tpu.memory_space<hbm>>
      %dma_wait3A_82 = arith.constant 0 : i32
      %dma_wait3A_83 = tpu.memref_slice %arg6[%arg0, %add3A_5, %dma_wait3A_82] : memref<2x10000x128xf32, #tpu.memory_space<hbm>> -> memref<1x78x128xf32, #tpu.memory_space<hbm>>
      %dma_wait3A_84 = tpu.memref_squeeze %dma_wait3A_83 : memref<1x78x128xf32, #tpu.memory_space<hbm>> -> memref<78x128xf32, #tpu.memory_space<hbm>>
      tpu.wait_dma2 semaphore(%run_scoped3A_73 : memref<!tpu.dma_semaphore, #tpu.memory_space<semaphore_mem>>) src(%dma_wait3A_84 : memref<78x128xf32, #tpu.memory_space<hbm>>) dst(%arg20 : memref<78x128xf32, #tpu.memory_space<vmem>>)
      tpu.yield
    }) : () -> ()
    "tpu.region"() ({
      %run_scoped3A_73 = tpu.sem_alloc : memref<!tpu.dma_semaphore, #tpu.memory_space<semaphore_mem>>
      %dma_start3A_74 = arith.constant 0 : i32
      %dma_start3A_75 = tpu.memref_slice %arg22[%add3A_5, %dma_start3A_74] : memref<10000x128xf32, #tpu.memory_space<vmem_shared>> -> memref<78x128xf32, #tpu.memory_space<vmem_shared>>
      %dma_start3A_76 = arith.constant 0 : i32
      %dma_start3A_77 = tpu.memref_slice %arg22[%add3A_5, %dma_start3A_76] : memref<10000x128xf32, #tpu.memory_space<vmem_shared>> -> memref<78x128xf32, #tpu.memory_space<vmem_shared>>
      tpu.enqueue_dma source(%arg20 : memref<78x128xf32, #tpu.memory_space<vmem>>) target(%dma_start3A_77 : memref<78x128xf32, #tpu.memory_space<vmem_shared>>) target_semaphore(%run_scoped3A_73 : memref<!tpu.dma_semaphore, #tpu.memory_space<semaphore_mem>>)
      %dma_wait3A = arith.constant 0 : i32
      %dma_wait3A_78 = tpu.memref_slice %arg22[%add3A_5, %dma_wait3A] : memref<10000x128xf32, #tpu.memory_space<vmem_shared>> -> memref<78x128xf32, #tpu.memory_space<vmem_shared>>
      %dma_wait3A_79 = arith.constant 0 : i32
      %dma_wait3A_80 = tpu.memref_slice %arg22[%add3A_5, %dma_wait3A_79] : memref<10000x128xf32, #tpu.memory_space<vmem_shared>> -> memref<78x128xf32, #tpu.memory_space<vmem_shared>>
      tpu.wait_dma2 semaphore(%run_scoped3A_73 : memref<!tpu.dma_semaphore, #tpu.memory_space<semaphore_mem>>) src(%arg20 : memref<78x128xf32, #tpu.memory_space<vmem>>) dst(%dma_wait3A_80 : memref<78x128xf32, #tpu.memory_space<vmem_shared>>)
      tpu.yield
    }) : () -> ()
    %add3A_6 = arith.constant 234 : i32
    %add3A_7 = arith.addi %mul3A_0, %add3A_6 : i32
    "tpu.region"() ({
      %run_scoped3A_73 = tpu.sem_alloc : memref<!tpu.dma_semaphore, #tpu.memory_space<semaphore_mem>>
      %dma_start3A_74 = arith.constant 0 : i32
      %dma_start3A_75 = tpu.memref_slice %arg6[%arg0, %add3A_7, %dma_start3A_74] : memref<2x10000x128xf32, #tpu.memory_space<hbm>> -> memref<1x78x128xf32, #tpu.memory_space<hbm>>
      %dma_start3A_76 = tpu.memref_squeeze %dma_start3A_75 : memref<1x78x128xf32, #tpu.memory_space<hbm>> -> memref<78x128xf32, #tpu.memory_space<hbm>>
      %dma_start3A_77 = arith.constant 0 : i32
      %dma_start3A_78 = tpu.memref_slice %arg6[%arg0, %add3A_7, %dma_start3A_77] : memref<2x10000x128xf32, #tpu.memory_space<hbm>> -> memref<1x78x128xf32, #tpu.memory_space<hbm>>
      %dma_start3A_79 = tpu.memref_squeeze %dma_start3A_78 : memref<1x78x128xf32, #tpu.memory_space<hbm>> -> memref<78x128xf32, #tpu.memory_space<hbm>>
      tpu.enqueue_dma source(%dma_start3A_79 : memref<78x128xf32, #tpu.memory_space<hbm>>) target(%arg20 : memref<78x128xf32, #tpu.memory_space<vmem>>) target_semaphore(%run_scoped3A_73 : memref<!tpu.dma_semaphore, #tpu.memory_space<semaphore_mem>>)
      %dma_wait3A = arith.constant 0 : i32
      %dma_wait3A_80 = tpu.memref_slice %arg6[%arg0, %add3A_7, %dma_wait3A] : memref<2x10000x128xf32, #tpu.memory_space<hbm>> -> memref<1x78x128xf32, #tpu.memory_space<hbm>>
      %dma_wait3A_81 = tpu.memref_squeeze %dma_wait3A_80 : memref<1x78x128xf32, #tpu.memory_space<hbm>> -> memref<78x128xf32, #tpu.memory_space<hbm>>
      %dma_wait3A_82 = arith.constant 0 : i32
      %dma_wait3A_83 = tpu.memref_slice %arg6[%arg0, %add3A_7, %dma_wait3A_82] : memref<2x10000x128xf32, #tpu.memory_space<hbm>> -> memref<1x78x128xf32, #tpu.memory_space<hbm>>
      %dma_wait3A_84 = tpu.memref_squeeze %dma_wait3A_83 : memref<1x78x128xf32, #tpu.memory_space<hbm>> -> memref<78x128xf32, #tpu.memory_space<hbm>>
      tpu.wait_dma2 semaphore(%run_scoped3A_73 : memref<!tpu.dma_semaphore, #tpu.memory_space<semaphore_mem>>) src(%dma_wait3A_84 : memref<78x128xf32, #tpu.memory_space<hbm>>) dst(%arg20 : memref<78x128xf32, #tpu.memory_space<vmem>>)
      tpu.yield
    }) : () -> ()
    "tpu.region"() ({
      %run_scoped3A_73 = tpu.sem_alloc : memref<!tpu.dma_semaphore, #tpu.memory_space<semaphore_mem>>
      %dma_start3A_74 = arith.constant 0 : i32
      %dma_start3A_75 = tpu.memref_slice %arg22[%add3A_7, %dma_start3A_74] : memref<10000x128xf32, #tpu.memory_space<vmem_shared>> -> memref<78x128xf32, #tpu.memory_space<vmem_shared>>
      %dma_start3A_76 = arith.constant 0 : i32
      %dma_start3A_77 = tpu.memref_slice %arg22[%add3A_7, %dma_start3A_76] : memref<10000x128xf32, #tpu.memory_space<vmem_shared>> -> memref<78x128xf32, #tpu.memory_space<vmem_shared>>
      tpu.enqueue_dma source(%arg20 : memref<78x128xf32, #tpu.memory_space<vmem>>) target(%dma_start3A_77 : memref<78x128xf32, #tpu.memory_space<vmem_shared>>) target_semaphore(%run_scoped3A_73 : memref<!tpu.dma_semaphore, #tpu.memory_space<semaphore_mem>>)
      %dma_wait3A = arith.constant 0 : i32
      %dma_wait3A_78 = tpu.memref_slice %arg22[%add3A_7, %dma_wait3A] : memref<10000x128xf32, #tpu.memory_space<vmem_shared>> -> memref<78x128xf32, #tpu.memory_space<vmem_shared>>
      %dma_wait3A_79 = arith.constant 0 : i32
      %dma_wait3A_80 = tpu.memref_slice %arg22[%add3A_7, %dma_wait3A_79] : memref<10000x128xf32, #tpu.memory_space<vmem_shared>> -> memref<78x128xf32, #tpu.memory_space<vmem_shared>>
      tpu.wait_dma2 semaphore(%run_scoped3A_73 : memref<!tpu.dma_semaphore, #tpu.memory_space<semaphore_mem>>) src(%arg20 : memref<78x128xf32, #tpu.memory_space<vmem>>) dst(%dma_wait3A_80 : memref<78x128xf32, #tpu.memory_space<vmem_shared>>)
      tpu.yield
    }) : () -> ()
    %add3A_8 = arith.constant 312 : i32
    %add3A_9 = arith.addi %mul3A_0, %add3A_8 : i32
    "tpu.region"() ({
      %run_scoped3A_73 = tpu.sem_alloc : memref<!tpu.dma_semaphore, #tpu.memory_space<semaphore_mem>>
      %dma_start3A_74 = arith.constant 0 : i32
      %dma_start3A_75 = tpu.memref_slice %arg6[%arg0, %add3A_9, %dma_start3A_74] : memref<2x10000x128xf32, #tpu.memory_space<hbm>> -> memref<1x78x128xf32, #tpu.memory_space<hbm>>
      %dma_start3A_76 = tpu.memref_squeeze %dma_start3A_75 : memref<1x78x128xf32, #tpu.memory_space<hbm>> -> memref<78x128xf32, #tpu.memory_space<hbm>>
      %dma_start3A_77 = arith.constant 0 : i32
      %dma_start3A_78 = tpu.memref_slice %arg6[%arg0, %add3A_9, %dma_start3A_77] : memref<2x10000x128xf32, #tpu.memory_space<hbm>> -> memref<1x78x128xf32, #tpu.memory_space<hbm>>
      %dma_start3A_79 = tpu.memref_squeeze %dma_start3A_78 : memref<1x78x128xf32, #tpu.memory_space<hbm>> -> memref<78x128xf32, #tpu.memory_space<hbm>>
      tpu.enqueue_dma source(%dma_start3A_79 : memref<78x128xf32, #tpu.memory_space<hbm>>) target(%arg20 : memref<78x128xf32, #tpu.memory_space<vmem>>) target_semaphore(%run_scoped3A_73 : memref<!tpu.dma_semaphore, #tpu.memory_space<semaphore_mem>>)
      %dma_wait3A = arith.constant 0 : i32
      %dma_wait3A_80 = tpu.memref_slice %arg6[%arg0, %add3A_9, %dma_wait3A] : memref<2x10000x128xf32, #tpu.memory_space<hbm>> -> memref<1x78x128xf32, #tpu.memory_space<hbm>>
      %dma_wait3A_81 = tpu.memref_squeeze %dma_wait3A_80 : memref<1x78x128xf32, #tpu.memory_space<hbm>> -> memref<78x128xf32, #tpu.memory_space<hbm>>
      %dma_wait3A_82 = arith.constant 0 : i32
      %dma_wait3A_83 = tpu.memref_slice %arg6[%arg0, %add3A_9, %dma_wait3A_82] : memref<2x10000x128xf32, #tpu.memory_space<hbm>> -> memref<1x78x128xf32, #tpu.memory_space<hbm>>
      %dma_wait3A_84 = tpu.memref_squeeze %dma_wait3A_83 : memref<1x78x128xf32, #tpu.memory_space<hbm>> -> memref<78x128xf32, #tpu.memory_space<hbm>>
      tpu.wait_dma2 semaphore(%run_scoped3A_73 : memref<!tpu.dma_semaphore, #tpu.memory_space<semaphore_mem>>) src(%dma_wait3A_84 : memref<78x128xf32, #tpu.memory_space<hbm>>) dst(%arg20 : memref<78x128xf32, #tpu.memory_space<vmem>>)
      tpu.yield
    }) : () -> ()
    "tpu.region"() ({
      %run_scoped3A_73 = tpu.sem_alloc : memref<!tpu.dma_semaphore, #tpu.memory_space<semaphore_mem>>
      %dma_start3A_74 = arith.constant 0 : i32
      %dma_start3A_75 = tpu.memref_slice %arg22[%add3A_9, %dma_start3A_74] : memref<10000x128xf32, #tpu.memory_space<vmem_shared>> -> memref<78x128xf32, #tpu.memory_space<vmem_shared>>
      %dma_start3A_76 = arith.constant 0 : i32
      %dma_start3A_77 = tpu.memref_slice %arg22[%add3A_9, %dma_start3A_76] : memref<10000x128xf32, #tpu.memory_space<vmem_shared>> -> memref<78x128xf32, #tpu.memory_space<vmem_shared>>
      tpu.enqueue_dma source(%arg20 : memref<78x128xf32, #tpu.memory_space<vmem>>) target(%dma_start3A_77 : memref<78x128xf32, #tpu.memory_space<vmem_shared>>) target_semaphore(%run_scoped3A_73 : memref<!tpu.dma_semaphore, #tpu.memory_space<semaphore_mem>>)
      %dma_wait3A = arith.constant 0 : i32
      %dma_wait3A_78 = tpu.memref_slice %arg22[%add3A_9, %dma_wait3A] : memref<10000x128xf32, #tpu.memory_space<vmem_shared>> -> memref<78x128xf32, #tpu.memory_space<vmem_shared>>
      %dma_wait3A_79 = arith.constant 0 : i32
      %dma_wait3A_80 = tpu.memref_slice %arg22[%add3A_9, %dma_wait3A_79] : memref<10000x128xf32, #tpu.memory_space<vmem_shared>> -> memref<78x128xf32, #tpu.memory_space<vmem_shared>>
      tpu.wait_dma2 semaphore(%run_scoped3A_73 : memref<!tpu.dma_semaphore, #tpu.memory_space<semaphore_mem>>) src(%arg20 : memref<78x128xf32, #tpu.memory_space<vmem>>) dst(%dma_wait3A_80 : memref<78x128xf32, #tpu.memory_space<vmem_shared>>)
      tpu.yield
    }) : () -> ()
    %add3A_10 = arith.constant 390 : i32
    %add3A_11 = arith.addi %mul3A_0, %add3A_10 : i32
    "tpu.region"() ({
      %run_scoped3A_73 = tpu.sem_alloc : memref<!tpu.dma_semaphore, #tpu.memory_space<semaphore_mem>>
      %dma_start3A_74 = arith.constant 0 : i32
      %dma_start3A_75 = tpu.memref_slice %arg6[%arg0, %add3A_11, %dma_start3A_74] : memref<2x10000x128xf32, #tpu.memory_space<hbm>> -> memref<1x78x128xf32, #tpu.memory_space<hbm>>
      %dma_start3A_76 = tpu.memref_squeeze %dma_start3A_75 : memref<1x78x128xf32, #tpu.memory_space<hbm>> -> memref<78x128xf32, #tpu.memory_space<hbm>>
      %dma_start3A_77 = arith.constant 0 : i32
      %dma_start3A_78 = tpu.memref_slice %arg6[%arg0, %add3A_11, %dma_start3A_77] : memref<2x10000x128xf32, #tpu.memory_space<hbm>> -> memref<1x78x128xf32, #tpu.memory_space<hbm>>
      %dma_start3A_79 = tpu.memref_squeeze %dma_start3A_78 : memref<1x78x128xf32, #tpu.memory_space<hbm>> -> memref<78x128xf32, #tpu.memory_space<hbm>>
      tpu.enqueue_dma source(%dma_start3A_79 : memref<78x128xf32, #tpu.memory_space<hbm>>) target(%arg20 : memref<78x128xf32, #tpu.memory_space<vmem>>) target_semaphore(%run_scoped3A_73 : memref<!tpu.dma_semaphore, #tpu.memory_space<semaphore_mem>>)
      %dma_wait3A = arith.constant 0 : i32
      %dma_wait3A_80 = tpu.memref_slice %arg6[%arg0, %add3A_11, %dma_wait3A] : memref<2x10000x128xf32, #tpu.memory_space<hbm>> -> memref<1x78x128xf32, #tpu.memory_space<hbm>>
      %dma_wait3A_81 = tpu.memref_squeeze %dma_wait3A_80 : memref<1x78x128xf32, #tpu.memory_space<hbm>> -> memref<78x128xf32, #tpu.memory_space<hbm>>
      %dma_wait3A_82 = arith.constant 0 : i32
      %dma_wait3A_83 = tpu.memref_slice %arg6[%arg0, %add3A_11, %dma_wait3A_82] : memref<2x10000x128xf32, #tpu.memory_space<hbm>> -> memref<1x78x128xf32, #tpu.memory_space<hbm>>
      %dma_wait3A_84 = tpu.memref_squeeze %dma_wait3A_83 : memref<1x78x128xf32, #tpu.memory_space<hbm>> -> memref<78x128xf32, #tpu.memory_space<hbm>>
      tpu.wait_dma2 semaphore(%run_scoped3A_73 : memref<!tpu.dma_semaphore, #tpu.memory_space<semaphore_mem>>) src(%dma_wait3A_84 : memref<78x128xf32, #tpu.memory_space<hbm>>) dst(%arg20 : memref<78x128xf32, #tpu.memory_space<vmem>>)
      tpu.yield
    }) : () -> ()
    "tpu.region"() ({
      %run_scoped3A_73 = tpu.sem_alloc : memref<!tpu.dma_semaphore, #tpu.memory_space<semaphore_mem>>
      %dma_start3A_74 = arith.constant 0 : i32
      %dma_start3A_75 = tpu.memref_slice %arg22[%add3A_11, %dma_start3A_74] : memref<10000x128xf32, #tpu.memory_space<vmem_shared>> -> memref<78x128xf32, #tpu.memory_space<vmem_shared>>
      %dma_start3A_76 = arith.constant 0 : i32
      %dma_start3A_77 = tpu.memref_slice %arg22[%add3A_11, %dma_start3A_76] : memref<10000x128xf32, #tpu.memory_space<vmem_shared>> -> memref<78x128xf32, #tpu.memory_space<vmem_shared>>
      tpu.enqueue_dma source(%arg20 : memref<78x128xf32, #tpu.memory_space<vmem>>) target(%dma_start3A_77 : memref<78x128xf32, #tpu.memory_space<vmem_shared>>) target_semaphore(%run_scoped3A_73 : memref<!tpu.dma_semaphore, #tpu.memory_space<semaphore_mem>>)
      %dma_wait3A = arith.constant 0 : i32
      %dma_wait3A_78 = tpu.memref_slice %arg22[%add3A_11, %dma_wait3A] : memref<10000x128xf32, #tpu.memory_space<vmem_shared>> -> memref<78x128xf32, #tpu.memory_space<vmem_shared>>
      %dma_wait3A_79 = arith.constant 0 : i32
      %dma_wait3A_80 = tpu.memref_slice %arg22[%add3A_11, %dma_wait3A_79] : memref<10000x128xf32, #tpu.memory_space<vmem_shared>> -> memref<78x128xf32, #tpu.memory_space<vmem_shared>>
      tpu.wait_dma2 semaphore(%run_scoped3A_73 : memref<!tpu.dma_semaphore, #tpu.memory_space<semaphore_mem>>) src(%arg20 : memref<78x128xf32, #tpu.memory_space<vmem>>) dst(%dma_wait3A_80 : memref<78x128xf32, #tpu.memory_space<vmem_shared>>)
      tpu.yield
    }) : () -> ()
    %add3A_12 = arith.constant 468 : i32
    %add3A_13 = arith.addi %mul3A_0, %add3A_12 : i32
    "tpu.region"() ({
      %run_scoped3A_73 = tpu.sem_alloc : memref<!tpu.dma_semaphore, #tpu.memory_space<semaphore_mem>>
      %dma_start3A_74 = arith.constant 0 : i32
      %dma_start3A_75 = tpu.memref_slice %arg6[%arg0, %add3A_13, %dma_start3A_74] : memref<2x10000x128xf32, #tpu.memory_space<hbm>> -> memref<1x78x128xf32, #tpu.memory_space<hbm>>
      %dma_start3A_76 = tpu.memref_squeeze %dma_start3A_75 : memref<1x78x128xf32, #tpu.memory_space<hbm>> -> memref<78x128xf32, #tpu.memory_space<hbm>>
      %dma_start3A_77 = arith.constant 0 : i32
      %dma_start3A_78 = tpu.memref_slice %arg6[%arg0, %add3A_13, %dma_start3A_77] : memref<2x10000x128xf32, #tpu.memory_space<hbm>> -> memref<1x78x128xf32, #tpu.memory_space<hbm>>
      %dma_start3A_79 = tpu.memref_squeeze %dma_start3A_78 : memref<1x78x128xf32, #tpu.memory_space<hbm>> -> memref<78x128xf32, #tpu.memory_space<hbm>>
      tpu.enqueue_dma source(%dma_start3A_79 : memref<78x128xf32, #tpu.memory_space<hbm>>) target(%arg20 : memref<78x128xf32, #tpu.memory_space<vmem>>) target_semaphore(%run_scoped3A_73 : memref<!tpu.dma_semaphore, #tpu.memory_space<semaphore_mem>>)
      %dma_wait3A = arith.constant 0 : i32
      %dma_wait3A_80 = tpu.memref_slice %arg6[%arg0, %add3A_13, %dma_wait3A] : memref<2x10000x128xf32, #tpu.memory_space<hbm>> -> memref<1x78x128xf32, #tpu.memory_space<hbm>>
      %dma_wait3A_81 = tpu.memref_squeeze %dma_wait3A_80 : memref<1x78x128xf32, #tpu.memory_space<hbm>> -> memref<78x128xf32, #tpu.memory_space<hbm>>
      %dma_wait3A_82 = arith.constant 0 : i32
      %dma_wait3A_83 = tpu.memref_slice %arg6[%arg0, %add3A_13, %dma_wait3A_82] : memref<2x10000x128xf32, #tpu.memory_space<hbm>> -> memref<1x78x128xf32, #tpu.memory_space<hbm>>
      %dma_wait3A_84 = tpu.memref_squeeze %dma_wait3A_83 : memref<1x78x128xf32, #tpu.memory_space<hbm>> -> memref<78x128xf32, #tpu.memory_space<hbm>>
      tpu.wait_dma2 semaphore(%run_scoped3A_73 : memref<!tpu.dma_semaphore, #tpu.memory_space<semaphore_mem>>) src(%dma_wait3A_84 : memref<78x128xf32, #tpu.memory_space<hbm>>) dst(%arg20 : memref<78x128xf32, #tpu.memory_space<vmem>>)
      tpu.yield
    }) : () -> ()
    "tpu.region"() ({
      %run_scoped3A_73 = tpu.sem_alloc : memref<!tpu.dma_semaphore, #tpu.memory_space<semaphore_mem>>
      %dma_start3A_74 = arith.constant 0 : i32
      %dma_start3A_75 = tpu.memref_slice %arg22[%add3A_13, %dma_start3A_74] : memref<10000x128xf32, #tpu.memory_space<vmem_shared>> -> memref<78x128xf32, #tpu.memory_space<vmem_shared>>
      %dma_start3A_76 = arith.constant 0 : i32
      %dma_start3A_77 = tpu.memref_slice %arg22[%add3A_13, %dma_start3A_76] : memref<10000x128xf32, #tpu.memory_space<vmem_shared>> -> memref<78x128xf32, #tpu.memory_space<vmem_shared>>
      tpu.enqueue_dma source(%arg20 : memref<78x128xf32, #tpu.memory_space<vmem>>) target(%dma_start3A_77 : memref<78x128xf32, #tpu.memory_space<vmem_shared>>) target_semaphore(%run_scoped3A_73 : memref<!tpu.dma_semaphore, #tpu.memory_space<semaphore_mem>>)
      %dma_wait3A = arith.constant 0 : i32
      %dma_wait3A_78 = tpu.memref_slice %arg22[%add3A_13, %dma_wait3A] : memref<10000x128xf32, #tpu.memory_space<vmem_shared>> -> memref<78x128xf32, #tpu.memory_space<vmem_shared>>
      %dma_wait3A_79 = arith.constant 0 : i32
      %dma_wait3A_80 = tpu.memref_slice %arg22[%add3A_13, %dma_wait3A_79] : memref<10000x128xf32, #tpu.memory_space<vmem_shared>> -> memref<78x128xf32, #tpu.memory_space<vmem_shared>>
      tpu.wait_dma2 semaphore(%run_scoped3A_73 : memref<!tpu.dma_semaphore, #tpu.memory_space<semaphore_mem>>) src(%arg20 : memref<78x128xf32, #tpu.memory_space<vmem>>) dst(%dma_wait3A_80 : memref<78x128xf32, #tpu.memory_space<vmem_shared>>)
      tpu.yield
    }) : () -> ()
    %add3A_14 = arith.constant 546 : i32
    %add3A_15 = arith.addi %mul3A_0, %add3A_14 : i32
    "tpu.region"() ({
      %run_scoped3A_73 = tpu.sem_alloc : memref<!tpu.dma_semaphore, #tpu.memory_space<semaphore_mem>>
      %dma_start3A_74 = arith.constant 0 : i32
      %dma_start3A_75 = tpu.memref_slice %arg6[%arg0, %add3A_15, %dma_start3A_74] : memref<2x10000x128xf32, #tpu.memory_space<hbm>> -> memref<1x78x128xf32, #tpu.memory_space<hbm>>
      %dma_start3A_76 = tpu.memref_squeeze %dma_start3A_75 : memref<1x78x128xf32, #tpu.memory_space<hbm>> -> memref<78x128xf32, #tpu.memory_space<hbm>>
      %dma_start3A_77 = arith.constant 0 : i32
      %dma_start3A_78 = tpu.memref_slice %arg6[%arg0, %add3A_15, %dma_start3A_77] : memref<2x10000x128xf32, #tpu.memory_space<hbm>> -> memref<1x78x128xf32, #tpu.memory_space<hbm>>
      %dma_start3A_79 = tpu.memref_squeeze %dma_start3A_78 : memref<1x78x128xf32, #tpu.memory_space<hbm>> -> memref<78x128xf32, #tpu.memory_space<hbm>>
      tpu.enqueue_dma source(%dma_start3A_79 : memref<78x128xf32, #tpu.memory_space<hbm>>) target(%arg20 : memref<78x128xf32, #tpu.memory_space<vmem>>) target_semaphore(%run_scoped3A_73 : memref<!tpu.dma_semaphore, #tpu.memory_space<semaphore_mem>>)
      %dma_wait3A = arith.constant 0 : i32
      %dma_wait3A_80 = tpu.memref_slice %arg6[%arg0, %add3A_15, %dma_wait3A] : memref<2x10000x128xf32, #tpu.memory_space<hbm>> -> memref<1x78x128xf32, #tpu.memory_space<hbm>>
      %dma_wait3A_81 = tpu.memref_squeeze %dma_wait3A_80 : memref<1x78x128xf32, #tpu.memory_space<hbm>> -> memref<78x128xf32, #tpu.memory_space<hbm>>
      %dma_wait3A_82 = arith.constant 0 : i32
      %dma_wait3A_83 = tpu.memref_slice %arg6[%arg0, %add3A_15, %dma_wait3A_82] : memref<2x10000x128xf32, #tpu.memory_space<hbm>> -> memref<1x78x128xf32, #tpu.memory_space<hbm>>
      %dma_wait3A_84 = tpu.memref_squeeze %dma_wait3A_83 : memref<1x78x128xf32, #tpu.memory_space<hbm>> -> memref<78x128xf32, #tpu.memory_space<hbm>>
      tpu.wait_dma2 semaphore(%run_scoped3A_73 : memref<!tpu.dma_semaphore, #tpu.memory_space<semaphore_mem>>) src(%dma_wait3A_84 : memref<78x128xf32, #tpu.memory_space<hbm>>) dst(%arg20 : memref<78x128xf32, #tpu.memory_space<vmem>>)
      tpu.yield
    }) : () -> ()
    "tpu.region"() ({
      %run_scoped3A_73 = tpu.sem_alloc : memref<!tpu.dma_semaphore, #tpu.memory_space<semaphore_mem>>
      %dma_start3A_74 = arith.constant 0 : i32
      %dma_start3A_75 = tpu.memref_slice %arg22[%add3A_15, %dma_start3A_74] : memref<10000x128xf32, #tpu.memory_space<vmem_shared>> -> memref<78x128xf32, #tpu.memory_space<vmem_shared>>
      %dma_start3A_76 = arith.constant 0 : i32
      %dma_start3A_77 = tpu.memref_slice %arg22[%add3A_15, %dma_start3A_76] : memref<10000x128xf32, #tpu.memory_space<vmem_shared>> -> memref<78x128xf32, #tpu.memory_space<vmem_shared>>
      tpu.enqueue_dma source(%arg20 : memref<78x128xf32, #tpu.memory_space<vmem>>) target(%dma_start3A_77 : memref<78x128xf32, #tpu.memory_space<vmem_shared>>) target_semaphore(%run_scoped3A_73 : memref<!tpu.dma_semaphore, #tpu.memory_space<semaphore_mem>>)
      %dma_wait3A = arith.constant 0 : i32
      %dma_wait3A_78 = tpu.memref_slice %arg22[%add3A_15, %dma_wait3A] : memref<10000x128xf32, #tpu.memory_space<vmem_shared>> -> memref<78x128xf32, #tpu.memory_space<vmem_shared>>
      %dma_wait3A_79 = arith.constant 0 : i32
      %dma_wait3A_80 = tpu.memref_slice %arg22[%add3A_15, %dma_wait3A_79] : memref<10000x128xf32, #tpu.memory_space<vmem_shared>> -> memref<78x128xf32, #tpu.memory_space<vmem_shared>>
      tpu.wait_dma2 semaphore(%run_scoped3A_73 : memref<!tpu.dma_semaphore, #tpu.memory_space<semaphore_mem>>) src(%arg20 : memref<78x128xf32, #tpu.memory_space<vmem>>) dst(%dma_wait3A_80 : memref<78x128xf32, #tpu.memory_space<vmem_shared>>)
      tpu.yield
    }) : () -> ()
    "tpu.region"() ({
      %run_scoped3A_73 = tpu.sem_alloc : memref<!tpu.dma_semaphore, #tpu.memory_space<semaphore_mem>>
      %dma_start3A_74 = arith.constant 0 : i32
      %dma_start3A_75 = tpu.memref_slice %arg7[%arg0, %mul3A_0, %dma_start3A_74] : memref<2x10000x16xf32, #tpu.memory_space<hbm>> -> memref<1x624x16xf32, #tpu.memory_space<hbm>>
      %dma_start3A_76 = tpu.memref_squeeze %dma_start3A_75 : memref<1x624x16xf32, #tpu.memory_space<hbm>> -> memref<624x16xf32, #tpu.memory_space<hbm>>
      %dma_start3A_77 = arith.constant 0 : i32
      %dma_start3A_78 = tpu.memref_slice %arg7[%arg0, %mul3A_0, %dma_start3A_77] : memref<2x10000x16xf32, #tpu.memory_space<hbm>> -> memref<1x624x16xf32, #tpu.memory_space<hbm>>
      %dma_start3A_79 = tpu.memref_squeeze %dma_start3A_78 : memref<1x624x16xf32, #tpu.memory_space<hbm>> -> memref<624x16xf32, #tpu.memory_space<hbm>>
      tpu.enqueue_dma source(%dma_start3A_79 : memref<624x16xf32, #tpu.memory_space<hbm>>) target(%arg21 : memref<624x16xf32, #tpu.memory_space<vmem>>) target_semaphore(%run_scoped3A_73 : memref<!tpu.dma_semaphore, #tpu.memory_space<semaphore_mem>>)
      %dma_wait3A = arith.constant 0 : i32
      %dma_wait3A_80 = tpu.memref_slice %arg7[%arg0, %mul3A_0, %dma_wait3A] : memref<2x10000x16xf32, #tpu.memory_space<hbm>> -> memref<1x624x16xf32, #tpu.memory_space<hbm>>
      %dma_wait3A_81 = tpu.memref_squeeze %dma_wait3A_80 : memref<1x624x16xf32, #tpu.memory_space<hbm>> -> memref<624x16xf32, #tpu.memory_space<hbm>>
      %dma_wait3A_82 = arith.constant 0 : i32
      %dma_wait3A_83 = tpu.memref_slice %arg7[%arg0, %mul3A_0, %dma_wait3A_82] : memref<2x10000x16xf32, #tpu.memory_space<hbm>> -> memref<1x624x16xf32, #tpu.memory_space<hbm>>
      %dma_wait3A_84 = tpu.memref_squeeze %dma_wait3A_83 : memref<1x624x16xf32, #tpu.memory_space<hbm>> -> memref<624x16xf32, #tpu.memory_space<hbm>>
      tpu.wait_dma2 semaphore(%run_scoped3A_73 : memref<!tpu.dma_semaphore, #tpu.memory_space<semaphore_mem>>) src(%dma_wait3A_84 : memref<624x16xf32, #tpu.memory_space<hbm>>) dst(%arg21 : memref<624x16xf32, #tpu.memory_space<vmem>>)
      tpu.yield
    }) : () -> ()
    "tpu.region"() ({
      %run_scoped3A_73 = tpu.sem_alloc : memref<!tpu.dma_semaphore, #tpu.memory_space<semaphore_mem>>
      %dma_start3A_74 = arith.constant 0 : i32
      %dma_start3A_75 = tpu.memref_slice %arg23[%mul3A_0, %dma_start3A_74] : memref<10000x16xf32, #tpu.memory_space<vmem_shared>> -> memref<624x16xf32, #tpu.memory_space<vmem_shared>>
      %dma_start3A_76 = arith.constant 0 : i32
      %dma_start3A_77 = tpu.memref_slice %arg23[%mul3A_0, %dma_start3A_76] : memref<10000x16xf32, #tpu.memory_space<vmem_shared>> -> memref<624x16xf32, #tpu.memory_space<vmem_shared>>
      tpu.enqueue_dma source(%arg21 : memref<624x16xf32, #tpu.memory_space<vmem>>) target(%dma_start3A_77 : memref<624x16xf32, #tpu.memory_space<vmem_shared>>) target_semaphore(%run_scoped3A_73 : memref<!tpu.dma_semaphore, #tpu.memory_space<semaphore_mem>>)
      %dma_wait3A = arith.constant 0 : i32
      %dma_wait3A_78 = tpu.memref_slice %arg23[%mul3A_0, %dma_wait3A] : memref<10000x16xf32, #tpu.memory_space<vmem_shared>> -> memref<624x16xf32, #tpu.memory_space<vmem_shared>>
      %dma_wait3A_79 = arith.constant 0 : i32
      %dma_wait3A_80 = tpu.memref_slice %arg23[%mul3A_0, %dma_wait3A_79] : memref<10000x16xf32, #tpu.memory_space<vmem_shared>> -> memref<624x16xf32, #tpu.memory_space<vmem_shared>>
      tpu.wait_dma2 semaphore(%run_scoped3A_73 : memref<!tpu.dma_semaphore, #tpu.memory_space<semaphore_mem>>) src(%arg21 : memref<624x16xf32, #tpu.memory_space<vmem>>) dst(%dma_wait3A_80 : memref<624x16xf32, #tpu.memory_space<vmem_shared>>)
      tpu.yield
    }) : () -> ()
    %eq3A = arith.constant 0 : i32
    %eq3A_16 = arith.cmpi eq, %arg1, %eq3A : i32
    %convert_element_type3A = arith.extui %eq3A_16 : i1 to i32
    %cond3A = arith.constant 0 : i32
    %cond3A_17 = arith.cmpi ne, %convert_element_type3A, %cond3A : i32
    scf.if %cond3A_17 {
      "tpu.region"() ({
        %run_scoped3A_73 = tpu.sem_alloc : memref<!tpu.dma_semaphore, #tpu.memory_space<semaphore_mem>>
        %dma_start3A_74 = arith.constant 0 : i32
        %dma_start3A_75 = arith.constant 0 : i32
        %dma_start3A_76 = tpu.memref_slice %arg20[%dma_start3A_74, %dma_start3A_75] : memref<78x128xf32, #tpu.memory_space<vmem>> -> memref<16x128xf32, #tpu.memory_space<vmem>>
        %dma_start3A_77 = arith.constant 9984 : i32
        %dma_start3A_78 = arith.constant 0 : i32
        %dma_start3A_79 = tpu.memref_slice %arg6[%arg0, %dma_start3A_77, %dma_start3A_78] : memref<2x10000x128xf32, #tpu.memory_space<hbm>> -> memref<1x16x128xf32, #tpu.memory_space<hbm>>
        %dma_start3A_80 = tpu.memref_squeeze %dma_start3A_79 : memref<1x16x128xf32, #tpu.memory_space<hbm>> -> memref<16x128xf32, #tpu.memory_space<hbm>>
        %dma_start3A_81 = arith.constant 0 : i32
        %dma_start3A_82 = arith.constant 0 : i32
        %dma_start3A_83 = tpu.memref_slice %arg20[%dma_start3A_81, %dma_start3A_82] : memref<78x128xf32, #tpu.memory_space<vmem>> -> memref<16x128xf32, #tpu.memory_space<vmem>>
        %dma_start3A_84 = arith.constant 9984 : i32
        %dma_start3A_85 = arith.constant 0 : i32
        %dma_start3A_86 = tpu.memref_slice %arg6[%arg0, %dma_start3A_84, %dma_start3A_85] : memref<2x10000x128xf32, #tpu.memory_space<hbm>> -> memref<1x16x128xf32, #tpu.memory_space<hbm>>
        %dma_start3A_87 = tpu.memref_squeeze %dma_start3A_86 : memref<1x16x128xf32, #tpu.memory_space<hbm>> -> memref<16x128xf32, #tpu.memory_space<hbm>>
        tpu.enqueue_dma source(%dma_start3A_87 : memref<16x128xf32, #tpu.memory_space<hbm>>) target(%dma_start3A_83 : memref<16x128xf32, #tpu.memory_space<vmem>>) target_semaphore(%run_scoped3A_73 : memref<!tpu.dma_semaphore, #tpu.memory_space<semaphore_mem>>)
        %dma_wait3A = arith.constant 0 : i32
        %dma_wait3A_88 = arith.constant 0 : i32
        %dma_wait3A_89 = tpu.memref_slice %arg20[%dma_wait3A, %dma_wait3A_88] : memref<78x128xf32, #tpu.memory_space<vmem>> -> memref<16x128xf32, #tpu.memory_space<vmem>>
        %dma_wait3A_90 = arith.constant 9984 : i32
        %dma_wait3A_91 = arith.constant 0 : i32
        %dma_wait3A_92 = tpu.memref_slice %arg6[%arg0, %dma_wait3A_90, %dma_wait3A_91] : memref<2x10000x128xf32, #tpu.memory_space<hbm>> -> memref<1x16x128xf32, #tpu.memory_space<hbm>>
        %dma_wait3A_93 = tpu.memref_squeeze %dma_wait3A_92 : memref<1x16x128xf32, #tpu.memory_space<hbm>> -> memref<16x128xf32, #tpu.memory_space<hbm>>
        %dma_wait3A_94 = arith.constant 0 : i32
        %dma_wait3A_95 = arith.constant 0 : i32
        %dma_wait3A_96 = tpu.memref_slice %arg20[%dma_wait3A_94, %dma_wait3A_95] : memref<78x128xf32, #tpu.memory_space<vmem>> -> memref<16x128xf32, #tpu.memory_space<vmem>>
        %dma_wait3A_97 = arith.constant 9984 : i32
        %dma_wait3A_98 = arith.constant 0 : i32
        %dma_wait3A_99 = tpu.memref_slice %arg6[%arg0, %dma_wait3A_97, %dma_wait3A_98] : memref<2x10000x128xf32, #tpu.memory_space<hbm>> -> memref<1x16x128xf32, #tpu.memory_space<hbm>>
        %dma_wait3A_100 = tpu.memref_squeeze %dma_wait3A_99 : memref<1x16x128xf32, #tpu.memory_space<hbm>> -> memref<16x128xf32, #tpu.memory_space<hbm>>
        tpu.wait_dma2 semaphore(%run_scoped3A_73 : memref<!tpu.dma_semaphore, #tpu.memory_space<semaphore_mem>>) src(%dma_wait3A_100 : memref<16x128xf32, #tpu.memory_space<hbm>>) dst(%dma_wait3A_96 : memref<16x128xf32, #tpu.memory_space<vmem>>)
        tpu.yield
      }) : () -> ()
      "tpu.region"() ({
        %run_scoped3A_73 = tpu.sem_alloc : memref<!tpu.dma_semaphore, #tpu.memory_space<semaphore_mem>>
        %dma_start3A_74 = arith.constant 0 : i32
        %dma_start3A_75 = arith.constant 0 : i32
        %dma_start3A_76 = tpu.memref_slice %arg20[%dma_start3A_74, %dma_start3A_75] : memref<78x128xf32, #tpu.memory_space<vmem>> -> memref<16x128xf32, #tpu.memory_space<vmem>>
        %dma_start3A_77 = arith.constant 9984 : i32
        %dma_start3A_78 = arith.constant 0 : i32
        %dma_start3A_79 = tpu.memref_slice %arg22[%dma_start3A_77, %dma_start3A_78] : memref<10000x128xf32, #tpu.memory_space<vmem_shared>> -> memref<16x128xf32, #tpu.memory_space<vmem_shared>>
        %dma_start3A_80 = arith.constant 9984 : i32
        %dma_start3A_81 = arith.constant 0 : i32
        %dma_start3A_82 = tpu.memref_slice %arg22[%dma_start3A_80, %dma_start3A_81] : memref<10000x128xf32, #tpu.memory_space<vmem_shared>> -> memref<16x128xf32, #tpu.memory_space<vmem_shared>>
        %dma_start3A_83 = arith.constant 0 : i32
        %dma_start3A_84 = arith.constant 0 : i32
        %dma_start3A_85 = tpu.memref_slice %arg20[%dma_start3A_83, %dma_start3A_84] : memref<78x128xf32, #tpu.memory_space<vmem>> -> memref<16x128xf32, #tpu.memory_space<vmem>>
        tpu.enqueue_dma source(%dma_start3A_85 : memref<16x128xf32, #tpu.memory_space<vmem>>) target(%dma_start3A_82 : memref<16x128xf32, #tpu.memory_space<vmem_shared>>) target_semaphore(%run_scoped3A_73 : memref<!tpu.dma_semaphore, #tpu.memory_space<semaphore_mem>>)
        %dma_wait3A = arith.constant 0 : i32
        %dma_wait3A_86 = arith.constant 0 : i32
        %dma_wait3A_87 = tpu.memref_slice %arg20[%dma_wait3A, %dma_wait3A_86] : memref<78x128xf32, #tpu.memory_space<vmem>> -> memref<16x128xf32, #tpu.memory_space<vmem>>
        %dma_wait3A_88 = arith.constant 9984 : i32
        %dma_wait3A_89 = arith.constant 0 : i32
        %dma_wait3A_90 = tpu.memref_slice %arg22[%dma_wait3A_88, %dma_wait3A_89] : memref<10000x128xf32, #tpu.memory_space<vmem_shared>> -> memref<16x128xf32, #tpu.memory_space<vmem_shared>>
        %dma_wait3A_91 = arith.constant 9984 : i32
        %dma_wait3A_92 = arith.constant 0 : i32
        %dma_wait3A_93 = tpu.memref_slice %arg22[%dma_wait3A_91, %dma_wait3A_92] : memref<10000x128xf32, #tpu.memory_space<vmem_shared>> -> memref<16x128xf32, #tpu.memory_space<vmem_shared>>
        %dma_wait3A_94 = arith.constant 0 : i32
        %dma_wait3A_95 = arith.constant 0 : i32
        %dma_wait3A_96 = tpu.memref_slice %arg20[%dma_wait3A_94, %dma_wait3A_95] : memref<78x128xf32, #tpu.memory_space<vmem>> -> memref<16x128xf32, #tpu.memory_space<vmem>>
        tpu.wait_dma2 semaphore(%run_scoped3A_73 : memref<!tpu.dma_semaphore, #tpu.memory_space<semaphore_mem>>) src(%dma_wait3A_96 : memref<16x128xf32, #tpu.memory_space<vmem>>) dst(%dma_wait3A_93 : memref<16x128xf32, #tpu.memory_space<vmem_shared>>)
        tpu.yield
      }) : () -> ()
      "tpu.region"() ({
        %run_scoped3A_73 = tpu.sem_alloc : memref<!tpu.dma_semaphore, #tpu.memory_space<semaphore_mem>>
        %dma_start3A_74 = arith.constant 0 : i32
        %dma_start3A_75 = arith.constant 0 : i32
        %dma_start3A_76 = tpu.memref_slice %arg21[%dma_start3A_74, %dma_start3A_75] : memref<624x16xf32, #tpu.memory_space<vmem>> -> memref<16x16xf32, #tpu.memory_space<vmem>>
        %dma_start3A_77 = arith.constant 9984 : i32
        %dma_start3A_78 = arith.constant 0 : i32
        %dma_start3A_79 = tpu.memref_slice %arg7[%arg0, %dma_start3A_77, %dma_start3A_78] : memref<2x10000x16xf32, #tpu.memory_space<hbm>> -> memref<1x16x16xf32, #tpu.memory_space<hbm>>
        %dma_start3A_80 = tpu.memref_squeeze %dma_start3A_79 : memref<1x16x16xf32, #tpu.memory_space<hbm>> -> memref<16x16xf32, #tpu.memory_space<hbm>>
        %dma_start3A_81 = arith.constant 0 : i32
        %dma_start3A_82 = arith.constant 0 : i32
        %dma_start3A_83 = tpu.memref_slice %arg21[%dma_start3A_81, %dma_start3A_82] : memref<624x16xf32, #tpu.memory_space<vmem>> -> memref<16x16xf32, #tpu.memory_space<vmem>>
        %dma_start3A_84 = arith.constant 9984 : i32
        %dma_start3A_85 = arith.constant 0 : i32
        %dma_start3A_86 = tpu.memref_slice %arg7[%arg0, %dma_start3A_84, %dma_start3A_85] : memref<2x10000x16xf32, #tpu.memory_space<hbm>> -> memref<1x16x16xf32, #tpu.memory_space<hbm>>
        %dma_start3A_87 = tpu.memref_squeeze %dma_start3A_86 : memref<1x16x16xf32, #tpu.memory_space<hbm>> -> memref<16x16xf32, #tpu.memory_space<hbm>>
        tpu.enqueue_dma source(%dma_start3A_87 : memref<16x16xf32, #tpu.memory_space<hbm>>) target(%dma_start3A_83 : memref<16x16xf32, #tpu.memory_space<vmem>>) target_semaphore(%run_scoped3A_73 : memref<!tpu.dma_semaphore, #tpu.memory_space<semaphore_mem>>)
        %dma_wait3A = arith.constant 0 : i32
        %dma_wait3A_88 = arith.constant 0 : i32
        %dma_wait3A_89 = tpu.memref_slice %arg21[%dma_wait3A, %dma_wait3A_88] : memref<624x16xf32, #tpu.memory_space<vmem>> -> memref<16x16xf32, #tpu.memory_space<vmem>>
        %dma_wait3A_90 = arith.constant 9984 : i32
        %dma_wait3A_91 = arith.constant 0 : i32
        %dma_wait3A_92 = tpu.memref_slice %arg7[%arg0, %dma_wait3A_90, %dma_wait3A_91] : memref<2x10000x16xf32, #tpu.memory_space<hbm>> -> memref<1x16x16xf32, #tpu.memory_space<hbm>>
        %dma_wait3A_93 = tpu.memref_squeeze %dma_wait3A_92 : memref<1x16x16xf32, #tpu.memory_space<hbm>> -> memref<16x16xf32, #tpu.memory_space<hbm>>
        %dma_wait3A_94 = arith.constant 0 : i32
        %dma_wait3A_95 = arith.constant 0 : i32
        %dma_wait3A_96 = tpu.memref_slice %arg21[%dma_wait3A_94, %dma_wait3A_95] : memref<624x16xf32, #tpu.memory_space<vmem>> -> memref<16x16xf32, #tpu.memory_space<vmem>>
        %dma_wait3A_97 = arith.constant 9984 : i32
        %dma_wait3A_98 = arith.constant 0 : i32
        %dma_wait3A_99 = tpu.memref_slice %arg7[%arg0, %dma_wait3A_97, %dma_wait3A_98] : memref<2x10000x16xf32, #tpu.memory_space<hbm>> -> memref<1x16x16xf32, #tpu.memory_space<hbm>>
        %dma_wait3A_100 = tpu.memref_squeeze %dma_wait3A_99 : memref<1x16x16xf32, #tpu.memory_space<hbm>> -> memref<16x16xf32, #tpu.memory_space<hbm>>
        tpu.wait_dma2 semaphore(%run_scoped3A_73 : memref<!tpu.dma_semaphore, #tpu.memory_space<semaphore_mem>>) src(%dma_wait3A_100 : memref<16x16xf32, #tpu.memory_space<hbm>>) dst(%dma_wait3A_96 : memref<16x16xf32, #tpu.memory_space<vmem>>)
        tpu.yield
      }) : () -> ()
      "tpu.region"() ({
        %run_scoped3A_73 = tpu.sem_alloc : memref<!tpu.dma_semaphore, #tpu.memory_space<semaphore_mem>>
        %dma_start3A_74 = arith.constant 0 : i32
        %dma_start3A_75 = arith.constant 0 : i32
        %dma_start3A_76 = tpu.memref_slice %arg21[%dma_start3A_74, %dma_start3A_75] : memref<624x16xf32, #tpu.memory_space<vmem>> -> memref<16x16xf32, #tpu.memory_space<vmem>>
        %dma_start3A_77 = arith.constant 9984 : i32
        %dma_start3A_78 = arith.constant 0 : i32
        %dma_start3A_79 = tpu.memref_slice %arg23[%dma_start3A_77, %dma_start3A_78] : memref<10000x16xf32, #tpu.memory_space<vmem_shared>> -> memref<16x16xf32, #tpu.memory_space<vmem_shared>>
        %dma_start3A_80 = arith.constant 9984 : i32
        %dma_start3A_81 = arith.constant 0 : i32
        %dma_start3A_82 = tpu.memref_slice %arg23[%dma_start3A_80, %dma_start3A_81] : memref<10000x16xf32, #tpu.memory_space<vmem_shared>> -> memref<16x16xf32, #tpu.memory_space<vmem_shared>>
        %dma_start3A_83 = arith.constant 0 : i32
        %dma_start3A_84 = arith.constant 0 : i32
        %dma_start3A_85 = tpu.memref_slice %arg21[%dma_start3A_83, %dma_start3A_84] : memref<624x16xf32, #tpu.memory_space<vmem>> -> memref<16x16xf32, #tpu.memory_space<vmem>>
        tpu.enqueue_dma source(%dma_start3A_85 : memref<16x16xf32, #tpu.memory_space<vmem>>) target(%dma_start3A_82 : memref<16x16xf32, #tpu.memory_space<vmem_shared>>) target_semaphore(%run_scoped3A_73 : memref<!tpu.dma_semaphore, #tpu.memory_space<semaphore_mem>>)
        %dma_wait3A = arith.constant 0 : i32
        %dma_wait3A_86 = arith.constant 0 : i32
        %dma_wait3A_87 = tpu.memref_slice %arg21[%dma_wait3A, %dma_wait3A_86] : memref<624x16xf32, #tpu.memory_space<vmem>> -> memref<16x16xf32, #tpu.memory_space<vmem>>
        %dma_wait3A_88 = arith.constant 9984 : i32
        %dma_wait3A_89 = arith.constant 0 : i32
        %dma_wait3A_90 = tpu.memref_slice %arg23[%dma_wait3A_88, %dma_wait3A_89] : memref<10000x16xf32, #tpu.memory_space<vmem_shared>> -> memref<16x16xf32, #tpu.memory_space<vmem_shared>>
        %dma_wait3A_91 = arith.constant 9984 : i32
        %dma_wait3A_92 = arith.constant 0 : i32
        %dma_wait3A_93 = tpu.memref_slice %arg23[%dma_wait3A_91, %dma_wait3A_92] : memref<10000x16xf32, #tpu.memory_space<vmem_shared>> -> memref<16x16xf32, #tpu.memory_space<vmem_shared>>
        %dma_wait3A_94 = arith.constant 0 : i32
        %dma_wait3A_95 = arith.constant 0 : i32
        %dma_wait3A_96 = tpu.memref_slice %arg21[%dma_wait3A_94, %dma_wait3A_95] : memref<624x16xf32, #tpu.memory_space<vmem>> -> memref<16x16xf32, #tpu.memory_space<vmem>>
        tpu.wait_dma2 semaphore(%run_scoped3A_73 : memref<!tpu.dma_semaphore, #tpu.memory_space<semaphore_mem>>) src(%dma_wait3A_96 : memref<16x16xf32, #tpu.memory_space<vmem>>) dst(%dma_wait3A_93 : memref<16x16xf32, #tpu.memory_space<vmem_shared>>)
        tpu.yield
      }) : () -> ()
    } else {
    }
    %iota3A = tpu.iota {dimensions = array<i32: 0>} : vector<16xi32>
    %broadcast_in_dim3A = arith.constant 0.000000e+00 : f32
    %broadcast_in_dim3A_18 = vector.broadcast %broadcast_in_dim3A : f32 to vector<16xf32>
    %eq3A_19 = arith.constant 0 : i32
    %eq3A_20 = arith.cmpi eq, %arg0, %eq3A_19 : i32
    %barrier3A = arith.constant 0 : index
    tpu.barrier barrier_id(%barrier3A)
    %run_scoped3A = arith.constant 0 : i32
    "tpu.region"() ({
      %run_scoped3A_73 = tpu.sem_alloc : memref<!tpu.dma_semaphore, #tpu.memory_space<semaphore_mem>>
      %dma_start3A_74 = arith.constant 0 : i32
      %dma_start3A_75 = arith.constant 0 : i32
      %dma_start3A_76 = arith.constant 0 : i32
      %dma_start3A_77 = tpu.memref_slice %arg2[%arg1, %dma_start3A_74, %dma_start3A_75, %dma_start3A_76] : memref<16x500x2x40xi32, #tpu.memory_space<hbm>> -> memref<1x500x2x40xi32, #tpu.memory_space<hbm>>
      %dma_start3A_78 = tpu.memref_squeeze %dma_start3A_77 : memref<1x500x2x40xi32, #tpu.memory_space<hbm>> -> memref<500x2x40xi32, #tpu.memory_space<hbm>>
      %dma_start3A_79 = arith.constant 0 : i32
      %dma_start3A_80 = arith.constant 0 : i32
      %dma_start3A_81 = tpu.memref_slice %dma_start3A_78[%run_scoped3A, %dma_start3A_79, %dma_start3A_80] : memref<500x2x40xi32, #tpu.memory_space<hbm>> -> memref<1x2x40xi32, #tpu.memory_space<hbm>>
      %dma_start3A_82 = tpu.memref_squeeze %dma_start3A_81 : memref<1x2x40xi32, #tpu.memory_space<hbm>> -> memref<2x40xi32, #tpu.memory_space<hbm>>
      %dma_start3A_83 = arith.constant 0 : i32
      %dma_start3A_84 = arith.constant 0 : i32
      %dma_start3A_85 = arith.constant 0 : i32
      %dma_start3A_86 = tpu.memref_slice %arg2[%arg1, %dma_start3A_83, %dma_start3A_84, %dma_start3A_85] : memref<16x500x2x40xi32, #tpu.memory_space<hbm>> -> memref<1x500x2x40xi32, #tpu.memory_space<hbm>>
      %dma_start3A_87 = tpu.memref_squeeze %dma_start3A_86 : memref<1x500x2x40xi32, #tpu.memory_space<hbm>> -> memref<500x2x40xi32, #tpu.memory_space<hbm>>
      %dma_start3A_88 = arith.constant 0 : i32
      %dma_start3A_89 = arith.constant 0 : i32
      %dma_start3A_90 = tpu.memref_slice %dma_start3A_87[%run_scoped3A, %dma_start3A_88, %dma_start3A_89] : memref<500x2x40xi32, #tpu.memory_space<hbm>> -> memref<1x2x40xi32, #tpu.memory_space<hbm>>
      %dma_start3A_91 = tpu.memref_squeeze %dma_start3A_90 : memref<1x2x40xi32, #tpu.memory_space<hbm>> -> memref<2x40xi32, #tpu.memory_space<hbm>>
      tpu.enqueue_dma source(%dma_start3A_91 : memref<2x40xi32, #tpu.memory_space<hbm>>) target(%arg10 : memref<2x40xi32, #tpu.memory_space<vmem>>) target_semaphore(%run_scoped3A_73 : memref<!tpu.dma_semaphore, #tpu.memory_space<semaphore_mem>>)
      %dma_wait3A = arith.constant 0 : i32
      %dma_wait3A_92 = arith.constant 0 : i32
      %dma_wait3A_93 = arith.constant 0 : i32
      %dma_wait3A_94 = tpu.memref_slice %arg2[%arg1, %dma_wait3A, %dma_wait3A_92, %dma_wait3A_93] : memref<16x500x2x40xi32, #tpu.memory_space<hbm>> -> memref<1x500x2x40xi32, #tpu.memory_space<hbm>>
      %dma_wait3A_95 = tpu.memref_squeeze %dma_wait3A_94 : memref<1x500x2x40xi32, #tpu.memory_space<hbm>> -> memref<500x2x40xi32, #tpu.memory_space<hbm>>
      %dma_wait3A_96 = arith.constant 0 : i32
      %dma_wait3A_97 = arith.constant 0 : i32
      %dma_wait3A_98 = tpu.memref_slice %dma_wait3A_95[%run_scoped3A, %dma_wait3A_96, %dma_wait3A_97] : memref<500x2x40xi32, #tpu.memory_space<hbm>> -> memref<1x2x40xi32, #tpu.memory_space<hbm>>
      %dma_wait3A_99 = tpu.memref_squeeze %dma_wait3A_98 : memref<1x2x40xi32, #tpu.memory_space<hbm>> -> memref<2x40xi32, #tpu.memory_space<hbm>>
      %dma_wait3A_100 = arith.constant 0 : i32
      %dma_wait3A_101 = arith.constant 0 : i32
      %dma_wait3A_102 = arith.constant 0 : i32
      %dma_wait3A_103 = tpu.memref_slice %arg2[%arg1, %dma_wait3A_100, %dma_wait3A_101, %dma_wait3A_102] : memref<16x500x2x40xi32, #tpu.memory_space<hbm>> -> memref<1x500x2x40xi32, #tpu.memory_space<hbm>>
      %dma_wait3A_104 = tpu.memref_squeeze %dma_wait3A_103 : memref<1x500x2x40xi32, #tpu.memory_space<hbm>> -> memref<500x2x40xi32, #tpu.memory_space<hbm>>
      %dma_wait3A_105 = arith.constant 0 : i32
      %dma_wait3A_106 = arith.constant 0 : i32
      %dma_wait3A_107 = tpu.memref_slice %dma_wait3A_104[%run_scoped3A, %dma_wait3A_105, %dma_wait3A_106] : memref<500x2x40xi32, #tpu.memory_space<hbm>> -> memref<1x2x40xi32, #tpu.memory_space<hbm>>
      %dma_wait3A_108 = tpu.memref_squeeze %dma_wait3A_107 : memref<1x2x40xi32, #tpu.memory_space<hbm>> -> memref<2x40xi32, #tpu.memory_space<hbm>>
      tpu.wait_dma2 semaphore(%run_scoped3A_73 : memref<!tpu.dma_semaphore, #tpu.memory_space<semaphore_mem>>) src(%dma_wait3A_108 : memref<2x40xi32, #tpu.memory_space<hbm>>) dst(%arg10 : memref<2x40xi32, #tpu.memory_space<vmem>>)
      tpu.yield
    }) : () -> ()
    %dma_start3A = arith.constant 0 : i32
    %dma_start3A_21 = arith.constant 0 : i32
    %dma_start3A_22 = tpu.memref_slice %arg10[%dma_start3A, %dma_start3A_21] : memref<2x40xi32, #tpu.memory_space<vmem>> -> memref<1x40xi32, #tpu.memory_space<vmem>>
    %dma_start3A_23 = tpu.memref_squeeze %dma_start3A_22 : memref<1x40xi32, #tpu.memory_space<vmem>> -> memref<40xi32, #tpu.memory_space<vmem>>
    %dma_start3A_24 = arith.constant 0 : i32
    %dma_start3A_25 = arith.constant 0 : i32
    %dma_start3A_26 = tpu.memref_slice %arg3[%dma_start3A_24, %dma_start3A_25] : memref<10000x16xf32, #tpu.memory_space<hbm>> -> memref<10000x16xf32, #tpu.memory_space<hbm>>
    tpu.enqueue_indirect_dma source(%dma_start3A_26 : memref<10000x16xf32, #tpu.memory_space<hbm>>) target(%arg12 : memref<40x16xf32, #tpu.memory_space<vmem>>) offsets(%dma_start3A_23 : memref<40xi32, #tpu.memory_space<vmem>>) semaphore(%arg24 : memref<!tpu.dma_semaphore, #tpu.memory_space<semaphore_mem>>)
    %dma_start3A_27 = arith.constant 1 : i32
    %dma_start3A_28 = arith.constant 0 : i32
    %dma_start3A_29 = tpu.memref_slice %arg10[%dma_start3A_27, %dma_start3A_28] : memref<2x40xi32, #tpu.memory_space<vmem>> -> memref<1x40xi32, #tpu.memory_space<vmem>>
    %dma_start3A_30 = tpu.memref_squeeze %dma_start3A_29 : memref<1x40xi32, #tpu.memory_space<vmem>> -> memref<40xi32, #tpu.memory_space<vmem>>
    %dma_start3A_31 = arith.constant 0 : i32
    %dma_start3A_32 = arith.constant 0 : i32
    %dma_start3A_33 = tpu.memref_slice %arg4[%dma_start3A_31, %dma_start3A_32] : memref<10000x16xf32, #tpu.memory_space<hbm>> -> memref<10000x16xf32, #tpu.memory_space<hbm>>
    tpu.enqueue_indirect_dma source(%dma_start3A_33 : memref<10000x16xf32, #tpu.memory_space<hbm>>) target(%arg14 : memref<40x16xf32, #tpu.memory_space<vmem>>) offsets(%dma_start3A_30 : memref<40xi32, #tpu.memory_space<vmem>>) semaphore(%arg24 : memref<!tpu.dma_semaphore, #tpu.memory_space<semaphore_mem>>)
    %dma_start3A_34 = arith.constant 0 : i32
    %dma_start3A_35 = arith.constant 0 : i32
    %dma_start3A_36 = tpu.memref_slice %arg10[%dma_start3A_34, %dma_start3A_35] : memref<2x40xi32, #tpu.memory_space<vmem>> -> memref<1x40xi32, #tpu.memory_space<vmem>>
    %dma_start3A_37 = tpu.memref_squeeze %dma_start3A_36 : memref<1x40xi32, #tpu.memory_space<vmem>> -> memref<40xi32, #tpu.memory_space<vmem>>
    %dma_start3A_38 = arith.constant 0 : i32
    %dma_start3A_39 = arith.constant 0 : i32
    %dma_start3A_40 = tpu.memref_slice %arg5[%arg0, %dma_start3A_38, %dma_start3A_39] : memref<2x10000x128xf32, #tpu.memory_space<hbm>> -> memref<1x10000x128xf32, #tpu.memory_space<hbm>>
    %dma_start3A_41 = tpu.memref_squeeze %dma_start3A_40 : memref<1x10000x128xf32, #tpu.memory_space<hbm>> -> memref<10000x128xf32, #tpu.memory_space<hbm>>
    %dma_start3A_42 = arith.constant 0 : i32
    %dma_start3A_43 = arith.constant 0 : i32
    %dma_start3A_44 = tpu.memref_slice %dma_start3A_41[%dma_start3A_42, %dma_start3A_43] : memref<10000x128xf32, #tpu.memory_space<hbm>> -> memref<10000x128xf32, #tpu.memory_space<hbm>>
    tpu.enqueue_indirect_dma source(%dma_start3A_44 : memref<10000x128xf32, #tpu.memory_space<hbm>>) target(%arg16 : memref<40x128xf32, #tpu.memory_space<vmem>>) offsets(%dma_start3A_37 : memref<40xi32, #tpu.memory_space<vmem>>) semaphore(%arg24 : memref<!tpu.dma_semaphore, #tpu.memory_space<semaphore_mem>>)
    %scan3A = arith.constant 0 : i32
    %scan3A_45 = arith.constant 0 : i32
    %scan3A_46 = arith.constant 250 : i32
    %scan3A_47 = arith.addi %scan3A_45, %scan3A_46 : i32
    %scan3A_48 = arith.constant 1 : i32
    %scan3A_49 = scf.for %scan3A_73 = %scan3A_45 to %scan3A_47 step %scan3A_48 iter_args(%scan3A_74 = %scan3A) -> (i32)  : i32 {
      %mul3A_75 = arith.constant 2 : i32
      %mul3A_76 = arith.muli %mul3A_75, %scan3A_73 : i32
      %add3A_77 = arith.constant 1 : i32
      %add3A_78 = arith.addi %mul3A_76, %add3A_77 : i32
      "tpu.region"() ({
        %run_scoped3A_176 = tpu.sem_alloc : memref<!tpu.dma_semaphore, #tpu.memory_space<semaphore_mem>>
        %dma_start3A_177 = arith.constant 0 : i32
        %dma_start3A_178 = arith.constant 0 : i32
        %dma_start3A_179 = arith.constant 0 : i32
        %dma_start3A_180 = tpu.memref_slice %arg2[%arg1, %dma_start3A_177, %dma_start3A_178, %dma_start3A_179] : memref<16x500x2x40xi32, #tpu.memory_space<hbm>> -> memref<1x500x2x40xi32, #tpu.memory_space<hbm>>
        %dma_start3A_181 = tpu.memref_squeeze %dma_start3A_180 : memref<1x500x2x40xi32, #tpu.memory_space<hbm>> -> memref<500x2x40xi32, #tpu.memory_space<hbm>>
        %dma_start3A_182 = arith.constant 0 : i32
        %dma_start3A_183 = arith.constant 0 : i32
        %dma_start3A_184 = tpu.memref_slice %dma_start3A_181[%add3A_78, %dma_start3A_182, %dma_start3A_183] : memref<500x2x40xi32, #tpu.memory_space<hbm>> -> memref<1x2x40xi32, #tpu.memory_space<hbm>>
        %dma_start3A_185 = tpu.memref_squeeze %dma_start3A_184 : memref<1x2x40xi32, #tpu.memory_space<hbm>> -> memref<2x40xi32, #tpu.memory_space<hbm>>
        %dma_start3A_186 = arith.constant 0 : i32
        %dma_start3A_187 = arith.constant 0 : i32
        %dma_start3A_188 = arith.constant 0 : i32
        %dma_start3A_189 = tpu.memref_slice %arg2[%arg1, %dma_start3A_186, %dma_start3A_187, %dma_start3A_188] : memref<16x500x2x40xi32, #tpu.memory_space<hbm>> -> memref<1x500x2x40xi32, #tpu.memory_space<hbm>>
        %dma_start3A_190 = tpu.memref_squeeze %dma_start3A_189 : memref<1x500x2x40xi32, #tpu.memory_space<hbm>> -> memref<500x2x40xi32, #tpu.memory_space<hbm>>
        %dma_start3A_191 = arith.constant 0 : i32
        %dma_start3A_192 = arith.constant 0 : i32
        %dma_start3A_193 = tpu.memref_slice %dma_start3A_190[%add3A_78, %dma_start3A_191, %dma_start3A_192] : memref<500x2x40xi32, #tpu.memory_space<hbm>> -> memref<1x2x40xi32, #tpu.memory_space<hbm>>
        %dma_start3A_194 = tpu.memref_squeeze %dma_start3A_193 : memref<1x2x40xi32, #tpu.memory_space<hbm>> -> memref<2x40xi32, #tpu.memory_space<hbm>>
        tpu.enqueue_dma source(%dma_start3A_194 : memref<2x40xi32, #tpu.memory_space<hbm>>) target(%arg11 : memref<2x40xi32, #tpu.memory_space<vmem>>) target_semaphore(%run_scoped3A_176 : memref<!tpu.dma_semaphore, #tpu.memory_space<semaphore_mem>>)
        %dma_wait3A_195 = arith.constant 0 : i32
        %dma_wait3A_196 = arith.constant 0 : i32
        %dma_wait3A_197 = arith.constant 0 : i32
        %dma_wait3A_198 = tpu.memref_slice %arg2[%arg1, %dma_wait3A_195, %dma_wait3A_196, %dma_wait3A_197] : memref<16x500x2x40xi32, #tpu.memory_space<hbm>> -> memref<1x500x2x40xi32, #tpu.memory_space<hbm>>
        %dma_wait3A_199 = tpu.memref_squeeze %dma_wait3A_198 : memref<1x500x2x40xi32, #tpu.memory_space<hbm>> -> memref<500x2x40xi32, #tpu.memory_space<hbm>>
        %dma_wait3A_200 = arith.constant 0 : i32
        %dma_wait3A_201 = arith.constant 0 : i32
        %dma_wait3A_202 = tpu.memref_slice %dma_wait3A_199[%add3A_78, %dma_wait3A_200, %dma_wait3A_201] : memref<500x2x40xi32, #tpu.memory_space<hbm>> -> memref<1x2x40xi32, #tpu.memory_space<hbm>>
        %dma_wait3A_203 = tpu.memref_squeeze %dma_wait3A_202 : memref<1x2x40xi32, #tpu.memory_space<hbm>> -> memref<2x40xi32, #tpu.memory_space<hbm>>
        %dma_wait3A_204 = arith.constant 0 : i32
        %dma_wait3A_205 = arith.constant 0 : i32
        %dma_wait3A_206 = arith.constant 0 : i32
        %dma_wait3A_207 = tpu.memref_slice %arg2[%arg1, %dma_wait3A_204, %dma_wait3A_205, %dma_wait3A_206] : memref<16x500x2x40xi32, #tpu.memory_space<hbm>> -> memref<1x500x2x40xi32, #tpu.memory_space<hbm>>
        %dma_wait3A_208 = tpu.memref_squeeze %dma_wait3A_207 : memref<1x500x2x40xi32, #tpu.memory_space<hbm>> -> memref<500x2x40xi32, #tpu.memory_space<hbm>>
        %dma_wait3A_209 = arith.constant 0 : i32
        %dma_wait3A_210 = arith.constant 0 : i32
        %dma_wait3A_211 = tpu.memref_slice %dma_wait3A_208[%add3A_78, %dma_wait3A_209, %dma_wait3A_210] : memref<500x2x40xi32, #tpu.memory_space<hbm>> -> memref<1x2x40xi32, #tpu.memory_space<hbm>>
        %dma_wait3A_212 = tpu.memref_squeeze %dma_wait3A_211 : memref<1x2x40xi32, #tpu.memory_space<hbm>> -> memref<2x40xi32, #tpu.memory_space<hbm>>
        tpu.wait_dma2 semaphore(%run_scoped3A_176 : memref<!tpu.dma_semaphore, #tpu.memory_space<semaphore_mem>>) src(%dma_wait3A_212 : memref<2x40xi32, #tpu.memory_space<hbm>>) dst(%arg11 : memref<2x40xi32, #tpu.memory_space<vmem>>)
        tpu.yield
      }) : () -> ()
      %dma_start3A_79 = arith.constant 0 : i32
      %dma_start3A_80 = arith.constant 0 : i32
      %dma_start3A_81 = tpu.memref_slice %arg11[%dma_start3A_79, %dma_start3A_80] : memref<2x40xi32, #tpu.memory_space<vmem>> -> memref<1x40xi32, #tpu.memory_space<vmem>>
      %dma_start3A_82 = tpu.memref_squeeze %dma_start3A_81 : memref<1x40xi32, #tpu.memory_space<vmem>> -> memref<40xi32, #tpu.memory_space<vmem>>
      %dma_start3A_83 = arith.constant 0 : i32
      %dma_start3A_84 = arith.constant 0 : i32
      %dma_start3A_85 = tpu.memref_slice %arg3[%dma_start3A_83, %dma_start3A_84] : memref<10000x16xf32, #tpu.memory_space<hbm>> -> memref<10000x16xf32, #tpu.memory_space<hbm>>
      tpu.enqueue_indirect_dma source(%dma_start3A_85 : memref<10000x16xf32, #tpu.memory_space<hbm>>) target(%arg13 : memref<40x16xf32, #tpu.memory_space<vmem>>) offsets(%dma_start3A_82 : memref<40xi32, #tpu.memory_space<vmem>>) semaphore(%arg25 : memref<!tpu.dma_semaphore, #tpu.memory_space<semaphore_mem>>)
      %dma_start3A_86 = arith.constant 1 : i32
      %dma_start3A_87 = arith.constant 0 : i32
      %dma_start3A_88 = tpu.memref_slice %arg11[%dma_start3A_86, %dma_start3A_87] : memref<2x40xi32, #tpu.memory_space<vmem>> -> memref<1x40xi32, #tpu.memory_space<vmem>>
      %dma_start3A_89 = tpu.memref_squeeze %dma_start3A_88 : memref<1x40xi32, #tpu.memory_space<vmem>> -> memref<40xi32, #tpu.memory_space<vmem>>
      %dma_start3A_90 = arith.constant 0 : i32
      %dma_start3A_91 = arith.constant 0 : i32
      %dma_start3A_92 = tpu.memref_slice %arg4[%dma_start3A_90, %dma_start3A_91] : memref<10000x16xf32, #tpu.memory_space<hbm>> -> memref<10000x16xf32, #tpu.memory_space<hbm>>
      tpu.enqueue_indirect_dma source(%dma_start3A_92 : memref<10000x16xf32, #tpu.memory_space<hbm>>) target(%arg15 : memref<40x16xf32, #tpu.memory_space<vmem>>) offsets(%dma_start3A_89 : memref<40xi32, #tpu.memory_space<vmem>>) semaphore(%arg25 : memref<!tpu.dma_semaphore, #tpu.memory_space<semaphore_mem>>)
      %dma_start3A_93 = arith.constant 0 : i32
      %dma_start3A_94 = arith.constant 0 : i32
      %dma_start3A_95 = tpu.memref_slice %arg11[%dma_start3A_93, %dma_start3A_94] : memref<2x40xi32, #tpu.memory_space<vmem>> -> memref<1x40xi32, #tpu.memory_space<vmem>>
      %dma_start3A_96 = tpu.memref_squeeze %dma_start3A_95 : memref<1x40xi32, #tpu.memory_space<vmem>> -> memref<40xi32, #tpu.memory_space<vmem>>
      %dma_start3A_97 = arith.constant 0 : i32
      %dma_start3A_98 = arith.constant 0 : i32
      %dma_start3A_99 = tpu.memref_slice %arg5[%arg0, %dma_start3A_97, %dma_start3A_98] : memref<2x10000x128xf32, #tpu.memory_space<hbm>> -> memref<1x10000x128xf32, #tpu.memory_space<hbm>>
      %dma_start3A_100 = tpu.memref_squeeze %dma_start3A_99 : memref<1x10000x128xf32, #tpu.memory_space<hbm>> -> memref<10000x128xf32, #tpu.memory_space<hbm>>
      %dma_start3A_101 = arith.constant 0 : i32
      %dma_start3A_102 = arith.constant 0 : i32
      %dma_start3A_103 = tpu.memref_slice %dma_start3A_100[%dma_start3A_101, %dma_start3A_102] : memref<10000x128xf32, #tpu.memory_space<hbm>> -> memref<10000x128xf32, #tpu.memory_space<hbm>>
      tpu.enqueue_indirect_dma source(%dma_start3A_103 : memref<10000x128xf32, #tpu.memory_space<hbm>>) target(%arg17 : memref<40x128xf32, #tpu.memory_space<vmem>>) offsets(%dma_start3A_96 : memref<40xi32, #tpu.memory_space<vmem>>) semaphore(%arg25 : memref<!tpu.dma_semaphore, #tpu.memory_space<semaphore_mem>>)
      %dma_wait3A = arith.constant 0 : i32
      %dma_wait3A_104 = arith.constant 0 : i32
      %dma_wait3A_105 = tpu.memref_slice %arg10[%dma_wait3A, %dma_wait3A_104] : memref<2x40xi32, #tpu.memory_space<vmem>> -> memref<1x40xi32, #tpu.memory_space<vmem>>
      %dma_wait3A_106 = tpu.memref_squeeze %dma_wait3A_105 : memref<1x40xi32, #tpu.memory_space<vmem>> -> memref<40xi32, #tpu.memory_space<vmem>>
      %dma_wait3A_107 = arith.constant 0 : i32
      %dma_wait3A_108 = arith.constant 0 : i32
      %dma_wait3A_109 = tpu.memref_slice %arg3[%dma_wait3A_107, %dma_wait3A_108] : memref<10000x16xf32, #tpu.memory_space<hbm>> -> memref<10000x16xf32, #tpu.memory_space<hbm>>
      tpu.wait_indirect_dma semaphore(%arg24 : memref<!tpu.dma_semaphore, #tpu.memory_space<semaphore_mem>>) src(%dma_wait3A_109 : memref<10000x16xf32, #tpu.memory_space<hbm>>) dst(%arg12 : memref<40x16xf32, #tpu.memory_space<vmem>>)
      %dma_wait3A_110 = arith.constant 1 : i32
      %dma_wait3A_111 = arith.constant 0 : i32
      %dma_wait3A_112 = tpu.memref_slice %arg10[%dma_wait3A_110, %dma_wait3A_111] : memref<2x40xi32, #tpu.memory_space<vmem>> -> memref<1x40xi32, #tpu.memory_space<vmem>>
      %dma_wait3A_113 = tpu.memref_squeeze %dma_wait3A_112 : memref<1x40xi32, #tpu.memory_space<vmem>> -> memref<40xi32, #tpu.memory_space<vmem>>
      %dma_wait3A_114 = arith.constant 0 : i32
      %dma_wait3A_115 = arith.constant 0 : i32
      %dma_wait3A_116 = tpu.memref_slice %arg4[%dma_wait3A_114, %dma_wait3A_115] : memref<10000x16xf32, #tpu.memory_space<hbm>> -> memref<10000x16xf32, #tpu.memory_space<hbm>>
      tpu.wait_indirect_dma semaphore(%arg24 : memref<!tpu.dma_semaphore, #tpu.memory_space<semaphore_mem>>) src(%dma_wait3A_116 : memref<10000x16xf32, #tpu.memory_space<hbm>>) dst(%arg14 : memref<40x16xf32, #tpu.memory_space<vmem>>)
      %dma_wait3A_117 = arith.constant 0 : i32
      %dma_wait3A_118 = arith.constant 0 : i32
      %dma_wait3A_119 = tpu.memref_slice %arg10[%dma_wait3A_117, %dma_wait3A_118] : memref<2x40xi32, #tpu.memory_space<vmem>> -> memref<1x40xi32, #tpu.memory_space<vmem>>
      %dma_wait3A_120 = tpu.memref_squeeze %dma_wait3A_119 : memref<1x40xi32, #tpu.memory_space<vmem>> -> memref<40xi32, #tpu.memory_space<vmem>>
      %dma_wait3A_121 = arith.constant 0 : i32
      %dma_wait3A_122 = arith.constant 0 : i32
      %dma_wait3A_123 = tpu.memref_slice %arg5[%arg0, %dma_wait3A_121, %dma_wait3A_122] : memref<2x10000x128xf32, #tpu.memory_space<hbm>> -> memref<1x10000x128xf32, #tpu.memory_space<hbm>>
      %dma_wait3A_124 = tpu.memref_squeeze %dma_wait3A_123 : memref<1x10000x128xf32, #tpu.memory_space<hbm>> -> memref<10000x128xf32, #tpu.memory_space<hbm>>
      %dma_wait3A_125 = arith.constant 0 : i32
      %dma_wait3A_126 = arith.constant 0 : i32
      %dma_wait3A_127 = tpu.memref_slice %dma_wait3A_124[%dma_wait3A_125, %dma_wait3A_126] : memref<10000x128xf32, #tpu.memory_space<hbm>> -> memref<10000x128xf32, #tpu.memory_space<hbm>>
      tpu.wait_indirect_dma semaphore(%arg24 : memref<!tpu.dma_semaphore, #tpu.memory_space<semaphore_mem>>) src(%dma_wait3A_127 : memref<10000x128xf32, #tpu.memory_space<hbm>>) dst(%arg16 : memref<40x128xf32, #tpu.memory_space<vmem>>)
      %scan3A_128 = arith.constant 0 : i32
      %scan3A_129 = arith.constant 0 : i32
      %scan3A_130 = arith.constant 40 : i32
      %scan3A_131 = arith.addi %scan3A_129, %scan3A_130 : i32
      %scan3A_132 = arith.constant 1 : i32
      %scan3A_133 = scf.for %scan3A_176 = %scan3A_129 to %scan3A_131 step %scan3A_132 iter_args(%scan3A_177 = %scan3A_128) -> (i32)  : i32 {
        %get3A = arith.index_cast %scan3A_176 : i32 to index
        %get3A_178 = arith.constant 0 : index
        %get3A_179 = tpu.vector_load %arg12[%get3A, %get3A_178] {strides = array<i32>} : memref<40x16xf32, #tpu.memory_space<vmem>>, vector<16xf32>,
        %get3A_180 = arith.index_cast %scan3A_176 : i32 to index
        %get3A_181 = arith.constant 0 : index
        %get3A_182 = tpu.vector_load %arg14[%get3A_180, %get3A_181] {strides = array<i32>} : memref<40x16xf32, #tpu.memory_space<vmem>>, vector<16xf32>,
        %add3A_183 = arith.addf %get3A_179, %get3A_182 : vector<16xf32>
        %mul3A_184 = arith.constant 2.000000e-01 : f32
        %mul3A_185 = vector.broadcast %mul3A_184 : f32 to vector<16xf32>
        %mul3A_186 = arith.mulf %mul3A_185, %add3A_183 : vector<16xf32>
        %max3A = arith.maximumf %add3A_183, %mul3A_186 : vector<16xf32>
        %exp3A = math.exp %max3A : vector<16xf32>
        %slice3A = vector.extract_strided_slice %exp3A {offsets = [0], sizes = [1], strides = [1]} : vector<16xf32> to vector<1xf32>
        %squeeze3A = vector.extract %slice3A[0] : f32 from vector<1xf32>
        %slice3A_187 = vector.extract_strided_slice %exp3A {offsets = [2], sizes = [1], strides = [1]} : vector<16xf32> to vector<1xf32>
        %squeeze3A_188 = vector.extract %slice3A_187[0] : f32 from vector<1xf32>
        %select_n3A = arith.select %eq3A_20, %squeeze3A, %squeeze3A_188 : f32
        %slice3A_189 = vector.extract_strided_slice %exp3A {offsets = [1], sizes = [1], strides = [1]} : vector<16xf32> to vector<1xf32>
        %squeeze3A_190 = vector.extract %slice3A_189[0] : f32 from vector<1xf32>
        %slice3A_191 = vector.extract_strided_slice %exp3A {offsets = [3], sizes = [1], strides = [1]} : vector<16xf32> to vector<1xf32>
        %squeeze3A_192 = vector.extract %slice3A_191[0] : f32 from vector<1xf32>
        %select_n3A_193 = arith.select %eq3A_20, %squeeze3A_190, %squeeze3A_192 : f32
        %broadcast_in_dim3A_194 = vector.broadcast %select_n3A : f32 to vector<16xf32>
        %broadcast_in_dim3A_195 = vector.broadcast %select_n3A_193 : f32 to vector<16xf32>
        %eq3A_196 = arith.constant 0 : i32
        %eq3A_197 = vector.broadcast %eq3A_196 : i32 to vector<16xi32>
        %eq3A_198 = arith.cmpi eq, %iota3A, %eq3A_197 : vector<16xi32>
        %eq3A_199 = arith.constant 1 : i32
        %eq3A_200 = vector.broadcast %eq3A_199 : i32 to vector<16xi32>
        %eq3A_201 = arith.cmpi eq, %iota3A, %eq3A_200 : vector<16xi32>
        %select_n3A_202 = arith.select %eq3A_201, %broadcast_in_dim3A_195, %broadcast_in_dim3A_18 : vector<16xi1>, vector<16xf32>
        %select_n3A_203 = arith.select %eq3A_198, %broadcast_in_dim3A_194, %select_n3A_202 : vector<16xi1>, vector<16xf32>
        %swap3A = arith.index_cast %scan3A_176 : i32 to index
        %swap3A_204 = arith.constant 0 : index
        %swap3A_205 = tpu.vector_load %arg19[%swap3A, %swap3A_204] {strides = array<i32>} : memref<40x16xf32, #tpu.memory_space<vmem>>, vector<16xf32>,
        tpu.vector_store %arg19[%swap3A, %swap3A_204], %select_n3A_203 {strides = array<i32>} : memref<40x16xf32, #tpu.memory_space<vmem>>, vector<16xf32>,
        %get3A_206 = arith.index_cast %scan3A_176 : i32 to index
        %get3A_207 = arith.constant 0 : index
        %get3A_208 = tpu.vector_load %arg16[%get3A_206, %get3A_207] {strides = array<i32>} : memref<40x128xf32, #tpu.memory_space<vmem>>, vector<16xf32>,
        %mul3A_209 = arith.mulf %get3A_208, %broadcast_in_dim3A_194 : vector<16xf32>
        %swap3A_210 = arith.index_cast %scan3A_176 : i32 to index
        %swap3A_211 = arith.constant 0 : index
        %swap3A_212 = tpu.vector_load %arg18[%swap3A_210, %swap3A_211] {strides = array<i32>} : memref<40x128xf32, #tpu.memory_space<vmem>>, vector<16xf32>,
        tpu.vector_store %arg18[%swap3A_210, %swap3A_211], %mul3A_209 {strides = array<i32>} : memref<40x128xf32, #tpu.memory_space<vmem>>, vector<16xf32>,
        %get3A_213 = arith.index_cast %scan3A_176 : i32 to index
        %get3A_214 = arith.constant 16 : index
        %get3A_215 = tpu.vector_load %arg16[%get3A_213, %get3A_214] {strides = array<i32>} : memref<40x128xf32, #tpu.memory_space<vmem>>, vector<16xf32>,
        %mul3A_216 = arith.mulf %get3A_215, %broadcast_in_dim3A_194 : vector<16xf32>
        %swap3A_217 = arith.index_cast %scan3A_176 : i32 to index
        %swap3A_218 = arith.constant 16 : index
        %swap3A_219 = tpu.vector_load %arg18[%swap3A_217, %swap3A_218] {strides = array<i32>} : memref<40x128xf32, #tpu.memory_space<vmem>>, vector<16xf32>,
        tpu.vector_store %arg18[%swap3A_217, %swap3A_218], %mul3A_216 {strides = array<i32>} : memref<40x128xf32, #tpu.memory_space<vmem>>, vector<16xf32>,
        %get3A_220 = arith.index_cast %scan3A_176 : i32 to index
        %get3A_221 = arith.constant 32 : index
        %get3A_222 = tpu.vector_load %arg16[%get3A_220, %get3A_221] {strides = array<i32>} : memref<40x128xf32, #tpu.memory_space<vmem>>, vector<16xf32>,
        %mul3A_223 = arith.mulf %get3A_222, %broadcast_in_dim3A_194 : vector<16xf32>
        %swap3A_224 = arith.index_cast %scan3A_176 : i32 to index
        %swap3A_225 = arith.constant 32 : index
        %swap3A_226 = tpu.vector_load %arg18[%swap3A_224, %swap3A_225] {strides = array<i32>} : memref<40x128xf32, #tpu.memory_space<vmem>>, vector<16xf32>,
        tpu.vector_store %arg18[%swap3A_224, %swap3A_225], %mul3A_223 {strides = array<i32>} : memref<40x128xf32, #tpu.memory_space<vmem>>, vector<16xf32>,
        %get3A_227 = arith.index_cast %scan3A_176 : i32 to index
        %get3A_228 = arith.constant 48 : index
        %get3A_229 = tpu.vector_load %arg16[%get3A_227, %get3A_228] {strides = array<i32>} : memref<40x128xf32, #tpu.memory_space<vmem>>, vector<16xf32>,
        %mul3A_230 = arith.mulf %get3A_229, %broadcast_in_dim3A_194 : vector<16xf32>
        %swap3A_231 = arith.index_cast %scan3A_176 : i32 to index
        %swap3A_232 = arith.constant 48 : index
        %swap3A_233 = tpu.vector_load %arg18[%swap3A_231, %swap3A_232] {strides = array<i32>} : memref<40x128xf32, #tpu.memory_space<vmem>>, vector<16xf32>,
        tpu.vector_store %arg18[%swap3A_231, %swap3A_232], %mul3A_230 {strides = array<i32>} : memref<40x128xf32, #tpu.memory_space<vmem>>, vector<16xf32>,
        %get3A_234 = arith.index_cast %scan3A_176 : i32 to index
        %get3A_235 = arith.constant 64 : index
        %get3A_236 = tpu.vector_load %arg16[%get3A_234, %get3A_235] {strides = array<i32>} : memref<40x128xf32, #tpu.memory_space<vmem>>, vector<16xf32>,
        %mul3A_237 = arith.mulf %get3A_236, %broadcast_in_dim3A_195 : vector<16xf32>
        %swap3A_238 = arith.index_cast %scan3A_176 : i32 to index
        %swap3A_239 = arith.constant 64 : index
        %swap3A_240 = tpu.vector_load %arg18[%swap3A_238, %swap3A_239] {strides = array<i32>} : memref<40x128xf32, #tpu.memory_space<vmem>>, vector<16xf32>,
        tpu.vector_store %arg18[%swap3A_238, %swap3A_239], %mul3A_237 {strides = array<i32>} : memref<40x128xf32, #tpu.memory_space<vmem>>, vector<16xf32>,
        %get3A_241 = arith.index_cast %scan3A_176 : i32 to index
        %get3A_242 = arith.constant 80 : index
        %get3A_243 = tpu.vector_load %arg16[%get3A_241, %get3A_242] {strides = array<i32>} : memref<40x128xf32, #tpu.memory_space<vmem>>, vector<16xf32>,
        %mul3A_244 = arith.mulf %get3A_243, %broadcast_in_dim3A_195 : vector<16xf32>
        %swap3A_245 = arith.index_cast %scan3A_176 : i32 to index
        %swap3A_246 = arith.constant 80 : index
        %swap3A_247 = tpu.vector_load %arg18[%swap3A_245, %swap3A_246] {strides = array<i32>} : memref<40x128xf32, #tpu.memory_space<vmem>>, vector<16xf32>,
        tpu.vector_store %arg18[%swap3A_245, %swap3A_246], %mul3A_244 {strides = array<i32>} : memref<40x128xf32, #tpu.memory_space<vmem>>, vector<16xf32>,
        %get3A_248 = arith.index_cast %scan3A_176 : i32 to index
        %get3A_249 = arith.constant 96 : index
        %get3A_250 = tpu.vector_load %arg16[%get3A_248, %get3A_249] {strides = array<i32>} : memref<40x128xf32, #tpu.memory_space<vmem>>, vector<16xf32>,
        %mul3A_251 = arith.mulf %get3A_250, %broadcast_in_dim3A_195 : vector<16xf32>
        %swap3A_252 = arith.index_cast %scan3A_176 : i32 to index
        %swap3A_253 = arith.constant 96 : index
        %swap3A_254 = tpu.vector_load %arg18[%swap3A_252, %swap3A_253] {strides = array<i32>} : memref<40x128xf32, #tpu.memory_space<vmem>>, vector<16xf32>,
        tpu.vector_store %arg18[%swap3A_252, %swap3A_253], %mul3A_251 {strides = array<i32>} : memref<40x128xf32, #tpu.memory_space<vmem>>, vector<16xf32>,
        %get3A_255 = arith.index_cast %scan3A_176 : i32 to index
        %get3A_256 = arith.constant 112 : index
        %get3A_257 = tpu.vector_load %arg16[%get3A_255, %get3A_256] {strides = array<i32>} : memref<40x128xf32, #tpu.memory_space<vmem>>, vector<16xf32>,
        %mul3A_258 = arith.mulf %get3A_257, %broadcast_in_dim3A_195 : vector<16xf32>
        %swap3A_259 = arith.index_cast %scan3A_176 : i32 to index
        %swap3A_260 = arith.constant 112 : index
        %swap3A_261 = tpu.vector_load %arg18[%swap3A_259, %swap3A_260] {strides = array<i32>} : memref<40x128xf32, #tpu.memory_space<vmem>>, vector<16xf32>,
        tpu.vector_store %arg18[%swap3A_259, %swap3A_260], %mul3A_258 {strides = array<i32>} : memref<40x128xf32, #tpu.memory_space<vmem>>, vector<16xf32>,
        %scan3A_262 = arith.constant 0 : i32
        scf.yield %scan3A_262 : i32
      }
      %scan3A_134 = arith.constant 40 : i32
      %run_scoped3A_135 = arith.constant 1 : i32
      "tpu.region"() ({
        %run_scoped3A_176 = tpu.sem_alloc : memref<!tpu.dma_semaphore, #tpu.memory_space<semaphore_mem>>
        %dma_start3A_177 = arith.constant 0 : i32
        %dma_start3A_178 = tpu.memref_slice %arg10[%run_scoped3A_135, %dma_start3A_177] : memref<2x40xi32, #tpu.memory_space<vmem>> -> memref<1x40xi32, #tpu.memory_space<vmem>>
        %dma_start3A_179 = tpu.memref_squeeze %dma_start3A_178 : memref<1x40xi32, #tpu.memory_space<vmem>> -> memref<40xi32, #tpu.memory_space<vmem>>
        %dma_start3A_180 = arith.constant 0 : i32
        %dma_start3A_181 = arith.constant 0 : i32
        %dma_start3A_182 = tpu.memref_slice %arg22[%dma_start3A_180, %dma_start3A_181] : memref<10000x128xf32, #tpu.memory_space<vmem_shared>> -> memref<10000x128xf32, #tpu.memory_space<vmem_shared>>
        tpu.enqueue_indirect_dma source(%arg18 : memref<40x128xf32, #tpu.memory_space<vmem>>) target(%dma_start3A_182 : memref<10000x128xf32, #tpu.memory_space<vmem_shared>>) offsets(%dma_start3A_179 : memref<40xi32, #tpu.memory_space<vmem>>) semaphore(%run_scoped3A_176 : memref<!tpu.dma_semaphore, #tpu.memory_space<semaphore_mem>>) {add = true}
        %dma_wait3A_183 = arith.constant 0 : i32
        %dma_wait3A_184 = tpu.memref_slice %arg10[%run_scoped3A_135, %dma_wait3A_183] : memref<2x40xi32, #tpu.memory_space<vmem>> -> memref<1x40xi32, #tpu.memory_space<vmem>>
        %dma_wait3A_185 = tpu.memref_squeeze %dma_wait3A_184 : memref<1x40xi32, #tpu.memory_space<vmem>> -> memref<40xi32, #tpu.memory_space<vmem>>
        %dma_wait3A_186 = arith.constant 0 : i32
        %dma_wait3A_187 = arith.constant 0 : i32
        %dma_wait3A_188 = tpu.memref_slice %arg22[%dma_wait3A_186, %dma_wait3A_187] : memref<10000x128xf32, #tpu.memory_space<vmem_shared>> -> memref<10000x128xf32, #tpu.memory_space<vmem_shared>>
        tpu.wait_indirect_dma semaphore(%run_scoped3A_176 : memref<!tpu.dma_semaphore, #tpu.memory_space<semaphore_mem>>) src(%arg18 : memref<40x128xf32, #tpu.memory_space<vmem>>) dst(%dma_wait3A_188 : memref<10000x128xf32, #tpu.memory_space<vmem_shared>>)
        tpu.yield
      }) : () -> ()
      %run_scoped3A_136 = arith.constant 1 : i32
      "tpu.region"() ({
        %run_scoped3A_176 = tpu.sem_alloc : memref<!tpu.dma_semaphore, #tpu.memory_space<semaphore_mem>>
        %dma_start3A_177 = arith.constant 0 : i32
        %dma_start3A_178 = tpu.memref_slice %arg10[%run_scoped3A_136, %dma_start3A_177] : memref<2x40xi32, #tpu.memory_space<vmem>> -> memref<1x40xi32, #tpu.memory_space<vmem>>
        %dma_start3A_179 = tpu.memref_squeeze %dma_start3A_178 : memref<1x40xi32, #tpu.memory_space<vmem>> -> memref<40xi32, #tpu.memory_space<vmem>>
        %dma_start3A_180 = arith.constant 0 : i32
        %dma_start3A_181 = arith.constant 0 : i32
        %dma_start3A_182 = tpu.memref_slice %arg23[%dma_start3A_180, %dma_start3A_181] : memref<10000x16xf32, #tpu.memory_space<vmem_shared>> -> memref<10000x16xf32, #tpu.memory_space<vmem_shared>>
        tpu.enqueue_indirect_dma source(%arg19 : memref<40x16xf32, #tpu.memory_space<vmem>>) target(%dma_start3A_182 : memref<10000x16xf32, #tpu.memory_space<vmem_shared>>) offsets(%dma_start3A_179 : memref<40xi32, #tpu.memory_space<vmem>>) semaphore(%run_scoped3A_176 : memref<!tpu.dma_semaphore, #tpu.memory_space<semaphore_mem>>) {add = true}
        %dma_wait3A_183 = arith.constant 0 : i32
        %dma_wait3A_184 = tpu.memref_slice %arg10[%run_scoped3A_136, %dma_wait3A_183] : memref<2x40xi32, #tpu.memory_space<vmem>> -> memref<1x40xi32, #tpu.memory_space<vmem>>
        %dma_wait3A_185 = tpu.memref_squeeze %dma_wait3A_184 : memref<1x40xi32, #tpu.memory_space<vmem>> -> memref<40xi32, #tpu.memory_space<vmem>>
        %dma_wait3A_186 = arith.constant 0 : i32
        %dma_wait3A_187 = arith.constant 0 : i32
        %dma_wait3A_188 = tpu.memref_slice %arg23[%dma_wait3A_186, %dma_wait3A_187] : memref<10000x16xf32, #tpu.memory_space<vmem_shared>> -> memref<10000x16xf32, #tpu.memory_space<vmem_shared>>
        tpu.wait_indirect_dma semaphore(%run_scoped3A_176 : memref<!tpu.dma_semaphore, #tpu.memory_space<semaphore_mem>>) src(%arg19 : memref<40x16xf32, #tpu.memory_space<vmem>>) dst(%dma_wait3A_188 : memref<10000x16xf32, #tpu.memory_space<vmem_shared>>)
        tpu.yield
      }) : () -> ()
      %lt3A = arith.constant 249 : i32
      %lt3A_137 = arith.cmpi slt, %scan3A_73, %lt3A : i32
      %convert_element_type3A_138 = arith.extui %lt3A_137 : i1 to i32
      %cond3A_139 = arith.constant 0 : i32
      %cond3A_140 = arith.cmpi ne, %convert_element_type3A_138, %cond3A_139 : i32
      scf.if %cond3A_140 {
        %add3A_176 = arith.constant 2 : i32
        %add3A_177 = arith.addi %mul3A_76, %add3A_176 : i32
        "tpu.region"() ({
          %run_scoped3A_203 = tpu.sem_alloc : memref<!tpu.dma_semaphore, #tpu.memory_space<semaphore_mem>>
          %dma_start3A_204 = arith.constant 0 : i32
          %dma_start3A_205 = arith.constant 0 : i32
          %dma_start3A_206 = arith.constant 0 : i32
          %dma_start3A_207 = tpu.memref_slice %arg2[%arg1, %dma_start3A_204, %dma_start3A_205, %dma_start3A_206] : memref<16x500x2x40xi32, #tpu.memory_space<hbm>> -> memref<1x500x2x40xi32, #tpu.memory_space<hbm>>
          %dma_start3A_208 = tpu.memref_squeeze %dma_start3A_207 : memref<1x500x2x40xi32, #tpu.memory_space<hbm>> -> memref<500x2x40xi32, #tpu.memory_space<hbm>>
          %dma_start3A_209 = arith.constant 0 : i32
          %dma_start3A_210 = arith.constant 0 : i32
          %dma_start3A_211 = tpu.memref_slice %dma_start3A_208[%add3A_177, %dma_start3A_209, %dma_start3A_210] : memref<500x2x40xi32, #tpu.memory_space<hbm>> -> memref<1x2x40xi32, #tpu.memory_space<hbm>>
          %dma_start3A_212 = tpu.memref_squeeze %dma_start3A_211 : memref<1x2x40xi32, #tpu.memory_space<hbm>> -> memref<2x40xi32, #tpu.memory_space<hbm>>
          %dma_start3A_213 = arith.constant 0 : i32
          %dma_start3A_214 = arith.constant 0 : i32
          %dma_start3A_215 = arith.constant 0 : i32
          %dma_start3A_216 = tpu.memref_slice %arg2[%arg1, %dma_start3A_213, %dma_start3A_214, %dma_start3A_215] : memref<16x500x2x40xi32, #tpu.memory_space<hbm>> -> memref<1x500x2x40xi32, #tpu.memory_space<hbm>>
          %dma_start3A_217 = tpu.memref_squeeze %dma_start3A_216 : memref<1x500x2x40xi32, #tpu.memory_space<hbm>> -> memref<500x2x40xi32, #tpu.memory_space<hbm>>
          %dma_start3A_218 = arith.constant 0 : i32
          %dma_start3A_219 = arith.constant 0 : i32
          %dma_start3A_220 = tpu.memref_slice %dma_start3A_217[%add3A_177, %dma_start3A_218, %dma_start3A_219] : memref<500x2x40xi32, #tpu.memory_space<hbm>> -> memref<1x2x40xi32, #tpu.memory_space<hbm>>
          %dma_start3A_221 = tpu.memref_squeeze %dma_start3A_220 : memref<1x2x40xi32, #tpu.memory_space<hbm>> -> memref<2x40xi32, #tpu.memory_space<hbm>>
          tpu.enqueue_dma source(%dma_start3A_221 : memref<2x40xi32, #tpu.memory_space<hbm>>) target(%arg10 : memref<2x40xi32, #tpu.memory_space<vmem>>) target_semaphore(%run_scoped3A_203 : memref<!tpu.dma_semaphore, #tpu.memory_space<semaphore_mem>>)
          %dma_wait3A_222 = arith.constant 0 : i32
          %dma_wait3A_223 = arith.constant 0 : i32
          %dma_wait3A_224 = arith.constant 0 : i32
          %dma_wait3A_225 = tpu.memref_slice %arg2[%arg1, %dma_wait3A_222, %dma_wait3A_223, %dma_wait3A_224] : memref<16x500x2x40xi32, #tpu.memory_space<hbm>> -> memref<1x500x2x40xi32, #tpu.memory_space<hbm>>
          %dma_wait3A_226 = tpu.memref_squeeze %dma_wait3A_225 : memref<1x500x2x40xi32, #tpu.memory_space<hbm>> -> memref<500x2x40xi32, #tpu.memory_space<hbm>>
          %dma_wait3A_227 = arith.constant 0 : i32
          %dma_wait3A_228 = arith.constant 0 : i32
          %dma_wait3A_229 = tpu.memref_slice %dma_wait3A_226[%add3A_177, %dma_wait3A_227, %dma_wait3A_228] : memref<500x2x40xi32, #tpu.memory_space<hbm>> -> memref<1x2x40xi32, #tpu.memory_space<hbm>>
          %dma_wait3A_230 = tpu.memref_squeeze %dma_wait3A_229 : memref<1x2x40xi32, #tpu.memory_space<hbm>> -> memref<2x40xi32, #tpu.memory_space<hbm>>
          %dma_wait3A_231 = arith.constant 0 : i32
          %dma_wait3A_232 = arith.constant 0 : i32
          %dma_wait3A_233 = arith.constant 0 : i32
          %dma_wait3A_234 = tpu.memref_slice %arg2[%arg1, %dma_wait3A_231, %dma_wait3A_232, %dma_wait3A_233] : memref<16x500x2x40xi32, #tpu.memory_space<hbm>> -> memref<1x500x2x40xi32, #tpu.memory_space<hbm>>
          %dma_wait3A_235 = tpu.memref_squeeze %dma_wait3A_234 : memref<1x500x2x40xi32, #tpu.memory_space<hbm>> -> memref<500x2x40xi32, #tpu.memory_space<hbm>>
          %dma_wait3A_236 = arith.constant 0 : i32
          %dma_wait3A_237 = arith.constant 0 : i32
          %dma_wait3A_238 = tpu.memref_slice %dma_wait3A_235[%add3A_177, %dma_wait3A_236, %dma_wait3A_237] : memref<500x2x40xi32, #tpu.memory_space<hbm>> -> memref<1x2x40xi32, #tpu.memory_space<hbm>>
          %dma_wait3A_239 = tpu.memref_squeeze %dma_wait3A_238 : memref<1x2x40xi32, #tpu.memory_space<hbm>> -> memref<2x40xi32, #tpu.memory_space<hbm>>
          tpu.wait_dma2 semaphore(%run_scoped3A_203 : memref<!tpu.dma_semaphore, #tpu.memory_space<semaphore_mem>>) src(%dma_wait3A_239 : memref<2x40xi32, #tpu.memory_space<hbm>>) dst(%arg10 : memref<2x40xi32, #tpu.memory_space<vmem>>)
          tpu.yield
        }) : () -> ()
        %dma_start3A_178 = arith.constant 0 : i32
        %dma_start3A_179 = arith.constant 0 : i32
        %dma_start3A_180 = tpu.memref_slice %arg10[%dma_start3A_178, %dma_start3A_179] : memref<2x40xi32, #tpu.memory_space<vmem>> -> memref<1x40xi32, #tpu.memory_space<vmem>>
        %dma_start3A_181 = tpu.memref_squeeze %dma_start3A_180 : memref<1x40xi32, #tpu.memory_space<vmem>> -> memref<40xi32, #tpu.memory_space<vmem>>
        %dma_start3A_182 = arith.constant 0 : i32
        %dma_start3A_183 = arith.constant 0 : i32
        %dma_start3A_184 = tpu.memref_slice %arg3[%dma_start3A_182, %dma_start3A_183] : memref<10000x16xf32, #tpu.memory_space<hbm>> -> memref<10000x16xf32, #tpu.memory_space<hbm>>
        tpu.enqueue_indirect_dma source(%dma_start3A_184 : memref<10000x16xf32, #tpu.memory_space<hbm>>) target(%arg12 : memref<40x16xf32, #tpu.memory_space<vmem>>) offsets(%dma_start3A_181 : memref<40xi32, #tpu.memory_space<vmem>>) semaphore(%arg24 : memref<!tpu.dma_semaphore, #tpu.memory_space<semaphore_mem>>)
        %dma_start3A_185 = arith.constant 1 : i32
        %dma_start3A_186 = arith.constant 0 : i32
        %dma_start3A_187 = tpu.memref_slice %arg10[%dma_start3A_185, %dma_start3A_186] : memref<2x40xi32, #tpu.memory_space<vmem>> -> memref<1x40xi32, #tpu.memory_space<vmem>>
        %dma_start3A_188 = tpu.memref_squeeze %dma_start3A_187 : memref<1x40xi32, #tpu.memory_space<vmem>> -> memref<40xi32, #tpu.memory_space<vmem>>
        %dma_start3A_189 = arith.constant 0 : i32
        %dma_start3A_190 = arith.constant 0 : i32
        %dma_start3A_191 = tpu.memref_slice %arg4[%dma_start3A_189, %dma_start3A_190] : memref<10000x16xf32, #tpu.memory_space<hbm>> -> memref<10000x16xf32, #tpu.memory_space<hbm>>
        tpu.enqueue_indirect_dma source(%dma_start3A_191 : memref<10000x16xf32, #tpu.memory_space<hbm>>) target(%arg14 : memref<40x16xf32, #tpu.memory_space<vmem>>) offsets(%dma_start3A_188 : memref<40xi32, #tpu.memory_space<vmem>>) semaphore(%arg24 : memref<!tpu.dma_semaphore, #tpu.memory_space<semaphore_mem>>)
        %dma_start3A_192 = arith.constant 0 : i32
        %dma_start3A_193 = arith.constant 0 : i32
        %dma_start3A_194 = tpu.memref_slice %arg10[%dma_start3A_192, %dma_start3A_193] : memref<2x40xi32, #tpu.memory_space<vmem>> -> memref<1x40xi32, #tpu.memory_space<vmem>>
        %dma_start3A_195 = tpu.memref_squeeze %dma_start3A_194 : memref<1x40xi32, #tpu.memory_space<vmem>> -> memref<40xi32, #tpu.memory_space<vmem>>
        %dma_start3A_196 = arith.constant 0 : i32
        %dma_start3A_197 = arith.constant 0 : i32
        %dma_start3A_198 = tpu.memref_slice %arg5[%arg0, %dma_start3A_196, %dma_start3A_197] : memref<2x10000x128xf32, #tpu.memory_space<hbm>> -> memref<1x10000x128xf32, #tpu.memory_space<hbm>>
        %dma_start3A_199 = tpu.memref_squeeze %dma_start3A_198 : memref<1x10000x128xf32, #tpu.memory_space<hbm>> -> memref<10000x128xf32, #tpu.memory_space<hbm>>
        %dma_start3A_200 = arith.constant 0 : i32
        %dma_start3A_201 = arith.constant 0 : i32
        %dma_start3A_202 = tpu.memref_slice %dma_start3A_199[%dma_start3A_200, %dma_start3A_201] : memref<10000x128xf32, #tpu.memory_space<hbm>> -> memref<10000x128xf32, #tpu.memory_space<hbm>>
        tpu.enqueue_indirect_dma source(%dma_start3A_202 : memref<10000x128xf32, #tpu.memory_space<hbm>>) target(%arg16 : memref<40x128xf32, #tpu.memory_space<vmem>>) offsets(%dma_start3A_195 : memref<40xi32, #tpu.memory_space<vmem>>) semaphore(%arg24 : memref<!tpu.dma_semaphore, #tpu.memory_space<semaphore_mem>>)
      } else {
      }
      %dma_wait3A_141 = arith.constant 0 : i32
      %dma_wait3A_142 = arith.constant 0 : i32
      %dma_wait3A_143 = tpu.memref_slice %arg11[%dma_wait3A_141, %dma_wait3A_142] : memref<2x40xi32, #tpu.memory_space<vmem>> -> memref<1x40xi32, #tpu.memory_space<vmem>>
      %dma_wait3A_144 = tpu.memref_squeeze %dma_wait3A_143 : memref<1x40xi32, #tpu.memory_space<vmem>> -> memref<40xi32, #tpu.memory_space<vmem>>
      %dma_wait3A_145 = arith.constant 0 : i32
      %dma_wait3A_146 = arith.constant 0 : i32
      %dma_wait3A_147 = tpu.memref_slice %arg3[%dma_wait3A_145, %dma_wait3A_146] : memref<10000x16xf32, #tpu.memory_space<hbm>> -> memref<10000x16xf32, #tpu.memory_space<hbm>>
      tpu.wait_indirect_dma semaphore(%arg25 : memref<!tpu.dma_semaphore, #tpu.memory_space<semaphore_mem>>) src(%dma_wait3A_147 : memref<10000x16xf32, #tpu.memory_space<hbm>>) dst(%arg13 : memref<40x16xf32, #tpu.memory_space<vmem>>)
      %dma_wait3A_148 = arith.constant 1 : i32
      %dma_wait3A_149 = arith.constant 0 : i32
      %dma_wait3A_150 = tpu.memref_slice %arg11[%dma_wait3A_148, %dma_wait3A_149] : memref<2x40xi32, #tpu.memory_space<vmem>> -> memref<1x40xi32, #tpu.memory_space<vmem>>
      %dma_wait3A_151 = tpu.memref_squeeze %dma_wait3A_150 : memref<1x40xi32, #tpu.memory_space<vmem>> -> memref<40xi32, #tpu.memory_space<vmem>>
      %dma_wait3A_152 = arith.constant 0 : i32
      %dma_wait3A_153 = arith.constant 0 : i32
      %dma_wait3A_154 = tpu.memref_slice %arg4[%dma_wait3A_152, %dma_wait3A_153] : memref<10000x16xf32, #tpu.memory_space<hbm>> -> memref<10000x16xf32, #tpu.memory_space<hbm>>
      tpu.wait_indirect_dma semaphore(%arg25 : memref<!tpu.dma_semaphore, #tpu.memory_space<semaphore_mem>>) src(%dma_wait3A_154 : memref<10000x16xf32, #tpu.memory_space<hbm>>) dst(%arg15 : memref<40x16xf32, #tpu.memory_space<vmem>>)
      %dma_wait3A_155 = arith.constant 0 : i32
      %dma_wait3A_156 = arith.constant 0 : i32
      %dma_wait3A_157 = tpu.memref_slice %arg11[%dma_wait3A_155, %dma_wait3A_156] : memref<2x40xi32, #tpu.memory_space<vmem>> -> memref<1x40xi32, #tpu.memory_space<vmem>>
      %dma_wait3A_158 = tpu.memref_squeeze %dma_wait3A_157 : memref<1x40xi32, #tpu.memory_space<vmem>> -> memref<40xi32, #tpu.memory_space<vmem>>
      %dma_wait3A_159 = arith.constant 0 : i32
      %dma_wait3A_160 = arith.constant 0 : i32
      %dma_wait3A_161 = tpu.memref_slice %arg5[%arg0, %dma_wait3A_159, %dma_wait3A_160] : memref<2x10000x128xf32, #tpu.memory_space<hbm>> -> memref<1x10000x128xf32, #tpu.memory_space<hbm>>
      %dma_wait3A_162 = tpu.memref_squeeze %dma_wait3A_161 : memref<1x10000x128xf32, #tpu.memory_space<hbm>> -> memref<10000x128xf32, #tpu.memory_space<hbm>>
      %dma_wait3A_163 = arith.constant 0 : i32
      %dma_wait3A_164 = arith.constant 0 : i32
      %dma_wait3A_165 = tpu.memref_slice %dma_wait3A_162[%dma_wait3A_163, %dma_wait3A_164] : memref<10000x128xf32, #tpu.memory_space<hbm>> -> memref<10000x128xf32, #tpu.memory_space<hbm>>
      tpu.wait_indirect_dma semaphore(%arg25 : memref<!tpu.dma_semaphore, #tpu.memory_space<semaphore_mem>>) src(%dma_wait3A_165 : memref<10000x128xf32, #tpu.memory_space<hbm>>) dst(%arg17 : memref<40x128xf32, #tpu.memory_space<vmem>>)
      %scan3A_166 = arith.constant 0 : i32
      %scan3A_167 = arith.constant 0 : i32
      %scan3A_168 = arith.constant 40 : i32
      %scan3A_169 = arith.addi %scan3A_167, %scan3A_168 : i32
      %scan3A_170 = arith.constant 1 : i32
      %scan3A_171 = scf.for %scan3A_176 = %scan3A_167 to %scan3A_169 step %scan3A_170 iter_args(%scan3A_177 = %scan3A_166) -> (i32)  : i32 {
        %get3A = arith.index_cast %scan3A_176 : i32 to index
        %get3A_178 = arith.constant 0 : index
        %get3A_179 = tpu.vector_load %arg13[%get3A, %get3A_178] {strides = array<i32>} : memref<40x16xf32, #tpu.memory_space<vmem>>, vector<16xf32>,
        %get3A_180 = arith.index_cast %scan3A_176 : i32 to index
        %get3A_181 = arith.constant 0 : index
        %get3A_182 = tpu.vector_load %arg15[%get3A_180, %get3A_181] {strides = array<i32>} : memref<40x16xf32, #tpu.memory_space<vmem>>, vector<16xf32>,
        %add3A_183 = arith.addf %get3A_179, %get3A_182 : vector<16xf32>
        %mul3A_184 = arith.constant 2.000000e-01 : f32
        %mul3A_185 = vector.broadcast %mul3A_184 : f32 to vector<16xf32>
        %mul3A_186 = arith.mulf %mul3A_185, %add3A_183 : vector<16xf32>
        %max3A = arith.maximumf %add3A_183, %mul3A_186 : vector<16xf32>
        %exp3A = math.exp %max3A : vector<16xf32>
        %slice3A = vector.extract_strided_slice %exp3A {offsets = [0], sizes = [1], strides = [1]} : vector<16xf32> to vector<1xf32>
        %squeeze3A = vector.extract %slice3A[0] : f32 from vector<1xf32>
        %slice3A_187 = vector.extract_strided_slice %exp3A {offsets = [2], sizes = [1], strides = [1]} : vector<16xf32> to vector<1xf32>
        %squeeze3A_188 = vector.extract %slice3A_187[0] : f32 from vector<1xf32>
        %select_n3A = arith.select %eq3A_20, %squeeze3A, %squeeze3A_188 : f32
        %slice3A_189 = vector.extract_strided_slice %exp3A {offsets = [1], sizes = [1], strides = [1]} : vector<16xf32> to vector<1xf32>
        %squeeze3A_190 = vector.extract %slice3A_189[0] : f32 from vector<1xf32>
        %slice3A_191 = vector.extract_strided_slice %exp3A {offsets = [3], sizes = [1], strides = [1]} : vector<16xf32> to vector<1xf32>
        %squeeze3A_192 = vector.extract %slice3A_191[0] : f32 from vector<1xf32>
        %select_n3A_193 = arith.select %eq3A_20, %squeeze3A_190, %squeeze3A_192 : f32
        %broadcast_in_dim3A_194 = vector.broadcast %select_n3A : f32 to vector<16xf32>
        %broadcast_in_dim3A_195 = vector.broadcast %select_n3A_193 : f32 to vector<16xf32>
        %eq3A_196 = arith.constant 0 : i32
        %eq3A_197 = vector.broadcast %eq3A_196 : i32 to vector<16xi32>
        %eq3A_198 = arith.cmpi eq, %iota3A, %eq3A_197 : vector<16xi32>
        %eq3A_199 = arith.constant 1 : i32
        %eq3A_200 = vector.broadcast %eq3A_199 : i32 to vector<16xi32>
        %eq3A_201 = arith.cmpi eq, %iota3A, %eq3A_200 : vector<16xi32>
        %select_n3A_202 = arith.select %eq3A_201, %broadcast_in_dim3A_195, %broadcast_in_dim3A_18 : vector<16xi1>, vector<16xf32>
        %select_n3A_203 = arith.select %eq3A_198, %broadcast_in_dim3A_194, %select_n3A_202 : vector<16xi1>, vector<16xf32>
        %swap3A = arith.index_cast %scan3A_176 : i32 to index
        %swap3A_204 = arith.constant 0 : index
        %swap3A_205 = tpu.vector_load %arg19[%swap3A, %swap3A_204] {strides = array<i32>} : memref<40x16xf32, #tpu.memory_space<vmem>>, vector<16xf32>,
        tpu.vector_store %arg19[%swap3A, %swap3A_204], %select_n3A_203 {strides = array<i32>} : memref<40x16xf32, #tpu.memory_space<vmem>>, vector<16xf32>,
        %get3A_206 = arith.index_cast %scan3A_176 : i32 to index
        %get3A_207 = arith.constant 0 : index
        %get3A_208 = tpu.vector_load %arg17[%get3A_206, %get3A_207] {strides = array<i32>} : memref<40x128xf32, #tpu.memory_space<vmem>>, vector<16xf32>,
        %mul3A_209 = arith.mulf %get3A_208, %broadcast_in_dim3A_194 : vector<16xf32>
        %swap3A_210 = arith.index_cast %scan3A_176 : i32 to index
        %swap3A_211 = arith.constant 0 : index
        %swap3A_212 = tpu.vector_load %arg18[%swap3A_210, %swap3A_211] {strides = array<i32>} : memref<40x128xf32, #tpu.memory_space<vmem>>, vector<16xf32>,
        tpu.vector_store %arg18[%swap3A_210, %swap3A_211], %mul3A_209 {strides = array<i32>} : memref<40x128xf32, #tpu.memory_space<vmem>>, vector<16xf32>,
        %get3A_213 = arith.index_cast %scan3A_176 : i32 to index
        %get3A_214 = arith.constant 16 : index
        %get3A_215 = tpu.vector_load %arg17[%get3A_213, %get3A_214] {strides = array<i32>} : memref<40x128xf32, #tpu.memory_space<vmem>>, vector<16xf32>,
        %mul3A_216 = arith.mulf %get3A_215, %broadcast_in_dim3A_194 : vector<16xf32>
        %swap3A_217 = arith.index_cast %scan3A_176 : i32 to index
        %swap3A_218 = arith.constant 16 : index
        %swap3A_219 = tpu.vector_load %arg18[%swap3A_217, %swap3A_218] {strides = array<i32>} : memref<40x128xf32, #tpu.memory_space<vmem>>, vector<16xf32>,
        tpu.vector_store %arg18[%swap3A_217, %swap3A_218], %mul3A_216 {strides = array<i32>} : memref<40x128xf32, #tpu.memory_space<vmem>>, vector<16xf32>,
        %get3A_220 = arith.index_cast %scan3A_176 : i32 to index
        %get3A_221 = arith.constant 32 : index
        %get3A_222 = tpu.vector_load %arg17[%get3A_220, %get3A_221] {strides = array<i32>} : memref<40x128xf32, #tpu.memory_space<vmem>>, vector<16xf32>,
        %mul3A_223 = arith.mulf %get3A_222, %broadcast_in_dim3A_194 : vector<16xf32>
        %swap3A_224 = arith.index_cast %scan3A_176 : i32 to index
        %swap3A_225 = arith.constant 32 : index
        %swap3A_226 = tpu.vector_load %arg18[%swap3A_224, %swap3A_225] {strides = array<i32>} : memref<40x128xf32, #tpu.memory_space<vmem>>, vector<16xf32>,
        tpu.vector_store %arg18[%swap3A_224, %swap3A_225], %mul3A_223 {strides = array<i32>} : memref<40x128xf32, #tpu.memory_space<vmem>>, vector<16xf32>,
        %get3A_227 = arith.index_cast %scan3A_176 : i32 to index
        %get3A_228 = arith.constant 48 : index
        %get3A_229 = tpu.vector_load %arg17[%get3A_227, %get3A_228] {strides = array<i32>} : memref<40x128xf32, #tpu.memory_space<vmem>>, vector<16xf32>,
        %mul3A_230 = arith.mulf %get3A_229, %broadcast_in_dim3A_194 : vector<16xf32>
        %swap3A_231 = arith.index_cast %scan3A_176 : i32 to index
        %swap3A_232 = arith.constant 48 : index
        %swap3A_233 = tpu.vector_load %arg18[%swap3A_231, %swap3A_232] {strides = array<i32>} : memref<40x128xf32, #tpu.memory_space<vmem>>, vector<16xf32>,
        tpu.vector_store %arg18[%swap3A_231, %swap3A_232], %mul3A_230 {strides = array<i32>} : memref<40x128xf32, #tpu.memory_space<vmem>>, vector<16xf32>,
        %get3A_234 = arith.index_cast %scan3A_176 : i32 to index
        %get3A_235 = arith.constant 64 : index
        %get3A_236 = tpu.vector_load %arg17[%get3A_234, %get3A_235] {strides = array<i32>} : memref<40x128xf32, #tpu.memory_space<vmem>>, vector<16xf32>,
        %mul3A_237 = arith.mulf %get3A_236, %broadcast_in_dim3A_195 : vector<16xf32>
        %swap3A_238 = arith.index_cast %scan3A_176 : i32 to index
        %swap3A_239 = arith.constant 64 : index
        %swap3A_240 = tpu.vector_load %arg18[%swap3A_238, %swap3A_239] {strides = array<i32>} : memref<40x128xf32, #tpu.memory_space<vmem>>, vector<16xf32>,
        tpu.vector_store %arg18[%swap3A_238, %swap3A_239], %mul3A_237 {strides = array<i32>} : memref<40x128xf32, #tpu.memory_space<vmem>>, vector<16xf32>,
        %get3A_241 = arith.index_cast %scan3A_176 : i32 to index
        %get3A_242 = arith.constant 80 : index
        %get3A_243 = tpu.vector_load %arg17[%get3A_241, %get3A_242] {strides = array<i32>} : memref<40x128xf32, #tpu.memory_space<vmem>>, vector<16xf32>,
        %mul3A_244 = arith.mulf %get3A_243, %broadcast_in_dim3A_195 : vector<16xf32>
        %swap3A_245 = arith.index_cast %scan3A_176 : i32 to index
        %swap3A_246 = arith.constant 80 : index
        %swap3A_247 = tpu.vector_load %arg18[%swap3A_245, %swap3A_246] {strides = array<i32>} : memref<40x128xf32, #tpu.memory_space<vmem>>, vector<16xf32>,
        tpu.vector_store %arg18[%swap3A_245, %swap3A_246], %mul3A_244 {strides = array<i32>} : memref<40x128xf32, #tpu.memory_space<vmem>>, vector<16xf32>,
        %get3A_248 = arith.index_cast %scan3A_176 : i32 to index
        %get3A_249 = arith.constant 96 : index
        %get3A_250 = tpu.vector_load %arg17[%get3A_248, %get3A_249] {strides = array<i32>} : memref<40x128xf32, #tpu.memory_space<vmem>>, vector<16xf32>,
        %mul3A_251 = arith.mulf %get3A_250, %broadcast_in_dim3A_195 : vector<16xf32>
        %swap3A_252 = arith.index_cast %scan3A_176 : i32 to index
        %swap3A_253 = arith.constant 96 : index
        %swap3A_254 = tpu.vector_load %arg18[%swap3A_252, %swap3A_253] {strides = array<i32>} : memref<40x128xf32, #tpu.memory_space<vmem>>, vector<16xf32>,
        tpu.vector_store %arg18[%swap3A_252, %swap3A_253], %mul3A_251 {strides = array<i32>} : memref<40x128xf32, #tpu.memory_space<vmem>>, vector<16xf32>,
        %get3A_255 = arith.index_cast %scan3A_176 : i32 to index
        %get3A_256 = arith.constant 112 : index
        %get3A_257 = tpu.vector_load %arg17[%get3A_255, %get3A_256] {strides = array<i32>} : memref<40x128xf32, #tpu.memory_space<vmem>>, vector<16xf32>,
        %mul3A_258 = arith.mulf %get3A_257, %broadcast_in_dim3A_195 : vector<16xf32>
        %swap3A_259 = arith.index_cast %scan3A_176 : i32 to index
        %swap3A_260 = arith.constant 112 : index
        %swap3A_261 = tpu.vector_load %arg18[%swap3A_259, %swap3A_260] {strides = array<i32>} : memref<40x128xf32, #tpu.memory_space<vmem>>, vector<16xf32>,
        tpu.vector_store %arg18[%swap3A_259, %swap3A_260], %mul3A_258 {strides = array<i32>} : memref<40x128xf32, #tpu.memory_space<vmem>>, vector<16xf32>,
        %scan3A_262 = arith.constant 0 : i32
        scf.yield %scan3A_262 : i32
      }
      %scan3A_172 = arith.constant 40 : i32
      %run_scoped3A_173 = arith.constant 1 : i32
      "tpu.region"() ({
        %run_scoped3A_176 = tpu.sem_alloc : memref<!tpu.dma_semaphore, #tpu.memory_space<semaphore_mem>>
        %dma_start3A_177 = arith.constant 0 : i32
        %dma_start3A_178 = tpu.memref_slice %arg11[%run_scoped3A_173, %dma_start3A_177] : memref<2x40xi32, #tpu.memory_space<vmem>> -> memref<1x40xi32, #tpu.memory_space<vmem>>
        %dma_start3A_179 = tpu.memref_squeeze %dma_start3A_178 : memref<1x40xi32, #tpu.memory_space<vmem>> -> memref<40xi32, #tpu.memory_space<vmem>>
        %dma_start3A_180 = arith.constant 0 : i32
        %dma_start3A_181 = arith.constant 0 : i32
        %dma_start3A_182 = tpu.memref_slice %arg22[%dma_start3A_180, %dma_start3A_181] : memref<10000x128xf32, #tpu.memory_space<vmem_shared>> -> memref<10000x128xf32, #tpu.memory_space<vmem_shared>>
        tpu.enqueue_indirect_dma source(%arg18 : memref<40x128xf32, #tpu.memory_space<vmem>>) target(%dma_start3A_182 : memref<10000x128xf32, #tpu.memory_space<vmem_shared>>) offsets(%dma_start3A_179 : memref<40xi32, #tpu.memory_space<vmem>>) semaphore(%run_scoped3A_176 : memref<!tpu.dma_semaphore, #tpu.memory_space<semaphore_mem>>) {add = true}
        %dma_wait3A_183 = arith.constant 0 : i32
        %dma_wait3A_184 = tpu.memref_slice %arg11[%run_scoped3A_173, %dma_wait3A_183] : memref<2x40xi32, #tpu.memory_space<vmem>> -> memref<1x40xi32, #tpu.memory_space<vmem>>
        %dma_wait3A_185 = tpu.memref_squeeze %dma_wait3A_184 : memref<1x40xi32, #tpu.memory_space<vmem>> -> memref<40xi32, #tpu.memory_space<vmem>>
        %dma_wait3A_186 = arith.constant 0 : i32
        %dma_wait3A_187 = arith.constant 0 : i32
        %dma_wait3A_188 = tpu.memref_slice %arg22[%dma_wait3A_186, %dma_wait3A_187] : memref<10000x128xf32, #tpu.memory_space<vmem_shared>> -> memref<10000x128xf32, #tpu.memory_space<vmem_shared>>
        tpu.wait_indirect_dma semaphore(%run_scoped3A_176 : memref<!tpu.dma_semaphore, #tpu.memory_space<semaphore_mem>>) src(%arg18 : memref<40x128xf32, #tpu.memory_space<vmem>>) dst(%dma_wait3A_188 : memref<10000x128xf32, #tpu.memory_space<vmem_shared>>)
        tpu.yield
      }) : () -> ()
      %run_scoped3A_174 = arith.constant 1 : i32
      "tpu.region"() ({
        %run_scoped3A_176 = tpu.sem_alloc : memref<!tpu.dma_semaphore, #tpu.memory_space<semaphore_mem>>
        %dma_start3A_177 = arith.constant 0 : i32
        %dma_start3A_178 = tpu.memref_slice %arg11[%run_scoped3A_174, %dma_start3A_177] : memref<2x40xi32, #tpu.memory_space<vmem>> -> memref<1x40xi32, #tpu.memory_space<vmem>>
        %dma_start3A_179 = tpu.memref_squeeze %dma_start3A_178 : memref<1x40xi32, #tpu.memory_space<vmem>> -> memref<40xi32, #tpu.memory_space<vmem>>
        %dma_start3A_180 = arith.constant 0 : i32
        %dma_start3A_181 = arith.constant 0 : i32
        %dma_start3A_182 = tpu.memref_slice %arg23[%dma_start3A_180, %dma_start3A_181] : memref<10000x16xf32, #tpu.memory_space<vmem_shared>> -> memref<10000x16xf32, #tpu.memory_space<vmem_shared>>
        tpu.enqueue_indirect_dma source(%arg19 : memref<40x16xf32, #tpu.memory_space<vmem>>) target(%dma_start3A_182 : memref<10000x16xf32, #tpu.memory_space<vmem_shared>>) offsets(%dma_start3A_179 : memref<40xi32, #tpu.memory_space<vmem>>) semaphore(%run_scoped3A_176 : memref<!tpu.dma_semaphore, #tpu.memory_space<semaphore_mem>>) {add = true}
        %dma_wait3A_183 = arith.constant 0 : i32
        %dma_wait3A_184 = tpu.memref_slice %arg11[%run_scoped3A_174, %dma_wait3A_183] : memref<2x40xi32, #tpu.memory_space<vmem>> -> memref<1x40xi32, #tpu.memory_space<vmem>>
        %dma_wait3A_185 = tpu.memref_squeeze %dma_wait3A_184 : memref<1x40xi32, #tpu.memory_space<vmem>> -> memref<40xi32, #tpu.memory_space<vmem>>
        %dma_wait3A_186 = arith.constant 0 : i32
        %dma_wait3A_187 = arith.constant 0 : i32
        %dma_wait3A_188 = tpu.memref_slice %arg23[%dma_wait3A_186, %dma_wait3A_187] : memref<10000x16xf32, #tpu.memory_space<vmem_shared>> -> memref<10000x16xf32, #tpu.memory_space<vmem_shared>>
        tpu.wait_indirect_dma semaphore(%run_scoped3A_176 : memref<!tpu.dma_semaphore, #tpu.memory_space<semaphore_mem>>) src(%arg19 : memref<40x16xf32, #tpu.memory_space<vmem>>) dst(%dma_wait3A_188 : memref<10000x16xf32, #tpu.memory_space<vmem_shared>>)
        tpu.yield
      }) : () -> ()
      %scan3A_175 = arith.constant 0 : i32
      scf.yield %scan3A_175 : i32
    }
    %scan3A_50 = arith.constant 250 : i32
    %barrier3A_51 = arith.constant 0 : index
    tpu.barrier barrier_id(%barrier3A_51)
    %add3A_52 = arith.constant 0 : i32
    %add3A_53 = arith.addi %mul3A_0, %add3A_52 : i32
    "tpu.region"() ({
      %run_scoped3A_73 = tpu.sem_alloc : memref<!tpu.dma_semaphore, #tpu.memory_space<semaphore_mem>>
      %dma_start3A_74 = arith.constant 0 : i32
      %dma_start3A_75 = tpu.memref_slice %arg22[%add3A_53, %dma_start3A_74] : memref<10000x128xf32, #tpu.memory_space<vmem_shared>> -> memref<78x128xf32, #tpu.memory_space<vmem_shared>>
      %dma_start3A_76 = arith.constant 0 : i32
      %dma_start3A_77 = tpu.memref_slice %arg22[%add3A_53, %dma_start3A_76] : memref<10000x128xf32, #tpu.memory_space<vmem_shared>> -> memref<78x128xf32, #tpu.memory_space<vmem_shared>>
      tpu.enqueue_dma source(%dma_start3A_77 : memref<78x128xf32, #tpu.memory_space<vmem_shared>>) target(%arg20 : memref<78x128xf32, #tpu.memory_space<vmem>>) target_semaphore(%run_scoped3A_73 : memref<!tpu.dma_semaphore, #tpu.memory_space<semaphore_mem>>)
      %dma_wait3A = arith.constant 0 : i32
      %dma_wait3A_78 = tpu.memref_slice %arg22[%add3A_53, %dma_wait3A] : memref<10000x128xf32, #tpu.memory_space<vmem_shared>> -> memref<78x128xf32, #tpu.memory_space<vmem_shared>>
      %dma_wait3A_79 = arith.constant 0 : i32
      %dma_wait3A_80 = tpu.memref_slice %arg22[%add3A_53, %dma_wait3A_79] : memref<10000x128xf32, #tpu.memory_space<vmem_shared>> -> memref<78x128xf32, #tpu.memory_space<vmem_shared>>
      tpu.wait_dma2 semaphore(%run_scoped3A_73 : memref<!tpu.dma_semaphore, #tpu.memory_space<semaphore_mem>>) src(%dma_wait3A_80 : memref<78x128xf32, #tpu.memory_space<vmem_shared>>) dst(%arg20 : memref<78x128xf32, #tpu.memory_space<vmem>>)
      tpu.yield
    }) : () -> ()
    "tpu.region"() ({
      %run_scoped3A_73 = tpu.sem_alloc : memref<!tpu.dma_semaphore, #tpu.memory_space<semaphore_mem>>
      %dma_start3A_74 = arith.constant 0 : i32
      %dma_start3A_75 = tpu.memref_slice %arg8[%arg0, %add3A_53, %dma_start3A_74] : memref<2x10000x128xf32, #tpu.memory_space<hbm>> -> memref<1x78x128xf32, #tpu.memory_space<hbm>>
      %dma_start3A_76 = tpu.memref_squeeze %dma_start3A_75 : memref<1x78x128xf32, #tpu.memory_space<hbm>> -> memref<78x128xf32, #tpu.memory_space<hbm>>
      %dma_start3A_77 = arith.constant 0 : i32
      %dma_start3A_78 = tpu.memref_slice %arg8[%arg0, %add3A_53, %dma_start3A_77] : memref<2x10000x128xf32, #tpu.memory_space<hbm>> -> memref<1x78x128xf32, #tpu.memory_space<hbm>>
      %dma_start3A_79 = tpu.memref_squeeze %dma_start3A_78 : memref<1x78x128xf32, #tpu.memory_space<hbm>> -> memref<78x128xf32, #tpu.memory_space<hbm>>
      tpu.enqueue_dma source(%arg20 : memref<78x128xf32, #tpu.memory_space<vmem>>) target(%dma_start3A_79 : memref<78x128xf32, #tpu.memory_space<hbm>>) target_semaphore(%run_scoped3A_73 : memref<!tpu.dma_semaphore, #tpu.memory_space<semaphore_mem>>)
      %dma_wait3A = arith.constant 0 : i32
      %dma_wait3A_80 = tpu.memref_slice %arg8[%arg0, %add3A_53, %dma_wait3A] : memref<2x10000x128xf32, #tpu.memory_space<hbm>> -> memref<1x78x128xf32, #tpu.memory_space<hbm>>
      %dma_wait3A_81 = tpu.memref_squeeze %dma_wait3A_80 : memref<1x78x128xf32, #tpu.memory_space<hbm>> -> memref<78x128xf32, #tpu.memory_space<hbm>>
      %dma_wait3A_82 = arith.constant 0 : i32
      %dma_wait3A_83 = tpu.memref_slice %arg8[%arg0, %add3A_53, %dma_wait3A_82] : memref<2x10000x128xf32, #tpu.memory_space<hbm>> -> memref<1x78x128xf32, #tpu.memory_space<hbm>>
      %dma_wait3A_84 = tpu.memref_squeeze %dma_wait3A_83 : memref<1x78x128xf32, #tpu.memory_space<hbm>> -> memref<78x128xf32, #tpu.memory_space<hbm>>
      tpu.wait_dma2 semaphore(%run_scoped3A_73 : memref<!tpu.dma_semaphore, #tpu.memory_space<semaphore_mem>>) src(%arg20 : memref<78x128xf32, #tpu.memory_space<vmem>>) dst(%dma_wait3A_84 : memref<78x128xf32, #tpu.memory_space<hbm>>)
      tpu.yield
    }) : () -> ()
    %add3A_54 = arith.constant 78 : i32
    %add3A_55 = arith.addi %mul3A_0, %add3A_54 : i32
    "tpu.region"() ({
      %run_scoped3A_73 = tpu.sem_alloc : memref<!tpu.dma_semaphore, #tpu.memory_space<semaphore_mem>>
      %dma_start3A_74 = arith.constant 0 : i32
      %dma_start3A_75 = tpu.memref_slice %arg22[%add3A_55, %dma_start3A_74] : memref<10000x128xf32, #tpu.memory_space<vmem_shared>> -> memref<78x128xf32, #tpu.memory_space<vmem_shared>>
      %dma_start3A_76 = arith.constant 0 : i32
      %dma_start3A_77 = tpu.memref_slice %arg22[%add3A_55, %dma_start3A_76] : memref<10000x128xf32, #tpu.memory_space<vmem_shared>> -> memref<78x128xf32, #tpu.memory_space<vmem_shared>>
      tpu.enqueue_dma source(%dma_start3A_77 : memref<78x128xf32, #tpu.memory_space<vmem_shared>>) target(%arg20 : memref<78x128xf32, #tpu.memory_space<vmem>>) target_semaphore(%run_scoped3A_73 : memref<!tpu.dma_semaphore, #tpu.memory_space<semaphore_mem>>)
      %dma_wait3A = arith.constant 0 : i32
      %dma_wait3A_78 = tpu.memref_slice %arg22[%add3A_55, %dma_wait3A] : memref<10000x128xf32, #tpu.memory_space<vmem_shared>> -> memref<78x128xf32, #tpu.memory_space<vmem_shared>>
      %dma_wait3A_79 = arith.constant 0 : i32
      %dma_wait3A_80 = tpu.memref_slice %arg22[%add3A_55, %dma_wait3A_79] : memref<10000x128xf32, #tpu.memory_space<vmem_shared>> -> memref<78x128xf32, #tpu.memory_space<vmem_shared>>
      tpu.wait_dma2 semaphore(%run_scoped3A_73 : memref<!tpu.dma_semaphore, #tpu.memory_space<semaphore_mem>>) src(%dma_wait3A_80 : memref<78x128xf32, #tpu.memory_space<vmem_shared>>) dst(%arg20 : memref<78x128xf32, #tpu.memory_space<vmem>>)
      tpu.yield
    }) : () -> ()
    "tpu.region"() ({
      %run_scoped3A_73 = tpu.sem_alloc : memref<!tpu.dma_semaphore, #tpu.memory_space<semaphore_mem>>
      %dma_start3A_74 = arith.constant 0 : i32
      %dma_start3A_75 = tpu.memref_slice %arg8[%arg0, %add3A_55, %dma_start3A_74] : memref<2x10000x128xf32, #tpu.memory_space<hbm>> -> memref<1x78x128xf32, #tpu.memory_space<hbm>>
      %dma_start3A_76 = tpu.memref_squeeze %dma_start3A_75 : memref<1x78x128xf32, #tpu.memory_space<hbm>> -> memref<78x128xf32, #tpu.memory_space<hbm>>
      %dma_start3A_77 = arith.constant 0 : i32
      %dma_start3A_78 = tpu.memref_slice %arg8[%arg0, %add3A_55, %dma_start3A_77] : memref<2x10000x128xf32, #tpu.memory_space<hbm>> -> memref<1x78x128xf32, #tpu.memory_space<hbm>>
      %dma_start3A_79 = tpu.memref_squeeze %dma_start3A_78 : memref<1x78x128xf32, #tpu.memory_space<hbm>> -> memref<78x128xf32, #tpu.memory_space<hbm>>
      tpu.enqueue_dma source(%arg20 : memref<78x128xf32, #tpu.memory_space<vmem>>) target(%dma_start3A_79 : memref<78x128xf32, #tpu.memory_space<hbm>>) target_semaphore(%run_scoped3A_73 : memref<!tpu.dma_semaphore, #tpu.memory_space<semaphore_mem>>)
      %dma_wait3A = arith.constant 0 : i32
      %dma_wait3A_80 = tpu.memref_slice %arg8[%arg0, %add3A_55, %dma_wait3A] : memref<2x10000x128xf32, #tpu.memory_space<hbm>> -> memref<1x78x128xf32, #tpu.memory_space<hbm>>
      %dma_wait3A_81 = tpu.memref_squeeze %dma_wait3A_80 : memref<1x78x128xf32, #tpu.memory_space<hbm>> -> memref<78x128xf32, #tpu.memory_space<hbm>>
      %dma_wait3A_82 = arith.constant 0 : i32
      %dma_wait3A_83 = tpu.memref_slice %arg8[%arg0, %add3A_55, %dma_wait3A_82] : memref<2x10000x128xf32, #tpu.memory_space<hbm>> -> memref<1x78x128xf32, #tpu.memory_space<hbm>>
      %dma_wait3A_84 = tpu.memref_squeeze %dma_wait3A_83 : memref<1x78x128xf32, #tpu.memory_space<hbm>> -> memref<78x128xf32, #tpu.memory_space<hbm>>
      tpu.wait_dma2 semaphore(%run_scoped3A_73 : memref<!tpu.dma_semaphore, #tpu.memory_space<semaphore_mem>>) src(%arg20 : memref<78x128xf32, #tpu.memory_space<vmem>>) dst(%dma_wait3A_84 : memref<78x128xf32, #tpu.memory_space<hbm>>)
      tpu.yield
    }) : () -> ()
    %add3A_56 = arith.constant 156 : i32
    %add3A_57 = arith.addi %mul3A_0, %add3A_56 : i32
    "tpu.region"() ({
      %run_scoped3A_73 = tpu.sem_alloc : memref<!tpu.dma_semaphore, #tpu.memory_space<semaphore_mem>>
      %dma_start3A_74 = arith.constant 0 : i32
      %dma_start3A_75 = tpu.memref_slice %arg22[%add3A_57, %dma_start3A_74] : memref<10000x128xf32, #tpu.memory_space<vmem_shared>> -> memref<78x128xf32, #tpu.memory_space<vmem_shared>>
      %dma_start3A_76 = arith.constant 0 : i32
      %dma_start3A_77 = tpu.memref_slice %arg22[%add3A_57, %dma_start3A_76] : memref<10000x128xf32, #tpu.memory_space<vmem_shared>> -> memref<78x128xf32, #tpu.memory_space<vmem_shared>>
      tpu.enqueue_dma source(%dma_start3A_77 : memref<78x128xf32, #tpu.memory_space<vmem_shared>>) target(%arg20 : memref<78x128xf32, #tpu.memory_space<vmem>>) target_semaphore(%run_scoped3A_73 : memref<!tpu.dma_semaphore, #tpu.memory_space<semaphore_mem>>)
      %dma_wait3A = arith.constant 0 : i32
      %dma_wait3A_78 = tpu.memref_slice %arg22[%add3A_57, %dma_wait3A] : memref<10000x128xf32, #tpu.memory_space<vmem_shared>> -> memref<78x128xf32, #tpu.memory_space<vmem_shared>>
      %dma_wait3A_79 = arith.constant 0 : i32
      %dma_wait3A_80 = tpu.memref_slice %arg22[%add3A_57, %dma_wait3A_79] : memref<10000x128xf32, #tpu.memory_space<vmem_shared>> -> memref<78x128xf32, #tpu.memory_space<vmem_shared>>
      tpu.wait_dma2 semaphore(%run_scoped3A_73 : memref<!tpu.dma_semaphore, #tpu.memory_space<semaphore_mem>>) src(%dma_wait3A_80 : memref<78x128xf32, #tpu.memory_space<vmem_shared>>) dst(%arg20 : memref<78x128xf32, #tpu.memory_space<vmem>>)
      tpu.yield
    }) : () -> ()
    "tpu.region"() ({
      %run_scoped3A_73 = tpu.sem_alloc : memref<!tpu.dma_semaphore, #tpu.memory_space<semaphore_mem>>
      %dma_start3A_74 = arith.constant 0 : i32
      %dma_start3A_75 = tpu.memref_slice %arg8[%arg0, %add3A_57, %dma_start3A_74] : memref<2x10000x128xf32, #tpu.memory_space<hbm>> -> memref<1x78x128xf32, #tpu.memory_space<hbm>>
      %dma_start3A_76 = tpu.memref_squeeze %dma_start3A_75 : memref<1x78x128xf32, #tpu.memory_space<hbm>> -> memref<78x128xf32, #tpu.memory_space<hbm>>
      %dma_start3A_77 = arith.constant 0 : i32
      %dma_start3A_78 = tpu.memref_slice %arg8[%arg0, %add3A_57, %dma_start3A_77] : memref<2x10000x128xf32, #tpu.memory_space<hbm>> -> memref<1x78x128xf32, #tpu.memory_space<hbm>>
      %dma_start3A_79 = tpu.memref_squeeze %dma_start3A_78 : memref<1x78x128xf32, #tpu.memory_space<hbm>> -> memref<78x128xf32, #tpu.memory_space<hbm>>
      tpu.enqueue_dma source(%arg20 : memref<78x128xf32, #tpu.memory_space<vmem>>) target(%dma_start3A_79 : memref<78x128xf32, #tpu.memory_space<hbm>>) target_semaphore(%run_scoped3A_73 : memref<!tpu.dma_semaphore, #tpu.memory_space<semaphore_mem>>)
      %dma_wait3A = arith.constant 0 : i32
      %dma_wait3A_80 = tpu.memref_slice %arg8[%arg0, %add3A_57, %dma_wait3A] : memref<2x10000x128xf32, #tpu.memory_space<hbm>> -> memref<1x78x128xf32, #tpu.memory_space<hbm>>
      %dma_wait3A_81 = tpu.memref_squeeze %dma_wait3A_80 : memref<1x78x128xf32, #tpu.memory_space<hbm>> -> memref<78x128xf32, #tpu.memory_space<hbm>>
      %dma_wait3A_82 = arith.constant 0 : i32
      %dma_wait3A_83 = tpu.memref_slice %arg8[%arg0, %add3A_57, %dma_wait3A_82] : memref<2x10000x128xf32, #tpu.memory_space<hbm>> -> memref<1x78x128xf32, #tpu.memory_space<hbm>>
      %dma_wait3A_84 = tpu.memref_squeeze %dma_wait3A_83 : memref<1x78x128xf32, #tpu.memory_space<hbm>> -> memref<78x128xf32, #tpu.memory_space<hbm>>
      tpu.wait_dma2 semaphore(%run_scoped3A_73 : memref<!tpu.dma_semaphore, #tpu.memory_space<semaphore_mem>>) src(%arg20 : memref<78x128xf32, #tpu.memory_space<vmem>>) dst(%dma_wait3A_84 : memref<78x128xf32, #tpu.memory_space<hbm>>)
      tpu.yield
    }) : () -> ()
    %add3A_58 = arith.constant 234 : i32
    %add3A_59 = arith.addi %mul3A_0, %add3A_58 : i32
    "tpu.region"() ({
      %run_scoped3A_73 = tpu.sem_alloc : memref<!tpu.dma_semaphore, #tpu.memory_space<semaphore_mem>>
      %dma_start3A_74 = arith.constant 0 : i32
      %dma_start3A_75 = tpu.memref_slice %arg22[%add3A_59, %dma_start3A_74] : memref<10000x128xf32, #tpu.memory_space<vmem_shared>> -> memref<78x128xf32, #tpu.memory_space<vmem_shared>>
      %dma_start3A_76 = arith.constant 0 : i32
      %dma_start3A_77 = tpu.memref_slice %arg22[%add3A_59, %dma_start3A_76] : memref<10000x128xf32, #tpu.memory_space<vmem_shared>> -> memref<78x128xf32, #tpu.memory_space<vmem_shared>>
      tpu.enqueue_dma source(%dma_start3A_77 : memref<78x128xf32, #tpu.memory_space<vmem_shared>>) target(%arg20 : memref<78x128xf32, #tpu.memory_space<vmem>>) target_semaphore(%run_scoped3A_73 : memref<!tpu.dma_semaphore, #tpu.memory_space<semaphore_mem>>)
      %dma_wait3A = arith.constant 0 : i32
      %dma_wait3A_78 = tpu.memref_slice %arg22[%add3A_59, %dma_wait3A] : memref<10000x128xf32, #tpu.memory_space<vmem_shared>> -> memref<78x128xf32, #tpu.memory_space<vmem_shared>>
      %dma_wait3A_79 = arith.constant 0 : i32
      %dma_wait3A_80 = tpu.memref_slice %arg22[%add3A_59, %dma_wait3A_79] : memref<10000x128xf32, #tpu.memory_space<vmem_shared>> -> memref<78x128xf32, #tpu.memory_space<vmem_shared>>
      tpu.wait_dma2 semaphore(%run_scoped3A_73 : memref<!tpu.dma_semaphore, #tpu.memory_space<semaphore_mem>>) src(%dma_wait3A_80 : memref<78x128xf32, #tpu.memory_space<vmem_shared>>) dst(%arg20 : memref<78x128xf32, #tpu.memory_space<vmem>>)
      tpu.yield
    }) : () -> ()
    "tpu.region"() ({
      %run_scoped3A_73 = tpu.sem_alloc : memref<!tpu.dma_semaphore, #tpu.memory_space<semaphore_mem>>
      %dma_start3A_74 = arith.constant 0 : i32
      %dma_start3A_75 = tpu.memref_slice %arg8[%arg0, %add3A_59, %dma_start3A_74] : memref<2x10000x128xf32, #tpu.memory_space<hbm>> -> memref<1x78x128xf32, #tpu.memory_space<hbm>>
      %dma_start3A_76 = tpu.memref_squeeze %dma_start3A_75 : memref<1x78x128xf32, #tpu.memory_space<hbm>> -> memref<78x128xf32, #tpu.memory_space<hbm>>
      %dma_start3A_77 = arith.constant 0 : i32
      %dma_start3A_78 = tpu.memref_slice %arg8[%arg0, %add3A_59, %dma_start3A_77] : memref<2x10000x128xf32, #tpu.memory_space<hbm>> -> memref<1x78x128xf32, #tpu.memory_space<hbm>>
      %dma_start3A_79 = tpu.memref_squeeze %dma_start3A_78 : memref<1x78x128xf32, #tpu.memory_space<hbm>> -> memref<78x128xf32, #tpu.memory_space<hbm>>
      tpu.enqueue_dma source(%arg20 : memref<78x128xf32, #tpu.memory_space<vmem>>) target(%dma_start3A_79 : memref<78x128xf32, #tpu.memory_space<hbm>>) target_semaphore(%run_scoped3A_73 : memref<!tpu.dma_semaphore, #tpu.memory_space<semaphore_mem>>)
      %dma_wait3A = arith.constant 0 : i32
      %dma_wait3A_80 = tpu.memref_slice %arg8[%arg0, %add3A_59, %dma_wait3A] : memref<2x10000x128xf32, #tpu.memory_space<hbm>> -> memref<1x78x128xf32, #tpu.memory_space<hbm>>
      %dma_wait3A_81 = tpu.memref_squeeze %dma_wait3A_80 : memref<1x78x128xf32, #tpu.memory_space<hbm>> -> memref<78x128xf32, #tpu.memory_space<hbm>>
      %dma_wait3A_82 = arith.constant 0 : i32
      %dma_wait3A_83 = tpu.memref_slice %arg8[%arg0, %add3A_59, %dma_wait3A_82] : memref<2x10000x128xf32, #tpu.memory_space<hbm>> -> memref<1x78x128xf32, #tpu.memory_space<hbm>>
      %dma_wait3A_84 = tpu.memref_squeeze %dma_wait3A_83 : memref<1x78x128xf32, #tpu.memory_space<hbm>> -> memref<78x128xf32, #tpu.memory_space<hbm>>
      tpu.wait_dma2 semaphore(%run_scoped3A_73 : memref<!tpu.dma_semaphore, #tpu.memory_space<semaphore_mem>>) src(%arg20 : memref<78x128xf32, #tpu.memory_space<vmem>>) dst(%dma_wait3A_84 : memref<78x128xf32, #tpu.memory_space<hbm>>)
      tpu.yield
    }) : () -> ()
    %add3A_60 = arith.constant 312 : i32
    %add3A_61 = arith.addi %mul3A_0, %add3A_60 : i32
    "tpu.region"() ({
      %run_scoped3A_73 = tpu.sem_alloc : memref<!tpu.dma_semaphore, #tpu.memory_space<semaphore_mem>>
      %dma_start3A_74 = arith.constant 0 : i32
      %dma_start3A_75 = tpu.memref_slice %arg22[%add3A_61, %dma_start3A_74] : memref<10000x128xf32, #tpu.memory_space<vmem_shared>> -> memref<78x128xf32, #tpu.memory_space<vmem_shared>>
      %dma_start3A_76 = arith.constant 0 : i32
      %dma_start3A_77 = tpu.memref_slice %arg22[%add3A_61, %dma_start3A_76] : memref<10000x128xf32, #tpu.memory_space<vmem_shared>> -> memref<78x128xf32, #tpu.memory_space<vmem_shared>>
      tpu.enqueue_dma source(%dma_start3A_77 : memref<78x128xf32, #tpu.memory_space<vmem_shared>>) target(%arg20 : memref<78x128xf32, #tpu.memory_space<vmem>>) target_semaphore(%run_scoped3A_73 : memref<!tpu.dma_semaphore, #tpu.memory_space<semaphore_mem>>)
      %dma_wait3A = arith.constant 0 : i32
      %dma_wait3A_78 = tpu.memref_slice %arg22[%add3A_61, %dma_wait3A] : memref<10000x128xf32, #tpu.memory_space<vmem_shared>> -> memref<78x128xf32, #tpu.memory_space<vmem_shared>>
      %dma_wait3A_79 = arith.constant 0 : i32
      %dma_wait3A_80 = tpu.memref_slice %arg22[%add3A_61, %dma_wait3A_79] : memref<10000x128xf32, #tpu.memory_space<vmem_shared>> -> memref<78x128xf32, #tpu.memory_space<vmem_shared>>
      tpu.wait_dma2 semaphore(%run_scoped3A_73 : memref<!tpu.dma_semaphore, #tpu.memory_space<semaphore_mem>>) src(%dma_wait3A_80 : memref<78x128xf32, #tpu.memory_space<vmem_shared>>) dst(%arg20 : memref<78x128xf32, #tpu.memory_space<vmem>>)
      tpu.yield
    }) : () -> ()
    "tpu.region"() ({
      %run_scoped3A_73 = tpu.sem_alloc : memref<!tpu.dma_semaphore, #tpu.memory_space<semaphore_mem>>
      %dma_start3A_74 = arith.constant 0 : i32
      %dma_start3A_75 = tpu.memref_slice %arg8[%arg0, %add3A_61, %dma_start3A_74] : memref<2x10000x128xf32, #tpu.memory_space<hbm>> -> memref<1x78x128xf32, #tpu.memory_space<hbm>>
      %dma_start3A_76 = tpu.memref_squeeze %dma_start3A_75 : memref<1x78x128xf32, #tpu.memory_space<hbm>> -> memref<78x128xf32, #tpu.memory_space<hbm>>
      %dma_start3A_77 = arith.constant 0 : i32
      %dma_start3A_78 = tpu.memref_slice %arg8[%arg0, %add3A_61, %dma_start3A_77] : memref<2x10000x128xf32, #tpu.memory_space<hbm>> -> memref<1x78x128xf32, #tpu.memory_space<hbm>>
      %dma_start3A_79 = tpu.memref_squeeze %dma_start3A_78 : memref<1x78x128xf32, #tpu.memory_space<hbm>> -> memref<78x128xf32, #tpu.memory_space<hbm>>
      tpu.enqueue_dma source(%arg20 : memref<78x128xf32, #tpu.memory_space<vmem>>) target(%dma_start3A_79 : memref<78x128xf32, #tpu.memory_space<hbm>>) target_semaphore(%run_scoped3A_73 : memref<!tpu.dma_semaphore, #tpu.memory_space<semaphore_mem>>)
      %dma_wait3A = arith.constant 0 : i32
      %dma_wait3A_80 = tpu.memref_slice %arg8[%arg0, %add3A_61, %dma_wait3A] : memref<2x10000x128xf32, #tpu.memory_space<hbm>> -> memref<1x78x128xf32, #tpu.memory_space<hbm>>
      %dma_wait3A_81 = tpu.memref_squeeze %dma_wait3A_80 : memref<1x78x128xf32, #tpu.memory_space<hbm>> -> memref<78x128xf32, #tpu.memory_space<hbm>>
      %dma_wait3A_82 = arith.constant 0 : i32
      %dma_wait3A_83 = tpu.memref_slice %arg8[%arg0, %add3A_61, %dma_wait3A_82] : memref<2x10000x128xf32, #tpu.memory_space<hbm>> -> memref<1x78x128xf32, #tpu.memory_space<hbm>>
      %dma_wait3A_84 = tpu.memref_squeeze %dma_wait3A_83 : memref<1x78x128xf32, #tpu.memory_space<hbm>> -> memref<78x128xf32, #tpu.memory_space<hbm>>
      tpu.wait_dma2 semaphore(%run_scoped3A_73 : memref<!tpu.dma_semaphore, #tpu.memory_space<semaphore_mem>>) src(%arg20 : memref<78x128xf32, #tpu.memory_space<vmem>>) dst(%dma_wait3A_84 : memref<78x128xf32, #tpu.memory_space<hbm>>)
      tpu.yield
    }) : () -> ()
    %add3A_62 = arith.constant 390 : i32
    %add3A_63 = arith.addi %mul3A_0, %add3A_62 : i32
    "tpu.region"() ({
      %run_scoped3A_73 = tpu.sem_alloc : memref<!tpu.dma_semaphore, #tpu.memory_space<semaphore_mem>>
      %dma_start3A_74 = arith.constant 0 : i32
      %dma_start3A_75 = tpu.memref_slice %arg22[%add3A_63, %dma_start3A_74] : memref<10000x128xf32, #tpu.memory_space<vmem_shared>> -> memref<78x128xf32, #tpu.memory_space<vmem_shared>>
      %dma_start3A_76 = arith.constant 0 : i32
      %dma_start3A_77 = tpu.memref_slice %arg22[%add3A_63, %dma_start3A_76] : memref<10000x128xf32, #tpu.memory_space<vmem_shared>> -> memref<78x128xf32, #tpu.memory_space<vmem_shared>>
      tpu.enqueue_dma source(%dma_start3A_77 : memref<78x128xf32, #tpu.memory_space<vmem_shared>>) target(%arg20 : memref<78x128xf32, #tpu.memory_space<vmem>>) target_semaphore(%run_scoped3A_73 : memref<!tpu.dma_semaphore, #tpu.memory_space<semaphore_mem>>)
      %dma_wait3A = arith.constant 0 : i32
      %dma_wait3A_78 = tpu.memref_slice %arg22[%add3A_63, %dma_wait3A] : memref<10000x128xf32, #tpu.memory_space<vmem_shared>> -> memref<78x128xf32, #tpu.memory_space<vmem_shared>>
      %dma_wait3A_79 = arith.constant 0 : i32
      %dma_wait3A_80 = tpu.memref_slice %arg22[%add3A_63, %dma_wait3A_79] : memref<10000x128xf32, #tpu.memory_space<vmem_shared>> -> memref<78x128xf32, #tpu.memory_space<vmem_shared>>
      tpu.wait_dma2 semaphore(%run_scoped3A_73 : memref<!tpu.dma_semaphore, #tpu.memory_space<semaphore_mem>>) src(%dma_wait3A_80 : memref<78x128xf32, #tpu.memory_space<vmem_shared>>) dst(%arg20 : memref<78x128xf32, #tpu.memory_space<vmem>>)
      tpu.yield
    }) : () -> ()
    "tpu.region"() ({
      %run_scoped3A_73 = tpu.sem_alloc : memref<!tpu.dma_semaphore, #tpu.memory_space<semaphore_mem>>
      %dma_start3A_74 = arith.constant 0 : i32
      %dma_start3A_75 = tpu.memref_slice %arg8[%arg0, %add3A_63, %dma_start3A_74] : memref<2x10000x128xf32, #tpu.memory_space<hbm>> -> memref<1x78x128xf32, #tpu.memory_space<hbm>>
      %dma_start3A_76 = tpu.memref_squeeze %dma_start3A_75 : memref<1x78x128xf32, #tpu.memory_space<hbm>> -> memref<78x128xf32, #tpu.memory_space<hbm>>
      %dma_start3A_77 = arith.constant 0 : i32
      %dma_start3A_78 = tpu.memref_slice %arg8[%arg0, %add3A_63, %dma_start3A_77] : memref<2x10000x128xf32, #tpu.memory_space<hbm>> -> memref<1x78x128xf32, #tpu.memory_space<hbm>>
      %dma_start3A_79 = tpu.memref_squeeze %dma_start3A_78 : memref<1x78x128xf32, #tpu.memory_space<hbm>> -> memref<78x128xf32, #tpu.memory_space<hbm>>
      tpu.enqueue_dma source(%arg20 : memref<78x128xf32, #tpu.memory_space<vmem>>) target(%dma_start3A_79 : memref<78x128xf32, #tpu.memory_space<hbm>>) target_semaphore(%run_scoped3A_73 : memref<!tpu.dma_semaphore, #tpu.memory_space<semaphore_mem>>)
      %dma_wait3A = arith.constant 0 : i32
      %dma_wait3A_80 = tpu.memref_slice %arg8[%arg0, %add3A_63, %dma_wait3A] : memref<2x10000x128xf32, #tpu.memory_space<hbm>> -> memref<1x78x128xf32, #tpu.memory_space<hbm>>
      %dma_wait3A_81 = tpu.memref_squeeze %dma_wait3A_80 : memref<1x78x128xf32, #tpu.memory_space<hbm>> -> memref<78x128xf32, #tpu.memory_space<hbm>>
      %dma_wait3A_82 = arith.constant 0 : i32
      %dma_wait3A_83 = tpu.memref_slice %arg8[%arg0, %add3A_63, %dma_wait3A_82] : memref<2x10000x128xf32, #tpu.memory_space<hbm>> -> memref<1x78x128xf32, #tpu.memory_space<hbm>>
      %dma_wait3A_84 = tpu.memref_squeeze %dma_wait3A_83 : memref<1x78x128xf32, #tpu.memory_space<hbm>> -> memref<78x128xf32, #tpu.memory_space<hbm>>
      tpu.wait_dma2 semaphore(%run_scoped3A_73 : memref<!tpu.dma_semaphore, #tpu.memory_space<semaphore_mem>>) src(%arg20 : memref<78x128xf32, #tpu.memory_space<vmem>>) dst(%dma_wait3A_84 : memref<78x128xf32, #tpu.memory_space<hbm>>)
      tpu.yield
    }) : () -> ()
    %add3A_64 = arith.constant 468 : i32
    %add3A_65 = arith.addi %mul3A_0, %add3A_64 : i32
    "tpu.region"() ({
      %run_scoped3A_73 = tpu.sem_alloc : memref<!tpu.dma_semaphore, #tpu.memory_space<semaphore_mem>>
      %dma_start3A_74 = arith.constant 0 : i32
      %dma_start3A_75 = tpu.memref_slice %arg22[%add3A_65, %dma_start3A_74] : memref<10000x128xf32, #tpu.memory_space<vmem_shared>> -> memref<78x128xf32, #tpu.memory_space<vmem_shared>>
      %dma_start3A_76 = arith.constant 0 : i32
      %dma_start3A_77 = tpu.memref_slice %arg22[%add3A_65, %dma_start3A_76] : memref<10000x128xf32, #tpu.memory_space<vmem_shared>> -> memref<78x128xf32, #tpu.memory_space<vmem_shared>>
      tpu.enqueue_dma source(%dma_start3A_77 : memref<78x128xf32, #tpu.memory_space<vmem_shared>>) target(%arg20 : memref<78x128xf32, #tpu.memory_space<vmem>>) target_semaphore(%run_scoped3A_73 : memref<!tpu.dma_semaphore, #tpu.memory_space<semaphore_mem>>)
      %dma_wait3A = arith.constant 0 : i32
      %dma_wait3A_78 = tpu.memref_slice %arg22[%add3A_65, %dma_wait3A] : memref<10000x128xf32, #tpu.memory_space<vmem_shared>> -> memref<78x128xf32, #tpu.memory_space<vmem_shared>>
      %dma_wait3A_79 = arith.constant 0 : i32
      %dma_wait3A_80 = tpu.memref_slice %arg22[%add3A_65, %dma_wait3A_79] : memref<10000x128xf32, #tpu.memory_space<vmem_shared>> -> memref<78x128xf32, #tpu.memory_space<vmem_shared>>
      tpu.wait_dma2 semaphore(%run_scoped3A_73 : memref<!tpu.dma_semaphore, #tpu.memory_space<semaphore_mem>>) src(%dma_wait3A_80 : memref<78x128xf32, #tpu.memory_space<vmem_shared>>) dst(%arg20 : memref<78x128xf32, #tpu.memory_space<vmem>>)
      tpu.yield
    }) : () -> ()
    "tpu.region"() ({
      %run_scoped3A_73 = tpu.sem_alloc : memref<!tpu.dma_semaphore, #tpu.memory_space<semaphore_mem>>
      %dma_start3A_74 = arith.constant 0 : i32
      %dma_start3A_75 = tpu.memref_slice %arg8[%arg0, %add3A_65, %dma_start3A_74] : memref<2x10000x128xf32, #tpu.memory_space<hbm>> -> memref<1x78x128xf32, #tpu.memory_space<hbm>>
      %dma_start3A_76 = tpu.memref_squeeze %dma_start3A_75 : memref<1x78x128xf32, #tpu.memory_space<hbm>> -> memref<78x128xf32, #tpu.memory_space<hbm>>
      %dma_start3A_77 = arith.constant 0 : i32
      %dma_start3A_78 = tpu.memref_slice %arg8[%arg0, %add3A_65, %dma_start3A_77] : memref<2x10000x128xf32, #tpu.memory_space<hbm>> -> memref<1x78x128xf32, #tpu.memory_space<hbm>>
      %dma_start3A_79 = tpu.memref_squeeze %dma_start3A_78 : memref<1x78x128xf32, #tpu.memory_space<hbm>> -> memref<78x128xf32, #tpu.memory_space<hbm>>
      tpu.enqueue_dma source(%arg20 : memref<78x128xf32, #tpu.memory_space<vmem>>) target(%dma_start3A_79 : memref<78x128xf32, #tpu.memory_space<hbm>>) target_semaphore(%run_scoped3A_73 : memref<!tpu.dma_semaphore, #tpu.memory_space<semaphore_mem>>)
      %dma_wait3A = arith.constant 0 : i32
      %dma_wait3A_80 = tpu.memref_slice %arg8[%arg0, %add3A_65, %dma_wait3A] : memref<2x10000x128xf32, #tpu.memory_space<hbm>> -> memref<1x78x128xf32, #tpu.memory_space<hbm>>
      %dma_wait3A_81 = tpu.memref_squeeze %dma_wait3A_80 : memref<1x78x128xf32, #tpu.memory_space<hbm>> -> memref<78x128xf32, #tpu.memory_space<hbm>>
      %dma_wait3A_82 = arith.constant 0 : i32
      %dma_wait3A_83 = tpu.memref_slice %arg8[%arg0, %add3A_65, %dma_wait3A_82] : memref<2x10000x128xf32, #tpu.memory_space<hbm>> -> memref<1x78x128xf32, #tpu.memory_space<hbm>>
      %dma_wait3A_84 = tpu.memref_squeeze %dma_wait3A_83 : memref<1x78x128xf32, #tpu.memory_space<hbm>> -> memref<78x128xf32, #tpu.memory_space<hbm>>
      tpu.wait_dma2 semaphore(%run_scoped3A_73 : memref<!tpu.dma_semaphore, #tpu.memory_space<semaphore_mem>>) src(%arg20 : memref<78x128xf32, #tpu.memory_space<vmem>>) dst(%dma_wait3A_84 : memref<78x128xf32, #tpu.memory_space<hbm>>)
      tpu.yield
    }) : () -> ()
    %add3A_66 = arith.constant 546 : i32
    %add3A_67 = arith.addi %mul3A_0, %add3A_66 : i32
    "tpu.region"() ({
      %run_scoped3A_73 = tpu.sem_alloc : memref<!tpu.dma_semaphore, #tpu.memory_space<semaphore_mem>>
      %dma_start3A_74 = arith.constant 0 : i32
      %dma_start3A_75 = tpu.memref_slice %arg22[%add3A_67, %dma_start3A_74] : memref<10000x128xf32, #tpu.memory_space<vmem_shared>> -> memref<78x128xf32, #tpu.memory_space<vmem_shared>>
      %dma_start3A_76 = arith.constant 0 : i32
      %dma_start3A_77 = tpu.memref_slice %arg22[%add3A_67, %dma_start3A_76] : memref<10000x128xf32, #tpu.memory_space<vmem_shared>> -> memref<78x128xf32, #tpu.memory_space<vmem_shared>>
      tpu.enqueue_dma source(%dma_start3A_77 : memref<78x128xf32, #tpu.memory_space<vmem_shared>>) target(%arg20 : memref<78x128xf32, #tpu.memory_space<vmem>>) target_semaphore(%run_scoped3A_73 : memref<!tpu.dma_semaphore, #tpu.memory_space<semaphore_mem>>)
      %dma_wait3A = arith.constant 0 : i32
      %dma_wait3A_78 = tpu.memref_slice %arg22[%add3A_67, %dma_wait3A] : memref<10000x128xf32, #tpu.memory_space<vmem_shared>> -> memref<78x128xf32, #tpu.memory_space<vmem_shared>>
      %dma_wait3A_79 = arith.constant 0 : i32
      %dma_wait3A_80 = tpu.memref_slice %arg22[%add3A_67, %dma_wait3A_79] : memref<10000x128xf32, #tpu.memory_space<vmem_shared>> -> memref<78x128xf32, #tpu.memory_space<vmem_shared>>
      tpu.wait_dma2 semaphore(%run_scoped3A_73 : memref<!tpu.dma_semaphore, #tpu.memory_space<semaphore_mem>>) src(%dma_wait3A_80 : memref<78x128xf32, #tpu.memory_space<vmem_shared>>) dst(%arg20 : memref<78x128xf32, #tpu.memory_space<vmem>>)
      tpu.yield
    }) : () -> ()
    "tpu.region"() ({
      %run_scoped3A_73 = tpu.sem_alloc : memref<!tpu.dma_semaphore, #tpu.memory_space<semaphore_mem>>
      %dma_start3A_74 = arith.constant 0 : i32
      %dma_start3A_75 = tpu.memref_slice %arg8[%arg0, %add3A_67, %dma_start3A_74] : memref<2x10000x128xf32, #tpu.memory_space<hbm>> -> memref<1x78x128xf32, #tpu.memory_space<hbm>>
      %dma_start3A_76 = tpu.memref_squeeze %dma_start3A_75 : memref<1x78x128xf32, #tpu.memory_space<hbm>> -> memref<78x128xf32, #tpu.memory_space<hbm>>
      %dma_start3A_77 = arith.constant 0 : i32
      %dma_start3A_78 = tpu.memref_slice %arg8[%arg0, %add3A_67, %dma_start3A_77] : memref<2x10000x128xf32, #tpu.memory_space<hbm>> -> memref<1x78x128xf32, #tpu.memory_space<hbm>>
      %dma_start3A_79 = tpu.memref_squeeze %dma_start3A_78 : memref<1x78x128xf32, #tpu.memory_space<hbm>> -> memref<78x128xf32, #tpu.memory_space<hbm>>
      tpu.enqueue_dma source(%arg20 : memref<78x128xf32, #tpu.memory_space<vmem>>) target(%dma_start3A_79 : memref<78x128xf32, #tpu.memory_space<hbm>>) target_semaphore(%run_scoped3A_73 : memref<!tpu.dma_semaphore, #tpu.memory_space<semaphore_mem>>)
      %dma_wait3A = arith.constant 0 : i32
      %dma_wait3A_80 = tpu.memref_slice %arg8[%arg0, %add3A_67, %dma_wait3A] : memref<2x10000x128xf32, #tpu.memory_space<hbm>> -> memref<1x78x128xf32, #tpu.memory_space<hbm>>
      %dma_wait3A_81 = tpu.memref_squeeze %dma_wait3A_80 : memref<1x78x128xf32, #tpu.memory_space<hbm>> -> memref<78x128xf32, #tpu.memory_space<hbm>>
      %dma_wait3A_82 = arith.constant 0 : i32
      %dma_wait3A_83 = tpu.memref_slice %arg8[%arg0, %add3A_67, %dma_wait3A_82] : memref<2x10000x128xf32, #tpu.memory_space<hbm>> -> memref<1x78x128xf32, #tpu.memory_space<hbm>>
      %dma_wait3A_84 = tpu.memref_squeeze %dma_wait3A_83 : memref<1x78x128xf32, #tpu.memory_space<hbm>> -> memref<78x128xf32, #tpu.memory_space<hbm>>
      tpu.wait_dma2 semaphore(%run_scoped3A_73 : memref<!tpu.dma_semaphore, #tpu.memory_space<semaphore_mem>>) src(%arg20 : memref<78x128xf32, #tpu.memory_space<vmem>>) dst(%dma_wait3A_84 : memref<78x128xf32, #tpu.memory_space<hbm>>)
      tpu.yield
    }) : () -> ()
    "tpu.region"() ({
      %run_scoped3A_73 = tpu.sem_alloc : memref<!tpu.dma_semaphore, #tpu.memory_space<semaphore_mem>>
      %dma_start3A_74 = arith.constant 0 : i32
      %dma_start3A_75 = tpu.memref_slice %arg23[%mul3A_0, %dma_start3A_74] : memref<10000x16xf32, #tpu.memory_space<vmem_shared>> -> memref<624x16xf32, #tpu.memory_space<vmem_shared>>
      %dma_start3A_76 = arith.constant 0 : i32
      %dma_start3A_77 = tpu.memref_slice %arg23[%mul3A_0, %dma_start3A_76] : memref<10000x16xf32, #tpu.memory_space<vmem_shared>> -> memref<624x16xf32, #tpu.memory_space<vmem_shared>>
      tpu.enqueue_dma source(%dma_start3A_77 : memref<624x16xf32, #tpu.memory_space<vmem_shared>>) target(%arg21 : memref<624x16xf32, #tpu.memory_space<vmem>>) target_semaphore(%run_scoped3A_73 : memref<!tpu.dma_semaphore, #tpu.memory_space<semaphore_mem>>)
      %dma_wait3A = arith.constant 0 : i32
      %dma_wait3A_78 = tpu.memref_slice %arg23[%mul3A_0, %dma_wait3A] : memref<10000x16xf32, #tpu.memory_space<vmem_shared>> -> memref<624x16xf32, #tpu.memory_space<vmem_shared>>
      %dma_wait3A_79 = arith.constant 0 : i32
      %dma_wait3A_80 = tpu.memref_slice %arg23[%mul3A_0, %dma_wait3A_79] : memref<10000x16xf32, #tpu.memory_space<vmem_shared>> -> memref<624x16xf32, #tpu.memory_space<vmem_shared>>
      tpu.wait_dma2 semaphore(%run_scoped3A_73 : memref<!tpu.dma_semaphore, #tpu.memory_space<semaphore_mem>>) src(%dma_wait3A_80 : memref<624x16xf32, #tpu.memory_space<vmem_shared>>) dst(%arg21 : memref<624x16xf32, #tpu.memory_space<vmem>>)
      tpu.yield
    }) : () -> ()
    "tpu.region"() ({
      %run_scoped3A_73 = tpu.sem_alloc : memref<!tpu.dma_semaphore, #tpu.memory_space<semaphore_mem>>
      %dma_start3A_74 = arith.constant 0 : i32
      %dma_start3A_75 = tpu.memref_slice %arg9[%arg0, %mul3A_0, %dma_start3A_74] : memref<2x10000x16xf32, #tpu.memory_space<hbm>> -> memref<1x624x16xf32, #tpu.memory_space<hbm>>
      %dma_start3A_76 = tpu.memref_squeeze %dma_start3A_75 : memref<1x624x16xf32, #tpu.memory_space<hbm>> -> memref<624x16xf32, #tpu.memory_space<hbm>>
      %dma_start3A_77 = arith.constant 0 : i32
      %dma_start3A_78 = tpu.memref_slice %arg9[%arg0, %mul3A_0, %dma_start3A_77] : memref<2x10000x16xf32, #tpu.memory_space<hbm>> -> memref<1x624x16xf32, #tpu.memory_space<hbm>>
      %dma_start3A_79 = tpu.memref_squeeze %dma_start3A_78 : memref<1x624x16xf32, #tpu.memory_space<hbm>> -> memref<624x16xf32, #tpu.memory_space<hbm>>
      tpu.enqueue_dma source(%arg21 : memref<624x16xf32, #tpu.memory_space<vmem>>) target(%dma_start3A_79 : memref<624x16xf32, #tpu.memory_space<hbm>>) target_semaphore(%run_scoped3A_73 : memref<!tpu.dma_semaphore, #tpu.memory_space<semaphore_mem>>)
      %dma_wait3A = arith.constant 0 : i32
      %dma_wait3A_80 = tpu.memref_slice %arg9[%arg0, %mul3A_0, %dma_wait3A] : memref<2x10000x16xf32, #tpu.memory_space<hbm>> -> memref<1x624x16xf32, #tpu.memory_space<hbm>>
      %dma_wait3A_81 = tpu.memref_squeeze %dma_wait3A_80 : memref<1x624x16xf32, #tpu.memory_space<hbm>> -> memref<624x16xf32, #tpu.memory_space<hbm>>
      %dma_wait3A_82 = arith.constant 0 : i32
      %dma_wait3A_83 = tpu.memref_slice %arg9[%arg0, %mul3A_0, %dma_wait3A_82] : memref<2x10000x16xf32, #tpu.memory_space<hbm>> -> memref<1x624x16xf32, #tpu.memory_space<hbm>>
      %dma_wait3A_84 = tpu.memref_squeeze %dma_wait3A_83 : memref<1x624x16xf32, #tpu.memory_space<hbm>> -> memref<624x16xf32, #tpu.memory_space<hbm>>
      tpu.wait_dma2 semaphore(%run_scoped3A_73 : memref<!tpu.dma_semaphore, #tpu.memory_space<semaphore_mem>>) src(%arg21 : memref<624x16xf32, #tpu.memory_space<vmem>>) dst(%dma_wait3A_84 : memref<624x16xf32, #tpu.memory_space<hbm>>)
      tpu.yield
    }) : () -> ()
    %eq3A_68 = arith.constant 0 : i32
    %eq3A_69 = arith.cmpi eq, %arg1, %eq3A_68 : i32
    %convert_element_type3A_70 = arith.extui %eq3A_69 : i1 to i32
    %cond3A_71 = arith.constant 0 : i32
    %cond3A_72 = arith.cmpi ne, %convert_element_type3A_70, %cond3A_71 : i32
    scf.if %cond3A_72 {
      "tpu.region"() ({
        %run_scoped3A_73 = tpu.sem_alloc : memref<!tpu.dma_semaphore, #tpu.memory_space<semaphore_mem>>
        %dma_start3A_74 = arith.constant 0 : i32
        %dma_start3A_75 = arith.constant 0 : i32
        %dma_start3A_76 = tpu.memref_slice %arg20[%dma_start3A_74, %dma_start3A_75] : memref<78x128xf32, #tpu.memory_space<vmem>> -> memref<16x128xf32, #tpu.memory_space<vmem>>
        %dma_start3A_77 = arith.constant 9984 : i32
        %dma_start3A_78 = arith.constant 0 : i32
        %dma_start3A_79 = tpu.memref_slice %arg22[%dma_start3A_77, %dma_start3A_78] : memref<10000x128xf32, #tpu.memory_space<vmem_shared>> -> memref<16x128xf32, #tpu.memory_space<vmem_shared>>
        %dma_start3A_80 = arith.constant 0 : i32
        %dma_start3A_81 = arith.constant 0 : i32
        %dma_start3A_82 = tpu.memref_slice %arg20[%dma_start3A_80, %dma_start3A_81] : memref<78x128xf32, #tpu.memory_space<vmem>> -> memref<16x128xf32, #tpu.memory_space<vmem>>
        %dma_start3A_83 = arith.constant 9984 : i32
        %dma_start3A_84 = arith.constant 0 : i32
        %dma_start3A_85 = tpu.memref_slice %arg22[%dma_start3A_83, %dma_start3A_84] : memref<10000x128xf32, #tpu.memory_space<vmem_shared>> -> memref<16x128xf32, #tpu.memory_space<vmem_shared>>
        tpu.enqueue_dma source(%dma_start3A_85 : memref<16x128xf32, #tpu.memory_space<vmem_shared>>) target(%dma_start3A_82 : memref<16x128xf32, #tpu.memory_space<vmem>>) target_semaphore(%run_scoped3A_73 : memref<!tpu.dma_semaphore, #tpu.memory_space<semaphore_mem>>)
        %dma_wait3A = arith.constant 0 : i32
        %dma_wait3A_86 = arith.constant 0 : i32
        %dma_wait3A_87 = tpu.memref_slice %arg20[%dma_wait3A, %dma_wait3A_86] : memref<78x128xf32, #tpu.memory_space<vmem>> -> memref<16x128xf32, #tpu.memory_space<vmem>>
        %dma_wait3A_88 = arith.constant 9984 : i32
        %dma_wait3A_89 = arith.constant 0 : i32
        %dma_wait3A_90 = tpu.memref_slice %arg22[%dma_wait3A_88, %dma_wait3A_89] : memref<10000x128xf32, #tpu.memory_space<vmem_shared>> -> memref<16x128xf32, #tpu.memory_space<vmem_shared>>
        %dma_wait3A_91 = arith.constant 0 : i32
        %dma_wait3A_92 = arith.constant 0 : i32
        %dma_wait3A_93 = tpu.memref_slice %arg20[%dma_wait3A_91, %dma_wait3A_92] : memref<78x128xf32, #tpu.memory_space<vmem>> -> memref<16x128xf32, #tpu.memory_space<vmem>>
        %dma_wait3A_94 = arith.constant 9984 : i32
        %dma_wait3A_95 = arith.constant 0 : i32
        %dma_wait3A_96 = tpu.memref_slice %arg22[%dma_wait3A_94, %dma_wait3A_95] : memref<10000x128xf32, #tpu.memory_space<vmem_shared>> -> memref<16x128xf32, #tpu.memory_space<vmem_shared>>
        tpu.wait_dma2 semaphore(%run_scoped3A_73 : memref<!tpu.dma_semaphore, #tpu.memory_space<semaphore_mem>>) src(%dma_wait3A_96 : memref<16x128xf32, #tpu.memory_space<vmem_shared>>) dst(%dma_wait3A_93 : memref<16x128xf32, #tpu.memory_space<vmem>>)
        tpu.yield
      }) : () -> ()
      "tpu.region"() ({
        %run_scoped3A_73 = tpu.sem_alloc : memref<!tpu.dma_semaphore, #tpu.memory_space<semaphore_mem>>
        %dma_start3A_74 = arith.constant 0 : i32
        %dma_start3A_75 = arith.constant 0 : i32
        %dma_start3A_76 = tpu.memref_slice %arg20[%dma_start3A_74, %dma_start3A_75] : memref<78x128xf32, #tpu.memory_space<vmem>> -> memref<16x128xf32, #tpu.memory_space<vmem>>
        %dma_start3A_77 = arith.constant 9984 : i32
        %dma_start3A_78 = arith.constant 0 : i32
        %dma_start3A_79 = tpu.memref_slice %arg8[%arg0, %dma_start3A_77, %dma_start3A_78] : memref<2x10000x128xf32, #tpu.memory_space<hbm>> -> memref<1x16x128xf32, #tpu.memory_space<hbm>>
        %dma_start3A_80 = tpu.memref_squeeze %dma_start3A_79 : memref<1x16x128xf32, #tpu.memory_space<hbm>> -> memref<16x128xf32, #tpu.memory_space<hbm>>
        %dma_start3A_81 = arith.constant 9984 : i32
        %dma_start3A_82 = arith.constant 0 : i32
        %dma_start3A_83 = tpu.memref_slice %arg8[%arg0, %dma_start3A_81, %dma_start3A_82] : memref<2x10000x128xf32, #tpu.memory_space<hbm>> -> memref<1x16x128xf32, #tpu.memory_space<hbm>>
        %dma_start3A_84 = tpu.memref_squeeze %dma_start3A_83 : memref<1x16x128xf32, #tpu.memory_space<hbm>> -> memref<16x128xf32, #tpu.memory_space<hbm>>
        %dma_start3A_85 = arith.constant 0 : i32
        %dma_start3A_86 = arith.constant 0 : i32
        %dma_start3A_87 = tpu.memref_slice %arg20[%dma_start3A_85, %dma_start3A_86] : memref<78x128xf32, #tpu.memory_space<vmem>> -> memref<16x128xf32, #tpu.memory_space<vmem>>
        tpu.enqueue_dma source(%dma_start3A_87 : memref<16x128xf32, #tpu.memory_space<vmem>>) target(%dma_start3A_84 : memref<16x128xf32, #tpu.memory_space<hbm>>) target_semaphore(%run_scoped3A_73 : memref<!tpu.dma_semaphore, #tpu.memory_space<semaphore_mem>>)
        %dma_wait3A = arith.constant 0 : i32
        %dma_wait3A_88 = arith.constant 0 : i32
        %dma_wait3A_89 = tpu.memref_slice %arg20[%dma_wait3A, %dma_wait3A_88] : memref<78x128xf32, #tpu.memory_space<vmem>> -> memref<16x128xf32, #tpu.memory_space<vmem>>
        %dma_wait3A_90 = arith.constant 9984 : i32
        %dma_wait3A_91 = arith.constant 0 : i32
        %dma_wait3A_92 = tpu.memref_slice %arg8[%arg0, %dma_wait3A_90, %dma_wait3A_91] : memref<2x10000x128xf32, #tpu.memory_space<hbm>> -> memref<1x16x128xf32, #tpu.memory_space<hbm>>
        %dma_wait3A_93 = tpu.memref_squeeze %dma_wait3A_92 : memref<1x16x128xf32, #tpu.memory_space<hbm>> -> memref<16x128xf32, #tpu.memory_space<hbm>>
        %dma_wait3A_94 = arith.constant 9984 : i32
        %dma_wait3A_95 = arith.constant 0 : i32
        %dma_wait3A_96 = tpu.memref_slice %arg8[%arg0, %dma_wait3A_94, %dma_wait3A_95] : memref<2x10000x128xf32, #tpu.memory_space<hbm>> -> memref<1x16x128xf32, #tpu.memory_space<hbm>>
        %dma_wait3A_97 = tpu.memref_squeeze %dma_wait3A_96 : memref<1x16x128xf32, #tpu.memory_space<hbm>> -> memref<16x128xf32, #tpu.memory_space<hbm>>
        %dma_wait3A_98 = arith.constant 0 : i32
        %dma_wait3A_99 = arith.constant 0 : i32
        %dma_wait3A_100 = tpu.memref_slice %arg20[%dma_wait3A_98, %dma_wait3A_99] : memref<78x128xf32, #tpu.memory_space<vmem>> -> memref<16x128xf32, #tpu.memory_space<vmem>>
        tpu.wait_dma2 semaphore(%run_scoped3A_73 : memref<!tpu.dma_semaphore, #tpu.memory_space<semaphore_mem>>) src(%dma_wait3A_100 : memref<16x128xf32, #tpu.memory_space<vmem>>) dst(%dma_wait3A_97 : memref<16x128xf32, #tpu.memory_space<hbm>>)
        tpu.yield
      }) : () -> ()
      "tpu.region"() ({
        %run_scoped3A_73 = tpu.sem_alloc : memref<!tpu.dma_semaphore, #tpu.memory_space<semaphore_mem>>
        %dma_start3A_74 = arith.constant 0 : i32
        %dma_start3A_75 = arith.constant 0 : i32
        %dma_start3A_76 = tpu.memref_slice %arg21[%dma_start3A_74, %dma_start3A_75] : memref<624x16xf32, #tpu.memory_space<vmem>> -> memref<16x16xf32, #tpu.memory_space<vmem>>
        %dma_start3A_77 = arith.constant 9984 : i32
        %dma_start3A_78 = arith.constant 0 : i32
        %dma_start3A_79 = tpu.memref_slice %arg23[%dma_start3A_77, %dma_start3A_78] : memref<10000x16xf32, #tpu.memory_space<vmem_shared>> -> memref<16x16xf32, #tpu.memory_space<vmem_shared>>
        %dma_start3A_80 = arith.constant 0 : i32
        %dma_start3A_81 = arith.constant 0 : i32
        %dma_start3A_82 = tpu.memref_slice %arg21[%dma_start3A_80, %dma_start3A_81] : memref<624x16xf32, #tpu.memory_space<vmem>> -> memref<16x16xf32, #tpu.memory_space<vmem>>
        %dma_start3A_83 = arith.constant 9984 : i32
        %dma_start3A_84 = arith.constant 0 : i32
        %dma_start3A_85 = tpu.memref_slice %arg23[%dma_start3A_83, %dma_start3A_84] : memref<10000x16xf32, #tpu.memory_space<vmem_shared>> -> memref<16x16xf32, #tpu.memory_space<vmem_shared>>
        tpu.enqueue_dma source(%dma_start3A_85 : memref<16x16xf32, #tpu.memory_space<vmem_shared>>) target(%dma_start3A_82 : memref<16x16xf32, #tpu.memory_space<vmem>>) target_semaphore(%run_scoped3A_73 : memref<!tpu.dma_semaphore, #tpu.memory_space<semaphore_mem>>)
        %dma_wait3A = arith.constant 0 : i32
        %dma_wait3A_86 = arith.constant 0 : i32
        %dma_wait3A_87 = tpu.memref_slice %arg21[%dma_wait3A, %dma_wait3A_86] : memref<624x16xf32, #tpu.memory_space<vmem>> -> memref<16x16xf32, #tpu.memory_space<vmem>>
        %dma_wait3A_88 = arith.constant 9984 : i32
        %dma_wait3A_89 = arith.constant 0 : i32
        %dma_wait3A_90 = tpu.memref_slice %arg23[%dma_wait3A_88, %dma_wait3A_89] : memref<10000x16xf32, #tpu.memory_space<vmem_shared>> -> memref<16x16xf32, #tpu.memory_space<vmem_shared>>
        %dma_wait3A_91 = arith.constant 0 : i32
        %dma_wait3A_92 = arith.constant 0 : i32
        %dma_wait3A_93 = tpu.memref_slice %arg21[%dma_wait3A_91, %dma_wait3A_92] : memref<624x16xf32, #tpu.memory_space<vmem>> -> memref<16x16xf32, #tpu.memory_space<vmem>>
        %dma_wait3A_94 = arith.constant 9984 : i32
        %dma_wait3A_95 = arith.constant 0 : i32
        %dma_wait3A_96 = tpu.memref_slice %arg23[%dma_wait3A_94, %dma_wait3A_95] : memref<10000x16xf32, #tpu.memory_space<vmem_shared>> -> memref<16x16xf32, #tpu.memory_space<vmem_shared>>
        tpu.wait_dma2 semaphore(%run_scoped3A_73 : memref<!tpu.dma_semaphore, #tpu.memory_space<semaphore_mem>>) src(%dma_wait3A_96 : memref<16x16xf32, #tpu.memory_space<vmem_shared>>) dst(%dma_wait3A_93 : memref<16x16xf32, #tpu.memory_space<vmem>>)
        tpu.yield
      }) : () -> ()
      "tpu.region"() ({
        %run_scoped3A_73 = tpu.sem_alloc : memref<!tpu.dma_semaphore, #tpu.memory_space<semaphore_mem>>
        %dma_start3A_74 = arith.constant 0 : i32
        %dma_start3A_75 = arith.constant 0 : i32
        %dma_start3A_76 = tpu.memref_slice %arg21[%dma_start3A_74, %dma_start3A_75] : memref<624x16xf32, #tpu.memory_space<vmem>> -> memref<16x16xf32, #tpu.memory_space<vmem>>
        %dma_start3A_77 = arith.constant 9984 : i32
        %dma_start3A_78 = arith.constant 0 : i32
        %dma_start3A_79 = tpu.memref_slice %arg9[%arg0, %dma_start3A_77, %dma_start3A_78] : memref<2x10000x16xf32, #tpu.memory_space<hbm>> -> memref<1x16x16xf32, #tpu.memory_space<hbm>>
        %dma_start3A_80 = tpu.memref_squeeze %dma_start3A_79 : memref<1x16x16xf32, #tpu.memory_space<hbm>> -> memref<16x16xf32, #tpu.memory_space<hbm>>
        %dma_start3A_81 = arith.constant 9984 : i32
        %dma_start3A_82 = arith.constant 0 : i32
        %dma_start3A_83 = tpu.memref_slice %arg9[%arg0, %dma_start3A_81, %dma_start3A_82] : memref<2x10000x16xf32, #tpu.memory_space<hbm>> -> memref<1x16x16xf32, #tpu.memory_space<hbm>>
        %dma_start3A_84 = tpu.memref_squeeze %dma_start3A_83 : memref<1x16x16xf32, #tpu.memory_space<hbm>> -> memref<16x16xf32, #tpu.memory_space<hbm>>
        %dma_start3A_85 = arith.constant 0 : i32
        %dma_start3A_86 = arith.constant 0 : i32
        %dma_start3A_87 = tpu.memref_slice %arg21[%dma_start3A_85, %dma_start3A_86] : memref<624x16xf32, #tpu.memory_space<vmem>> -> memref<16x16xf32, #tpu.memory_space<vmem>>
        tpu.enqueue_dma source(%dma_start3A_87 : memref<16x16xf32, #tpu.memory_space<vmem>>) target(%dma_start3A_84 : memref<16x16xf32, #tpu.memory_space<hbm>>) target_semaphore(%run_scoped3A_73 : memref<!tpu.dma_semaphore, #tpu.memory_space<semaphore_mem>>)
        %dma_wait3A = arith.constant 0 : i32
        %dma_wait3A_88 = arith.constant 0 : i32
        %dma_wait3A_89 = tpu.memref_slice %arg21[%dma_wait3A, %dma_wait3A_88] : memref<624x16xf32, #tpu.memory_space<vmem>> -> memref<16x16xf32, #tpu.memory_space<vmem>>
        %dma_wait3A_90 = arith.constant 9984 : i32
        %dma_wait3A_91 = arith.constant 0 : i32
        %dma_wait3A_92 = tpu.memref_slice %arg9[%arg0, %dma_wait3A_90, %dma_wait3A_91] : memref<2x10000x16xf32, #tpu.memory_space<hbm>> -> memref<1x16x16xf32, #tpu.memory_space<hbm>>
        %dma_wait3A_93 = tpu.memref_squeeze %dma_wait3A_92 : memref<1x16x16xf32, #tpu.memory_space<hbm>> -> memref<16x16xf32, #tpu.memory_space<hbm>>
        %dma_wait3A_94 = arith.constant 9984 : i32
        %dma_wait3A_95 = arith.constant 0 : i32
        %dma_wait3A_96 = tpu.memref_slice %arg9[%arg0, %dma_wait3A_94, %dma_wait3A_95] : memref<2x10000x16xf32, #tpu.memory_space<hbm>> -> memref<1x16x16xf32, #tpu.memory_space<hbm>>
        %dma_wait3A_97 = tpu.memref_squeeze %dma_wait3A_96 : memref<1x16x16xf32, #tpu.memory_space<hbm>> -> memref<16x16xf32, #tpu.memory_space<hbm>>
        %dma_wait3A_98 = arith.constant 0 : i32
        %dma_wait3A_99 = arith.constant 0 : i32
        %dma_wait3A_100 = tpu.memref_slice %arg21[%dma_wait3A_98, %dma_wait3A_99] : memref<624x16xf32, #tpu.memory_space<vmem>> -> memref<16x16xf32, #tpu.memory_space<vmem>>
        tpu.wait_dma2 semaphore(%run_scoped3A_73 : memref<!tpu.dma_semaphore, #tpu.memory_space<semaphore_mem>>) src(%dma_wait3A_100 : memref<16x16xf32, #tpu.memory_space<vmem>>) dst(%dma_wait3A_97 : memref<16x16xf32, #tpu.memory_space<hbm>>)
        tpu.yield
      }) : () -> ()
    } else {
    }
    return
  }
}

module attributes {stable_mosaic.version = 14 : i64} {
  func.func @_tc_a_body(%arg0: i32, %arg1: memref<400x128xf32, #tpu.memory_space<vmem>>, %arg2: memref<128x256xf32, #tpu.memory_space<vmem>>, %arg3: memref<1x256xf32, #tpu.memory_space<vmem>>, %arg4: memref<256x256xf32, #tpu.memory_space<vmem>>, %arg5: memref<256x8xf32, #tpu.memory_space<vmem>>, %arg6: memref<4x256xf32, #tpu.memory_space<vmem>>, %arg7: memref<400x256xf32, #tpu.memory_space<vmem>>, %arg8: memref<2x400x128xf32, #tpu.memory_space<vmem>>, %arg9: memref<400x16xf32, #tpu.memory_space<vmem>>, %arg10: memref<400x16xf32, #tpu.memory_space<vmem>>, %arg11: memref<2x400x128xf32, #tpu.memory_space<vmem>>, %arg12: memref<2x400x16xf32, #tpu.memory_space<vmem>>) attributes {dimension_semantics = [#tpu.dimension_semantics<arbitrary>], iteration_bounds = array<i64: 25>, scalar_prefetch = 0 : i64, scratch_operands = 0 : i64, tpu.core_type = #tpu.core_type<tc>, window_params = [{transform_indices = @transform_0, window_bounds = array<i64: 400, 128>}, {pipeline_mode = #tpu.pipeline_mode<synchronous>, transform_indices = @transform_1, window_bounds = array<i64: 128, 256>}, {pipeline_mode = #tpu.pipeline_mode<synchronous>, transform_indices = @transform_2, window_bounds = array<i64: 1, 256>}, {pipeline_mode = #tpu.pipeline_mode<synchronous>, transform_indices = @transform_3, window_bounds = array<i64: 256, 256>}, {pipeline_mode = #tpu.pipeline_mode<synchronous>, transform_indices = @transform_4, window_bounds = array<i64: 256, 8>}, {pipeline_mode = #tpu.pipeline_mode<synchronous>, transform_indices = @transform_5, window_bounds = array<i64: 4, 256>}, {transform_indices = @transform_6, window_bounds = array<i64: 400, 256>}, {transform_indices = @transform_7, window_bounds = array<i64: 2, 400, 128>}, {transform_indices = @transform_8, window_bounds = array<i64: 400, 16>}, {transform_indices = @transform_9, window_bounds = array<i64: 400, 16>}, {transform_indices = @transform_10, window_bounds = array<i64: 2, 400, 128>}, {transform_indices = @transform_11, window_bounds = array<i64: 2, 400, 16>}]} {
    %get3A = arith.constant 0 : index
    %get3A_0 = arith.constant 0 : index
    %get3A_1 = vector.load %arg1[%get3A, %get3A_0] : memref<400x128xf32, #tpu.memory_space<vmem>>, vector<400x128xf32>
    %get3A_2 = arith.constant 0 : index
    %get3A_3 = arith.constant 0 : index
    %get3A_4 = vector.load %arg2[%get3A_2, %get3A_3] : memref<128x256xf32, #tpu.memory_space<vmem>>, vector<128x256xf32>
    %dot_general3A = arith.constant dense<0.000000e+00> : vector<400x256xf32>
    %dot_general3A_5 = tpu.matmul %get3A_1, %get3A_4, %dot_general3A {dimension_numbers = #tpu.dot_dimension_numbers<[1], [0], [0], [1], [0, 0, 1, 1], [], []>, transpose_lhs_hint = false} : vector<400x128xf32>, vector<128x256xf32>, vector<400x256xf32> -> vector<400x256xf32>
    %get3A_6 = arith.constant 0 : index
    %get3A_7 = arith.constant 0 : index
    %get3A_8 = vector.load %arg3[%get3A_6, %get3A_7] : memref<1x256xf32, #tpu.memory_space<vmem>>, vector<1x256xf32>
    %add3A = vector.broadcast %get3A_8 : vector<1x256xf32> to vector<400x256xf32>
    %add3A_9 = arith.addf %dot_general3A_5, %add3A : vector<400x256xf32>
    %get3A_10 = arith.constant 0 : index
    %get3A_11 = arith.constant 0 : index
    %get3A_12 = vector.load %arg4[%get3A_10, %get3A_11] : memref<256x256xf32, #tpu.memory_space<vmem>>, vector<256x256xf32>
    %dot_general3A_13 = arith.constant dense<0.000000e+00> : vector<400x256xf32>
    %dot_general3A_14 = tpu.matmul %add3A_9, %get3A_12, %dot_general3A_13 {dimension_numbers = #tpu.dot_dimension_numbers<[1], [0], [0], [1], [0, 0, 1, 1], [], []>, transpose_lhs_hint = false} : vector<400x256xf32>, vector<256x256xf32>, vector<400x256xf32> -> vector<400x256xf32>
    %get3A_15 = arith.constant 0 : index
    %get3A_16 = arith.constant 0 : index
    %get3A_17 = vector.load %arg5[%get3A_15, %get3A_16] : memref<256x8xf32, #tpu.memory_space<vmem>>, vector<256x8xf32>
    %dot_general3A_18 = arith.constant dense<0.000000e+00> : vector<400x8xf32>
    %dot_general3A_19 = tpu.matmul %dot_general3A_14, %get3A_17, %dot_general3A_18 {dimension_numbers = #tpu.dot_dimension_numbers<[1], [0], [0], [1], [0, 0, 1, 1], [], []>, transpose_lhs_hint = false} : vector<400x256xf32>, vector<256x8xf32>, vector<400x8xf32> -> vector<400x8xf32>
    %slice3A = vector.extract_strided_slice %dot_general3A_19 {offsets = [0, 0], sizes = [400, 4], strides = [1, 1]} : vector<400x8xf32> to vector<400x4xf32>
    %slice3A_20 = vector.extract_strided_slice %dot_general3A_19 {offsets = [0, 4], sizes = [400, 4], strides = [1, 1]} : vector<400x8xf32> to vector<400x4xf32>
    %add3A_21 = arith.addf %slice3A, %slice3A_20 : vector<400x4xf32>
    %mul3A = arith.constant 2.000000e-01 : f32
    %mul3A_22 = vector.broadcast %mul3A : f32 to vector<400x4xf32>
    %mul3A_23 = arith.mulf %mul3A_22, %add3A_21 : vector<400x4xf32>
    %max3A = arith.maximumf %add3A_21, %mul3A_23 : vector<400x4xf32>
    %exp3A = math.exp %max3A : vector<400x4xf32>
    %get3A_24 = arith.constant 0 : index
    %get3A_25 = arith.constant 0 : index
    %get3A_26 = vector.load %arg6[%get3A_24, %get3A_25] : memref<4x256xf32, #tpu.memory_space<vmem>>, vector<4x256xf32>
    %dot_general3A_27 = arith.constant dense<0.000000e+00> : vector<400x256xf32>
    %dot_general3A_28 = tpu.matmul %exp3A, %get3A_26, %dot_general3A_27 {dimension_numbers = #tpu.dot_dimension_numbers<[1], [0], [0], [1], [0, 0, 1, 1], [], []>, transpose_lhs_hint = false} : vector<400x4xf32>, vector<4x256xf32>, vector<400x256xf32> -> vector<400x256xf32>
    %mul3A_29 = arith.mulf %dot_general3A_14, %dot_general3A_28 : vector<400x256xf32>
    %broadcast_in_dim3A = arith.constant 0.000000e+00 : f32
    %broadcast_in_dim3A_30 = vector.broadcast %broadcast_in_dim3A : f32 to vector<400x14xf32>
    %swap3A = arith.constant 0 : index
    %swap3A_31 = arith.constant 0 : index
    %swap3A_32 = vector.load %arg7[%swap3A, %swap3A_31] : memref<400x256xf32, #tpu.memory_space<vmem>>, vector<400x256xf32>
    tpu.vector_store %arg7[%swap3A, %swap3A_31], %add3A_9 {strides = array<i32>} : memref<400x256xf32, #tpu.memory_space<vmem>>, vector<400x256xf32>,
    %slice3A_33 = vector.extract_strided_slice %dot_general3A_14 {offsets = [0, 0], sizes = [400, 128], strides = [1, 1]} : vector<400x256xf32> to vector<400x128xf32>
    %swap3A_34 = arith.constant 0 : index
    %swap3A_35 = arith.constant 0 : index
    %swap3A_36 = arith.constant 0 : index
    %swap3A_37 = vector.load %arg8[%swap3A_34, %swap3A_35, %swap3A_36] : memref<2x400x128xf32, #tpu.memory_space<vmem>>, vector<1x400x128xf32>
    %swap3A_38 = vector.shape_cast %swap3A_37 : vector<1x400x128xf32> to vector<400x128xf32>
    %swap3A_39 = vector.shape_cast %slice3A_33 : vector<400x128xf32> to vector<1x400x128xf32>
    tpu.vector_store %arg8[%swap3A_34, %swap3A_35, %swap3A_36], %swap3A_39 {strides = array<i32>} : memref<2x400x128xf32, #tpu.memory_space<vmem>>, vector<1x400x128xf32>,
    %slice3A_40 = vector.extract_strided_slice %dot_general3A_14 {offsets = [0, 128], sizes = [400, 128], strides = [1, 1]} : vector<400x256xf32> to vector<400x128xf32>
    %swap3A_41 = arith.constant 1 : index
    %swap3A_42 = arith.constant 0 : index
    %swap3A_43 = arith.constant 0 : index
    %swap3A_44 = vector.load %arg8[%swap3A_41, %swap3A_42, %swap3A_43] : memref<2x400x128xf32, #tpu.memory_space<vmem>>, vector<1x400x128xf32>
    %swap3A_45 = vector.shape_cast %swap3A_44 : vector<1x400x128xf32> to vector<400x128xf32>
    %swap3A_46 = vector.shape_cast %slice3A_40 : vector<400x128xf32> to vector<1x400x128xf32>
    tpu.vector_store %arg8[%swap3A_41, %swap3A_42, %swap3A_43], %swap3A_46 {strides = array<i32>} : memref<2x400x128xf32, #tpu.memory_space<vmem>>, vector<1x400x128xf32>,
    %broadcast_in_dim3A_47 = arith.constant 0.000000e+00 : f32
    %broadcast_in_dim3A_48 = vector.broadcast %broadcast_in_dim3A_47 : f32 to vector<400x12xf32>
    %slice3A_49 = vector.extract_strided_slice %dot_general3A_19 {offsets = [0, 0], sizes = [400, 4], strides = [1, 1]} : vector<400x8xf32> to vector<400x4xf32>
    %concatenate3A = tpu.concatenate %slice3A_49, %broadcast_in_dim3A_48 in 1 : vector<400x4xf32>, vector<400x12xf32> -> vector<400x16xf32>
    %swap3A_50 = arith.constant 0 : index
    %swap3A_51 = arith.constant 0 : index
    %swap3A_52 = vector.load %arg9[%swap3A_50, %swap3A_51] : memref<400x16xf32, #tpu.memory_space<vmem>>, vector<400x16xf32>
    tpu.vector_store %arg9[%swap3A_50, %swap3A_51], %concatenate3A {strides = array<i32>} : memref<400x16xf32, #tpu.memory_space<vmem>>, vector<400x16xf32>,
    %slice3A_53 = vector.extract_strided_slice %dot_general3A_19 {offsets = [0, 4], sizes = [400, 4], strides = [1, 1]} : vector<400x8xf32> to vector<400x4xf32>
    %concatenate3A_54 = tpu.concatenate %slice3A_53, %broadcast_in_dim3A_48 in 1 : vector<400x4xf32>, vector<400x12xf32> -> vector<400x16xf32>
    %swap3A_55 = arith.constant 0 : index
    %swap3A_56 = arith.constant 0 : index
    %swap3A_57 = vector.load %arg10[%swap3A_55, %swap3A_56] : memref<400x16xf32, #tpu.memory_space<vmem>>, vector<400x16xf32>
    tpu.vector_store %arg10[%swap3A_55, %swap3A_56], %concatenate3A_54 {strides = array<i32>} : memref<400x16xf32, #tpu.memory_space<vmem>>, vector<400x16xf32>,
    %slice3A_58 = vector.extract_strided_slice %mul3A_29 {offsets = [0, 0], sizes = [400, 128], strides = [1, 1]} : vector<400x256xf32> to vector<400x128xf32>
    %swap3A_59 = arith.constant 0 : index
    %swap3A_60 = arith.constant 0 : index
    %swap3A_61 = arith.constant 0 : index
    %swap3A_62 = vector.load %arg11[%swap3A_59, %swap3A_60, %swap3A_61] : memref<2x400x128xf32, #tpu.memory_space<vmem>>, vector<1x400x128xf32>
    %swap3A_63 = vector.shape_cast %swap3A_62 : vector<1x400x128xf32> to vector<400x128xf32>
    %swap3A_64 = vector.shape_cast %slice3A_58 : vector<400x128xf32> to vector<1x400x128xf32>
    tpu.vector_store %arg11[%swap3A_59, %swap3A_60, %swap3A_61], %swap3A_64 {strides = array<i32>} : memref<2x400x128xf32, #tpu.memory_space<vmem>>, vector<1x400x128xf32>,
    %slice3A_65 = vector.extract_strided_slice %mul3A_29 {offsets = [0, 128], sizes = [400, 128], strides = [1, 1]} : vector<400x256xf32> to vector<400x128xf32>
    %swap3A_66 = arith.constant 1 : index
    %swap3A_67 = arith.constant 0 : index
    %swap3A_68 = arith.constant 0 : index
    %swap3A_69 = vector.load %arg11[%swap3A_66, %swap3A_67, %swap3A_68] : memref<2x400x128xf32, #tpu.memory_space<vmem>>, vector<1x400x128xf32>
    %swap3A_70 = vector.shape_cast %swap3A_69 : vector<1x400x128xf32> to vector<400x128xf32>
    %swap3A_71 = vector.shape_cast %slice3A_65 : vector<400x128xf32> to vector<1x400x128xf32>
    tpu.vector_store %arg11[%swap3A_66, %swap3A_67, %swap3A_68], %swap3A_71 {strides = array<i32>} : memref<2x400x128xf32, #tpu.memory_space<vmem>>, vector<1x400x128xf32>,
    %slice3A_72 = vector.extract_strided_slice %exp3A {offsets = [0, 0], sizes = [400, 2], strides = [1, 1]} : vector<400x4xf32> to vector<400x2xf32>
    %concatenate3A_73 = tpu.concatenate %slice3A_72, %broadcast_in_dim3A_30 in 1 : vector<400x2xf32>, vector<400x14xf32> -> vector<400x16xf32>
    %swap3A_74 = arith.constant 0 : index
    %swap3A_75 = arith.constant 0 : index
    %swap3A_76 = arith.constant 0 : index
    %swap3A_77 = vector.load %arg12[%swap3A_74, %swap3A_75, %swap3A_76] : memref<2x400x16xf32, #tpu.memory_space<vmem>>, vector<1x400x16xf32>
    %swap3A_78 = vector.shape_cast %swap3A_77 : vector<1x400x16xf32> to vector<400x16xf32>
    %swap3A_79 = vector.shape_cast %concatenate3A_73 : vector<400x16xf32> to vector<1x400x16xf32>
    tpu.vector_store %arg12[%swap3A_74, %swap3A_75, %swap3A_76], %swap3A_79 {strides = array<i32>} : memref<2x400x16xf32, #tpu.memory_space<vmem>>, vector<1x400x16xf32>,
    %slice3A_80 = vector.extract_strided_slice %exp3A {offsets = [0, 2], sizes = [400, 2], strides = [1, 1]} : vector<400x4xf32> to vector<400x2xf32>
    %concatenate3A_81 = tpu.concatenate %slice3A_80, %broadcast_in_dim3A_30 in 1 : vector<400x2xf32>, vector<400x14xf32> -> vector<400x16xf32>
    %swap3A_82 = arith.constant 1 : index
    %swap3A_83 = arith.constant 0 : index
    %swap3A_84 = arith.constant 0 : index
    %swap3A_85 = vector.load %arg12[%swap3A_82, %swap3A_83, %swap3A_84] : memref<2x400x16xf32, #tpu.memory_space<vmem>>, vector<1x400x16xf32>
    %swap3A_86 = vector.shape_cast %swap3A_85 : vector<1x400x16xf32> to vector<400x16xf32>
    %swap3A_87 = vector.shape_cast %concatenate3A_81 : vector<400x16xf32> to vector<1x400x16xf32>
    tpu.vector_store %arg12[%swap3A_82, %swap3A_83, %swap3A_84], %swap3A_87 {strides = array<i32>} : memref<2x400x16xf32, #tpu.memory_space<vmem>>, vector<1x400x16xf32>,
    return
  }
  func.func @transform_0(%arg0: i32) -> (i32, i32) {
    %c0_i32 = arith.constant 0 : i32
    %c0_i32_0 = arith.constant 0 : i32
    return %arg0, %c0_i32 : i32, i32
  }
  func.func @transform_1(%arg0: i32) -> (i32, i32) {
    %c0_i32 = arith.constant 0 : i32
    %c0_i32_0 = arith.constant 0 : i32
    %c0_i32_1 = arith.constant 0 : i32
    return %c0_i32, %c0_i32_0 : i32, i32
  }
  func.func @transform_2(%arg0: i32) -> (i32, i32) {
    %c0_i32 = arith.constant 0 : i32
    %c0_i32_0 = arith.constant 0 : i32
    %c0_i32_1 = arith.constant 0 : i32
    return %c0_i32, %c0_i32_0 : i32, i32
  }
  func.func @transform_3(%arg0: i32) -> (i32, i32) {
    %c0_i32 = arith.constant 0 : i32
    %c0_i32_0 = arith.constant 0 : i32
    %c0_i32_1 = arith.constant 0 : i32
    return %c0_i32, %c0_i32_0 : i32, i32
  }
  func.func @transform_4(%arg0: i32) -> (i32, i32) {
    %c0_i32 = arith.constant 0 : i32
    %c0_i32_0 = arith.constant 0 : i32
    %c0_i32_1 = arith.constant 0 : i32
    return %c0_i32, %c0_i32_0 : i32, i32
  }
  func.func @transform_5(%arg0: i32) -> (i32, i32) {
    %c0_i32 = arith.constant 0 : i32
    %c0_i32_0 = arith.constant 0 : i32
    %c0_i32_1 = arith.constant 0 : i32
    return %c0_i32, %c0_i32_0 : i32, i32
  }
  func.func @transform_6(%arg0: i32) -> (i32, i32) {
    %c0_i32 = arith.constant 0 : i32
    %c0_i32_0 = arith.constant 0 : i32
    return %arg0, %c0_i32 : i32, i32
  }
  func.func @transform_7(%arg0: i32) -> (i32, i32, i32) {
    %c0_i32 = arith.constant 0 : i32
    %c0_i32_0 = arith.constant 0 : i32
    %c0_i32_1 = arith.constant 0 : i32
    return %c0_i32, %arg0, %c0_i32_0 : i32, i32, i32
  }
  func.func @transform_8(%arg0: i32) -> (i32, i32) {
    %c0_i32 = arith.constant 0 : i32
    %c0_i32_0 = arith.constant 0 : i32
    return %arg0, %c0_i32 : i32, i32
  }
  func.func @transform_9(%arg0: i32) -> (i32, i32) {
    %c0_i32 = arith.constant 0 : i32
    %c0_i32_0 = arith.constant 0 : i32
    return %arg0, %c0_i32 : i32, i32
  }
  func.func @transform_10(%arg0: i32) -> (i32, i32, i32) {
    %c0_i32 = arith.constant 0 : i32
    %c0_i32_0 = arith.constant 0 : i32
    %c0_i32_1 = arith.constant 0 : i32
    return %c0_i32, %arg0, %c0_i32_0 : i32, i32, i32
  }
  func.func @transform_11(%arg0: i32) -> (i32, i32, i32) {
    %c0_i32 = arith.constant 0 : i32
    %c0_i32_0 = arith.constant 0 : i32
    %c0_i32_1 = arith.constant 0 : i32
    return %c0_i32, %arg0, %c0_i32_0 : i32, i32, i32
  }
}

module attributes {stable_mosaic.version = 14 : i64} {
  func.func @_tc_b_body(%arg0: i32, %arg1: memref<2x400x128xf32, #tpu.memory_space<vmem>>, %arg2: memref<2x400x16xf32, #tpu.memory_space<vmem>>, %arg3: memref<1x256xf32, #tpu.memory_space<vmem>>, %arg4: memref<1x256xf32, #tpu.memory_space<vmem>>, %arg5: memref<1x256xf32, #tpu.memory_space<vmem>>, %arg6: memref<256x256xf32, #tpu.memory_space<vmem>>, %arg7: memref<256x8xf32, #tpu.memory_space<vmem>>, %arg8: memref<4x256xf32, #tpu.memory_space<vmem>>, %arg9: memref<400x256xf32, #tpu.memory_space<vmem>>, %arg10: memref<2x400x128xf32, #tpu.memory_space<vmem>>, %arg11: memref<400x16xf32, #tpu.memory_space<vmem>>, %arg12: memref<400x16xf32, #tpu.memory_space<vmem>>, %arg13: memref<2x400x128xf32, #tpu.memory_space<vmem>>, %arg14: memref<2x400x16xf32, #tpu.memory_space<vmem>>) attributes {dimension_semantics = [#tpu.dimension_semantics<arbitrary>], iteration_bounds = array<i64: 25>, scalar_prefetch = 0 : i64, scratch_operands = 0 : i64, tpu.core_type = #tpu.core_type<tc>, window_params = [{transform_indices = @transform_0, window_bounds = array<i64: 2, 400, 128>}, {transform_indices = @transform_1, window_bounds = array<i64: 2, 400, 16>}, {pipeline_mode = #tpu.pipeline_mode<synchronous>, transform_indices = @transform_2, window_bounds = array<i64: 1, 256>}, {pipeline_mode = #tpu.pipeline_mode<synchronous>, transform_indices = @transform_3, window_bounds = array<i64: 1, 256>}, {pipeline_mode = #tpu.pipeline_mode<synchronous>, transform_indices = @transform_4, window_bounds = array<i64: 1, 256>}, {pipeline_mode = #tpu.pipeline_mode<synchronous>, transform_indices = @transform_5, window_bounds = array<i64: 256, 256>}, {pipeline_mode = #tpu.pipeline_mode<synchronous>, transform_indices = @transform_6, window_bounds = array<i64: 256, 8>}, {pipeline_mode = #tpu.pipeline_mode<synchronous>, transform_indices = @transform_7, window_bounds = array<i64: 4, 256>}, {transform_indices = @transform_8, window_bounds = array<i64: 400, 256>}, {transform_indices = @transform_9, window_bounds = array<i64: 2, 400, 128>}, {transform_indices = @transform_10, window_bounds = array<i64: 400, 16>}, {transform_indices = @transform_11, window_bounds = array<i64: 400, 16>}, {transform_indices = @transform_12, window_bounds = array<i64: 2, 400, 128>}, {transform_indices = @transform_13, window_bounds = array<i64: 2, 400, 16>}]} {
    %get3A = arith.constant 0 : index
    %get3A_0 = arith.constant 0 : index
    %get3A_1 = arith.constant 0 : index
    %get3A_2 = vector.load %arg1[%get3A, %get3A_0, %get3A_1] : memref<2x400x128xf32, #tpu.memory_space<vmem>>, vector<1x400x128xf32>
    %get3A_3 = vector.shape_cast %get3A_2 : vector<1x400x128xf32> to vector<400x128xf32>
    %get3A_4 = arith.constant 1 : index
    %get3A_5 = arith.constant 0 : index
    %get3A_6 = arith.constant 0 : index
    %get3A_7 = vector.load %arg1[%get3A_4, %get3A_5, %get3A_6] : memref<2x400x128xf32, #tpu.memory_space<vmem>>, vector<1x400x128xf32>
    %get3A_8 = vector.shape_cast %get3A_7 : vector<1x400x128xf32> to vector<400x128xf32>
    %concatenate3A = tpu.concatenate %get3A_3, %get3A_8 in 1 : vector<400x128xf32>, vector<400x128xf32> -> vector<400x256xf32>
    %get3A_9 = arith.constant 0 : index
    %get3A_10 = arith.constant 0 : index
    %get3A_11 = arith.constant 0 : index
    %get3A_12 = vector.load %arg2[%get3A_9, %get3A_10, %get3A_11] : memref<2x400x16xf32, #tpu.memory_space<vmem>>, vector<1x400x16xf32>
    %get3A_13 = vector.shape_cast %get3A_12 : vector<1x400x16xf32> to vector<400x16xf32>
    %slice3A = vector.extract_strided_slice %get3A_13 {offsets = [0, 0], sizes = [400, 2], strides = [1, 1]} : vector<400x16xf32> to vector<400x2xf32>
    %get3A_14 = arith.constant 1 : index
    %get3A_15 = arith.constant 0 : index
    %get3A_16 = arith.constant 0 : index
    %get3A_17 = vector.load %arg2[%get3A_14, %get3A_15, %get3A_16] : memref<2x400x16xf32, #tpu.memory_space<vmem>>, vector<1x400x16xf32>
    %get3A_18 = vector.shape_cast %get3A_17 : vector<1x400x16xf32> to vector<400x16xf32>
    %slice3A_19 = vector.extract_strided_slice %get3A_18 {offsets = [0, 0], sizes = [400, 2], strides = [1, 1]} : vector<400x16xf32> to vector<400x2xf32>
    %concatenate3A_20 = tpu.concatenate %slice3A, %slice3A_19 in 1 : vector<400x2xf32>, vector<400x2xf32> -> vector<400x4xf32>
    %get3A_21 = arith.constant 0 : index
    %get3A_22 = arith.constant 0 : index
    %get3A_23 = vector.load %arg8[%get3A_21, %get3A_22] : memref<4x256xf32, #tpu.memory_space<vmem>>, vector<4x256xf32>
    %dot_general3A = arith.constant dense<0.000000e+00> : vector<400x256xf32>
    %dot_general3A_24 = tpu.matmul %concatenate3A_20, %get3A_23, %dot_general3A {dimension_numbers = #tpu.dot_dimension_numbers<[1], [0], [0], [1], [0, 0, 1, 1], [], []>, transpose_lhs_hint = false} : vector<400x4xf32>, vector<4x256xf32>, vector<400x256xf32> -> vector<400x256xf32>
    %add3A = arith.constant 1.000000e-16 : f32
    %add3A_25 = vector.broadcast %add3A : f32 to vector<400x256xf32>
    %add3A_26 = arith.addf %dot_general3A_24, %add3A_25 : vector<400x256xf32>
    %div3A = arith.divf %concatenate3A, %add3A_26 : vector<400x256xf32>
    %get3A_27 = arith.constant 0 : index
    %get3A_28 = arith.constant 0 : index
    %get3A_29 = vector.load %arg3[%get3A_27, %get3A_28] : memref<1x256xf32, #tpu.memory_space<vmem>>, vector<1x256xf32>
    %add3A_30 = vector.broadcast %get3A_29 : vector<1x256xf32> to vector<400x256xf32>
    %add3A_31 = arith.addf %div3A, %add3A_30 : vector<400x256xf32>
    %get3A_32 = arith.constant 0 : index
    %get3A_33 = arith.constant 0 : index
    %get3A_34 = vector.load %arg4[%get3A_32, %get3A_33] : memref<1x256xf32, #tpu.memory_space<vmem>>, vector<1x256xf32>
    %mul3A = vector.broadcast %get3A_34 : vector<1x256xf32> to vector<400x256xf32>
    %mul3A_35 = arith.mulf %add3A_31, %mul3A : vector<400x256xf32>
    %get3A_36 = arith.constant 0 : index
    %get3A_37 = arith.constant 0 : index
    %get3A_38 = vector.load %arg5[%get3A_36, %get3A_37] : memref<1x256xf32, #tpu.memory_space<vmem>>, vector<1x256xf32>
    %add3A_39 = vector.broadcast %get3A_38 : vector<1x256xf32> to vector<400x256xf32>
    %add3A_40 = arith.addf %mul3A_35, %add3A_39 : vector<400x256xf32>
    %max3A = arith.constant 0.000000e+00 : f32
    %max3A_41 = vector.broadcast %max3A : f32 to vector<400x256xf32>
    %max3A_42 = arith.maximumf %add3A_40, %max3A_41 : vector<400x256xf32>
    %get3A_43 = arith.constant 0 : index
    %get3A_44 = arith.constant 0 : index
    %get3A_45 = vector.load %arg6[%get3A_43, %get3A_44] : memref<256x256xf32, #tpu.memory_space<vmem>>, vector<256x256xf32>
    %dot_general3A_46 = arith.constant dense<0.000000e+00> : vector<400x256xf32>
    %dot_general3A_47 = tpu.matmul %max3A_42, %get3A_45, %dot_general3A_46 {dimension_numbers = #tpu.dot_dimension_numbers<[1], [0], [0], [1], [0, 0, 1, 1], [], []>, transpose_lhs_hint = false} : vector<400x256xf32>, vector<256x256xf32>, vector<400x256xf32> -> vector<400x256xf32>
    %get3A_48 = arith.constant 0 : index
    %get3A_49 = arith.constant 0 : index
    %get3A_50 = vector.load %arg7[%get3A_48, %get3A_49] : memref<256x8xf32, #tpu.memory_space<vmem>>, vector<256x8xf32>
    %dot_general3A_51 = arith.constant dense<0.000000e+00> : vector<400x8xf32>
    %dot_general3A_52 = tpu.matmul %dot_general3A_47, %get3A_50, %dot_general3A_51 {dimension_numbers = #tpu.dot_dimension_numbers<[1], [0], [0], [1], [0, 0, 1, 1], [], []>, transpose_lhs_hint = false} : vector<400x256xf32>, vector<256x8xf32>, vector<400x8xf32> -> vector<400x8xf32>
    %slice3A_53 = vector.extract_strided_slice %dot_general3A_52 {offsets = [0, 0], sizes = [400, 4], strides = [1, 1]} : vector<400x8xf32> to vector<400x4xf32>
    %slice3A_54 = vector.extract_strided_slice %dot_general3A_52 {offsets = [0, 4], sizes = [400, 4], strides = [1, 1]} : vector<400x8xf32> to vector<400x4xf32>
    %add3A_55 = arith.addf %slice3A_53, %slice3A_54 : vector<400x4xf32>
    %mul3A_56 = arith.constant 2.000000e-01 : f32
    %mul3A_57 = vector.broadcast %mul3A_56 : f32 to vector<400x4xf32>
    %mul3A_58 = arith.mulf %mul3A_57, %add3A_55 : vector<400x4xf32>
    %max3A_59 = arith.maximumf %add3A_55, %mul3A_58 : vector<400x4xf32>
    %exp3A = math.exp %max3A_59 : vector<400x4xf32>
    %get3A_60 = arith.constant 0 : index
    %get3A_61 = arith.constant 0 : index
    %get3A_62 = vector.load %arg8[%get3A_60, %get3A_61] : memref<4x256xf32, #tpu.memory_space<vmem>>, vector<4x256xf32>
    %dot_general3A_63 = arith.constant dense<0.000000e+00> : vector<400x256xf32>
    %dot_general3A_64 = tpu.matmul %exp3A, %get3A_62, %dot_general3A_63 {dimension_numbers = #tpu.dot_dimension_numbers<[1], [0], [0], [1], [0, 0, 1, 1], [], []>, transpose_lhs_hint = false} : vector<400x4xf32>, vector<4x256xf32>, vector<400x256xf32> -> vector<400x256xf32>
    %mul3A_65 = arith.mulf %dot_general3A_47, %dot_general3A_64 : vector<400x256xf32>
    %broadcast_in_dim3A = arith.constant 0.000000e+00 : f32
    %broadcast_in_dim3A_66 = vector.broadcast %broadcast_in_dim3A : f32 to vector<400x14xf32>
    %swap3A = arith.constant 0 : index
    %swap3A_67 = arith.constant 0 : index
    %swap3A_68 = vector.load %arg9[%swap3A, %swap3A_67] : memref<400x256xf32, #tpu.memory_space<vmem>>, vector<400x256xf32>
    tpu.vector_store %arg9[%swap3A, %swap3A_67], %max3A_42 {strides = array<i32>} : memref<400x256xf32, #tpu.memory_space<vmem>>, vector<400x256xf32>,
    %slice3A_69 = vector.extract_strided_slice %dot_general3A_47 {offsets = [0, 0], sizes = [400, 128], strides = [1, 1]} : vector<400x256xf32> to vector<400x128xf32>
    %swap3A_70 = arith.constant 0 : index
    %swap3A_71 = arith.constant 0 : index
    %swap3A_72 = arith.constant 0 : index
    %swap3A_73 = vector.load %arg10[%swap3A_70, %swap3A_71, %swap3A_72] : memref<2x400x128xf32, #tpu.memory_space<vmem>>, vector<1x400x128xf32>
    %swap3A_74 = vector.shape_cast %swap3A_73 : vector<1x400x128xf32> to vector<400x128xf32>
    %swap3A_75 = vector.shape_cast %slice3A_69 : vector<400x128xf32> to vector<1x400x128xf32>
    tpu.vector_store %arg10[%swap3A_70, %swap3A_71, %swap3A_72], %swap3A_75 {strides = array<i32>} : memref<2x400x128xf32, #tpu.memory_space<vmem>>, vector<1x400x128xf32>,
    %slice3A_76 = vector.extract_strided_slice %dot_general3A_47 {offsets = [0, 128], sizes = [400, 128], strides = [1, 1]} : vector<400x256xf32> to vector<400x128xf32>
    %swap3A_77 = arith.constant 1 : index
    %swap3A_78 = arith.constant 0 : index
    %swap3A_79 = arith.constant 0 : index
    %swap3A_80 = vector.load %arg10[%swap3A_77, %swap3A_78, %swap3A_79] : memref<2x400x128xf32, #tpu.memory_space<vmem>>, vector<1x400x128xf32>
    %swap3A_81 = vector.shape_cast %swap3A_80 : vector<1x400x128xf32> to vector<400x128xf32>
    %swap3A_82 = vector.shape_cast %slice3A_76 : vector<400x128xf32> to vector<1x400x128xf32>
    tpu.vector_store %arg10[%swap3A_77, %swap3A_78, %swap3A_79], %swap3A_82 {strides = array<i32>} : memref<2x400x128xf32, #tpu.memory_space<vmem>>, vector<1x400x128xf32>,
    %broadcast_in_dim3A_83 = arith.constant 0.000000e+00 : f32
    %broadcast_in_dim3A_84 = vector.broadcast %broadcast_in_dim3A_83 : f32 to vector<400x12xf32>
    %slice3A_85 = vector.extract_strided_slice %dot_general3A_52 {offsets = [0, 0], sizes = [400, 4], strides = [1, 1]} : vector<400x8xf32> to vector<400x4xf32>
    %concatenate3A_86 = tpu.concatenate %slice3A_85, %broadcast_in_dim3A_84 in 1 : vector<400x4xf32>, vector<400x12xf32> -> vector<400x16xf32>
    %swap3A_87 = arith.constant 0 : index
    %swap3A_88 = arith.constant 0 : index
    %swap3A_89 = vector.load %arg11[%swap3A_87, %swap3A_88] : memref<400x16xf32, #tpu.memory_space<vmem>>, vector<400x16xf32>
    tpu.vector_store %arg11[%swap3A_87, %swap3A_88], %concatenate3A_86 {strides = array<i32>} : memref<400x16xf32, #tpu.memory_space<vmem>>, vector<400x16xf32>,
    %slice3A_90 = vector.extract_strided_slice %dot_general3A_52 {offsets = [0, 4], sizes = [400, 4], strides = [1, 1]} : vector<400x8xf32> to vector<400x4xf32>
    %concatenate3A_91 = tpu.concatenate %slice3A_90, %broadcast_in_dim3A_84 in 1 : vector<400x4xf32>, vector<400x12xf32> -> vector<400x16xf32>
    %swap3A_92 = arith.constant 0 : index
    %swap3A_93 = arith.constant 0 : index
    %swap3A_94 = vector.load %arg12[%swap3A_92, %swap3A_93] : memref<400x16xf32, #tpu.memory_space<vmem>>, vector<400x16xf32>
    tpu.vector_store %arg12[%swap3A_92, %swap3A_93], %concatenate3A_91 {strides = array<i32>} : memref<400x16xf32, #tpu.memory_space<vmem>>, vector<400x16xf32>,
    %slice3A_95 = vector.extract_strided_slice %mul3A_65 {offsets = [0, 0], sizes = [400, 128], strides = [1, 1]} : vector<400x256xf32> to vector<400x128xf32>
    %swap3A_96 = arith.constant 0 : index
    %swap3A_97 = arith.constant 0 : index
    %swap3A_98 = arith.constant 0 : index
    %swap3A_99 = vector.load %arg13[%swap3A_96, %swap3A_97, %swap3A_98] : memref<2x400x128xf32, #tpu.memory_space<vmem>>, vector<1x400x128xf32>
    %swap3A_100 = vector.shape_cast %swap3A_99 : vector<1x400x128xf32> to vector<400x128xf32>
    %swap3A_101 = vector.shape_cast %slice3A_95 : vector<400x128xf32> to vector<1x400x128xf32>
    tpu.vector_store %arg13[%swap3A_96, %swap3A_97, %swap3A_98], %swap3A_101 {strides = array<i32>} : memref<2x400x128xf32, #tpu.memory_space<vmem>>, vector<1x400x128xf32>,
    %slice3A_102 = vector.extract_strided_slice %mul3A_65 {offsets = [0, 128], sizes = [400, 128], strides = [1, 1]} : vector<400x256xf32> to vector<400x128xf32>
    %swap3A_103 = arith.constant 1 : index
    %swap3A_104 = arith.constant 0 : index
    %swap3A_105 = arith.constant 0 : index
    %swap3A_106 = vector.load %arg13[%swap3A_103, %swap3A_104, %swap3A_105] : memref<2x400x128xf32, #tpu.memory_space<vmem>>, vector<1x400x128xf32>
    %swap3A_107 = vector.shape_cast %swap3A_106 : vector<1x400x128xf32> to vector<400x128xf32>
    %swap3A_108 = vector.shape_cast %slice3A_102 : vector<400x128xf32> to vector<1x400x128xf32>
    tpu.vector_store %arg13[%swap3A_103, %swap3A_104, %swap3A_105], %swap3A_108 {strides = array<i32>} : memref<2x400x128xf32, #tpu.memory_space<vmem>>, vector<1x400x128xf32>,
    %slice3A_109 = vector.extract_strided_slice %exp3A {offsets = [0, 0], sizes = [400, 2], strides = [1, 1]} : vector<400x4xf32> to vector<400x2xf32>
    %concatenate3A_110 = tpu.concatenate %slice3A_109, %broadcast_in_dim3A_66 in 1 : vector<400x2xf32>, vector<400x14xf32> -> vector<400x16xf32>
    %swap3A_111 = arith.constant 0 : index
    %swap3A_112 = arith.constant 0 : index
    %swap3A_113 = arith.constant 0 : index
    %swap3A_114 = vector.load %arg14[%swap3A_111, %swap3A_112, %swap3A_113] : memref<2x400x16xf32, #tpu.memory_space<vmem>>, vector<1x400x16xf32>
    %swap3A_115 = vector.shape_cast %swap3A_114 : vector<1x400x16xf32> to vector<400x16xf32>
    %swap3A_116 = vector.shape_cast %concatenate3A_110 : vector<400x16xf32> to vector<1x400x16xf32>
    tpu.vector_store %arg14[%swap3A_111, %swap3A_112, %swap3A_113], %swap3A_116 {strides = array<i32>} : memref<2x400x16xf32, #tpu.memory_space<vmem>>, vector<1x400x16xf32>,
    %slice3A_117 = vector.extract_strided_slice %exp3A {offsets = [0, 2], sizes = [400, 2], strides = [1, 1]} : vector<400x4xf32> to vector<400x2xf32>
    %concatenate3A_118 = tpu.concatenate %slice3A_117, %broadcast_in_dim3A_66 in 1 : vector<400x2xf32>, vector<400x14xf32> -> vector<400x16xf32>
    %swap3A_119 = arith.constant 1 : index
    %swap3A_120 = arith.constant 0 : index
    %swap3A_121 = arith.constant 0 : index
    %swap3A_122 = vector.load %arg14[%swap3A_119, %swap3A_120, %swap3A_121] : memref<2x400x16xf32, #tpu.memory_space<vmem>>, vector<1x400x16xf32>
    %swap3A_123 = vector.shape_cast %swap3A_122 : vector<1x400x16xf32> to vector<400x16xf32>
    %swap3A_124 = vector.shape_cast %concatenate3A_118 : vector<400x16xf32> to vector<1x400x16xf32>
    tpu.vector_store %arg14[%swap3A_119, %swap3A_120, %swap3A_121], %swap3A_124 {strides = array<i32>} : memref<2x400x16xf32, #tpu.memory_space<vmem>>, vector<1x400x16xf32>,
    return
  }
  func.func @transform_0(%arg0: i32) -> (i32, i32, i32) {
    %c0_i32 = arith.constant 0 : i32
    %c0_i32_0 = arith.constant 0 : i32
    %c0_i32_1 = arith.constant 0 : i32
    return %c0_i32, %arg0, %c0_i32_0 : i32, i32, i32
  }
  func.func @transform_1(%arg0: i32) -> (i32, i32, i32) {
    %c0_i32 = arith.constant 0 : i32
    %c0_i32_0 = arith.constant 0 : i32
    %c0_i32_1 = arith.constant 0 : i32
    return %c0_i32, %arg0, %c0_i32_0 : i32, i32, i32
  }
  func.func @transform_2(%arg0: i32) -> (i32, i32) {
    %c0_i32 = arith.constant 0 : i32
    %c0_i32_0 = arith.constant 0 : i32
    %c0_i32_1 = arith.constant 0 : i32
    return %c0_i32, %c0_i32_0 : i32, i32
  }
  func.func @transform_3(%arg0: i32) -> (i32, i32) {
    %c0_i32 = arith.constant 0 : i32
    %c0_i32_0 = arith.constant 0 : i32
    %c0_i32_1 = arith.constant 0 : i32
    return %c0_i32, %c0_i32_0 : i32, i32
  }
  func.func @transform_4(%arg0: i32) -> (i32, i32) {
    %c0_i32 = arith.constant 0 : i32
    %c0_i32_0 = arith.constant 0 : i32
    %c0_i32_1 = arith.constant 0 : i32
    return %c0_i32, %c0_i32_0 : i32, i32
  }
  func.func @transform_5(%arg0: i32) -> (i32, i32) {
    %c0_i32 = arith.constant 0 : i32
    %c0_i32_0 = arith.constant 0 : i32
    %c0_i32_1 = arith.constant 0 : i32
    return %c0_i32, %c0_i32_0 : i32, i32
  }
  func.func @transform_6(%arg0: i32) -> (i32, i32) {
    %c0_i32 = arith.constant 0 : i32
    %c0_i32_0 = arith.constant 0 : i32
    %c0_i32_1 = arith.constant 0 : i32
    return %c0_i32, %c0_i32_0 : i32, i32
  }
  func.func @transform_7(%arg0: i32) -> (i32, i32) {
    %c0_i32 = arith.constant 0 : i32
    %c0_i32_0 = arith.constant 0 : i32
    %c0_i32_1 = arith.constant 0 : i32
    return %c0_i32, %c0_i32_0 : i32, i32
  }
  func.func @transform_8(%arg0: i32) -> (i32, i32) {
    %c0_i32 = arith.constant 0 : i32
    %c0_i32_0 = arith.constant 0 : i32
    return %arg0, %c0_i32 : i32, i32
  }
  func.func @transform_9(%arg0: i32) -> (i32, i32, i32) {
    %c0_i32 = arith.constant 0 : i32
    %c0_i32_0 = arith.constant 0 : i32
    %c0_i32_1 = arith.constant 0 : i32
    return %c0_i32, %arg0, %c0_i32_0 : i32, i32, i32
  }
  func.func @transform_10(%arg0: i32) -> (i32, i32) {
    %c0_i32 = arith.constant 0 : i32
    %c0_i32_0 = arith.constant 0 : i32
    return %arg0, %c0_i32 : i32, i32
  }
  func.func @transform_11(%arg0: i32) -> (i32, i32) {
    %c0_i32 = arith.constant 0 : i32
    %c0_i32_0 = arith.constant 0 : i32
    return %arg0, %c0_i32 : i32, i32
  }
  func.func @transform_12(%arg0: i32) -> (i32, i32, i32) {
    %c0_i32 = arith.constant 0 : i32
    %c0_i32_0 = arith.constant 0 : i32
    %c0_i32_1 = arith.constant 0 : i32
    return %c0_i32, %arg0, %c0_i32_0 : i32, i32, i32
  }
  func.func @transform_13(%arg0: i32) -> (i32, i32, i32) {
    %c0_i32 = arith.constant 0 : i32
    %c0_i32_0 = arith.constant 0 : i32
    %c0_i32_1 = arith.constant 0 : i32
    return %c0_i32, %arg0, %c0_i32_0 : i32, i32, i32
  }
}

module attributes {stable_mosaic.version = 14 : i64} {
  func.func @_tc_c_body(%arg0: i32, %arg1: memref<2x400x128xf32, #tpu.memory_space<vmem>>, %arg2: memref<2x400x16xf32, #tpu.memory_space<vmem>>, %arg3: memref<400x256xf32, #tpu.memory_space<vmem>>, %arg4: memref<400x256xf32, #tpu.memory_space<vmem>>, %arg5: memref<1x256xf32, #tpu.memory_space<vmem>>, %arg6: memref<1x256xf32, #tpu.memory_space<vmem>>, %arg7: memref<1x256xf32, #tpu.memory_space<vmem>>, %arg8: memref<256x128xf32, #tpu.memory_space<vmem>>, %arg9: memref<1x128xf32, #tpu.memory_space<vmem>>, %arg10: memref<4x256xf32, #tpu.memory_space<vmem>>, %arg11: memref<400x128xf32, #tpu.memory_space<vmem>>) attributes {dimension_semantics = [#tpu.dimension_semantics<arbitrary>], iteration_bounds = array<i64: 25>, scalar_prefetch = 0 : i64, scratch_operands = 0 : i64, tpu.core_type = #tpu.core_type<tc>, window_params = [{transform_indices = @transform_0, window_bounds = array<i64: 2, 400, 128>}, {transform_indices = @transform_1, window_bounds = array<i64: 2, 400, 16>}, {transform_indices = @transform_2, window_bounds = array<i64: 400, 256>}, {transform_indices = @transform_3, window_bounds = array<i64: 400, 256>}, {pipeline_mode = #tpu.pipeline_mode<synchronous>, transform_indices = @transform_4, window_bounds = array<i64: 1, 256>}, {pipeline_mode = #tpu.pipeline_mode<synchronous>, transform_indices = @transform_5, window_bounds = array<i64: 1, 256>}, {pipeline_mode = #tpu.pipeline_mode<synchronous>, transform_indices = @transform_6, window_bounds = array<i64: 1, 256>}, {pipeline_mode = #tpu.pipeline_mode<synchronous>, transform_indices = @transform_7, window_bounds = array<i64: 256, 128>}, {pipeline_mode = #tpu.pipeline_mode<synchronous>, transform_indices = @transform_8, window_bounds = array<i64: 1, 128>}, {pipeline_mode = #tpu.pipeline_mode<synchronous>, transform_indices = @transform_9, window_bounds = array<i64: 4, 256>}, {transform_indices = @transform_10, window_bounds = array<i64: 400, 128>}]} {
    %get3A = arith.constant 0 : index
    %get3A_0 = arith.constant 0 : index
    %get3A_1 = arith.constant 0 : index
    %get3A_2 = vector.load %arg1[%get3A, %get3A_0, %get3A_1] : memref<2x400x128xf32, #tpu.memory_space<vmem>>, vector<1x400x128xf32>
    %get3A_3 = vector.shape_cast %get3A_2 : vector<1x400x128xf32> to vector<400x128xf32>
    %get3A_4 = arith.constant 1 : index
    %get3A_5 = arith.constant 0 : index
    %get3A_6 = arith.constant 0 : index
    %get3A_7 = vector.load %arg1[%get3A_4, %get3A_5, %get3A_6] : memref<2x400x128xf32, #tpu.memory_space<vmem>>, vector<1x400x128xf32>
    %get3A_8 = vector.shape_cast %get3A_7 : vector<1x400x128xf32> to vector<400x128xf32>
    %concatenate3A = tpu.concatenate %get3A_3, %get3A_8 in 1 : vector<400x128xf32>, vector<400x128xf32> -> vector<400x256xf32>
    %get3A_9 = arith.constant 0 : index
    %get3A_10 = arith.constant 0 : index
    %get3A_11 = arith.constant 0 : index
    %get3A_12 = vector.load %arg2[%get3A_9, %get3A_10, %get3A_11] : memref<2x400x16xf32, #tpu.memory_space<vmem>>, vector<1x400x16xf32>
    %get3A_13 = vector.shape_cast %get3A_12 : vector<1x400x16xf32> to vector<400x16xf32>
    %slice3A = vector.extract_strided_slice %get3A_13 {offsets = [0, 0], sizes = [400, 2], strides = [1, 1]} : vector<400x16xf32> to vector<400x2xf32>
    %get3A_14 = arith.constant 1 : index
    %get3A_15 = arith.constant 0 : index
    %get3A_16 = arith.constant 0 : index
    %get3A_17 = vector.load %arg2[%get3A_14, %get3A_15, %get3A_16] : memref<2x400x16xf32, #tpu.memory_space<vmem>>, vector<1x400x16xf32>
    %get3A_18 = vector.shape_cast %get3A_17 : vector<1x400x16xf32> to vector<400x16xf32>
    %slice3A_19 = vector.extract_strided_slice %get3A_18 {offsets = [0, 0], sizes = [400, 2], strides = [1, 1]} : vector<400x16xf32> to vector<400x2xf32>
    %concatenate3A_20 = tpu.concatenate %slice3A, %slice3A_19 in 1 : vector<400x2xf32>, vector<400x2xf32> -> vector<400x4xf32>
    %get3A_21 = arith.constant 0 : index
    %get3A_22 = arith.constant 0 : index
    %get3A_23 = vector.load %arg10[%get3A_21, %get3A_22] : memref<4x256xf32, #tpu.memory_space<vmem>>, vector<4x256xf32>
    %dot_general3A = arith.constant dense<0.000000e+00> : vector<400x256xf32>
    %dot_general3A_24 = tpu.matmul %concatenate3A_20, %get3A_23, %dot_general3A {dimension_numbers = #tpu.dot_dimension_numbers<[1], [0], [0], [1], [0, 0, 1, 1], [], []>, transpose_lhs_hint = false} : vector<400x4xf32>, vector<4x256xf32>, vector<400x256xf32> -> vector<400x256xf32>
    %add3A = arith.constant 1.000000e-16 : f32
    %add3A_25 = vector.broadcast %add3A : f32 to vector<400x256xf32>
    %add3A_26 = arith.addf %dot_general3A_24, %add3A_25 : vector<400x256xf32>
    %div3A = arith.divf %concatenate3A, %add3A_26 : vector<400x256xf32>
    %get3A_27 = arith.constant 0 : index
    %get3A_28 = arith.constant 0 : index
    %get3A_29 = vector.load %arg5[%get3A_27, %get3A_28] : memref<1x256xf32, #tpu.memory_space<vmem>>, vector<1x256xf32>
    %add3A_30 = vector.broadcast %get3A_29 : vector<1x256xf32> to vector<400x256xf32>
    %add3A_31 = arith.addf %div3A, %add3A_30 : vector<400x256xf32>
    %get3A_32 = arith.constant 0 : index
    %get3A_33 = arith.constant 0 : index
    %get3A_34 = vector.load %arg6[%get3A_32, %get3A_33] : memref<1x256xf32, #tpu.memory_space<vmem>>, vector<1x256xf32>
    %mul3A = vector.broadcast %get3A_34 : vector<1x256xf32> to vector<400x256xf32>
    %mul3A_35 = arith.mulf %add3A_31, %mul3A : vector<400x256xf32>
    %get3A_36 = arith.constant 0 : index
    %get3A_37 = arith.constant 0 : index
    %get3A_38 = vector.load %arg7[%get3A_36, %get3A_37] : memref<1x256xf32, #tpu.memory_space<vmem>>, vector<1x256xf32>
    %add3A_39 = vector.broadcast %get3A_38 : vector<1x256xf32> to vector<400x256xf32>
    %add3A_40 = arith.addf %mul3A_35, %add3A_39 : vector<400x256xf32>
    %get3A_41 = arith.constant 0 : index
    %get3A_42 = arith.constant 0 : index
    %get3A_43 = vector.load %arg4[%get3A_41, %get3A_42] : memref<400x256xf32, #tpu.memory_space<vmem>>, vector<400x256xf32>
    %mul3A_44 = arith.constant 5.000000e-01 : f32
    %mul3A_45 = vector.broadcast %mul3A_44 : f32 to vector<400x256xf32>
    %mul3A_46 = arith.mulf %mul3A_45, %get3A_43 : vector<400x256xf32>
    %add3A_47 = arith.addf %add3A_40, %mul3A_46 : vector<400x256xf32>
    %max3A = arith.constant 0.000000e+00 : f32
    %max3A_48 = vector.broadcast %max3A : f32 to vector<400x256xf32>
    %max3A_49 = arith.maximumf %add3A_47, %max3A_48 : vector<400x256xf32>
    %get3A_50 = arith.constant 0 : index
    %get3A_51 = arith.constant 0 : index
    %get3A_52 = vector.load %arg3[%get3A_50, %get3A_51] : memref<400x256xf32, #tpu.memory_space<vmem>>, vector<400x256xf32>
    %add3A_53 = arith.addf %get3A_52, %max3A_49 : vector<400x256xf32>
    %get3A_54 = arith.constant 0 : index
    %get3A_55 = arith.constant 0 : index
    %get3A_56 = vector.load %arg8[%get3A_54, %get3A_55] : memref<256x128xf32, #tpu.memory_space<vmem>>, vector<256x128xf32>
    %dot_general3A_57 = arith.constant dense<0.000000e+00> : vector<400x128xf32>
    %dot_general3A_58 = tpu.matmul %add3A_53, %get3A_56, %dot_general3A_57 {dimension_numbers = #tpu.dot_dimension_numbers<[1], [0], [0], [1], [0, 0, 1, 1], [], []>, transpose_lhs_hint = false} : vector<400x256xf32>, vector<256x128xf32>, vector<400x128xf32> -> vector<400x128xf32>
    %get3A_59 = arith.constant 0 : index
    %get3A_60 = arith.constant 0 : index
    %get3A_61 = vector.load %arg9[%get3A_59, %get3A_60] : memref<1x128xf32, #tpu.memory_space<vmem>>, vector<1x128xf32>
    %add3A_62 = vector.broadcast %get3A_61 : vector<1x128xf32> to vector<400x128xf32>
    %add3A_63 = arith.addf %dot_general3A_58, %add3A_62 : vector<400x128xf32>
    %swap3A = arith.constant 0 : index
    %swap3A_64 = arith.constant 0 : index
    %swap3A_65 = vector.load %arg11[%swap3A, %swap3A_64] : memref<400x128xf32, #tpu.memory_space<vmem>>, vector<400x128xf32>
    tpu.vector_store %arg11[%swap3A, %swap3A_64], %add3A_63 {strides = array<i32>} : memref<400x128xf32, #tpu.memory_space<vmem>>, vector<400x128xf32>,
    return
  }
  func.func @transform_0(%arg0: i32) -> (i32, i32, i32) {
    %c0_i32 = arith.constant 0 : i32
    %c0_i32_0 = arith.constant 0 : i32
    %c0_i32_1 = arith.constant 0 : i32
    return %c0_i32, %arg0, %c0_i32_0 : i32, i32, i32
  }
  func.func @transform_1(%arg0: i32) -> (i32, i32, i32) {
    %c0_i32 = arith.constant 0 : i32
    %c0_i32_0 = arith.constant 0 : i32
    %c0_i32_1 = arith.constant 0 : i32
    return %c0_i32, %arg0, %c0_i32_0 : i32, i32, i32
  }
  func.func @transform_2(%arg0: i32) -> (i32, i32) {
    %c0_i32 = arith.constant 0 : i32
    %c0_i32_0 = arith.constant 0 : i32
    return %arg0, %c0_i32 : i32, i32
  }
  func.func @transform_3(%arg0: i32) -> (i32, i32) {
    %c0_i32 = arith.constant 0 : i32
    %c0_i32_0 = arith.constant 0 : i32
    return %arg0, %c0_i32 : i32, i32
  }
  func.func @transform_4(%arg0: i32) -> (i32, i32) {
    %c0_i32 = arith.constant 0 : i32
    %c0_i32_0 = arith.constant 0 : i32
    %c0_i32_1 = arith.constant 0 : i32
    return %c0_i32, %c0_i32_0 : i32, i32
  }
  func.func @transform_5(%arg0: i32) -> (i32, i32) {
    %c0_i32 = arith.constant 0 : i32
    %c0_i32_0 = arith.constant 0 : i32
    %c0_i32_1 = arith.constant 0 : i32
    return %c0_i32, %c0_i32_0 : i32, i32
  }
  func.func @transform_6(%arg0: i32) -> (i32, i32) {
    %c0_i32 = arith.constant 0 : i32
    %c0_i32_0 = arith.constant 0 : i32
    %c0_i32_1 = arith.constant 0 : i32
    return %c0_i32, %c0_i32_0 : i32, i32
  }
  func.func @transform_7(%arg0: i32) -> (i32, i32) {
    %c0_i32 = arith.constant 0 : i32
    %c0_i32_0 = arith.constant 0 : i32
    %c0_i32_1 = arith.constant 0 : i32
    return %c0_i32, %c0_i32_0 : i32, i32
  }
  func.func @transform_8(%arg0: i32) -> (i32, i32) {
    %c0_i32 = arith.constant 0 : i32
    %c0_i32_0 = arith.constant 0 : i32
    %c0_i32_1 = arith.constant 0 : i32
    return %c0_i32, %c0_i32_0 : i32, i32
  }
  func.func @transform_9(%arg0: i32) -> (i32, i32) {
    %c0_i32 = arith.constant 0 : i32
    %c0_i32_0 = arith.constant 0 : i32
    %c0_i32_1 = arith.constant 0 : i32
    return %c0_i32, %c0_i32_0 : i32, i32
  }
  func.func @transform_10(%arg0: i32) -> (i32, i32) {
    %c0_i32 = arith.constant 0 : i32
    %c0_i32_0 = arith.constant 0 : i32
    return %arg0, %c0_i32 : i32, i32
  }
}

</mosaic_0001>

<sc_bundles>
// kernel: kernel.10.cloned.1.call-start
scs
__scs_entry_jumppad:
0x0: {  	(pc) =	sbr.rel $0x88, $3  }
0x1: {  	(tag) =	ssettag $0x0;
	lr =	simm.s32 $0x1  }
0x2: {  	[smem:$0x3F8B] =	sst lr;
	_ =	strace $0xD0000000  }
0x3: {  	_ = 	snop  }
0x4: {  	_ = 	snop  }
0x5: {  	_ = 	snop  }
0x6: {  	_ = 	snop  }
0x7: {  	_ = 	snop  }
__scs_overlays_trampoline_lowered:
0x8: {  	[smem:$0x3F9A] =	sst s0  }
0x9: {  	[smem:$0x3F9B] =	sst s1  }
0xa: {  	[smem:$0x3F9C] =	sst s2  }
0xb: {  	[smem:$0x3F9D] =	sst s3  }
0xc: {  	[smem:$0x3F9E] =	sst s4  }
0xd: {  	[smem:$0x3F9F] =	sst s5  }
0xe: {  	[smem:$0x3FA0] =	sst s6  }
0xf: {  	[smem:$0x3FA1] =	sst s7  }
0x10: {  	[smem:$0x3FA2] =	sst s8  }
0x11: {  	[smem:$0x3FA3] =	sst s9;
	s0 =	simm.s32 @!p0 $0x0  }
0x12: {  	s1 =	sld [smem:$0x3F89];
	s0 =	simm.s32 @p0 $0x1  }
0x13: {  	[smem:$0x3FA4] =	sst s0;
	s0 =	simm.s32 @!p1 $0x0  }
0x14: {  	s2 =	sld [smem:$0x3F88];
	s0 =	simm.s32 @p1 $0x1  }
0x15: {  	[smem:$0x3FA5] =	sst s0;
	s0 =	simm.s32 @!p2 $0x0  }
0x16: {  	s3 =	sld [smem:$0x3FDB];
	s0 =	simm.s32 @p2 $0x1  }
0x17: {  	s4 =	simm.s32 $0x1BF5;
	[smem:$0x3FA7] =	sst s0  }
0x18: {  	s0 =	sld [smem:$0x3F8A];
	_ =	swait.ge [sflag:s4], $0x0  }
0x19: {  	s7 =	sld [smem:$0x3F8B]  }
0x1a: {  	s8 =	sadd.s32 $0xFFFFE003, lr  }
0x1b: {  	s9 =	sadd.s32 $0xFFFFFEF7, lr;
	s5 =	simm.s32 $0xFFFFFFFF;
	p2 =	slt.u32 s8, $0xFFFFF086  }
0x1c: {  	p1 =	slt.u32 s9, $0xF7A;
	s5 =	simm.s32 @!p2 $0x0  }
0x1d: {  	s5 =	simm.s32 @p1 $0x1;
	p0 =	seq.s32 s7, s2  }
0x1e: {  	s7 =	smul.u32 @!p0 $0xF7A, s2;
	p2 =	seq.s32 @!p0 s5, $0x0  }
0x1f: {  	s9 =	smul.u32 $0xF7A, s1;
	s8 =	simm.s32 @!p0 $0x1BF5;
	p2 =	por !p2, p0  }
0x20: {  	[sflag:s8] =	ssyncset.s32 @!p0 $0xFFFFF086;
	s6 =	sadd.s32 @!p0 s3, s7;
	s7 =	simm.s32 @!p0 $0x108  }
0x21: {  	s3 =	sadd.s32 s3, s9;
	s6 =	sadd.s32 @!p0 $0x88, s6;
	s7 =	simm.s32 @p2 $0x1082  }
0x22: {  	[simem:s7], [sflag:s8] =	dma.local @!p0 [hbm:s6], $0xF7A  }
0x23: {  	s9 =	sor.u32 $0xD0000000, s2;
	s6 =	simm.s32 $0x108;
	_ =	swait.ge @!p0 [sflag:s8], $0x0  }
0x24: {  	s3 =	sadd.s32 $0x88, s3;
	s6 =	simm.s32 @!p1 $0x1082;
	[sflag:s4] =	ssyncset.s32 $0xFFFFF086  }
0x25: {  	[simem:s6], [sflag:s4] =	dma.local [hbm:s3], $0xF7A  }
0x26: {  	[smem:$0x3F8B] =	sst s1;
	(tag) =	ssettag s2;
	_ =	strace s9  }
0x27: {  	s1 =	sld [smem:$0x3F9B]  }
0x28: {  	s2 =	sld [smem:$0x3F9C]  }
0x29: {  	s4 =	sld [smem:$0x3F9E]  }
0x2a: {  	p0 =	seq.s32 s5, $0x0;
	s5 =	sld [smem:$0x3F9F]  }
0x2b: {  	s6 =	sld [smem:$0x3FA0]  }
0x2c: {  	s7 =	sld [smem:$0x3FA1]  }
0x2d: {  	s3 =	simm.s32 $0x108;
	s8 =	sld [smem:$0x3FA2]  }
0x2e: {  	s3 =	simm.s32 @!p0 $0x1082;
	s9 =	sld [smem:$0x3FA3]  }
0x2f: {  	lr =	sadd.s32 s0, s3;
	s0 =	sld [smem:$0x3F9A]  }
0x30: {  	s3 =	sld [smem:$0x3F9D]  }
0x31: {  	[smem:$0x3FA6] =	sst s10  }
0x32: {  	s10 =	sld [smem:$0x3FA4];
	_ =	sdelay $0x3  }
0x33: {  	p0 =	seq.s32 s10, $0x1;
	s10 =	sld [smem:$0x3FA6];
	_ =	sdelay $0x3  }
0x34: {  	[smem:$0x3FA6] =	sst s10  }
0x35: {  	s10 =	sld [smem:$0x3FA5];
	_ =	sdelay $0x3  }
0x36: {  	p1 =	seq.s32 s10, $0x1;
	s10 =	sld [smem:$0x3FA6];
	_ =	sdelay $0x3  }
0x37: {  	[smem:$0x3FA6] =	sst s10  }
0x38: {  	s10 =	sld [smem:$0x3FA7]  }
0x39: {  	_ = 	snop;
	(pc) =	sbr.ind lr, $3  }
0x3a: {  	_ = 	snop  }
0x3b: {  	_ = 	snop  }
0x3c: {  	p2 =	seq.s32 s10, $0x1;
	s10 =	sld [smem:$0x3FA6]  }
0x3d: {  	_ =	shalt  }
0x3e: {  	_ =	shalt  }
0x3f: {  	_ =	shalt  }
0x40: {  	_ =	shalt  }
0x41: {  	_ =	shalt  }
0x42: {  	_ =	shalt  }
0x43: {  	_ =	shalt  }
0x44: {  	_ =	shalt  }
0x45: {  	_ =	shalt  }
0x46: {  	_ =	shalt  }
0x47: {  	_ =	shalt  }
0x48: {  	_ =	shalt  }
0x49: {  	_ =	shalt  }
0x4a: {  	_ =	shalt  }
0x4b: {  	_ =	shalt  }
0x4c: {  	_ =	shalt  }
0x4d: {  	_ =	shalt  }
0x4e: {  	_ =	shalt  }
0x4f: {  	_ =	shalt  }
0x50: {  	_ =	shalt  }
0x51: {  	_ =	shalt  }
0x52: {  	_ =	shalt  }
0x53: {  	_ =	shalt  }
0x54: {  	_ =	shalt  }
0x55: {  	_ =	shalt  }
0x56: {  	_ =	shalt  }
0x57: {  	_ =	shalt  }
0x58: {  	_ =	shalt  }
0x59: {  	_ =	shalt  }
0x5a: {  	_ =	shalt  }
0x5b: {  	_ =	shalt  }
0x5c: {  	_ =	shalt  }
0x5d: {  	_ =	shalt  }
0x5e: {  	_ =	shalt  }
0x5f: {  	_ =	shalt  }
0x60: {  	_ =	shalt  }
0x61: {  	_ =	shalt  }
0x62: {  	_ =	shalt  }
0x63: {  	_ =	shalt  }
0x64: {  	_ =	shalt  }
0x65: {  	_ =	shalt  }
0x66: {  	_ =	shalt  }
0x67: {  	_ =	shalt  }
0x68: {  	_ =	shalt  }
0x69: {  	_ =	shalt  }
0x6a: {  	_ =	shalt  }
0x6b: {  	_ =	shalt  }
0x6c: {  	_ =	shalt  }
0x6d: {  	_ =	shalt  }
0x6e: {  	_ =	shalt  }
0x6f: {  	_ =	shalt  }
0x70: {  	_ =	shalt  }
0x71: {  	_ =	shalt  }
0x72: {  	_ =	shalt  }
0x73: {  	_ =	shalt  }
0x74: {  	_ =	shalt  }
0x75: {  	_ =	shalt  }
0x76: {  	_ =	shalt  }
0x77: {  	_ =	shalt  }
0x78: {  	_ =	shalt  }
0x79: {  	_ =	shalt  }
0x7a: {  	_ =	shalt  }
0x7b: {  	_ =	shalt  }
0x7c: {  	_ =	shalt  }
0x7d: {  	_ =	shalt  }
0x7e: {  	_ =	shalt  }
0x7f: {  	_ =	shalt  }
0x80: {  	_ =	shalt  }
0x81: {  	_ =	shalt  }
0x82: {  	_ =	shalt  }
0x83: {  	_ =	shalt  }
0x84: {  	_ =	shalt  }
0x85: {  	_ =	shalt  }
0x86: {  	_ =	shalt  }
0x87: {  	_ =	shalt  }
.Lfunc_end0:
.L_simem_size_0:
called_computation.1_lowered:
.L_overlay_start_0:
0x88: {  	s2 =	sld [smem:$0x3FD9]  }
0x89: {  	s3 =	sld [smem:$0x3FFE];
	_ =	sdelay $0x1  }
0x8a: {  	s1 =	srdreg.scid  }
0x8b: {  	s0 =	sand.u32 $0x1, s1  }
0x8c: {  	s17 =	sshll.u32 s0, $0xA;
	s2 =	sadd.s32 s3, s2  }
0x8d: {  	s2 =	sadd.s32 s2, s17  }
0x8e: {  	[smem:$0x3FB2] =	sst s2  }
0x8f: {  	_ = 	snop  }
0x90: {  	s2 =	sld [smem:$0x3FD0];
	(tm) =	ssettm $0x1  }
0x91: {  	s18 =	sld [smem:$0x3FFB];
	_ =	sdelay $0x3  }
0x92: {  	_ =	strace s18  }
0x93: {  	s3 =	sld [smem:$0x3FFC];
	_ =	sdelay $0x3  }
0x94: {  	_ =	strace s3  }
0x95: {  	s3 =	sld [smem:$0x3FFD];
	_ =	sdelay $0x3  }
0x96: {  	_ =	strace s3  }
0x97: {  	_ =	strace $0x8FFFFFFF  }
0x98: {  	s19 =	sld [smem:$0x3FDB];
	_ =	sdelay $0x1  }
0x99: {  	s4 =	simm.s32 $_scs_section_size  }
0x9a: {  	s5 =	simm.s32 $_size__tile_overlayer_lowered;
	s6 =	simm.s32 $_tile_overlayer_lowered  }
0x9b: {  	s22 =	simm.s32 $0x1BFF;
	s21 =	sshll.u32 s6, $0x1;
	s3 =	sadd.s32 s4, s19  }
0x9c: {  	s7 =	simm.s32 $0x0;
	s20 =	sshll.u32 s5, $0x1;
	s5 =	sadd.s32 s21, s3  }
0x9d: {  	[timem:s7], [sflag:s22] =	dma.local [hbm:s5], s20  }
0x9e: {  	_ =	swait.ge [sflag:s22], s20  }
0x9f: {  	s4 =	ssub.s32 $0x0, s20;
	[sflag:s22] =	ssyncset.done $0x0  }
0xa0: {  	[sflag:s22] =	ssyncadd.s32 s4;
	_ =	sdelay $0x1  }
0xa1: {  	s23 =	simm.s32 $0x1B8B  }
0xa2: {  	_ =	swait.ge [sflag:s23], $0x1  }
0xa3: {  	[sflag:s23] =	ssyncset.done $0x0  }
0xa4: {  	s25 =	simm.s32 $0x1B8E;
	s24 =	sld [smem:$0x3FFE];
	[sflag:s23] =	ssyncadd.s32 $0xFFFFFFFF  }
0xa5: {  	s26 =	simm.s32 $execute0_lowered;
	[smem:$0x3FD2] =	sst s25  }
0xa6: {  	s5 =	sshll.u32 s26, $0x1;
	_ =	strace $0x80000049;
	[dreg:$0x1] =	wrdreg $0xFFFFFFFF  }
0xa7: {  	s28 =	simm.s32 $_size_execute0_lowered;
	s3 =	sadd.s32 s3, s5;
	[dreg:$0x0] =	wrdreg $0x0  }
0xa8: {  	s5 =	sshll.u32 s28, $0x1;
	[dreg:$0x2] =	wrdreg s3  }
0xa9: {  	[dreg:$0x3] =	wrdreg s5  }
0xaa: {  	[dreg:$0x4] =	wrdreg $0xC0  }
0xab: {  	_ =	task [dreg:s7], $0x5FFFF  }
0xac: {  	[dreg:$0x1] =	wrdreg $0xFFFFFFFF  }
0xad: {  	[dreg:$0x0] =	wrdreg $0x60  }
0xae: {  	[dreg:$0x2] =	wrdreg s2  }
0xaf: {  	[dreg:$0x3] =	wrdreg s24  }
0xb0: {  	[dreg:$0x4] =	wrdreg $0x97200  }
0xb1: {  	[dreg:$0x5] =	wrdreg $0x1CFA00  }
0xb2: {  	[dreg:$0x6] =	wrdreg $0x9  }
0xb3: {  	_ =	task.clear_ibuf [dreg:s7], $0x7FFFF;
	_ =	strace $0x90000049  }
0xb4: {  	s29 =	simm.s32 $0x9;
	_ =	strace $0x8000004B  }
0xb5: {  	_ =	swait.ge [sflag:s29], $0x1  }
0xb6: {  	[sflag:s29] =	ssyncadd.s32 $0xFFFFFFFF  }
0xb7: {  	_ =	strace $0x9000004B  }
0xb8: {  	_ =	sfence  }
0xb9: {  	s30 =	sld [smem:$0x0];
	_ =	sdelay $0x2  }
0xba: {  	s31 =	sshll.u32 s1, $0xD;
	s1 =	sshrl.u32 s1, $0x2  }
0xbb: {  	s3 =	sand.u32 $0x4000, s31;
	s1 =	sadd.s32 s1, s30  }
0xbc: {  	s0 =	sor.u32 s3, s0;
	s1 =	sshll.u32 s1, $0x11  }
0xbd: {  	s0 =	sor.u32 s1, s0  }
0xbe: {  	s0 =	sadd.s32 $0x8F2B, s0  }
0xbf: {  	[sflag:s0] =	ssyncadd.remote.s32 $0x1  }
0xc0: {  	_ =	sfence.sel $0xFFFF  }
0xc1: {  	[dreg:$0x0] =	wrdreg $0xFFFFFFFF;
	(pc) =	sbr.abs _section_cstart, $3  }
0xc2: {  	[dreg:$0x1] =	wrdreg $0xFFFFFFFF  }
0xc3: {  	_ =	task.clear_ibuf [dreg:s7], $0x2FFFF;
	_ =	strace $0x9FFFFFFF  }
0xc4: {  	(tm) =	ssettm $0x7FFFFFFF  }
0xc5: {  	_ =	shalt  }
tec
execute0_lowered:
.L_overlay_start_1:
0x0: {  	(tag) =	ssettag $0x1  }
0x1: {  	s0 =	srdreg.scid;
	s2 =	rddreg [dreg:$0x0]  }
0x2: {  	s6 =	stileid.u32;
	s3 =	rddreg [dreg:$0x1];
	s1 =	sand.u32 $0x1, s0  }
0x3: {  	s4 =	smul.u32 $0x13800, s6;
	s10 =	sadd.s32 $0x1E2200, s3;
	s11 =	sadd.s32 $0x17600, s3  }
0x4: {  	s21 =	smul.u32 $0x1388, s6;
	p0 =	sne.s32 s6, $0x0;
	s0 =	ssub.s32 $0x2, s1  }
0x5: {  	s28 =	sadd.s32 $0x8800, s3;
	s9 =	smul.u32 $0x138800, s1;
	s8 =	sshrl.u32 s0, $0x1  }
0x6: {  	s7 =	sadd.s32 $0x2700, s4;
	s15 =	sadd.s32 $0x7500, s4;
	s17 =	sadd.s32 $0x9C00, s4  }
0x7: {  	s19 =	sadd.s32 $0xC300, s4;
	s22 =	sadd.s32 $0xEA00, s4;
	s2 =	sadd.s32 s2, s21  }
0x8: {  	s5 =	sshrl.u32 s9, $0x3;
	s12 =	sadd.s32 s4, s9;
	s16 =	sadd.s32 s9, s15  }
0x9: {  	s18 =	sadd.s32 s9, s17;
	s20 =	sadd.s32 s9, s19;
	s12 =	sshrl.u32 s12, $0x3  }
0xa: {  	s25 =	sadd.s32 s9, s22;
	s16 =	sshrl.u32 s16, $0x3;
	s13 =	sadd.s32 s10, s12  }
0xb: {  	s18 =	sshrl.u32 s18, $0x3;
	s26 =	sadd.s32 s10, s16;
	[dreg:$0x5] =	wrdreg s13  }
0xc: {  	s21 =	sshrl.u32 s25, $0x3;
	s25 =	sadd.s32 s10, s18;
	[dreg:$0x8] =	wrdreg s26  }
0xd: {  	s20 =	sshrl.u32 s20, $0x3;
	s18 =	sadd.s32 s11, s18;
	[dreg:$0x9] =	wrdreg s25  }
0xe: {  	s0 =	ssub.s32 s0, s8;
	s26 =	sadd.s32 s10, s20;
	[dreg:$0x12] =	wrdreg s18  }
0xf: {  	s23 =	sadd.s32 s9, s7;
	s25 =	sadd.s32 s10, s21;
	[dreg:$0xa] =	wrdreg s26  }
0x10: {  	s8 =	sadd.s32 $0x4E00, s4;
	s20 =	sadd.s32 s11, s20;
	[dreg:$0xb] =	wrdreg s25  }
0x11: {  	s24 =	sadd.s32 s9, s8;
	s21 =	sadd.s32 s11, s21;
	[dreg:$0x13] =	wrdreg s20  }
0x12: {  	s13 =	sshrl.u32 s23, $0x3;
	s18 =	simm.s32 $0x0;
	[dreg:$0x14] =	wrdreg s21  }
0x13: {  	s23 =	sadd.s32 $0x11100, s4;
	s14 =	sadd.s32 s10, s13;
	[smem:$0x7FF] =	sst s18  }
0x14: {  	s9 =	sadd.s32 s9, s23;
	[dreg:$0x6] =	wrdreg s14;
	s14 =	sshrl.u32 s24, $0x3  }
0x15: {  	s20 =	rddreg [dreg:$0x2];
	s9 =	sshrl.u32 s9, $0x3;
	s24 =	sadd.s32 s10, s14  }
0x16: {  	s25 =	sadd.s32 $0x27000, s5;
	s26 =	sadd.s32 s10, s9;
	[dreg:$0x7] =	wrdreg s24  }
0x17: {  	s29 =	sadd.s32 $0x3800, s3;
	s10 =	sadd.s32 s10, s25;
	[dreg:$0xc] =	wrdreg s26  }
0x18: {  	p1 =	seq.s32 s1, $0x0;
	s9 =	sadd.s32 s11, s9;
	[dreg:$0xd] =	wrdreg s10  }
0x19: {  	s0 =	smax.u32 s0, $0x1;
	s26 =	sadd.s32 s11, s12;
	[dreg:$0x15] =	wrdreg s9  }
0x1a: {  	s31 =	sadd.s32 s17, s20;
	s12 =	sadd.s32 s11, s13;
	[dreg:$0xe] =	wrdreg s26  }
0x1b: {  	s17 =	simm.s32 $0x78;
	s13 =	sadd.s32 s11, s14;
	[dreg:$0xf] =	wrdreg s12  }
0x1c: {  	s14 =	sadd.s32 s11, s16;
	s16 =	smul.u32 $0x27100, s1;
	[dreg:$0x10] =	wrdreg s13  }
0x1d: {  	s24 =	sadd.s32 s11, s25;
	s1 =	simm.s32 $0x4920;
	[dreg:$0x11] =	wrdreg s14  }
0x1e: {  	s12 =	smul.u32 $0x2700, s6;
	[dreg:$0x16] =	wrdreg s24;
	s10 =	sshrl.u32 s16, $0x3  }
0x1f: {  	s26 =	sadd.s32 $0x18A200, s3;
	s24 =	rddreg [dreg:$0x3];
	s10 =	sadd.s32 $0x4E00, s10  }
0x20: {  	s25 =	sadd.s32 s12, s16;
	s16 =	sadd.s32 $0xD800, s3;
	s11 =	sadd.s32 s26, s10  }
0x21: {  	s9 =	sshrl.u32 s25, $0x3;
	s21 =	sadd.s32 s16, s10;
	[dreg:$0x18] =	wrdreg s11  }
0x22: {  	s6 =	sadd.s32 s7, s20;
	s14 =	sadd.s32 s26, s9;
	[dreg:$0x1a] =	wrdreg s21  }
0x23: {  	s13 =	sadd.s32 s15, s20;
	s9 =	sadd.s32 s16, s9;
	[dreg:$0x17] =	wrdreg s14  }
0x24: {  	s15 =	simm.s32 $0x50;
	s30 =	sadd.s32 s12, s24;
	[dreg:$0x19] =	wrdreg s9  }
0x25: {  	s12 =	simm.s32 $0x3;
	_ =	strace $0x8000004A;
	[smem:$0x7F9] =	sst s0  }
0x26: {  	s25 =	sadd.s32 s5, s3;
	s9 =	sadd.s32 s8, s20;
	[dreg:$0x1b] =	wrdreg s6  }
0x27: {  	s5 =	sadd.s32 s4, s20;
	s4 =	sadd.s32 s22, s20;
	[dreg:$0x1c] =	wrdreg s9  }
0x28: {  	s3 =	sadd.s32 s23, s20;
	s26 =	sadd.s32 s19, s20;
	[dreg:$0x1d] =	wrdreg s13  }
0x29: {  	s23 =	simm.s32 $0x1;
	s22 =	smov.u32 s26;
	[dreg:$0x1e] =	wrdreg s31  }
0x2a: {  	s10 =	simm.s32 $0x0;
	s7 =	sadd.s32 $0x194000, s25;
	[dreg:$0x1f] =	wrdreg s22  }
0x2b: {  	s11 =	sadd.s32 $0x138000, s20;
	s16 =	sadd.s32 $0x27000, s24;
	[smem:$0x7FA] =	sst s4  }
0x2c: {  	s19 =	simm.s32 $0x7020;
	s21 =	simm.s32 $0x1EA0;
	[smem:$0x7FB] =	sst s3  }
0x2d: {  	s25 =	simm.s32 $0x32A0;
	s14 =	simm.s32 $0x28;
	[smem:$0x7FC] =	sst s11  }
0x2e: {  	vm0 =	vcmask $0x704;
	v0 =	vlaneseq.u32;
	s26 =	simm.s32 $0x46A0;
	s8 =	simm.s32 $0x2;
	[smem:$0x7FD] =	sst s16  }
.LBB2_1:
0x2f: {  	[smem:$0x7F8] =	sst s10  }
0x30: {  	s0 =	rddreg [dreg:$0x5]  }
0x31: {  	[tilespmem:s1], [sflag:$0x3] =	stream.linear.gather [hbm4b:s0+s18], $0x2700, $0x38;
	[tilespmem:$0x1F6B0] =	vst v63  }
0x32: {  	_ =	swait.ge [sflag:s12], $0x2700  }
0x33: {  	[sflag:s12] =	ssyncset.done $0x0  }
0x34: {  	[sflag:s12] =	ssyncadd.s32 $0xFFFFD900  }
0x35: {  	[spmem:s5] =	stream.linear.scatter [tilespmem:s1], [sflag:$0x3], $0x2700, $0x38;
	[tilespmem:$0x1F6B0] =	vst v63  }
0x36: {  	_ =	swait.ge [sflag:s12], $0x2700  }
0x37: {  	[sflag:s12] =	ssyncset.done $0x0  }
0x38: {  	s10 =	smov.u32 s5;
	s5 =	rddreg [dreg:$0x6];
	[sflag:s12] =	ssyncadd.s32 $0xFFFFD900  }
0x39: {  	[tilespmem:s1], [sflag:$0x3] =	stream.linear.gather [hbm4b:s5+s18], $0x2700, $0x38;
	[tilespmem:$0x1F6B0] =	vst v63  }
0x3a: {  	_ =	swait.ge [sflag:s12], $0x2700  }
0x3b: {  	[sflag:s12] =	ssyncset.done $0x0  }
0x3c: {  	[sflag:s12] =	ssyncadd.s32 $0xFFFFD900  }
0x3d: {  	[spmem:s6] =	stream.linear.scatter [tilespmem:s1], [sflag:$0x3], $0x2700, $0x38;
	[tilespmem:$0x1F6B0] =	vst v63  }
0x3e: {  	_ =	swait.ge [sflag:s12], $0x2700  }
0x3f: {  	[sflag:s12] =	ssyncset.done $0x0  }
0x40: {  	s6 =	rddreg [dreg:$0x7];
	[sflag:s12] =	ssyncadd.s32 $0xFFFFD900  }
0x41: {  	[tilespmem:s1], [sflag:$0x3] =	stream.linear.gather [hbm4b:s6+s18], $0x2700, $0x38;
	[tilespmem:$0x1F6B0] =	vst v63  }
0x42: {  	_ =	swait.ge [sflag:s12], $0x2700  }
0x43: {  	[sflag:s12] =	ssyncset.done $0x0  }
0x44: {  	[sflag:s12] =	ssyncadd.s32 $0xFFFFD900  }
0x45: {  	[spmem:s9] =	stream.linear.scatter [tilespmem:s1], [sflag:$0x3], $0x2700, $0x38;
	[tilespmem:$0x1F6B0] =	vst v63  }
0x46: {  	_ =	swait.ge [sflag:s12], $0x2700  }
0x47: {  	[sflag:s12] =	ssyncset.done $0x0  }
0x48: {  	s9 =	rddreg [dreg:$0x8];
	[sflag:s12] =	ssyncadd.s32 $0xFFFFD900  }
0x49: {  	[tilespmem:s1], [sflag:$0x3] =	stream.linear.gather [hbm4b:s9+s18], $0x2700, $0x38;
	[tilespmem:$0x1F6B0] =	vst v63  }
0x4a: {  	_ =	swait.ge [sflag:s12], $0x2700  }
0x4b: {  	[sflag:s12] =	ssyncset.done $0x0  }
0x4c: {  	[sflag:s12] =	ssyncadd.s32 $0xFFFFD900  }
0x4d: {  	[spmem:s13] =	stream.linear.scatter [tilespmem:s1], [sflag:$0x3], $0x2700, $0x38;
	[tilespmem:$0x1F6B0] =	vst v63  }
0x4e: {  	_ =	swait.ge [sflag:s12], $0x2700  }
0x4f: {  	[sflag:s12] =	ssyncset.done $0x0  }
0x50: {  	s13 =	rddreg [dreg:$0x9];
	[sflag:s12] =	ssyncadd.s32 $0xFFFFD900  }
0x51: {  	[tilespmem:s1], [sflag:$0x3] =	stream.linear.gather [hbm4b:s13+s18], $0x2700, $0x38;
	[tilespmem:$0x1F6B0] =	vst v63  }
0x52: {  	_ =	swait.ge [sflag:s12], $0x2700  }
0x53: {  	[sflag:s12] =	ssyncset.done $0x0  }
0x54: {  	[sflag:s12] =	ssyncadd.s32 $0xFFFFD900  }
0x55: {  	[spmem:s31] =	stream.linear.scatter [tilespmem:s1], [sflag:$0x3], $0x2700, $0x38;
	[tilespmem:$0x1F6B0] =	vst v63  }
0x56: {  	_ =	swait.ge [sflag:s12], $0x2700  }
0x57: {  	[sflag:s12] =	ssyncset.done $0x0  }
0x58: {  	s5 =	rddreg [dreg:$0xa];
	[sflag:s12] =	ssyncadd.s32 $0xFFFFD900  }
0x59: {  	[tilespmem:s1], [sflag:$0x3] =	stream.linear.gather [hbm4b:s5+s18], $0x2700, $0x38;
	[tilespmem:$0x1F6B0] =	vst v63  }
0x5a: {  	_ =	swait.ge [sflag:s12], $0x2700  }
0x5b: {  	[sflag:s12] =	ssyncset.done $0x0  }
0x5c: {  	[sflag:s12] =	ssyncadd.s32 $0xFFFFD900  }
0x5d: {  	[spmem:s22] =	stream.linear.scatter [tilespmem:s1], [sflag:$0x3], $0x2700, $0x38;
	[tilespmem:$0x1F6B0] =	vst v63  }
0x5e: {  	_ =	swait.ge [sflag:s12], $0x2700  }
0x5f: {  	[sflag:s12] =	ssyncset.done $0x0  }
0x60: {  	s6 =	rddreg [dreg:$0xb];
	[sflag:s12] =	ssyncadd.s32 $0xFFFFD900  }
0x61: {  	[tilespmem:s1], [sflag:$0x3] =	stream.linear.gather [hbm4b:s6+s18], $0x2700, $0x38;
	[tilespmem:$0x1F6B0] =	vst v63  }
0x62: {  	_ =	swait.ge [sflag:s12], $0x2700  }
0x63: {  	[sflag:s12] =	ssyncset.done $0x0  }
0x64: {  	[sflag:s12] =	ssyncadd.s32 $0xFFFFD900  }
0x65: {  	[spmem:s4] =	stream.linear.scatter [tilespmem:s1], [sflag:$0x3], $0x2700, $0x38;
	[tilespmem:$0x1F6B0] =	vst v63  }
0x66: {  	_ =	swait.ge [sflag:s12], $0x2700  }
0x67: {  	[sflag:s12] =	ssyncset.done $0x0  }
0x68: {  	s9 =	rddreg [dreg:$0xc];
	[sflag:s12] =	ssyncadd.s32 $0xFFFFD900  }
0x69: {  	[tilespmem:s1], [sflag:$0x3] =	stream.linear.gather [hbm4b:s9+s18], $0x2700, $0x38;
	[tilespmem:$0x1F6B0] =	vst v63  }
0x6a: {  	_ =	swait.ge [sflag:s12], $0x2700  }
0x6b: {  	[sflag:s12] =	ssyncset.done $0x0  }
0x6c: {  	[sflag:s12] =	ssyncadd.s32 $0xFFFFD900  }
0x6d: {  	[spmem:s3] =	stream.linear.scatter [tilespmem:s1], [sflag:$0x3], $0x2700, $0x38;
	[tilespmem:$0x1F6B0] =	vst v63  }
0x6e: {  	_ =	swait.ge [sflag:s12], $0x2700  }
0x6f: {  	[sflag:s12] =	ssyncset.done $0x0  }
0x70: {  	s13 =	rddreg [dreg:$0x17];
	[sflag:s12] =	ssyncadd.s32 $0xFFFFD900  }
0x71: {  	[tilespmem:s19], [sflag:$0x3] =	stream.linear.gather [hbm4b:s13+s18], $0x2700, $0x38;
	[tilespmem:$0x1F6B0] =	vst v63  }
0x72: {  	_ =	swait.ge [sflag:s12], $0x2700  }
0x73: {  	[sflag:s12] =	ssyncset.done $0x0  }
0x74: {  	[sflag:s12] =	ssyncadd.s32 $0xFFFFD900  }
0x75: {  	[spmem:s30] =	stream.linear.scatter [tilespmem:s19], [sflag:$0x3], $0x2700, $0x38;
	[tilespmem:$0x1F6B0] =	vst v63  }
0x76: {  	_ =	swait.ge [sflag:s12], $0x2700  }
0x77: {  	s0 =	simm.s32 @!p0 $0x0;
	[sflag:s12] =	ssyncset.done $0x0  }
0x78: {  	s1 =	simm.s32 @!p0 $0x4920;
	s3 =	rddreg [dreg:$0xd];
	[sflag:s12] =	ssyncadd.s32 $0xFFFFD900  }
0x79: {  	[tilespmem:s1], [sflag:$0x3] =	stream.linear.gather @!p0 [hbm4b:s3+s0], $0x800, $0x38;
	[tilespmem:$0x1F6B0] =	vst v63  }
0x7a: {  	s3 =	simm.s32 @!p0 $0x3  }
0x7b: {  	_ =	swait.ge @!p0 [sflag:s3], $0x800  }
0x7c: {  	[sflag:s3] =	ssyncset.done @!p0 $0x0  }
0x7d: {  	[sflag:s3] =	ssyncadd.s32 @!p0 $0xFFFFF800  }
0x7e: {  	[spmem:s11] =	stream.linear.scatter @!p0 [tilespmem:s1], [sflag:$0x3], $0x800, $0x38;
	[tilespmem:$0x1F6B0] =	vst v63  }
0x7f: {  	_ =	swait.ge @!p0 [sflag:s3], $0x800  }
0x80: {  	[sflag:s3] =	ssyncset.done @!p0 $0x0  }
0x81: {  	s1 =	simm.s32 @!p0 $0x7020;
	s4 =	rddreg [dreg:$0x18];
	[sflag:s3] =	ssyncadd.s32 @!p0 $0xFFFFF800  }
0x82: {  	[tilespmem:s1], [sflag:$0x3] =	stream.linear.gather @!p0 [hbm4b:s4+s0], $0x100, $0x38;
	[tilespmem:$0x1F6B0] =	vst v63  }
0x83: {  	_ =	swait.ge @!p0 [sflag:s3], $0x100  }
0x84: {  	[sflag:s3] =	ssyncset.done @!p0 $0x0  }
0x85: {  	[sflag:s3] =	ssyncadd.s32 @!p0 $0xFFFFFF00  }
0x86: {  	[spmem:s16] =	stream.linear.scatter @!p0 [tilespmem:s1], [sflag:$0x3], $0x100, $0x38;
	[tilespmem:$0x1F6B0] =	vst v63  }
0x87: {  	_ =	swait.ge @!p0 [sflag:s3], $0x100  }
0x88: {  	[sflag:s3] =	ssyncset.done @!p0 $0x0  }
0x89: {  	[sflag:s3] =	ssyncadd.s32 @!p0 $0xFFFFFF00  }
0x8a: {  	[bflag:$0x0] =	sbarrier.arrive $0xFFFF  }
0x8b: {  	[tilespmem:s18], [sflag:$0x3] =	stream.linear.gather [hbm4b:s2+s18], $0x50, $0x38;
	[tilespmem:$0x1F6B0] =	vst v63  }
0x8c: {  	_ =	swait.ge [sflag:s12], $0x50  }
0x8d: {  	[sflag:s12] =	ssyncset.done $0x0  }
0x8e: {  	s16 =	simm.s32 $0xA0;
	[sflag:s12] =	ssyncadd.s32 $0xFFFFFFB0  }
0x8f: {  	[tilespmem:s16], [sflag:$0x1] =	stream.indirect.gather [hbm4b:s28+s14], $0x10, s18, s14, $0xb8;
	[tilespmem:$0x1F6B0] =	vst v63  }
0x90: {  	s31 =	simm.s32 $0x0;
	s19 =	simm.s32 $0x5A0  }
0x91: {  	[tilespmem:s19], [sflag:$0x1] =	stream.indirect.gather [hbm4b:s29+s14], $0x10, s14, s14, $0xb8;
	[tilespmem:$0x1F6B0] =	vst v63  }
0x92: {  	s22 =	simm.s32 $0xAA0;
	s11 =	simm.s32 $0x320;
	s16 =	simm.s32 $0x820  }
0x93: {  	[tilespmem:s22], [sflag:$0x1] =	stream.indirect.gather [hbm4b:s7+s14], $0x80, s18, s14, $0xb8;
	[tilespmem:$0x1F6B0] =	vst v63  }
.LBB2_2:
0x94: {  	s22 =	smul.u32 $0xA0, s31;
	_ =	sdelay $0x1  }
0x95: {  	s0 =	sshrl.u32 s22, $0x3  }
0x96: {  	s0 =	sadd.s32 s2, s0  }
0x97: {  	s1 =	simm.s32 $0x0;
	s0 =	sadd.s32 $0xA, s0  }
0x98: {  	[tilespmem:s15], [sflag:$0x3] =	stream.linear.gather [hbm4b:s0+s1], $0x50, $0x38;
	[tilespmem:$0x1F6B0] =	vst v63  }
0x99: {  	_ =	swait.ge [sflag:s12], $0x50  }
0x9a: {  	[sflag:s12] =	ssyncset.done $0x0  }
0x9b: {  	[sflag:s12] =	ssyncadd.s32 $0xFFFFFFB0  }
0x9c: {  	[tilespmem:s11], [sflag:$0x2] =	stream.indirect.gather [hbm4b:s28+s14], $0x10, s15, s14, $0xb8;
	[tilespmem:$0x1F6B0] =	vst v63  }
0x9d: {  	_ = 	snop  }
0x9e: {  	[tilespmem:s16], [sflag:$0x2] =	stream.indirect.gather [hbm4b:s29+s14], $0x10, s17, s14, $0xb8;
	[tilespmem:$0x1F6B0] =	vst v63  }
0x9f: {  	_ = 	snop  }
0xa0: {  	[tilespmem:s21], [sflag:$0x2] =	stream.indirect.gather [hbm4b:s7+s14], $0x80, s15, s14, $0xb8;
	[tilespmem:$0x1F6B0] =	vst v63  }
0xa1: {  	_ =	swait.ge [sflag:s23], $0x280  }
0xa2: {  	[sflag:s23] =	ssyncset.done $0x0  }
0xa3: {  	[sflag:s23] =	ssyncadd.s32 $0xFFFFFD80  }
0xa4: {  	_ =	swait.ge [sflag:s23], $0x280  }
0xa5: {  	[sflag:s23] =	ssyncset.done $0x0  }
0xa6: {  	[sflag:s23] =	ssyncadd.s32 $0xFFFFFD80  }
0xa7: {  	_ =	swait.ge [sflag:s23], $0x1400  }
0xa8: {  	[sflag:s23] =	ssyncset.done $0x0  }
0xa9: {  	s19 =	simm.s32 $0x0;
	[sflag:s23] =	ssyncadd.s32 $0xFFFFEC00  }
0xaa: {  	v1 =	vld [tilespmem:s19+$0xA0]  }
0xab: {  	v2 =	vld [tilespmem:s19+$0x5A0];
	_ =	sdelay $0x4  }
0xac: {  	v1 =	vadd.f32 v2, v1;
	_ =	sdelay $0x1  }
0xad: {  	v2 =	vmul.f32 $2.000000030e-01, v1;
	_ =	sdelay $0x1  }
0xae: {  	v1 =	vmax.f32 v1, v2  }
0xaf: {  	v1 =	vmul.f32 $1.442695020e+00, v1;
	_ =	sdelay $0x1  }
0xb0: {  	(erf) = vpow2.f32 v1;
	_ =	sdelay $0x8  }
0xb1: {  	v1 =	vpop (erf)  }
0xb2: {  	(v2sf) =	vpush v1, $0x2  }
0xb3: {  	(v2sf) =	vpush v1, $0x1  }
0xb4: {  	(v2sf) =	vpush v1, $0x3;
	_ =	sdelay $0x1  }
0xb5: {  	(v2sf) =	vpush v1, $0x0;
	_ =	sdelay $0xa  }
0xb6: {  	s3 =	spop (v2sf)  }
0xb7: {  	s0 =	spop (v2sf)  }
0xb8: {  	s5 =	spop (v2sf)  }
0xb9: {  	s5 =	smov.u32 @p1 s0  }
0xba: {  	s0 =	spop (v2sf);
	v1 =	vmov s5  }
0xbb: {  	vm1 =	veq.s32 v0, $0x0;
	s3 =	smov.u32 @p1 s0;
	v1 =	vnsel vm0, $0x0, v1  }
0xbc: {  	v1 =	vsel vm1, s3, v1  }
0xbd: {  	s0 =	simm.s32 $0xAE0;
	[tilespmem:s19+$0x46A0] =	vst v1  }
0xbe: {  	v1 =	vld [tilespmem:s0+$0xFFFFFFC0];
	_ =	sdelay $0x4  }
0xbf: {  	v1 =	vmul.f32 s3, v1  }
0xc0: {  	s1 =	simm.s32 $0x32E0  }
0xc1: {  	[tilespmem:s1+$0xFFFFFFC0] =	vst v1  }
0xc2: {  	v1 =	vld [tilespmem:s0+$0xFFFFFFD0];
	_ =	sdelay $0x4  }
0xc3: {  	v1 =	vmul.f32 s3, v1;
	_ =	sdelay $0x1  }
0xc4: {  	[tilespmem:s1+$0xFFFFFFD0] =	vst v1  }
0xc5: {  	v1 =	vld [tilespmem:s0+$0xFFFFFFE0];
	_ =	sdelay $0x4  }
0xc6: {  	v1 =	vmul.f32 s3, v1;
	_ =	sdelay $0x1  }
0xc7: {  	[tilespmem:s1+$0xFFFFFFE0] =	vst v1  }
0xc8: {  	v1 =	vld [tilespmem:s0+$0xFFFFFFF0];
	_ =	sdelay $0x4  }
0xc9: {  	v1 =	vmul.f32 s3, v1;
	_ =	sdelay $0x1  }
0xca: {  	[tilespmem:s1+$0xFFFFFFF0] =	vst v1  }
0xcb: {  	v1 =	vld [tilespmem:s0+$0x0];
	_ =	sdelay $0x4  }
0xcc: {  	v1 =	vmul.f32 s5, v1;
	_ =	sdelay $0x1  }
0xcd: {  	[tilespmem:s1+$0x0] =	vst v1  }
0xce: {  	v1 =	vld [tilespmem:s0+$0x10];
	_ =	sdelay $0x4  }
0xcf: {  	v1 =	vmul.f32 s5, v1;
	_ =	sdelay $0x1  }
0xd0: {  	[tilespmem:s1+$0x10] =	vst v1  }
0xd1: {  	v1 =	vld [tilespmem:s0+$0x20];
	_ =	sdelay $0x4  }
0xd2: {  	v1 =	vmul.f32 s5, v1;
	_ =	sdelay $0x1  }
0xd3: {  	[tilespmem:s1+$0x20] =	vst v1  }
0xd4: {  	s4 =	simm.s32 $0x32E0;
	s3 =	simm.s32 $0x40;
	v1 =	vld [tilespmem:s0+$0x30]  }
.LBB2_3:
0xd5: {  	_ =	sdelay $0x2  }
0xd6: {  	p2 =	sne.s32 s3, $0x9C0;
	s1 =	sadd.s32 $0x80, s1;
	s0 =	sadd.s32 $0x80, s0  }
0xd7: {  	v1 =	vmul.f32 s5, v1;
	s5 =	smov.u32 s3;
	s3 =	sadd.s32 $0x40, s3;
	_ =	sdelay $0x1  }
0xd8: {  	s6 =	sshra.s32 s5, $0x2;
	[tilespmem:s4+$0x30] =	vst v1;
	s4 =	smov.u32 s1  }
0xd9: {  	v1 =	vld [tilespmem:s6+$0xA0]  }
0xda: {  	v2 =	vld [tilespmem:s6+$0x5A0];
	_ =	sdelay $0x4  }
0xdb: {  	v1 =	vadd.f32 v2, v1;
	_ =	sdelay $0x1  }
0xdc: {  	v2 =	vmul.f32 $2.000000030e-01, v1;
	_ =	sdelay $0x1  }
0xdd: {  	v1 =	vmax.f32 v1, v2  }
0xde: {  	v1 =	vmul.f32 $1.442695020e+00, v1;
	_ =	sdelay $0x1  }
0xdf: {  	(erf) = vpow2.f32 v1;
	_ =	sdelay $0x8  }
0xe0: {  	v1 =	vpop (erf)  }
0xe1: {  	(v2sf) =	vpush v1, $0x2  }
0xe2: {  	(v2sf) =	vpush v1, $0x1  }
0xe3: {  	(v2sf) =	vpush v1, $0x3  }
0xe4: {  	(v2sf) =	vpush v1, $0x0;
	_ =	sdelay $0xb  }
0xe5: {  	s13 =	spop (v2sf)  }
0xe6: {  	s9 =	spop (v2sf)  }
0xe7: {  	s5 =	spop (v2sf)  }
0xe8: {  	s5 =	smov.u32 @p1 s9;
	s9 =	spop (v2sf)  }
0xe9: {  	s13 =	smov.u32 @p1 s9;
	v1 =	vmov s5  }
0xea: {  	v1 =	vnsel vm0, $0x0, v1  }
0xeb: {  	v1 =	vsel vm1, s13, v1  }
0xec: {  	[tilespmem:s6+$0x46A0] =	vst v1  }
0xed: {  	v1 =	vld [tilespmem:s0+$0xFFFFFFC0];
	_ =	sdelay $0x4  }
0xee: {  	v1 =	vmul.f32 s13, v1;
	_ =	sdelay $0x1  }
0xef: {  	[tilespmem:s1+$0xFFFFFFC0] =	vst v1  }
0xf0: {  	v1 =	vld [tilespmem:s0+$0xFFFFFFD0];
	_ =	sdelay $0x4  }
0xf1: {  	v1 =	vmul.f32 s13, v1;
	_ =	sdelay $0x1  }
0xf2: {  	[tilespmem:s1+$0xFFFFFFD0] =	vst v1  }
0xf3: {  	v1 =	vld [tilespmem:s0+$0xFFFFFFE0];
	_ =	sdelay $0x4  }
0xf4: {  	v1 =	vmul.f32 s13, v1;
	_ =	sdelay $0x1  }
0xf5: {  	[tilespmem:s1+$0xFFFFFFE0] =	vst v1  }
0xf6: {  	v1 =	vld [tilespmem:s0+$0xFFFFFFF0];
	_ =	sdelay $0x4  }
0xf7: {  	v1 =	vmul.f32 s13, v1;
	_ =	sdelay $0x1  }
0xf8: {  	[tilespmem:s1+$0xFFFFFFF0] =	vst v1  }
0xf9: {  	v1 =	vld [tilespmem:s0+$0x0];
	_ =	sdelay $0x4  }
0xfa: {  	v1 =	vmul.f32 s5, v1;
	_ =	sdelay $0x1  }
0xfb: {  	[tilespmem:s1+$0x0] =	vst v1  }
0xfc: {  	v1 =	vld [tilespmem:s0+$0x10];
	_ =	sdelay $0x4  }
0xfd: {  	v1 =	vmul.f32 s5, v1;
	_ =	sdelay $0x1  }
0xfe: {  	[tilespmem:s1+$0x10] =	vst v1  }
0xff: {  	v1 =	vld [tilespmem:s0+$0x20];
	_ =	sdelay $0x3  }
.Ltmp0:
0x100: {  	(pc) =	sbr.rel @p2 .LBB2_3-.Ltmp0, $3  }
0x101: {  	v1 =	vmul.f32 s5, v1;
	_ =	sdelay $0x1  }
0x102: {  	[tilespmem:s1+$0x20] =	vst v1  }
0x103: {  	v1 =	vld [tilespmem:s0+$0x30]  }
0x104: {  	_ =	sdelay $0x3  }
0x105: {  	v1 =	vmul.f32 s5, v1;
	_ =	sdelay $0x1  }
0x106: {  	[tilespmem:s4+$0x30] =	vst v1  }
0x107: {  	[spmem:s20] =	stream.indirect.scatter.add.f32 [tilespmem:s25], [sflag:$0x3], $0x80, s14, s14, $0xb8;
	[tilespmem:$0x1F6B0] =	vst v63  }
0x108: {  	_ =	swait.ge [sflag:s12], $0x1400  }
0x109: {  	[sflag:s12] =	ssyncset.done $0x0  }
0x10a: {  	p2 =	seq.s32 s31, $0xF9;
	[sflag:s12] =	ssyncadd.s32 $0xFFFFEC00  }
0x10b: {  	[spmem:s24] =	stream.indirect.scatter.add.f32 [tilespmem:s26], [sflag:$0x3], $0x10, s14, s14, $0xb8;
	[tilespmem:$0x1F6B0] =	vst v63  }
0x10c: {  	s0 =	sshrl.u32 @!p2 s22, $0x3;
	_ =	swait.ge [sflag:s12], $0x280  }
0x10d: {  	s0 =	sadd.s32 @!p2 s2, s0;
	[sflag:s12] =	ssyncset.done $0x0  }
0x10e: {  	s1 =	simm.s32 @!p2 $0x0;
	s0 =	sadd.s32 @!p2 $0x14, s0;
	[sflag:s12] =	ssyncadd.s32 $0xFFFFFD80  }
0x10f: {  	[tilespmem:s1], [sflag:$0x3] =	stream.linear.gather @!p2 [hbm4b:s0+s1], $0x50, $0x38;
	[tilespmem:$0x1F6B0] =	vst v63  }
0x110: {  	s0 =	simm.s32 @!p2 $0x3  }
0x111: {  	_ =	swait.ge @!p2 [sflag:s0], $0x50  }
0x112: {  	[sflag:s0] =	ssyncset.done @!p2 $0x0  }
0x113: {  	s3 =	simm.s32 @!p2 $0xA0;
	[sflag:s0] =	ssyncadd.s32 @!p2 $0xFFFFFFB0;
	s0 =	simm.s32 @!p2 $0x28  }
0x114: {  	[tilespmem:s3], [sflag:$0x1] =	stream.indirect.gather @!p2 [hbm4b:s28+s0], $0x10, s1, s0, $0xb8;
	[tilespmem:$0x1F6B0] =	vst v63  }
0x115: {  	s3 =	simm.s32 @!p2 $0x5A0  }
0x116: {  	[tilespmem:s3], [sflag:$0x1] =	stream.indirect.gather @!p2 [hbm4b:s29+s0], $0x10, s0, s0, $0xb8;
	[tilespmem:$0x1F6B0] =	vst v63  }
0x117: {  	s3 =	simm.s32 @!p2 $0xAA0  }
0x118: {  	[tilespmem:s3], [sflag:$0x1] =	stream.indirect.gather @!p2 [hbm4b:s7+s0], $0x80, s1, s0, $0xb8;
	[tilespmem:$0x1F6B0] =	vst v63  }
0x119: {  	_ =	swait.ge [sflag:s8], $0x280  }
0x11a: {  	[sflag:s8] =	ssyncset.done $0x0  }
0x11b: {  	[sflag:s8] =	ssyncadd.s32 $0xFFFFFD80  }
0x11c: {  	_ =	swait.ge [sflag:s8], $0x280  }
0x11d: {  	[sflag:s8] =	ssyncset.done $0x0  }
0x11e: {  	[sflag:s8] =	ssyncadd.s32 $0xFFFFFD80  }
0x11f: {  	_ =	swait.ge [sflag:s8], $0x1400  }
0x120: {  	[sflag:s8] =	ssyncset.done $0x0  }
0x121: {  	s22 =	simm.s32 $0x0;
	[sflag:s8] =	ssyncadd.s32 $0xFFFFEC00  }
0x122: {  	v1 =	vld [tilespmem:s22+$0x320]  }
0x123: {  	v2 =	vld [tilespmem:s22+$0x820];
	_ =	sdelay $0x4  }
0x124: {  	v1 =	vadd.f32 v2, v1;
	_ =	sdelay $0x1  }
0x125: {  	v2 =	vmul.f32 $2.000000030e-01, v1;
	_ =	sdelay $0x1  }
0x126: {  	v1 =	vmax.f32 v1, v2  }
0x127: {  	v1 =	vmul.f32 $1.442695020e+00, v1;
	_ =	sdelay $0x1  }
0x128: {  	(erf) = vpow2.f32 v1;
	_ =	sdelay $0x8  }
0x129: {  	v1 =	vpop (erf)  }
0x12a: {  	(v2sf) =	vpush v1, $0x2  }
0x12b: {  	(v2sf) =	vpush v1, $0x1  }
0x12c: {  	(v2sf) =	vpush v1, $0x3;
	_ =	sdelay $0x1  }
0x12d: {  	(v2sf) =	vpush v1, $0x0;
	_ =	sdelay $0xa  }
0x12e: {  	s3 =	spop (v2sf)  }
0x12f: {  	s0 =	spop (v2sf)  }
0x130: {  	s5 =	spop (v2sf)  }
0x131: {  	s5 =	smov.u32 @p1 s0  }
0x132: {  	s0 =	spop (v2sf);
	v1 =	vmov s5  }
0x133: {  	vm1 =	veq.s32 v0, $0x0;
	s3 =	smov.u32 @p1 s0;
	v1 =	vnsel vm0, $0x0, v1  }
0x134: {  	v1 =	vsel vm1, s3, v1  }
0x135: {  	s0 =	simm.s32 $0x1EE0;
	[tilespmem:s22+$0x46A0] =	vst v1  }
0x136: {  	v1 =	vld [tilespmem:s0+$0xFFFFFFC0];
	_ =	sdelay $0x4  }
0x137: {  	v1 =	vmul.f32 s3, v1  }
0x138: {  	s1 =	simm.s32 $0x32E0  }
0x139: {  	[tilespmem:s1+$0xFFFFFFC0] =	vst v1  }
0x13a: {  	v1 =	vld [tilespmem:s0+$0xFFFFFFD0];
	_ =	sdelay $0x4  }
0x13b: {  	v1 =	vmul.f32 s3, v1;
	_ =	sdelay $0x1  }
0x13c: {  	[tilespmem:s1+$0xFFFFFFD0] =	vst v1  }
0x13d: {  	v1 =	vld [tilespmem:s0+$0xFFFFFFE0];
	_ =	sdelay $0x4  }
0x13e: {  	v1 =	vmul.f32 s3, v1;
	_ =	sdelay $0x1  }
0x13f: {  	[tilespmem:s1+$0xFFFFFFE0] =	vst v1  }
0x140: {  	v1 =	vld [tilespmem:s0+$0xFFFFFFF0];
	_ =	sdelay $0x4  }
0x141: {  	v1 =	vmul.f32 s3, v1;
	_ =	sdelay $0x1  }
0x142: {  	[tilespmem:s1+$0xFFFFFFF0] =	vst v1  }
0x143: {  	v1 =	vld [tilespmem:s0+$0x0];
	_ =	sdelay $0x4  }
0x144: {  	v1 =	vmul.f32 s5, v1;
	_ =	sdelay $0x1  }
0x145: {  	[tilespmem:s1+$0x0] =	vst v1  }
0x146: {  	v1 =	vld [tilespmem:s0+$0x10];
	_ =	sdelay $0x4  }
0x147: {  	v1 =	vmul.f32 s5, v1;
	_ =	sdelay $0x1  }
0x148: {  	[tilespmem:s1+$0x10] =	vst v1  }
0x149: {  	v1 =	vld [tilespmem:s0+$0x20];
	_ =	sdelay $0x4  }
0x14a: {  	v1 =	vmul.f32 s5, v1;
	_ =	sdelay $0x1  }
0x14b: {  	[tilespmem:s1+$0x20] =	vst v1  }
0x14c: {  	s4 =	simm.s32 $0x32E0;
	s3 =	simm.s32 $0x40;
	v1 =	vld [tilespmem:s0+$0x30]  }
.LBB2_5:
0x14d: {  	_ =	sdelay $0x2  }
0x14e: {  	p2 =	sne.s32 s3, $0x9C0;
	s1 =	sadd.s32 $0x80, s1;
	s0 =	sadd.s32 $0x80, s0  }
0x14f: {  	v1 =	vmul.f32 s5, v1;
	s5 =	smov.u32 s3;
	s3 =	sadd.s32 $0x40, s3;
	_ =	sdelay $0x1  }
0x150: {  	s6 =	sshra.s32 s5, $0x2;
	[tilespmem:s4+$0x30] =	vst v1;
	s4 =	smov.u32 s1  }
0x151: {  	v1 =	vld [tilespmem:s6+$0x320]  }
0x152: {  	v2 =	vld [tilespmem:s6+$0x820];
	_ =	sdelay $0x4  }
0x153: {  	v1 =	vadd.f32 v2, v1;
	_ =	sdelay $0x1  }
0x154: {  	v2 =	vmul.f32 $2.000000030e-01, v1;
	_ =	sdelay $0x1  }
0x155: {  	v1 =	vmax.f32 v1, v2  }
0x156: {  	v1 =	vmul.f32 $1.442695020e+00, v1;
	_ =	sdelay $0x1  }
0x157: {  	(erf) = vpow2.f32 v1;
	_ =	sdelay $0x8  }
0x158: {  	v1 =	vpop (erf)  }
0x159: {  	(v2sf) =	vpush v1, $0x2  }
0x15a: {  	(v2sf) =	vpush v1, $0x1  }
0x15b: {  	(v2sf) =	vpush v1, $0x3  }
0x15c: {  	(v2sf) =	vpush v1, $0x0;
	_ =	sdelay $0xb  }
0x15d: {  	s9 =	spop (v2sf)  }
0x15e: {  	s13 =	spop (v2sf)  }
0x15f: {  	s5 =	spop (v2sf)  }
0x160: {  	s5 =	smov.u32 @p1 s13;
	s13 =	spop (v2sf)  }
0x161: {  	s9 =	smov.u32 @p1 s13;
	v1 =	vmov s5  }
0x162: {  	v1 =	vnsel vm0, $0x0, v1  }
0x163: {  	v1 =	vsel vm1, s9, v1  }
0x164: {  	[tilespmem:s6+$0x46A0] =	vst v1  }
0x165: {  	v1 =	vld [tilespmem:s0+$0xFFFFFFC0];
	_ =	sdelay $0x4  }
0x166: {  	v1 =	vmul.f32 s9, v1;
	_ =	sdelay $0x1  }
0x167: {  	[tilespmem:s1+$0xFFFFFFC0] =	vst v1  }
0x168: {  	v1 =	vld [tilespmem:s0+$0xFFFFFFD0];
	_ =	sdelay $0x4  }
0x169: {  	v1 =	vmul.f32 s9, v1;
	_ =	sdelay $0x1  }
0x16a: {  	[tilespmem:s1+$0xFFFFFFD0] =	vst v1  }
0x16b: {  	v1 =	vld [tilespmem:s0+$0xFFFFFFE0];
	_ =	sdelay $0x4  }
0x16c: {  	v1 =	vmul.f32 s9, v1;
	_ =	sdelay $0x1  }
0x16d: {  	[tilespmem:s1+$0xFFFFFFE0] =	vst v1  }
0x16e: {  	v1 =	vld [tilespmem:s0+$0xFFFFFFF0];
	_ =	sdelay $0x4  }
0x16f: {  	v1 =	vmul.f32 s9, v1;
	_ =	sdelay $0x1  }
0x170: {  	[tilespmem:s1+$0xFFFFFFF0] =	vst v1  }
0x171: {  	v1 =	vld [tilespmem:s0+$0x0];
	_ =	sdelay $0x4  }
0x172: {  	v1 =	vmul.f32 s5, v1;
	_ =	sdelay $0x1  }
0x173: {  	[tilespmem:s1+$0x0] =	vst v1  }
0x174: {  	v1 =	vld [tilespmem:s0+$0x10];
	_ =	sdelay $0x4  }
0x175: {  	v1 =	vmul.f32 s5, v1;
	_ =	sdelay $0x1  }
0x176: {  	[tilespmem:s1+$0x10] =	vst v1  }
0x177: {  	v1 =	vld [tilespmem:s0+$0x20];
	_ =	sdelay $0x3  }
.Ltmp1:
0x178: {  	(pc) =	sbr.rel @p2 .LBB2_5-.Ltmp1, $3  }
0x179: {  	v1 =	vmul.f32 s5, v1;
	_ =	sdelay $0x1  }
0x17a: {  	[tilespmem:s1+$0x20] =	vst v1  }
0x17b: {  	v1 =	vld [tilespmem:s0+$0x30]  }
0x17c: {  	_ =	sdelay $0x3  }
0x17d: {  	v1 =	vmul.f32 s5, v1;
	_ =	sdelay $0x1  }
0x17e: {  	[tilespmem:s4+$0x30] =	vst v1  }
0x17f: {  	[spmem:s20] =	stream.indirect.scatter.add.f32 [tilespmem:s25], [sflag:$0x3], $0x80, s17, s14, $0xb8;
	[tilespmem:$0x1F6B0] =	vst v63  }
0x180: {  	s31 =	sadd.s32 $0x1, s31;
	_ =	swait.ge [sflag:s12], $0x1400  }
0x181: {  	p2 =	sne.s32 s31, $0xFA;
	[sflag:s12] =	ssyncset.done $0x0  }
.Ltmp2:
0x182: {  	[sflag:s12] =	ssyncadd.s32 $0xFFFFEC00;
	(pc) =	sbr.rel @p2 .LBB2_2-.Ltmp2, $4  }
0x183: {  	[spmem:s24] =	stream.indirect.scatter.add.f32 [tilespmem:s26], [sflag:$0x3], $0x10, s17, s14, $0xb8;
	[tilespmem:$0x1F6B0] =	vst v63  }
0x184: {  	_ =	swait.ge [sflag:s12], $0x280  }
0x185: {  	[sflag:s12] =	ssyncset.done $0x0  }
0x186: {  	[sflag:s12] =	ssyncadd.s32 $0xFFFFFD80  }
0x187: {  	[bflag:$0x0] =	sbarrier.arrive $0xFFFF;
	s1 =	simm.s32 $0x4920  }
0x188: {  	[tilespmem:s1], [sflag:$0x3] =	stream.linear.gather [spmem:s10], $0x2700, $0x38;
	[tilespmem:$0x1F6B0] =	vst v63  }
0x189: {  	_ =	swait.ge [sflag:s12], $0x2700  }
0x18a: {  	[sflag:s12] =	ssyncset.done $0x0  }
0x18b: {  	s0 =	rddreg [dreg:$0xe];
	[sflag:s12] =	ssyncadd.s32 $0xFFFFD900  }
0x18c: {  	[hbm4b:s0+s18] =	stream.linear.scatter [tilespmem:s1], [sflag:$0x3], $0x2700, $0x38;
	[tilespmem:$0x1F6B0] =	vst v63  }
0x18d: {  	_ =	swait.ge [sflag:s12], $0x2700  }
0x18e: {  	[sflag:s12] =	ssyncset.done $0x0  }
0x18f: {  	s6 =	rddreg [dreg:$0x1b];
	[sflag:s12] =	ssyncadd.s32 $0xFFFFD900  }
0x190: {  	[tilespmem:s1], [sflag:$0x3] =	stream.linear.gather [spmem:s6], $0x2700, $0x38;
	[tilespmem:$0x1F6B0] =	vst v63  }
0x191: {  	_ =	swait.ge [sflag:s12], $0x2700  }
0x192: {  	[sflag:s12] =	ssyncset.done $0x0  }
0x193: {  	s13 =	rddreg [dreg:$0xf];
	[sflag:s12] =	ssyncadd.s32 $0xFFFFD900  }
0x194: {  	[hbm4b:s13+s18] =	stream.linear.scatter [tilespmem:s1], [sflag:$0x3], $0x2700, $0x38;
	[tilespmem:$0x1F6B0] =	vst v63  }
0x195: {  	_ =	swait.ge [sflag:s12], $0x2700  }
0x196: {  	[sflag:s12] =	ssyncset.done $0x0  }
0x197: {  	s9 =	rddreg [dreg:$0x1c];
	[sflag:s12] =	ssyncadd.s32 $0xFFFFD900  }
0x198: {  	[tilespmem:s1], [sflag:$0x3] =	stream.linear.gather [spmem:s9], $0x2700, $0x38;
	[tilespmem:$0x1F6B0] =	vst v63  }
0x199: {  	_ =	swait.ge [sflag:s12], $0x2700  }
0x19a: {  	[sflag:s12] =	ssyncset.done $0x0  }
0x19b: {  	s16 =	rddreg [dreg:$0x10];
	[sflag:s12] =	ssyncadd.s32 $0xFFFFD900  }
0x19c: {  	[hbm4b:s16+s18] =	stream.linear.scatter [tilespmem:s1], [sflag:$0x3], $0x2700, $0x38;
	[tilespmem:$0x1F6B0] =	vst v63  }
0x19d: {  	_ =	swait.ge [sflag:s12], $0x2700  }
0x19e: {  	[sflag:s12] =	ssyncset.done $0x0  }
0x19f: {  	s13 =	rddreg [dreg:$0x1d];
	[sflag:s12] =	ssyncadd.s32 $0xFFFFD900  }
0x1a0: {  	[tilespmem:s1], [sflag:$0x3] =	stream.linear.gather [spmem:s13], $0x2700, $0x38;
	[tilespmem:$0x1F6B0] =	vst v63  }
0x1a1: {  	_ =	swait.ge [sflag:s12], $0x2700  }
0x1a2: {  	[sflag:s12] =	ssyncset.done $0x0  }
0x1a3: {  	s19 =	rddreg [dreg:$0x11];
	[sflag:s12] =	ssyncadd.s32 $0xFFFFD900  }
0x1a4: {  	[hbm4b:s19+s18] =	stream.linear.scatter [tilespmem:s1], [sflag:$0x3], $0x2700, $0x38;
	[tilespmem:$0x1F6B0] =	vst v63  }
0x1a5: {  	_ =	swait.ge [sflag:s12], $0x2700  }
0x1a6: {  	[sflag:s12] =	ssyncset.done $0x0  }
0x1a7: {  	s31 =	rddreg [dreg:$0x1e];
	[sflag:s12] =	ssyncadd.s32 $0xFFFFD900  }
0x1a8: {  	[tilespmem:s1], [sflag:$0x3] =	stream.linear.gather [spmem:s31], $0x2700, $0x38;
	[tilespmem:$0x1F6B0] =	vst v63  }
0x1a9: {  	_ =	swait.ge [sflag:s12], $0x2700  }
0x1aa: {  	[sflag:s12] =	ssyncset.done $0x0  }
0x1ab: {  	s22 =	rddreg [dreg:$0x12];
	[sflag:s12] =	ssyncadd.s32 $0xFFFFD900  }
0x1ac: {  	[hbm4b:s22+s18] =	stream.linear.scatter [tilespmem:s1], [sflag:$0x3], $0x2700, $0x38;
	[tilespmem:$0x1F6B0] =	vst v63  }
0x1ad: {  	_ =	swait.ge [sflag:s12], $0x2700  }
0x1ae: {  	[sflag:s12] =	ssyncset.done $0x0  }
0x1af: {  	s22 =	rddreg [dreg:$0x1f];
	[sflag:s12] =	ssyncadd.s32 $0xFFFFD900  }
0x1b0: {  	[tilespmem:s1], [sflag:$0x3] =	stream.linear.gather [spmem:s22], $0x2700, $0x38;
	[tilespmem:$0x1F6B0] =	vst v63  }
0x1b1: {  	_ =	swait.ge [sflag:s12], $0x2700  }
0x1b2: {  	[sflag:s12] =	ssyncset.done $0x0  }
0x1b3: {  	s3 =	rddreg [dreg:$0x13];
	[sflag:s12] =	ssyncadd.s32 $0xFFFFD900  }
0x1b4: {  	[hbm4b:s3+s18] =	stream.linear.scatter [tilespmem:s1], [sflag:$0x3], $0x2700, $0x38;
	[tilespmem:$0x1F6B0] =	vst v63  }
0x1b5: {  	_ =	swait.ge [sflag:s12], $0x2700  }
0x1b6: {  	s5 =	smov.u32 s10;
	s10 =	sld [smem:$0x7FA]  }
0x1b7: {  	[sflag:s12] =	ssyncset.done $0x0  }
0x1b8: {  	[sflag:s12] =	ssyncadd.s32 $0xFFFFD900  }
0x1b9: {  	[tilespmem:s1], [sflag:$0x3] =	stream.linear.gather [spmem:s10], $0x2700, $0x38;
	[tilespmem:$0x1F6B0] =	vst v63  }
0x1ba: {  	_ =	swait.ge [sflag:s12], $0x2700  }
0x1bb: {  	[sflag:s12] =	ssyncset.done $0x0  }
0x1bc: {  	s4 =	rddreg [dreg:$0x14];
	[sflag:s12] =	ssyncadd.s32 $0xFFFFD900  }
0x1bd: {  	[hbm4b:s4+s18] =	stream.linear.scatter [tilespmem:s1], [sflag:$0x3], $0x2700, $0x38;
	[tilespmem:$0x1F6B0] =	vst v63  }
0x1be: {  	_ =	swait.ge [sflag:s12], $0x2700  }
0x1bf: {  	s3 =	sld [smem:$0x7FB]  }
0x1c0: {  	[sflag:s12] =	ssyncset.done $0x0  }
0x1c1: {  	[sflag:s12] =	ssyncadd.s32 $0xFFFFD900  }
0x1c2: {  	[tilespmem:s1], [sflag:$0x3] =	stream.linear.gather [spmem:s3], $0x2700, $0x38;
	[tilespmem:$0x1F6B0] =	vst v63  }
0x1c3: {  	_ =	swait.ge [sflag:s12], $0x2700  }
0x1c4: {  	[sflag:s12] =	ssyncset.done $0x0  }
0x1c5: {  	s11 =	rddreg [dreg:$0x15];
	[sflag:s12] =	ssyncadd.s32 $0xFFFFD900  }
0x1c6: {  	[hbm4b:s11+s18] =	stream.linear.scatter [tilespmem:s1], [sflag:$0x3], $0x2700, $0x38;
	[tilespmem:$0x1F6B0] =	vst v63  }
0x1c7: {  	_ =	swait.ge [sflag:s12], $0x2700  }
0x1c8: {  	[sflag:s12] =	ssyncset.done $0x0  }
0x1c9: {  	s19 =	simm.s32 $0x7020;
	[sflag:s12] =	ssyncadd.s32 $0xFFFFD900  }
0x1ca: {  	[tilespmem:s19], [sflag:$0x3] =	stream.linear.gather [spmem:s30], $0x2700, $0x38;
	[tilespmem:$0x1F6B0] =	vst v63  }
0x1cb: {  	_ =	swait.ge [sflag:s12], $0x2700  }
0x1cc: {  	[sflag:s12] =	ssyncset.done $0x0  }
0x1cd: {  	s16 =	rddreg [dreg:$0x19];
	[sflag:s12] =	ssyncadd.s32 $0xFFFFD900  }
0x1ce: {  	[hbm4b:s16+s18] =	stream.linear.scatter [tilespmem:s19], [sflag:$0x3], $0x2700, $0x38;
	[tilespmem:$0x1F6B0] =	vst v63  }
0x1cf: {  	_ =	swait.ge [sflag:s12], $0x2700  }
0x1d0: {  	s11 =	sld [smem:$0x7FC]  }
0x1d1: {  	[sflag:s12] =	ssyncset.done $0x0  }
0x1d2: {  	s0 =	simm.s32 @!p0 $0x4920;
	s1 =	simm.s32 @!p0 $0x3;
	[sflag:s12] =	ssyncadd.s32 $0xFFFFD900  }
0x1d3: {  	[tilespmem:s0], [sflag:$0x3] =	stream.linear.gather @!p0 [spmem:s11], $0x800, $0x38;
	[tilespmem:$0x1F6B0] =	vst v63  }
0x1d4: {  	_ =	swait.ge @!p0 [sflag:s1], $0x800  }
0x1d5: {  	[sflag:s1] =	ssyncset.done @!p0 $0x0  }
0x1d6: {  	s18 =	simm.s32 @!p0 $0x0;
	s4 =	rddreg [dreg:$0x16];
	[sflag:s1] =	ssyncadd.s32 @!p0 $0xFFFFF800  }
0x1d7: {  	[hbm4b:s4+s18] =	stream.linear.scatter @!p0 [tilespmem:s0], [sflag:$0x3], $0x800, $0x38;
	[tilespmem:$0x1F6B0] =	vst v63  }
0x1d8: {  	_ =	swait.ge @!p0 [sflag:s1], $0x800  }
0x1d9: {  	s16 =	sld [smem:$0x7FD]  }
0x1da: {  	[sflag:s1] =	ssyncset.done @!p0 $0x0  }
0x1db: {  	s0 =	simm.s32 @!p0 $0x7020;
	[sflag:s1] =	ssyncadd.s32 @!p0 $0xFFFFF800  }
0x1dc: {  	[tilespmem:s0], [sflag:$0x3] =	stream.linear.gather @!p0 [spmem:s16], $0x100, $0x38;
	[tilespmem:$0x1F6B0] =	vst v63  }
0x1dd: {  	_ =	swait.ge @!p0 [sflag:s1], $0x100  }
0x1de: {  	[sflag:s1] =	ssyncset.done @!p0 $0x0  }
0x1df: {  	s4 =	rddreg [dreg:$0x1a];
	[sflag:s1] =	ssyncadd.s32 @!p0 $0xFFFFFF00  }
0x1e0: {  	[hbm4b:s4+s18] =	stream.linear.scatter @!p0 [tilespmem:s0], [sflag:$0x3], $0x100, $0x38;
	[tilespmem:$0x1F6B0] =	vst v63  }
0x1e1: {  	_ =	swait.ge @!p0 [sflag:s1], $0x100  }
0x1e2: {  	s0 =	sld [smem:$0x7F8];
	_ =	sdelay $0x2  }
0x1e3: {  	s4 =	smov.u32 s10;
	s10 =	sadd.s32 $0x1, s0;
	s0 =	sld [smem:$0x7F9]  }
0x1e4: {  	_ =	sdelay $0x1  }
0x1e5: {  	p2 =	sne.s32 s10, s0  }
.Ltmp3:
0x1e6: {  	_ = 	snop;
	(pc) =	sbr.rel @p2 .LBB2_1-.Ltmp3, $3  }
0x1e7: {  	_ =	sdelay $0x1  }
0x1e8: {  	[sflag:s1] =	ssyncset.done @!p0 $0x0  }
0x1e9: {  	s18 =	simm.s32 $0x0;
	[sflag:s1] =	ssyncadd.s32 @!p0 $0xFFFFFF00;
	s1 =	simm.s32 $0x4920  }
0x1ea: {  	_ =	sfence.sel $0x180000  }
0x1eb: {  	[bflag:$0x0] =	sbarrier.arrive $0xFFFF  }
0x1ec: {  	_ =	strace $0x9000004A  }
0x1ed: {  	[bflag:$0x2] =	sbarrier.arrive $0xFFFF  }
0x1ee: {  	s0 =	rddreg [dreg:$0x4]  }
0x1ef: {  	s0 =	sadd.s32 @!p0 $0x100000, s0  }
0x1f0: {  	[sflag:s0] =	ssyncadd.tile.s32 @!p0 $0x1;
	_ =	shalt  }
.Lfunc_end2:
_tile_overlayer_lowered:
.L_overlay_start_2:
0x1f1: {  	(tag) =	ssettag $0x2  }
0x1f2: {  	s0 =	rddreg [dreg:$0x0];
	s2 =	stileid.u32  }
0x1f3: {  	s1 =	rddreg [dreg:$0x1];
	p0 =	sne.s32 s2, $0x0  }
0x1f4: {  	s3 =	rddreg [dreg:$0x2];
	[bflag:$0x3] =	sbarrier.arrive $0xFFFF;
	s2 =	simm.s32 @!p0 $0x1C03  }
0x1f5: {  	[timem:s3], [sflag:s2] =	dma.local @!p0 [hbm:s0], s1  }
0x1f6: {  	s0 =	simm.s32 @!p0 $0x3  }
0x1f7: {  	_ =	swait.ge @!p0 [sflag:s0], s1  }
0x1f8: {  	s1 =	ssub.s32 @!p0 $0x0, s1;
	[sflag:s0] =	ssyncset.done @!p0 $0x0  }
0x1f9: {  	[sflag:s0] =	ssyncadd.s32 @!p0 s1  }
0x1fa: {  	[bflag:$0x3] =	sbarrier.arrive $0xFFFF  }
0x1fb: {  	_ =	shalt  }

// kernel: kernel.7.cloned.1.call-start
scs
__scs_entry_jumppad:
0x0: {  	(pc) =	sbr.rel $0x88, $3  }
0x1: {  	(tag) =	ssettag $0x0;
	lr =	simm.s32 $0x1  }
0x2: {  	[smem:$0x3F8B] =	sst lr;
	_ =	strace $0xD0000000  }
0x3: {  	_ = 	snop  }
0x4: {  	_ = 	snop  }
0x5: {  	_ = 	snop  }
0x6: {  	_ = 	snop  }
0x7: {  	_ = 	snop  }
__scs_overlays_trampoline_lowered:
0x8: {  	[smem:$0x3F9A] =	sst s0  }
0x9: {  	[smem:$0x3F9B] =	sst s1  }
0xa: {  	[smem:$0x3F9C] =	sst s2  }
0xb: {  	[smem:$0x3F9D] =	sst s3  }
0xc: {  	[smem:$0x3F9E] =	sst s4  }
0xd: {  	[smem:$0x3F9F] =	sst s5  }
0xe: {  	[smem:$0x3FA0] =	sst s6  }
0xf: {  	[smem:$0x3FA1] =	sst s7  }
0x10: {  	[smem:$0x3FA2] =	sst s8  }
0x11: {  	[smem:$0x3FA3] =	sst s9;
	s0 =	simm.s32 @!p0 $0x0  }
0x12: {  	s1 =	sld [smem:$0x3F89];
	s0 =	simm.s32 @p0 $0x1  }
0x13: {  	[smem:$0x3FA4] =	sst s0;
	s0 =	simm.s32 @!p1 $0x0  }
0x14: {  	s2 =	sld [smem:$0x3F88];
	s0 =	simm.s32 @p1 $0x1  }
0x15: {  	[smem:$0x3FA5] =	sst s0;
	s0 =	simm.s32 @!p2 $0x0  }
0x16: {  	s3 =	sld [smem:$0x3FDB];
	s0 =	simm.s32 @p2 $0x1  }
0x17: {  	s4 =	simm.s32 $0x1BF5;
	[smem:$0x3FA7] =	sst s0  }
0x18: {  	s0 =	sld [smem:$0x3F8A];
	_ =	swait.ge [sflag:s4], $0x0  }
0x19: {  	s7 =	sld [smem:$0x3F8B]  }
0x1a: {  	s8 =	sadd.s32 $0xFFFFE003, lr  }
0x1b: {  	s9 =	sadd.s32 $0xFFFFFEF7, lr;
	s5 =	simm.s32 $0xFFFFFFFF;
	p2 =	slt.u32 s8, $0xFFFFF086  }
0x1c: {  	p1 =	slt.u32 s9, $0xF7A;
	s5 =	simm.s32 @!p2 $0x0  }
0x1d: {  	s5 =	simm.s32 @p1 $0x1;
	p0 =	seq.s32 s7, s2  }
0x1e: {  	s7 =	smul.u32 @!p0 $0xF7A, s2;
	p2 =	seq.s32 @!p0 s5, $0x0  }
0x1f: {  	s9 =	smul.u32 $0xF7A, s1;
	s8 =	simm.s32 @!p0 $0x1BF5;
	p2 =	por !p2, p0  }
0x20: {  	[sflag:s8] =	ssyncset.s32 @!p0 $0xFFFFF086;
	s6 =	sadd.s32 @!p0 s3, s7;
	s7 =	simm.s32 @!p0 $0x108  }
0x21: {  	s3 =	sadd.s32 s3, s9;
	s6 =	sadd.s32 @!p0 $0x88, s6;
	s7 =	simm.s32 @p2 $0x1082  }
0x22: {  	[simem:s7], [sflag:s8] =	dma.local @!p0 [hbm:s6], $0xF7A  }
0x23: {  	s9 =	sor.u32 $0xD0000000, s2;
	s6 =	simm.s32 $0x108;
	_ =	swait.ge @!p0 [sflag:s8], $0x0  }
0x24: {  	s3 =	sadd.s32 $0x88, s3;
	s6 =	simm.s32 @!p1 $0x1082;
	[sflag:s4] =	ssyncset.s32 $0xFFFFF086  }
0x25: {  	[simem:s6], [sflag:s4] =	dma.local [hbm:s3], $0xF7A  }
0x26: {  	[smem:$0x3F8B] =	sst s1;
	(tag) =	ssettag s2;
	_ =	strace s9  }
0x27: {  	s1 =	sld [smem:$0x3F9B]  }
0x28: {  	s2 =	sld [smem:$0x3F9C]  }
0x29: {  	s4 =	sld [smem:$0x3F9E]  }
0x2a: {  	p0 =	seq.s32 s5, $0x0;
	s5 =	sld [smem:$0x3F9F]  }
0x2b: {  	s6 =	sld [smem:$0x3FA0]  }
0x2c: {  	s7 =	sld [smem:$0x3FA1]  }
0x2d: {  	s3 =	simm.s32 $0x108;
	s8 =	sld [smem:$0x3FA2]  }
0x2e: {  	s3 =	simm.s32 @!p0 $0x1082;
	s9 =	sld [smem:$0x3FA3]  }
0x2f: {  	lr =	sadd.s32 s0, s3;
	s0 =	sld [smem:$0x3F9A]  }
0x30: {  	s3 =	sld [smem:$0x3F9D]  }
0x31: {  	[smem:$0x3FA6] =	sst s10  }
0x32: {  	s10 =	sld [smem:$0x3FA4];
	_ =	sdelay $0x3  }
0x33: {  	p0 =	seq.s32 s10, $0x1;
	s10 =	sld [smem:$0x3FA6];
	_ =	sdelay $0x3  }
0x34: {  	[smem:$0x3FA6] =	sst s10  }
0x35: {  	s10 =	sld [smem:$0x3FA5];
	_ =	sdelay $0x3  }
0x36: {  	p1 =	seq.s32 s10, $0x1;
	s10 =	sld [smem:$0x3FA6];
	_ =	sdelay $0x3  }
0x37: {  	[smem:$0x3FA6] =	sst s10  }
0x38: {  	s10 =	sld [smem:$0x3FA7]  }
0x39: {  	_ = 	snop;
	(pc) =	sbr.ind lr, $3  }
0x3a: {  	_ = 	snop  }
0x3b: {  	_ = 	snop  }
0x3c: {  	p2 =	seq.s32 s10, $0x1;
	s10 =	sld [smem:$0x3FA6]  }
0x3d: {  	_ =	shalt  }
0x3e: {  	_ =	shalt  }
0x3f: {  	_ =	shalt  }
0x40: {  	_ =	shalt  }
0x41: {  	_ =	shalt  }
0x42: {  	_ =	shalt  }
0x43: {  	_ =	shalt  }
0x44: {  	_ =	shalt  }
0x45: {  	_ =	shalt  }
0x46: {  	_ =	shalt  }
0x47: {  	_ =	shalt  }
0x48: {  	_ =	shalt  }
0x49: {  	_ =	shalt  }
0x4a: {  	_ =	shalt  }
0x4b: {  	_ =	shalt  }
0x4c: {  	_ =	shalt  }
0x4d: {  	_ =	shalt  }
0x4e: {  	_ =	shalt  }
0x4f: {  	_ =	shalt  }
0x50: {  	_ =	shalt  }
0x51: {  	_ =	shalt  }
0x52: {  	_ =	shalt  }
0x53: {  	_ =	shalt  }
0x54: {  	_ =	shalt  }
0x55: {  	_ =	shalt  }
0x56: {  	_ =	shalt  }
0x57: {  	_ =	shalt  }
0x58: {  	_ =	shalt  }
0x59: {  	_ =	shalt  }
0x5a: {  	_ =	shalt  }
0x5b: {  	_ =	shalt  }
0x5c: {  	_ =	shalt  }
0x5d: {  	_ =	shalt  }
0x5e: {  	_ =	shalt  }
0x5f: {  	_ =	shalt  }
0x60: {  	_ =	shalt  }
0x61: {  	_ =	shalt  }
0x62: {  	_ =	shalt  }
0x63: {  	_ =	shalt  }
0x64: {  	_ =	shalt  }
0x65: {  	_ =	shalt  }
0x66: {  	_ =	shalt  }
0x67: {  	_ =	shalt  }
0x68: {  	_ =	shalt  }
0x69: {  	_ =	shalt  }
0x6a: {  	_ =	shalt  }
0x6b: {  	_ =	shalt  }
0x6c: {  	_ =	shalt  }
0x6d: {  	_ =	shalt  }
0x6e: {  	_ =	shalt  }
0x6f: {  	_ =	shalt  }
0x70: {  	_ =	shalt  }
0x71: {  	_ =	shalt  }
0x72: {  	_ =	shalt  }
0x73: {  	_ =	shalt  }
0x74: {  	_ =	shalt  }
0x75: {  	_ =	shalt  }
0x76: {  	_ =	shalt  }
0x77: {  	_ =	shalt  }
0x78: {  	_ =	shalt  }
0x79: {  	_ =	shalt  }
0x7a: {  	_ =	shalt  }
0x7b: {  	_ =	shalt  }
0x7c: {  	_ =	shalt  }
0x7d: {  	_ =	shalt  }
0x7e: {  	_ =	shalt  }
0x7f: {  	_ =	shalt  }
0x80: {  	_ =	shalt  }
0x81: {  	_ =	shalt  }
0x82: {  	_ =	shalt  }
0x83: {  	_ =	shalt  }
0x84: {  	_ =	shalt  }
0x85: {  	_ =	shalt  }
0x86: {  	_ =	shalt  }
0x87: {  	_ =	shalt  }
.Lfunc_end0:
.L_simem_size_0:
called_computation_lowered:
.L_overlay_start_0:
0x88: {  	s2 =	sld [smem:$0x3FD9]  }
0x89: {  	s3 =	sld [smem:$0x3FFE];
	_ =	sdelay $0x1  }
0x8a: {  	s1 =	srdreg.scid  }
0x8b: {  	s0 =	sand.u32 $0x1, s1  }
0x8c: {  	s17 =	sshll.u32 s0, $0xA;
	s2 =	sadd.s32 s3, s2  }
0x8d: {  	s2 =	sadd.s32 s2, s17  }
0x8e: {  	[smem:$0x3FB2] =	sst s2  }
0x8f: {  	_ = 	snop  }
0x90: {  	s2 =	sld [smem:$0x3FD0];
	(tm) =	ssettm $0x1  }
0x91: {  	s18 =	sld [smem:$0x3FFB];
	_ =	sdelay $0x3  }
0x92: {  	_ =	strace s18  }
0x93: {  	s3 =	sld [smem:$0x3FFC];
	_ =	sdelay $0x3  }
0x94: {  	_ =	strace s3  }
0x95: {  	s3 =	sld [smem:$0x3FFD];
	_ =	sdelay $0x3  }
0x96: {  	_ =	strace s3  }
0x97: {  	_ =	strace $0x8FFFFFFF  }
0x98: {  	s19 =	sld [smem:$0x3FDB];
	_ =	sdelay $0x1  }
0x99: {  	s4 =	simm.s32 $_scs_section_size  }
0x9a: {  	s5 =	simm.s32 $_size__tile_overlayer_lowered;
	s6 =	simm.s32 $_tile_overlayer_lowered  }
0x9b: {  	s22 =	simm.s32 $0x1BFF;
	s21 =	sshll.u32 s6, $0x1;
	s3 =	sadd.s32 s4, s19  }
0x9c: {  	s7 =	simm.s32 $0x0;
	s20 =	sshll.u32 s5, $0x1;
	s5 =	sadd.s32 s21, s3  }
0x9d: {  	[timem:s7], [sflag:s22] =	dma.local [hbm:s5], s20  }
0x9e: {  	_ =	swait.ge [sflag:s22], s20  }
0x9f: {  	s4 =	ssub.s32 $0x0, s20;
	[sflag:s22] =	ssyncset.done $0x0  }
0xa0: {  	[sflag:s22] =	ssyncadd.s32 s4;
	_ =	sdelay $0x1  }
0xa1: {  	s23 =	simm.s32 $0x1B8B  }
0xa2: {  	_ =	swait.ge [sflag:s23], $0x1  }
0xa3: {  	[sflag:s23] =	ssyncset.done $0x0  }
0xa4: {  	s25 =	simm.s32 $0x1B8E;
	s24 =	sld [smem:$0x3FFE];
	[sflag:s23] =	ssyncadd.s32 $0xFFFFFFFF  }
0xa5: {  	s26 =	simm.s32 $execute0_lowered;
	[smem:$0x3FD2] =	sst s25  }
0xa6: {  	s5 =	sshll.u32 s26, $0x1;
	_ =	strace $0x80000046;
	[dreg:$0x1] =	wrdreg $0xFFFFFFFF  }
0xa7: {  	s28 =	simm.s32 $_size_execute0_lowered;
	s3 =	sadd.s32 s3, s5;
	[dreg:$0x0] =	wrdreg $0x0  }
0xa8: {  	s5 =	sshll.u32 s28, $0x1;
	[dreg:$0x2] =	wrdreg s3  }
0xa9: {  	[dreg:$0x3] =	wrdreg s5  }
0xaa: {  	[dreg:$0x4] =	wrdreg $0xC0  }
0xab: {  	_ =	task [dreg:s7], $0x5FFFF  }
0xac: {  	[dreg:$0x1] =	wrdreg $0xFFFFFFFF  }
0xad: {  	[dreg:$0x0] =	wrdreg $0x60  }
0xae: {  	[dreg:$0x2] =	wrdreg s2  }
0xaf: {  	[dreg:$0x3] =	wrdreg s24  }
0xb0: {  	[dreg:$0x4] =	wrdreg $0x97200  }
0xb1: {  	[dreg:$0x5] =	wrdreg $0x1CFA00  }
0xb2: {  	[dreg:$0x6] =	wrdreg $0x9  }
0xb3: {  	_ =	task.clear_ibuf [dreg:s7], $0x7FFFF;
	_ =	strace $0x90000046  }
0xb4: {  	s29 =	simm.s32 $0x9;
	_ =	strace $0x80000048  }
0xb5: {  	_ =	swait.ge [sflag:s29], $0x1  }
0xb6: {  	[sflag:s29] =	ssyncadd.s32 $0xFFFFFFFF  }
0xb7: {  	_ =	strace $0x90000048  }
0xb8: {  	_ =	sfence  }
0xb9: {  	s30 =	sld [smem:$0x0];
	_ =	sdelay $0x2  }
0xba: {  	s31 =	sshll.u32 s1, $0xD;
	s1 =	sshrl.u32 s1, $0x2  }
0xbb: {  	s3 =	sand.u32 $0x4000, s31;
	s1 =	sadd.s32 s1, s30  }
0xbc: {  	s0 =	sor.u32 s3, s0;
	s1 =	sshll.u32 s1, $0x11  }
0xbd: {  	s0 =	sor.u32 s1, s0  }
0xbe: {  	s0 =	sadd.s32 $0x8F2B, s0  }
0xbf: {  	[sflag:s0] =	ssyncadd.remote.s32 $0x1  }
0xc0: {  	_ =	sfence.sel $0xFFFF  }
0xc1: {  	[dreg:$0x0] =	wrdreg $0xFFFFFFFF;
	(pc) =	sbr.abs _section_cstart, $3  }
0xc2: {  	[dreg:$0x1] =	wrdreg $0xFFFFFFFF  }
0xc3: {  	_ =	task.clear_ibuf [dreg:s7], $0x2FFFF;
	_ =	strace $0x9FFFFFFF  }
0xc4: {  	(tm) =	ssettm $0x7FFFFFFF  }
0xc5: {  	_ =	shalt  }
tec
execute0_lowered:
.L_overlay_start_1:
0x0: {  	(tag) =	ssettag $0x1  }
0x1: {  	s0 =	srdreg.scid;
	s2 =	rddreg [dreg:$0x0]  }
0x2: {  	s6 =	stileid.u32;
	s3 =	rddreg [dreg:$0x1];
	s1 =	sand.u32 $0x1, s0  }
0x3: {  	s4 =	smul.u32 $0x13800, s6;
	s10 =	sadd.s32 $0x9FC00, s3;
	s11 =	sadd.s32 $0x145E00, s3  }
0x4: {  	s21 =	smul.u32 $0x1388, s6;
	p0 =	sne.s32 s6, $0x0;
	s0 =	ssub.s32 $0x2, s1  }
0x5: {  	s28 =	sadd.s32 $0x8800, s3;
	s9 =	smul.u32 $0x138800, s1;
	s8 =	sshrl.u32 s0, $0x1  }
0x6: {  	s7 =	sadd.s32 $0x2700, s4;
	s15 =	sadd.s32 $0x7500, s4;
	s17 =	sadd.s32 $0x9C00, s4  }
0x7: {  	s19 =	sadd.s32 $0xC300, s4;
	s22 =	sadd.s32 $0xEA00, s4;
	s2 =	sadd.s32 s2, s21  }
0x8: {  	s5 =	sshrl.u32 s9, $0x3;
	s12 =	sadd.s32 s4, s9;
	s16 =	sadd.s32 s9, s15  }
0x9: {  	s18 =	sadd.s32 s9, s17;
	s20 =	sadd.s32 s9, s19;
	s12 =	sshrl.u32 s12, $0x3  }
0xa: {  	s25 =	sadd.s32 s9, s22;
	s16 =	sshrl.u32 s16, $0x3;
	s13 =	sadd.s32 s10, s12  }
0xb: {  	s18 =	sshrl.u32 s18, $0x3;
	s26 =	sadd.s32 s10, s16;
	[dreg:$0x5] =	wrdreg s13  }
0xc: {  	s21 =	sshrl.u32 s25, $0x3;
	s25 =	sadd.s32 s10, s18;
	[dreg:$0x8] =	wrdreg s26  }
0xd: {  	s20 =	sshrl.u32 s20, $0x3;
	s18 =	sadd.s32 s11, s18;
	[dreg:$0x9] =	wrdreg s25  }
0xe: {  	s0 =	ssub.s32 s0, s8;
	s26 =	sadd.s32 s10, s20;
	[dreg:$0x12] =	wrdreg s18  }
0xf: {  	s23 =	sadd.s32 s9, s7;
	s25 =	sadd.s32 s10, s21;
	[dreg:$0xa] =	wrdreg s26  }
0x10: {  	s8 =	sadd.s32 $0x4E00, s4;
	s20 =	sadd.s32 s11, s20;
	[dreg:$0xb] =	wrdreg s25  }
0x11: {  	s24 =	sadd.s32 s9, s8;
	s21 =	sadd.s32 s11, s21;
	[dreg:$0x13] =	wrdreg s20  }
0x12: {  	s13 =	sshrl.u32 s23, $0x3;
	s18 =	simm.s32 $0x0;
	[dreg:$0x14] =	wrdreg s21  }
0x13: {  	s23 =	sadd.s32 $0x11100, s4;
	s14 =	sadd.s32 s10, s13;
	[smem:$0x7FF] =	sst s18  }
0x14: {  	s9 =	sadd.s32 s9, s23;
	[dreg:$0x6] =	wrdreg s14;
	s14 =	sshrl.u32 s24, $0x3  }
0x15: {  	s20 =	rddreg [dreg:$0x2];
	s9 =	sshrl.u32 s9, $0x3;
	s24 =	sadd.s32 s10, s14  }
0x16: {  	s25 =	sadd.s32 $0x27000, s5;
	s26 =	sadd.s32 s10, s9;
	[dreg:$0x7] =	wrdreg s24  }
0x17: {  	s29 =	sadd.s32 $0x3800, s3;
	s10 =	sadd.s32 s10, s25;
	[dreg:$0xc] =	wrdreg s26  }
0x18: {  	p1 =	seq.s32 s1, $0x0;
	s9 =	sadd.s32 s11, s9;
	[dreg:$0xd] =	wrdreg s10  }
0x19: {  	s0 =	smax.u32 s0, $0x1;
	s26 =	sadd.s32 s11, s12;
	[dreg:$0x15] =	wrdreg s9  }
0x1a: {  	s31 =	sadd.s32 s17, s20;
	s12 =	sadd.s32 s11, s13;
	[dreg:$0xe] =	wrdreg s26  }
0x1b: {  	s17 =	simm.s32 $0x78;
	s13 =	sadd.s32 s11, s14;
	[dreg:$0xf] =	wrdreg s12  }
0x1c: {  	s14 =	sadd.s32 s11, s16;
	s16 =	smul.u32 $0x27100, s1;
	[dreg:$0x10] =	wrdreg s13  }
0x1d: {  	s24 =	sadd.s32 s11, s25;
	s1 =	simm.s32 $0x4920;
	[dreg:$0x11] =	wrdreg s14  }
0x1e: {  	s12 =	smul.u32 $0x2700, s6;
	[dreg:$0x16] =	wrdreg s24;
	s10 =	sshrl.u32 s16, $0x3  }
0x1f: {  	s26 =	sadd.s32 $0x13C000, s3;
	s24 =	rddreg [dreg:$0x3];
	s10 =	sadd.s32 $0x4E00, s10  }
0x20: {  	s25 =	sadd.s32 s12, s16;
	s16 =	sadd.s32 $0xD800, s3;
	s11 =	sadd.s32 s26, s10  }
0x21: {  	s9 =	sshrl.u32 s25, $0x3;
	s21 =	sadd.s32 s16, s10;
	[dreg:$0x18] =	wrdreg s11  }
0x22: {  	s6 =	sadd.s32 s7, s20;
	s14 =	sadd.s32 s26, s9;
	[dreg:$0x1a] =	wrdreg s21  }
0x23: {  	s13 =	sadd.s32 s15, s20;
	s9 =	sadd.s32 s16, s9;
	[dreg:$0x17] =	wrdreg s14  }
0x24: {  	s15 =	simm.s32 $0x50;
	s30 =	sadd.s32 s12, s24;
	[dreg:$0x19] =	wrdreg s9  }
0x25: {  	s12 =	simm.s32 $0x3;
	_ =	strace $0x80000047;
	[smem:$0x7F9] =	sst s0  }
0x26: {  	s25 =	sadd.s32 s5, s3;
	s9 =	sadd.s32 s8, s20;
	[dreg:$0x1b] =	wrdreg s6  }
0x27: {  	s5 =	sadd.s32 s4, s20;
	s4 =	sadd.s32 s22, s20;
	[dreg:$0x1c] =	wrdreg s9  }
0x28: {  	s3 =	sadd.s32 s23, s20;
	s26 =	sadd.s32 s19, s20;
	[dreg:$0x1d] =	wrdreg s13  }
0x29: {  	s23 =	simm.s32 $0x1;
	s22 =	smov.u32 s26;
	[dreg:$0x1e] =	wrdreg s31  }
0x2a: {  	s10 =	simm.s32 $0x0;
	s7 =	sadd.s32 $0x51A00, s25;
	[dreg:$0x1f] =	wrdreg s22  }
0x2b: {  	s11 =	sadd.s32 $0x138000, s20;
	s16 =	sadd.s32 $0x27000, s24;
	[smem:$0x7FA] =	sst s4  }
0x2c: {  	s19 =	simm.s32 $0x7020;
	s21 =	simm.s32 $0x1EA0;
	[smem:$0x7FB] =	sst s3  }
0x2d: {  	s25 =	simm.s32 $0x32A0;
	s14 =	simm.s32 $0x28;
	[smem:$0x7FC] =	sst s11  }
0x2e: {  	vm0 =	vcmask $0x704;
	v0 =	vlaneseq.u32;
	s26 =	simm.s32 $0x46A0;
	s8 =	simm.s32 $0x2;
	[smem:$0x7FD] =	sst s16  }
.LBB2_1:
0x2f: {  	[smem:$0x7F8] =	sst s10  }
0x30: {  	s0 =	rddreg [dreg:$0x5]  }
0x31: {  	[tilespmem:s1], [sflag:$0x3] =	stream.linear.gather [hbm4b:s0+s18], $0x2700, $0x38;
	[tilespmem:$0x1F6B0] =	vst v63  }
0x32: {  	_ =	swait.ge [sflag:s12], $0x2700  }
0x33: {  	[sflag:s12] =	ssyncset.done $0x0  }
0x34: {  	[sflag:s12] =	ssyncadd.s32 $0xFFFFD900  }
0x35: {  	[spmem:s5] =	stream.linear.scatter [tilespmem:s1], [sflag:$0x3], $0x2700, $0x38;
	[tilespmem:$0x1F6B0] =	vst v63  }
0x36: {  	_ =	swait.ge [sflag:s12], $0x2700  }
0x37: {  	[sflag:s12] =	ssyncset.done $0x0  }
0x38: {  	s10 =	smov.u32 s5;
	s5 =	rddreg [dreg:$0x6];
	[sflag:s12] =	ssyncadd.s32 $0xFFFFD900  }
0x39: {  	[tilespmem:s1], [sflag:$0x3] =	stream.linear.gather [hbm4b:s5+s18], $0x2700, $0x38;
	[tilespmem:$0x1F6B0] =	vst v63  }
0x3a: {  	_ =	swait.ge [sflag:s12], $0x2700  }
0x3b: {  	[sflag:s12] =	ssyncset.done $0x0  }
0x3c: {  	[sflag:s12] =	ssyncadd.s32 $0xFFFFD900  }
0x3d: {  	[spmem:s6] =	stream.linear.scatter [tilespmem:s1], [sflag:$0x3], $0x2700, $0x38;
	[tilespmem:$0x1F6B0] =	vst v63  }
0x3e: {  	_ =	swait.ge [sflag:s12], $0x2700  }
0x3f: {  	[sflag:s12] =	ssyncset.done $0x0  }
0x40: {  	s6 =	rddreg [dreg:$0x7];
	[sflag:s12] =	ssyncadd.s32 $0xFFFFD900  }
0x41: {  	[tilespmem:s1], [sflag:$0x3] =	stream.linear.gather [hbm4b:s6+s18], $0x2700, $0x38;
	[tilespmem:$0x1F6B0] =	vst v63  }
0x42: {  	_ =	swait.ge [sflag:s12], $0x2700  }
0x43: {  	[sflag:s12] =	ssyncset.done $0x0  }
0x44: {  	[sflag:s12] =	ssyncadd.s32 $0xFFFFD900  }
0x45: {  	[spmem:s9] =	stream.linear.scatter [tilespmem:s1], [sflag:$0x3], $0x2700, $0x38;
	[tilespmem:$0x1F6B0] =	vst v63  }
0x46: {  	_ =	swait.ge [sflag:s12], $0x2700  }
0x47: {  	[sflag:s12] =	ssyncset.done $0x0  }
0x48: {  	s9 =	rddreg [dreg:$0x8];
	[sflag:s12] =	ssyncadd.s32 $0xFFFFD900  }
0x49: {  	[tilespmem:s1], [sflag:$0x3] =	stream.linear.gather [hbm4b:s9+s18], $0x2700, $0x38;
	[tilespmem:$0x1F6B0] =	vst v63  }
0x4a: {  	_ =	swait.ge [sflag:s12], $0x2700  }
0x4b: {  	[sflag:s12] =	ssyncset.done $0x0  }
0x4c: {  	[sflag:s12] =	ssyncadd.s32 $0xFFFFD900  }
0x4d: {  	[spmem:s13] =	stream.linear.scatter [tilespmem:s1], [sflag:$0x3], $0x2700, $0x38;
	[tilespmem:$0x1F6B0] =	vst v63  }
0x4e: {  	_ =	swait.ge [sflag:s12], $0x2700  }
0x4f: {  	[sflag:s12] =	ssyncset.done $0x0  }
0x50: {  	s13 =	rddreg [dreg:$0x9];
	[sflag:s12] =	ssyncadd.s32 $0xFFFFD900  }
0x51: {  	[tilespmem:s1], [sflag:$0x3] =	stream.linear.gather [hbm4b:s13+s18], $0x2700, $0x38;
	[tilespmem:$0x1F6B0] =	vst v63  }
0x52: {  	_ =	swait.ge [sflag:s12], $0x2700  }
0x53: {  	[sflag:s12] =	ssyncset.done $0x0  }
0x54: {  	[sflag:s12] =	ssyncadd.s32 $0xFFFFD900  }
0x55: {  	[spmem:s31] =	stream.linear.scatter [tilespmem:s1], [sflag:$0x3], $0x2700, $0x38;
	[tilespmem:$0x1F6B0] =	vst v63  }
0x56: {  	_ =	swait.ge [sflag:s12], $0x2700  }
0x57: {  	[sflag:s12] =	ssyncset.done $0x0  }
0x58: {  	s5 =	rddreg [dreg:$0xa];
	[sflag:s12] =	ssyncadd.s32 $0xFFFFD900  }
0x59: {  	[tilespmem:s1], [sflag:$0x3] =	stream.linear.gather [hbm4b:s5+s18], $0x2700, $0x38;
	[tilespmem:$0x1F6B0] =	vst v63  }
0x5a: {  	_ =	swait.ge [sflag:s12], $0x2700  }
0x5b: {  	[sflag:s12] =	ssyncset.done $0x0  }
0x5c: {  	[sflag:s12] =	ssyncadd.s32 $0xFFFFD900  }
0x5d: {  	[spmem:s22] =	stream.linear.scatter [tilespmem:s1], [sflag:$0x3], $0x2700, $0x38;
	[tilespmem:$0x1F6B0] =	vst v63  }
0x5e: {  	_ =	swait.ge [sflag:s12], $0x2700  }
0x5f: {  	[sflag:s12] =	ssyncset.done $0x0  }
0x60: {  	s6 =	rddreg [dreg:$0xb];
	[sflag:s12] =	ssyncadd.s32 $0xFFFFD900  }
0x61: {  	[tilespmem:s1], [sflag:$0x3] =	stream.linear.gather [hbm4b:s6+s18], $0x2700, $0x38;
	[tilespmem:$0x1F6B0] =	vst v63  }
0x62: {  	_ =	swait.ge [sflag:s12], $0x2700  }
0x63: {  	[sflag:s12] =	ssyncset.done $0x0  }
0x64: {  	[sflag:s12] =	ssyncadd.s32 $0xFFFFD900  }
0x65: {  	[spmem:s4] =	stream.linear.scatter [tilespmem:s1], [sflag:$0x3], $0x2700, $0x38;
	[tilespmem:$0x1F6B0] =	vst v63  }
0x66: {  	_ =	swait.ge [sflag:s12], $0x2700  }
0x67: {  	[sflag:s12] =	ssyncset.done $0x0  }
0x68: {  	s9 =	rddreg [dreg:$0xc];
	[sflag:s12] =	ssyncadd.s32 $0xFFFFD900  }
0x69: {  	[tilespmem:s1], [sflag:$0x3] =	stream.linear.gather [hbm4b:s9+s18], $0x2700, $0x38;
	[tilespmem:$0x1F6B0] =	vst v63  }
0x6a: {  	_ =	swait.ge [sflag:s12], $0x2700  }
0x6b: {  	[sflag:s12] =	ssyncset.done $0x0  }
0x6c: {  	[sflag:s12] =	ssyncadd.s32 $0xFFFFD900  }
0x6d: {  	[spmem:s3] =	stream.linear.scatter [tilespmem:s1], [sflag:$0x3], $0x2700, $0x38;
	[tilespmem:$0x1F6B0] =	vst v63  }
0x6e: {  	_ =	swait.ge [sflag:s12], $0x2700  }
0x6f: {  	[sflag:s12] =	ssyncset.done $0x0  }
0x70: {  	s13 =	rddreg [dreg:$0x17];
	[sflag:s12] =	ssyncadd.s32 $0xFFFFD900  }
0x71: {  	[tilespmem:s19], [sflag:$0x3] =	stream.linear.gather [hbm4b:s13+s18], $0x2700, $0x38;
	[tilespmem:$0x1F6B0] =	vst v63  }
0x72: {  	_ =	swait.ge [sflag:s12], $0x2700  }
0x73: {  	[sflag:s12] =	ssyncset.done $0x0  }
0x74: {  	[sflag:s12] =	ssyncadd.s32 $0xFFFFD900  }
0x75: {  	[spmem:s30] =	stream.linear.scatter [tilespmem:s19], [sflag:$0x3], $0x2700, $0x38;
	[tilespmem:$0x1F6B0] =	vst v63  }
0x76: {  	_ =	swait.ge [sflag:s12], $0x2700  }
0x77: {  	s0 =	simm.s32 @!p0 $0x0;
	[sflag:s12] =	ssyncset.done $0x0  }
0x78: {  	s1 =	simm.s32 @!p0 $0x4920;
	s3 =	rddreg [dreg:$0xd];
	[sflag:s12] =	ssyncadd.s32 $0xFFFFD900  }
0x79: {  	[tilespmem:s1], [sflag:$0x3] =	stream.linear.gather @!p0 [hbm4b:s3+s0], $0x800, $0x38;
	[tilespmem:$0x1F6B0] =	vst v63  }
0x7a: {  	s3 =	simm.s32 @!p0 $0x3  }
0x7b: {  	_ =	swait.ge @!p0 [sflag:s3], $0x800  }
0x7c: {  	[sflag:s3] =	ssyncset.done @!p0 $0x0  }
0x7d: {  	[sflag:s3] =	ssyncadd.s32 @!p0 $0xFFFFF800  }
0x7e: {  	[spmem:s11] =	stream.linear.scatter @!p0 [tilespmem:s1], [sflag:$0x3], $0x800, $0x38;
	[tilespmem:$0x1F6B0] =	vst v63  }
0x7f: {  	_ =	swait.ge @!p0 [sflag:s3], $0x800  }
0x80: {  	[sflag:s3] =	ssyncset.done @!p0 $0x0  }
0x81: {  	s1 =	simm.s32 @!p0 $0x7020;
	s4 =	rddreg [dreg:$0x18];
	[sflag:s3] =	ssyncadd.s32 @!p0 $0xFFFFF800  }
0x82: {  	[tilespmem:s1], [sflag:$0x3] =	stream.linear.gather @!p0 [hbm4b:s4+s0], $0x100, $0x38;
	[tilespmem:$0x1F6B0] =	vst v63  }
0x83: {  	_ =	swait.ge @!p0 [sflag:s3], $0x100  }
0x84: {  	[sflag:s3] =	ssyncset.done @!p0 $0x0  }
0x85: {  	[sflag:s3] =	ssyncadd.s32 @!p0 $0xFFFFFF00  }
0x86: {  	[spmem:s16] =	stream.linear.scatter @!p0 [tilespmem:s1], [sflag:$0x3], $0x100, $0x38;
	[tilespmem:$0x1F6B0] =	vst v63  }
0x87: {  	_ =	swait.ge @!p0 [sflag:s3], $0x100  }
0x88: {  	[sflag:s3] =	ssyncset.done @!p0 $0x0  }
0x89: {  	[sflag:s3] =	ssyncadd.s32 @!p0 $0xFFFFFF00  }
0x8a: {  	[bflag:$0x0] =	sbarrier.arrive $0xFFFF  }
0x8b: {  	[tilespmem:s18], [sflag:$0x3] =	stream.linear.gather [hbm4b:s2+s18], $0x50, $0x38;
	[tilespmem:$0x1F6B0] =	vst v63  }
0x8c: {  	_ =	swait.ge [sflag:s12], $0x50  }
0x8d: {  	[sflag:s12] =	ssyncset.done $0x0  }
0x8e: {  	s16 =	simm.s32 $0xA0;
	[sflag:s12] =	ssyncadd.s32 $0xFFFFFFB0  }
0x8f: {  	[tilespmem:s16], [sflag:$0x1] =	stream.indirect.gather [hbm4b:s28+s14], $0x10, s18, s14, $0xb8;
	[tilespmem:$0x1F6B0] =	vst v63  }
0x90: {  	s31 =	simm.s32 $0x0;
	s19 =	simm.s32 $0x5A0  }
0x91: {  	[tilespmem:s19], [sflag:$0x1] =	stream.indirect.gather [hbm4b:s29+s14], $0x10, s14, s14, $0xb8;
	[tilespmem:$0x1F6B0] =	vst v63  }
0x92: {  	s22 =	simm.s32 $0xAA0;
	s11 =	simm.s32 $0x320;
	s16 =	simm.s32 $0x820  }
0x93: {  	[tilespmem:s22], [sflag:$0x1] =	stream.indirect.gather [hbm4b:s7+s14], $0x80, s18, s14, $0xb8;
	[tilespmem:$0x1F6B0] =	vst v63  }
.LBB2_2:
0x94: {  	s22 =	smul.u32 $0xA0, s31;
	_ =	sdelay $0x1  }
0x95: {  	s0 =	sshrl.u32 s22, $0x3  }
0x96: {  	s0 =	sadd.s32 s2, s0  }
0x97: {  	s1 =	simm.s32 $0x0;
	s0 =	sadd.s32 $0xA, s0  }
0x98: {  	[tilespmem:s15], [sflag:$0x3] =	stream.linear.gather [hbm4b:s0+s1], $0x50, $0x38;
	[tilespmem:$0x1F6B0] =	vst v63  }
0x99: {  	_ =	swait.ge [sflag:s12], $0x50  }
0x9a: {  	[sflag:s12] =	ssyncset.done $0x0  }
0x9b: {  	[sflag:s12] =	ssyncadd.s32 $0xFFFFFFB0  }
0x9c: {  	[tilespmem:s11], [sflag:$0x2] =	stream.indirect.gather [hbm4b:s28+s14], $0x10, s15, s14, $0xb8;
	[tilespmem:$0x1F6B0] =	vst v63  }
0x9d: {  	_ = 	snop  }
0x9e: {  	[tilespmem:s16], [sflag:$0x2] =	stream.indirect.gather [hbm4b:s29+s14], $0x10, s17, s14, $0xb8;
	[tilespmem:$0x1F6B0] =	vst v63  }
0x9f: {  	_ = 	snop  }
0xa0: {  	[tilespmem:s21], [sflag:$0x2] =	stream.indirect.gather [hbm4b:s7+s14], $0x80, s15, s14, $0xb8;
	[tilespmem:$0x1F6B0] =	vst v63  }
0xa1: {  	_ =	swait.ge [sflag:s23], $0x280  }
0xa2: {  	[sflag:s23] =	ssyncset.done $0x0  }
0xa3: {  	[sflag:s23] =	ssyncadd.s32 $0xFFFFFD80  }
0xa4: {  	_ =	swait.ge [sflag:s23], $0x280  }
0xa5: {  	[sflag:s23] =	ssyncset.done $0x0  }
0xa6: {  	[sflag:s23] =	ssyncadd.s32 $0xFFFFFD80  }
0xa7: {  	_ =	swait.ge [sflag:s23], $0x1400  }
0xa8: {  	[sflag:s23] =	ssyncset.done $0x0  }
0xa9: {  	s19 =	simm.s32 $0x0;
	[sflag:s23] =	ssyncadd.s32 $0xFFFFEC00  }
0xaa: {  	v1 =	vld [tilespmem:s19+$0xA0]  }
0xab: {  	v2 =	vld [tilespmem:s19+$0x5A0];
	_ =	sdelay $0x4  }
0xac: {  	v1 =	vadd.f32 v2, v1;
	_ =	sdelay $0x1  }
0xad: {  	v2 =	vmul.f32 $2.000000030e-01, v1;
	_ =	sdelay $0x1  }
0xae: {  	v1 =	vmax.f32 v1, v2  }
0xaf: {  	v1 =	vmul.f32 $1.442695020e+00, v1;
	_ =	sdelay $0x1  }
0xb0: {  	(erf) = vpow2.f32 v1;
	_ =	sdelay $0x8  }
0xb1: {  	v1 =	vpop (erf)  }
0xb2: {  	(v2sf) =	vpush v1, $0x2  }
0xb3: {  	(v2sf) =	vpush v1, $0x1  }
0xb4: {  	(v2sf) =	vpush v1, $0x3;
	_ =	sdelay $0x1  }
0xb5: {  	(v2sf) =	vpush v1, $0x0;
	_ =	sdelay $0xa  }
0xb6: {  	s3 =	spop (v2sf)  }
0xb7: {  	s0 =	spop (v2sf)  }
0xb8: {  	s5 =	spop (v2sf)  }
0xb9: {  	s5 =	smov.u32 @p1 s0  }
0xba: {  	s0 =	spop (v2sf);
	v1 =	vmov s5  }
0xbb: {  	vm1 =	veq.s32 v0, $0x0;
	s3 =	smov.u32 @p1 s0;
	v1 =	vnsel vm0, $0x0, v1  }
0xbc: {  	v1 =	vsel vm1, s3, v1  }
0xbd: {  	s0 =	simm.s32 $0xAE0;
	[tilespmem:s19+$0x46A0] =	vst v1  }
0xbe: {  	v1 =	vld [tilespmem:s0+$0xFFFFFFC0];
	_ =	sdelay $0x4  }
0xbf: {  	v1 =	vmul.f32 s3, v1  }
0xc0: {  	s1 =	simm.s32 $0x32E0  }
0xc1: {  	[tilespmem:s1+$0xFFFFFFC0] =	vst v1  }
0xc2: {  	v1 =	vld [tilespmem:s0+$0xFFFFFFD0];
	_ =	sdelay $0x4  }
0xc3: {  	v1 =	vmul.f32 s3, v1;
	_ =	sdelay $0x1  }
0xc4: {  	[tilespmem:s1+$0xFFFFFFD0] =	vst v1  }
0xc5: {  	v1 =	vld [tilespmem:s0+$0xFFFFFFE0];
	_ =	sdelay $0x4  }
0xc6: {  	v1 =	vmul.f32 s3, v1;
	_ =	sdelay $0x1  }
0xc7: {  	[tilespmem:s1+$0xFFFFFFE0] =	vst v1  }
0xc8: {  	v1 =	vld [tilespmem:s0+$0xFFFFFFF0];
	_ =	sdelay $0x4  }
0xc9: {  	v1 =	vmul.f32 s3, v1;
	_ =	sdelay $0x1  }
0xca: {  	[tilespmem:s1+$0xFFFFFFF0] =	vst v1  }
0xcb: {  	v1 =	vld [tilespmem:s0+$0x0];
	_ =	sdelay $0x4  }
0xcc: {  	v1 =	vmul.f32 s5, v1;
	_ =	sdelay $0x1  }
0xcd: {  	[tilespmem:s1+$0x0] =	vst v1  }
0xce: {  	v1 =	vld [tilespmem:s0+$0x10];
	_ =	sdelay $0x4  }
0xcf: {  	v1 =	vmul.f32 s5, v1;
	_ =	sdelay $0x1  }
0xd0: {  	[tilespmem:s1+$0x10] =	vst v1  }
0xd1: {  	v1 =	vld [tilespmem:s0+$0x20];
	_ =	sdelay $0x4  }
0xd2: {  	v1 =	vmul.f32 s5, v1;
	_ =	sdelay $0x1  }
0xd3: {  	[tilespmem:s1+$0x20] =	vst v1  }
0xd4: {  	s4 =	simm.s32 $0x32E0;
	s3 =	simm.s32 $0x40;
	v1 =	vld [tilespmem:s0+$0x30]  }
.LBB2_3:
0xd5: {  	_ =	sdelay $0x2  }
0xd6: {  	p2 =	sne.s32 s3, $0x9C0;
	s1 =	sadd.s32 $0x80, s1;
	s0 =	sadd.s32 $0x80, s0  }
0xd7: {  	v1 =	vmul.f32 s5, v1;
	s5 =	smov.u32 s3;
	s3 =	sadd.s32 $0x40, s3;
	_ =	sdelay $0x1  }
0xd8: {  	s6 =	sshra.s32 s5, $0x2;
	[tilespmem:s4+$0x30] =	vst v1;
	s4 =	smov.u32 s1  }
0xd9: {  	v1 =	vld [tilespmem:s6+$0xA0]  }
0xda: {  	v2 =	vld [tilespmem:s6+$0x5A0];
	_ =	sdelay $0x4  }
0xdb: {  	v1 =	vadd.f32 v2, v1;
	_ =	sdelay $0x1  }
0xdc: {  	v2 =	vmul.f32 $2.000000030e-01, v1;
	_ =	sdelay $0x1  }
0xdd: {  	v1 =	vmax.f32 v1, v2  }
0xde: {  	v1 =	vmul.f32 $1.442695020e+00, v1;
	_ =	sdelay $0x1  }
0xdf: {  	(erf) = vpow2.f32 v1;
	_ =	sdelay $0x8  }
0xe0: {  	v1 =	vpop (erf)  }
0xe1: {  	(v2sf) =	vpush v1, $0x2  }
0xe2: {  	(v2sf) =	vpush v1, $0x1  }
0xe3: {  	(v2sf) =	vpush v1, $0x3  }
0xe4: {  	(v2sf) =	vpush v1, $0x0;
	_ =	sdelay $0xb  }
0xe5: {  	s13 =	spop (v2sf)  }
0xe6: {  	s9 =	spop (v2sf)  }
0xe7: {  	s5 =	spop (v2sf)  }
0xe8: {  	s5 =	smov.u32 @p1 s9;
	s9 =	spop (v2sf)  }
0xe9: {  	s13 =	smov.u32 @p1 s9;
	v1 =	vmov s5  }
0xea: {  	v1 =	vnsel vm0, $0x0, v1  }
0xeb: {  	v1 =	vsel vm1, s13, v1  }
0xec: {  	[tilespmem:s6+$0x46A0] =	vst v1  }
0xed: {  	v1 =	vld [tilespmem:s0+$0xFFFFFFC0];
	_ =	sdelay $0x4  }
0xee: {  	v1 =	vmul.f32 s13, v1;
	_ =	sdelay $0x1  }
0xef: {  	[tilespmem:s1+$0xFFFFFFC0] =	vst v1  }
0xf0: {  	v1 =	vld [tilespmem:s0+$0xFFFFFFD0];
	_ =	sdelay $0x4  }
0xf1: {  	v1 =	vmul.f32 s13, v1;
	_ =	sdelay $0x1  }
0xf2: {  	[tilespmem:s1+$0xFFFFFFD0] =	vst v1  }
0xf3: {  	v1 =	vld [tilespmem:s0+$0xFFFFFFE0];
	_ =	sdelay $0x4  }
0xf4: {  	v1 =	vmul.f32 s13, v1;
	_ =	sdelay $0x1  }
0xf5: {  	[tilespmem:s1+$0xFFFFFFE0] =	vst v1  }
0xf6: {  	v1 =	vld [tilespmem:s0+$0xFFFFFFF0];
	_ =	sdelay $0x4  }
0xf7: {  	v1 =	vmul.f32 s13, v1;
	_ =	sdelay $0x1  }
0xf8: {  	[tilespmem:s1+$0xFFFFFFF0] =	vst v1  }
0xf9: {  	v1 =	vld [tilespmem:s0+$0x0];
	_ =	sdelay $0x4  }
0xfa: {  	v1 =	vmul.f32 s5, v1;
	_ =	sdelay $0x1  }
0xfb: {  	[tilespmem:s1+$0x0] =	vst v1  }
0xfc: {  	v1 =	vld [tilespmem:s0+$0x10];
	_ =	sdelay $0x4  }
0xfd: {  	v1 =	vmul.f32 s5, v1;
	_ =	sdelay $0x1  }
0xfe: {  	[tilespmem:s1+$0x10] =	vst v1  }
0xff: {  	v1 =	vld [tilespmem:s0+$0x20];
	_ =	sdelay $0x3  }
.Ltmp0:
0x100: {  	(pc) =	sbr.rel @p2 .LBB2_3-.Ltmp0, $3  }
0x101: {  	v1 =	vmul.f32 s5, v1;
	_ =	sdelay $0x1  }
0x102: {  	[tilespmem:s1+$0x20] =	vst v1  }
0x103: {  	v1 =	vld [tilespmem:s0+$0x30]  }
0x104: {  	_ =	sdelay $0x3  }
0x105: {  	v1 =	vmul.f32 s5, v1;
	_ =	sdelay $0x1  }
0x106: {  	[tilespmem:s4+$0x30] =	vst v1  }
0x107: {  	[spmem:s20] =	stream.indirect.scatter.add.f32 [tilespmem:s25], [sflag:$0x3], $0x80, s14, s14, $0xb8;
	[tilespmem:$0x1F6B0] =	vst v63  }
0x108: {  	_ =	swait.ge [sflag:s12], $0x1400  }
0x109: {  	[sflag:s12] =	ssyncset.done $0x0  }
0x10a: {  	p2 =	seq.s32 s31, $0xF9;
	[sflag:s12] =	ssyncadd.s32 $0xFFFFEC00  }
0x10b: {  	[spmem:s24] =	stream.indirect.scatter.add.f32 [tilespmem:s26], [sflag:$0x3], $0x10, s14, s14, $0xb8;
	[tilespmem:$0x1F6B0] =	vst v63  }
0x10c: {  	s0 =	sshrl.u32 @!p2 s22, $0x3;
	_ =	swait.ge [sflag:s12], $0x280  }
0x10d: {  	s0 =	sadd.s32 @!p2 s2, s0;
	[sflag:s12] =	ssyncset.done $0x0  }
0x10e: {  	s1 =	simm.s32 @!p2 $0x0;
	s0 =	sadd.s32 @!p2 $0x14, s0;
	[sflag:s12] =	ssyncadd.s32 $0xFFFFFD80  }
0x10f: {  	[tilespmem:s1], [sflag:$0x3] =	stream.linear.gather @!p2 [hbm4b:s0+s1], $0x50, $0x38;
	[tilespmem:$0x1F6B0] =	vst v63  }
0x110: {  	s0 =	simm.s32 @!p2 $0x3  }
0x111: {  	_ =	swait.ge @!p2 [sflag:s0], $0x50  }
0x112: {  	[sflag:s0] =	ssyncset.done @!p2 $0x0  }
0x113: {  	s3 =	simm.s32 @!p2 $0xA0;
	[sflag:s0] =	ssyncadd.s32 @!p2 $0xFFFFFFB0;
	s0 =	simm.s32 @!p2 $0x28  }
0x114: {  	[tilespmem:s3], [sflag:$0x1] =	stream.indirect.gather @!p2 [hbm4b:s28+s0], $0x10, s1, s0, $0xb8;
	[tilespmem:$0x1F6B0] =	vst v63  }
0x115: {  	s3 =	simm.s32 @!p2 $0x5A0  }
0x116: {  	[tilespmem:s3], [sflag:$0x1] =	stream.indirect.gather @!p2 [hbm4b:s29+s0], $0x10, s0, s0, $0xb8;
	[tilespmem:$0x1F6B0] =	vst v63  }
0x117: {  	s3 =	simm.s32 @!p2 $0xAA0  }
0x118: {  	[tilespmem:s3], [sflag:$0x1] =	stream.indirect.gather @!p2 [hbm4b:s7+s0], $0x80, s1, s0, $0xb8;
	[tilespmem:$0x1F6B0] =	vst v63  }
0x119: {  	_ =	swait.ge [sflag:s8], $0x280  }
0x11a: {  	[sflag:s8] =	ssyncset.done $0x0  }
0x11b: {  	[sflag:s8] =	ssyncadd.s32 $0xFFFFFD80  }
0x11c: {  	_ =	swait.ge [sflag:s8], $0x280  }
0x11d: {  	[sflag:s8] =	ssyncset.done $0x0  }
0x11e: {  	[sflag:s8] =	ssyncadd.s32 $0xFFFFFD80  }
0x11f: {  	_ =	swait.ge [sflag:s8], $0x1400  }
0x120: {  	[sflag:s8] =	ssyncset.done $0x0  }
0x121: {  	s22 =	simm.s32 $0x0;
	[sflag:s8] =	ssyncadd.s32 $0xFFFFEC00  }
0x122: {  	v1 =	vld [tilespmem:s22+$0x320]  }
0x123: {  	v2 =	vld [tilespmem:s22+$0x820];
	_ =	sdelay $0x4  }
0x124: {  	v1 =	vadd.f32 v2, v1;
	_ =	sdelay $0x1  }
0x125: {  	v2 =	vmul.f32 $2.000000030e-01, v1;
	_ =	sdelay $0x1  }
0x126: {  	v1 =	vmax.f32 v1, v2  }
0x127: {  	v1 =	vmul.f32 $1.442695020e+00, v1;
	_ =	sdelay $0x1  }
0x128: {  	(erf) = vpow2.f32 v1;
	_ =	sdelay $0x8  }
0x129: {  	v1 =	vpop (erf)  }
0x12a: {  	(v2sf) =	vpush v1, $0x2  }
0x12b: {  	(v2sf) =	vpush v1, $0x1  }
0x12c: {  	(v2sf) =	vpush v1, $0x3;
	_ =	sdelay $0x1  }
0x12d: {  	(v2sf) =	vpush v1, $0x0;
	_ =	sdelay $0xa  }
0x12e: {  	s3 =	spop (v2sf)  }
0x12f: {  	s0 =	spop (v2sf)  }
0x130: {  	s5 =	spop (v2sf)  }
0x131: {  	s5 =	smov.u32 @p1 s0  }
0x132: {  	s0 =	spop (v2sf);
	v1 =	vmov s5  }
0x133: {  	vm1 =	veq.s32 v0, $0x0;
	s3 =	smov.u32 @p1 s0;
	v1 =	vnsel vm0, $0x0, v1  }
0x134: {  	v1 =	vsel vm1, s3, v1  }
0x135: {  	s0 =	simm.s32 $0x1EE0;
	[tilespmem:s22+$0x46A0] =	vst v1  }
0x136: {  	v1 =	vld [tilespmem:s0+$0xFFFFFFC0];
	_ =	sdelay $0x4  }
0x137: {  	v1 =	vmul.f32 s3, v1  }
0x138: {  	s1 =	simm.s32 $0x32E0  }
0x139: {  	[tilespmem:s1+$0xFFFFFFC0] =	vst v1  }
0x13a: {  	v1 =	vld [tilespmem:s0+$0xFFFFFFD0];
	_ =	sdelay $0x4  }
0x13b: {  	v1 =	vmul.f32 s3, v1;
	_ =	sdelay $0x1  }
0x13c: {  	[tilespmem:s1+$0xFFFFFFD0] =	vst v1  }
0x13d: {  	v1 =	vld [tilespmem:s0+$0xFFFFFFE0];
	_ =	sdelay $0x4  }
0x13e: {  	v1 =	vmul.f32 s3, v1;
	_ =	sdelay $0x1  }
0x13f: {  	[tilespmem:s1+$0xFFFFFFE0] =	vst v1  }
0x140: {  	v1 =	vld [tilespmem:s0+$0xFFFFFFF0];
	_ =	sdelay $0x4  }
0x141: {  	v1 =	vmul.f32 s3, v1;
	_ =	sdelay $0x1  }
0x142: {  	[tilespmem:s1+$0xFFFFFFF0] =	vst v1  }
0x143: {  	v1 =	vld [tilespmem:s0+$0x0];
	_ =	sdelay $0x4  }
0x144: {  	v1 =	vmul.f32 s5, v1;
	_ =	sdelay $0x1  }
0x145: {  	[tilespmem:s1+$0x0] =	vst v1  }
0x146: {  	v1 =	vld [tilespmem:s0+$0x10];
	_ =	sdelay $0x4  }
0x147: {  	v1 =	vmul.f32 s5, v1;
	_ =	sdelay $0x1  }
0x148: {  	[tilespmem:s1+$0x10] =	vst v1  }
0x149: {  	v1 =	vld [tilespmem:s0+$0x20];
	_ =	sdelay $0x4  }
0x14a: {  	v1 =	vmul.f32 s5, v1;
	_ =	sdelay $0x1  }
0x14b: {  	[tilespmem:s1+$0x20] =	vst v1  }
0x14c: {  	s4 =	simm.s32 $0x32E0;
	s3 =	simm.s32 $0x40;
	v1 =	vld [tilespmem:s0+$0x30]  }
.LBB2_5:
0x14d: {  	_ =	sdelay $0x2  }
0x14e: {  	p2 =	sne.s32 s3, $0x9C0;
	s1 =	sadd.s32 $0x80, s1;
	s0 =	sadd.s32 $0x80, s0  }
0x14f: {  	v1 =	vmul.f32 s5, v1;
	s5 =	smov.u32 s3;
	s3 =	sadd.s32 $0x40, s3;
	_ =	sdelay $0x1  }
0x150: {  	s6 =	sshra.s32 s5, $0x2;
	[tilespmem:s4+$0x30] =	vst v1;
	s4 =	smov.u32 s1  }
0x151: {  	v1 =	vld [tilespmem:s6+$0x320]  }
0x152: {  	v2 =	vld [tilespmem:s6+$0x820];
	_ =	sdelay $0x4  }
0x153: {  	v1 =	vadd.f32 v2, v1;
	_ =	sdelay $0x1  }
0x154: {  	v2 =	vmul.f32 $2.000000030e-01, v1;
	_ =	sdelay $0x1  }
0x155: {  	v1 =	vmax.f32 v1, v2  }
0x156: {  	v1 =	vmul.f32 $1.442695020e+00, v1;
	_ =	sdelay $0x1  }
0x157: {  	(erf) = vpow2.f32 v1;
	_ =	sdelay $0x8  }
0x158: {  	v1 =	vpop (erf)  }
0x159: {  	(v2sf) =	vpush v1, $0x2  }
0x15a: {  	(v2sf) =	vpush v1, $0x1  }
0x15b: {  	(v2sf) =	vpush v1, $0x3  }
0x15c: {  	(v2sf) =	vpush v1, $0x0;
	_ =	sdelay $0xb  }
0x15d: {  	s9 =	spop (v2sf)  }
0x15e: {  	s13 =	spop (v2sf)  }
0x15f: {  	s5 =	spop (v2sf)  }
0x160: {  	s5 =	smov.u32 @p1 s13;
	s13 =	spop (v2sf)  }
0x161: {  	s9 =	smov.u32 @p1 s13;
	v1 =	vmov s5  }
0x162: {  	v1 =	vnsel vm0, $0x0, v1  }
0x163: {  	v1 =	vsel vm1, s9, v1  }
0x164: {  	[tilespmem:s6+$0x46A0] =	vst v1  }
0x165: {  	v1 =	vld [tilespmem:s0+$0xFFFFFFC0];
	_ =	sdelay $0x4  }
0x166: {  	v1 =	vmul.f32 s9, v1;
	_ =	sdelay $0x1  }
0x167: {  	[tilespmem:s1+$0xFFFFFFC0] =	vst v1  }
0x168: {  	v1 =	vld [tilespmem:s0+$0xFFFFFFD0];
	_ =	sdelay $0x4  }
0x169: {  	v1 =	vmul.f32 s9, v1;
	_ =	sdelay $0x1  }
0x16a: {  	[tilespmem:s1+$0xFFFFFFD0] =	vst v1  }
0x16b: {  	v1 =	vld [tilespmem:s0+$0xFFFFFFE0];
	_ =	sdelay $0x4  }
0x16c: {  	v1 =	vmul.f32 s9, v1;
	_ =	sdelay $0x1  }
0x16d: {  	[tilespmem:s1+$0xFFFFFFE0] =	vst v1  }
0x16e: {  	v1 =	vld [tilespmem:s0+$0xFFFFFFF0];
	_ =	sdelay $0x4  }
0x16f: {  	v1 =	vmul.f32 s9, v1;
	_ =	sdelay $0x1  }
0x170: {  	[tilespmem:s1+$0xFFFFFFF0] =	vst v1  }
0x171: {  	v1 =	vld [tilespmem:s0+$0x0];
	_ =	sdelay $0x4  }
0x172: {  	v1 =	vmul.f32 s5, v1;
	_ =	sdelay $0x1  }
0x173: {  	[tilespmem:s1+$0x0] =	vst v1  }
0x174: {  	v1 =	vld [tilespmem:s0+$0x10];
	_ =	sdelay $0x4  }
0x175: {  	v1 =	vmul.f32 s5, v1;
	_ =	sdelay $0x1  }
0x176: {  	[tilespmem:s1+$0x10] =	vst v1  }
0x177: {  	v1 =	vld [tilespmem:s0+$0x20];
	_ =	sdelay $0x3  }
.Ltmp1:
0x178: {  	(pc) =	sbr.rel @p2 .LBB2_5-.Ltmp1, $3  }
0x179: {  	v1 =	vmul.f32 s5, v1;
	_ =	sdelay $0x1  }
0x17a: {  	[tilespmem:s1+$0x20] =	vst v1  }
0x17b: {  	v1 =	vld [tilespmem:s0+$0x30]  }
0x17c: {  	_ =	sdelay $0x3  }
0x17d: {  	v1 =	vmul.f32 s5, v1;
	_ =	sdelay $0x1  }
0x17e: {  	[tilespmem:s4+$0x30] =	vst v1  }
0x17f: {  	[spmem:s20] =	stream.indirect.scatter.add.f32 [tilespmem:s25], [sflag:$0x3], $0x80, s17, s14, $0xb8;
	[tilespmem:$0x1F6B0] =	vst v63  }
0x180: {  	s31 =	sadd.s32 $0x1, s31;
	_ =	swait.ge [sflag:s12], $0x1400  }
0x181: {  	p2 =	sne.s32 s31, $0xFA;
	[sflag:s12] =	ssyncset.done $0x0  }
.Ltmp2:
0x182: {  	[sflag:s12] =	ssyncadd.s32 $0xFFFFEC00;
	(pc) =	sbr.rel @p2 .LBB2_2-.Ltmp2, $4  }
0x183: {  	[spmem:s24] =	stream.indirect.scatter.add.f32 [tilespmem:s26], [sflag:$0x3], $0x10, s17, s14, $0xb8;
	[tilespmem:$0x1F6B0] =	vst v63  }
0x184: {  	_ =	swait.ge [sflag:s12], $0x280  }
0x185: {  	[sflag:s12] =	ssyncset.done $0x0  }
0x186: {  	[sflag:s12] =	ssyncadd.s32 $0xFFFFFD80  }
0x187: {  	[bflag:$0x0] =	sbarrier.arrive $0xFFFF;
	s1 =	simm.s32 $0x4920  }
0x188: {  	[tilespmem:s1], [sflag:$0x3] =	stream.linear.gather [spmem:s10], $0x2700, $0x38;
	[tilespmem:$0x1F6B0] =	vst v63  }
0x189: {  	_ =	swait.ge [sflag:s12], $0x2700  }
0x18a: {  	[sflag:s12] =	ssyncset.done $0x0  }
0x18b: {  	s0 =	rddreg [dreg:$0xe];
	[sflag:s12] =	ssyncadd.s32 $0xFFFFD900  }
0x18c: {  	[hbm4b:s0+s18] =	stream.linear.scatter [tilespmem:s1], [sflag:$0x3], $0x2700, $0x38;
	[tilespmem:$0x1F6B0] =	vst v63  }
0x18d: {  	_ =	swait.ge [sflag:s12], $0x2700  }
0x18e: {  	[sflag:s12] =	ssyncset.done $0x0  }
0x18f: {  	s6 =	rddreg [dreg:$0x1b];
	[sflag:s12] =	ssyncadd.s32 $0xFFFFD900  }
0x190: {  	[tilespmem:s1], [sflag:$0x3] =	stream.linear.gather [spmem:s6], $0x2700, $0x38;
	[tilespmem:$0x1F6B0] =	vst v63  }
0x191: {  	_ =	swait.ge [sflag:s12], $0x2700  }
0x192: {  	[sflag:s12] =	ssyncset.done $0x0  }
0x193: {  	s13 =	rddreg [dreg:$0xf];
	[sflag:s12] =	ssyncadd.s32 $0xFFFFD900  }
0x194: {  	[hbm4b:s13+s18] =	stream.linear.scatter [tilespmem:s1], [sflag:$0x3], $0x2700, $0x38;
	[tilespmem:$0x1F6B0] =	vst v63  }
0x195: {  	_ =	swait.ge [sflag:s12], $0x2700  }
0x196: {  	[sflag:s12] =	ssyncset.done $0x0  }
0x197: {  	s9 =	rddreg [dreg:$0x1c];
	[sflag:s12] =	ssyncadd.s32 $0xFFFFD900  }
0x198: {  	[tilespmem:s1], [sflag:$0x3] =	stream.linear.gather [spmem:s9], $0x2700, $0x38;
	[tilespmem:$0x1F6B0] =	vst v63  }
0x199: {  	_ =	swait.ge [sflag:s12], $0x2700  }
0x19a: {  	[sflag:s12] =	ssyncset.done $0x0  }
0x19b: {  	s16 =	rddreg [dreg:$0x10];
	[sflag:s12] =	ssyncadd.s32 $0xFFFFD900  }
0x19c: {  	[hbm4b:s16+s18] =	stream.linear.scatter [tilespmem:s1], [sflag:$0x3], $0x2700, $0x38;
	[tilespmem:$0x1F6B0] =	vst v63  }
0x19d: {  	_ =	swait.ge [sflag:s12], $0x2700  }
0x19e: {  	[sflag:s12] =	ssyncset.done $0x0  }
0x19f: {  	s13 =	rddreg [dreg:$0x1d];
	[sflag:s12] =	ssyncadd.s32 $0xFFFFD900  }
0x1a0: {  	[tilespmem:s1], [sflag:$0x3] =	stream.linear.gather [spmem:s13], $0x2700, $0x38;
	[tilespmem:$0x1F6B0] =	vst v63  }
0x1a1: {  	_ =	swait.ge [sflag:s12], $0x2700  }
0x1a2: {  	[sflag:s12] =	ssyncset.done $0x0  }
0x1a3: {  	s19 =	rddreg [dreg:$0x11];
	[sflag:s12] =	ssyncadd.s32 $0xFFFFD900  }
0x1a4: {  	[hbm4b:s19+s18] =	stream.linear.scatter [tilespmem:s1], [sflag:$0x3], $0x2700, $0x38;
	[tilespmem:$0x1F6B0] =	vst v63  }
0x1a5: {  	_ =	swait.ge [sflag:s12], $0x2700  }
0x1a6: {  	[sflag:s12] =	ssyncset.done $0x0  }
0x1a7: {  	s31 =	rddreg [dreg:$0x1e];
	[sflag:s12] =	ssyncadd.s32 $0xFFFFD900  }
0x1a8: {  	[tilespmem:s1], [sflag:$0x3] =	stream.linear.gather [spmem:s31], $0x2700, $0x38;
	[tilespmem:$0x1F6B0] =	vst v63  }
0x1a9: {  	_ =	swait.ge [sflag:s12], $0x2700  }
0x1aa: {  	[sflag:s12] =	ssyncset.done $0x0  }
0x1ab: {  	s22 =	rddreg [dreg:$0x12];
	[sflag:s12] =	ssyncadd.s32 $0xFFFFD900  }
0x1ac: {  	[hbm4b:s22+s18] =	stream.linear.scatter [tilespmem:s1], [sflag:$0x3], $0x2700, $0x38;
	[tilespmem:$0x1F6B0] =	vst v63  }
0x1ad: {  	_ =	swait.ge [sflag:s12], $0x2700  }
0x1ae: {  	[sflag:s12] =	ssyncset.done $0x0  }
0x1af: {  	s22 =	rddreg [dreg:$0x1f];
	[sflag:s12] =	ssyncadd.s32 $0xFFFFD900  }
0x1b0: {  	[tilespmem:s1], [sflag:$0x3] =	stream.linear.gather [spmem:s22], $0x2700, $0x38;
	[tilespmem:$0x1F6B0] =	vst v63  }
0x1b1: {  	_ =	swait.ge [sflag:s12], $0x2700  }
0x1b2: {  	[sflag:s12] =	ssyncset.done $0x0  }
0x1b3: {  	s3 =	rddreg [dreg:$0x13];
	[sflag:s12] =	ssyncadd.s32 $0xFFFFD900  }
0x1b4: {  	[hbm4b:s3+s18] =	stream.linear.scatter [tilespmem:s1], [sflag:$0x3], $0x2700, $0x38;
	[tilespmem:$0x1F6B0] =	vst v63  }
0x1b5: {  	_ =	swait.ge [sflag:s12], $0x2700  }
0x1b6: {  	s5 =	smov.u32 s10;
	s10 =	sld [smem:$0x7FA]  }
0x1b7: {  	[sflag:s12] =	ssyncset.done $0x0  }
0x1b8: {  	[sflag:s12] =	ssyncadd.s32 $0xFFFFD900  }
0x1b9: {  	[tilespmem:s1], [sflag:$0x3] =	stream.linear.gather [spmem:s10], $0x2700, $0x38;
	[tilespmem:$0x1F6B0] =	vst v63  }
0x1ba: {  	_ =	swait.ge [sflag:s12], $0x2700  }
0x1bb: {  	[sflag:s12] =	ssyncset.done $0x0  }
0x1bc: {  	s4 =	rddreg [dreg:$0x14];
	[sflag:s12] =	ssyncadd.s32 $0xFFFFD900  }
0x1bd: {  	[hbm4b:s4+s18] =	stream.linear.scatter [tilespmem:s1], [sflag:$0x3], $0x2700, $0x38;
	[tilespmem:$0x1F6B0] =	vst v63  }
0x1be: {  	_ =	swait.ge [sflag:s12], $0x2700  }
0x1bf: {  	s3 =	sld [smem:$0x7FB]  }
0x1c0: {  	[sflag:s12] =	ssyncset.done $0x0  }
0x1c1: {  	[sflag:s12] =	ssyncadd.s32 $0xFFFFD900  }
0x1c2: {  	[tilespmem:s1], [sflag:$0x3] =	stream.linear.gather [spmem:s3], $0x2700, $0x38;
	[tilespmem:$0x1F6B0] =	vst v63  }
0x1c3: {  	_ =	swait.ge [sflag:s12], $0x2700  }
0x1c4: {  	[sflag:s12] =	ssyncset.done $0x0  }
0x1c5: {  	s11 =	rddreg [dreg:$0x15];
	[sflag:s12] =	ssyncadd.s32 $0xFFFFD900  }
0x1c6: {  	[hbm4b:s11+s18] =	stream.linear.scatter [tilespmem:s1], [sflag:$0x3], $0x2700, $0x38;
	[tilespmem:$0x1F6B0] =	vst v63  }
0x1c7: {  	_ =	swait.ge [sflag:s12], $0x2700  }
0x1c8: {  	[sflag:s12] =	ssyncset.done $0x0  }
0x1c9: {  	s19 =	simm.s32 $0x7020;
	[sflag:s12] =	ssyncadd.s32 $0xFFFFD900  }
0x1ca: {  	[tilespmem:s19], [sflag:$0x3] =	stream.linear.gather [spmem:s30], $0x2700, $0x38;
	[tilespmem:$0x1F6B0] =	vst v63  }
0x1cb: {  	_ =	swait.ge [sflag:s12], $0x2700  }
0x1cc: {  	[sflag:s12] =	ssyncset.done $0x0  }
0x1cd: {  	s16 =	rddreg [dreg:$0x19];
	[sflag:s12] =	ssyncadd.s32 $0xFFFFD900  }
0x1ce: {  	[hbm4b:s16+s18] =	stream.linear.scatter [tilespmem:s19], [sflag:$0x3], $0x2700, $0x38;
	[tilespmem:$0x1F6B0] =	vst v63  }
0x1cf: {  	_ =	swait.ge [sflag:s12], $0x2700  }
0x1d0: {  	s11 =	sld [smem:$0x7FC]  }
0x1d1: {  	[sflag:s12] =	ssyncset.done $0x0  }
0x1d2: {  	s0 =	simm.s32 @!p0 $0x4920;
	s1 =	simm.s32 @!p0 $0x3;
	[sflag:s12] =	ssyncadd.s32 $0xFFFFD900  }
0x1d3: {  	[tilespmem:s0], [sflag:$0x3] =	stream.linear.gather @!p0 [spmem:s11], $0x800, $0x38;
	[tilespmem:$0x1F6B0] =	vst v63  }
0x1d4: {  	_ =	swait.ge @!p0 [sflag:s1], $0x800  }
0x1d5: {  	[sflag:s1] =	ssyncset.done @!p0 $0x0  }
0x1d6: {  	s18 =	simm.s32 @!p0 $0x0;
	s4 =	rddreg [dreg:$0x16];
	[sflag:s1] =	ssyncadd.s32 @!p0 $0xFFFFF800  }
0x1d7: {  	[hbm4b:s4+s18] =	stream.linear.scatter @!p0 [tilespmem:s0], [sflag:$0x3], $0x800, $0x38;
	[tilespmem:$0x1F6B0] =	vst v63  }
0x1d8: {  	_ =	swait.ge @!p0 [sflag:s1], $0x800  }
0x1d9: {  	s16 =	sld [smem:$0x7FD]  }
0x1da: {  	[sflag:s1] =	ssyncset.done @!p0 $0x0  }
0x1db: {  	s0 =	simm.s32 @!p0 $0x7020;
	[sflag:s1] =	ssyncadd.s32 @!p0 $0xFFFFF800  }
0x1dc: {  	[tilespmem:s0], [sflag:$0x3] =	stream.linear.gather @!p0 [spmem:s16], $0x100, $0x38;
	[tilespmem:$0x1F6B0] =	vst v63  }
0x1dd: {  	_ =	swait.ge @!p0 [sflag:s1], $0x100  }
0x1de: {  	[sflag:s1] =	ssyncset.done @!p0 $0x0  }
0x1df: {  	s4 =	rddreg [dreg:$0x1a];
	[sflag:s1] =	ssyncadd.s32 @!p0 $0xFFFFFF00  }
0x1e0: {  	[hbm4b:s4+s18] =	stream.linear.scatter @!p0 [tilespmem:s0], [sflag:$0x3], $0x100, $0x38;
	[tilespmem:$0x1F6B0] =	vst v63  }
0x1e1: {  	_ =	swait.ge @!p0 [sflag:s1], $0x100  }
0x1e2: {  	s0 =	sld [smem:$0x7F8];
	_ =	sdelay $0x2  }
0x1e3: {  	s4 =	smov.u32 s10;
	s10 =	sadd.s32 $0x1, s0;
	s0 =	sld [smem:$0x7F9]  }
0x1e4: {  	_ =	sdelay $0x1  }
0x1e5: {  	p2 =	sne.s32 s10, s0  }
.Ltmp3:
0x1e6: {  	_ = 	snop;
	(pc) =	sbr.rel @p2 .LBB2_1-.Ltmp3, $3  }
0x1e7: {  	_ =	sdelay $0x1  }
0x1e8: {  	[sflag:s1] =	ssyncset.done @!p0 $0x0  }
0x1e9: {  	s18 =	simm.s32 $0x0;
	[sflag:s1] =	ssyncadd.s32 @!p0 $0xFFFFFF00;
	s1 =	simm.s32 $0x4920  }
0x1ea: {  	_ =	sfence.sel $0x180000  }
0x1eb: {  	[bflag:$0x0] =	sbarrier.arrive $0xFFFF  }
0x1ec: {  	_ =	strace $0x90000047  }
0x1ed: {  	[bflag:$0x2] =	sbarrier.arrive $0xFFFF  }
0x1ee: {  	s0 =	rddreg [dreg:$0x4]  }
0x1ef: {  	s0 =	sadd.s32 @!p0 $0x100000, s0  }
0x1f0: {  	[sflag:s0] =	ssyncadd.tile.s32 @!p0 $0x1;
	_ =	shalt  }
.Lfunc_end2:
_tile_overlayer_lowered:
.L_overlay_start_2:
0x1f1: {  	(tag) =	ssettag $0x2  }
0x1f2: {  	s0 =	rddreg [dreg:$0x0];
	s2 =	stileid.u32  }
0x1f3: {  	s1 =	rddreg [dreg:$0x1];
	p0 =	sne.s32 s2, $0x0  }
0x1f4: {  	s3 =	rddreg [dreg:$0x2];
	[bflag:$0x3] =	sbarrier.arrive $0xFFFF;
	s2 =	simm.s32 @!p0 $0x1C03  }
0x1f5: {  	[timem:s3], [sflag:s2] =	dma.local @!p0 [hbm:s0], s1  }
0x1f6: {  	s0 =	simm.s32 @!p0 $0x3  }
0x1f7: {  	_ =	swait.ge @!p0 [sflag:s0], s1  }
0x1f8: {  	s1 =	ssub.s32 @!p0 $0x0, s1;
	[sflag:s0] =	ssyncset.done @!p0 $0x0  }
0x1f9: {  	[sflag:s0] =	ssyncadd.s32 @!p0 s1  }
0x1fa: {  	[bflag:$0x3] =	sbarrier.arrive $0xFFFF  }
0x1fb: {  	_ =	shalt  }

</sc_bundles>
